<compile_context>
chip_gen: v7x
topology: tpu7x:2x2x1
jax: 0.10.2.dev20260603
libtpu: 0.0.44.dev20260713+nightly
codegen_flags: <defaults>
</compile_context>

<pallas_src>
import functools

import jax
import jax.numpy as jnp
from jax import lax
from jax.experimental import pallas as pl
from jax.experimental.pallas import tpu as pltpu
from jax.experimental.pallas import tpu_sc as plsc

N = 10000
E = 320000
IN_CH = 128
OUT_CH = 128
EDGE_DIM = 48
STATE = 5

_NODE_BLK = 1024
_EDGE_BLK = 4096


def _elu(v):
    return jnp.where(v > 0, v, jnp.exp(jnp.minimum(v, 0.0)) - 1.0)


def _node_dense_kernel(x_ref, gstate_ref, ox_ref,
                       Wg1_ref, bg1_ref, Wg2_ref, bg2_ref, Wg3_ref, bg3_ref,
                       Wneg_x_ref, Wneg_g_ref, Wroot_x_ref, Wroot_g_ref, broot_ref,
                       Wedge_ox_ref, Wedge_g_ref, bedge_ref,
                       gs_out_ref, node_proj_ref, root_ref, oc_proj_ref):
    gstate = gstate_ref[...]
    h = jnp.maximum(gstate @ Wg1_ref[...] + bg1_ref[...], 0.0)
    h = jnp.maximum(h @ Wg2_ref[...] + bg2_ref[...], 0.0)
    gs = h @ Wg3_ref[...] + bg3_ref[...]
    gs_out_ref[...] = gs
    x = x_ref[...]
    node_proj_ref[...] = x @ Wneg_x_ref[...] + gs @ Wneg_g_ref[...]
    root_ref[...] = _elu(x @ Wroot_x_ref[...] + gs @ Wroot_g_ref[...] + broot_ref[...])
    oc_proj_ref[...] = (ox_ref[...] @ Wedge_ox_ref[...] + gs @ Wedge_g_ref[...]
                        + bedge_ref[...])


def _edge_dense_kernel(eo_ref, Wedge_eo_ref, We_ref, be_ref,
                       eo_proj_ref, ee_ref):
    eo = eo_ref[...]
    eo_proj_ref[...] = eo @ Wedge_eo_ref[...]
    ee_ref[...] = _elu(eo @ We_ref[...] + be_ref[...])


def _row_spec(blk, ncols):
    return pl.BlockSpec((blk, ncols), lambda i: (i, 0))


def _full_spec(arr):
    return pl.BlockSpec(arr.shape, lambda i: (0,) * arr.ndim)


def _node_dense(x, global_state, origin_x, Wg1, bg1, Wg2, bg2, Wg3, bg3,
                Wneg, bneg, Wroot, broot, Wedge, bedge):
    grid = (pl.cdiv(N, _NODE_BLK),)
    out_shape = (
        jax.ShapeDtypeStruct((_N_PAD, STATE), jnp.float32),
        jax.ShapeDtypeStruct((_N_PAD, IN_CH), jnp.float32),
        jax.ShapeDtypeStruct((_N_PAD, OUT_CH), jnp.float32),
        jax.ShapeDtypeStruct((_N_PAD, EDGE_DIM), jnp.float32),
    )
    weights = (
        Wg1, bg1.reshape(1, -1), Wg2, bg2.reshape(1, -1), Wg3, bg3.reshape(1, -1),
        Wneg[:IN_CH], Wneg[IN_CH:IN_CH + STATE],
        Wroot[:IN_CH], Wroot[IN_CH:], broot.reshape(1, -1),
        Wedge[EDGE_DIM:EDGE_DIM + IN_CH], Wedge[EDGE_DIM + IN_CH:],
        bedge.reshape(1, -1))
    in_specs = [
        _row_spec(_NODE_BLK, IN_CH),
        _row_spec(_NODE_BLK, STATE),
        _row_spec(_NODE_BLK, IN_CH),
    ] + [_full_spec(w) for w in weights]
    out_specs = (
        _row_spec(_NODE_BLK, STATE),
        _row_spec(_NODE_BLK, IN_CH),
        _row_spec(_NODE_BLK, OUT_CH),
        _row_spec(_NODE_BLK, EDGE_DIM),
    )
    return pl.pallas_call(
        _node_dense_kernel, grid=grid, in_specs=in_specs, out_specs=out_specs,
        out_shape=out_shape,
    )(x, global_state, origin_x, *weights)


def _edge_dense(edge_out, Wedge, We, be):
    grid = (pl.cdiv(E, _EDGE_BLK),)
    out_shape = (
        jax.ShapeDtypeStruct((E, EDGE_DIM), jnp.float32),
        jax.ShapeDtypeStruct((E, EDGE_DIM), jnp.float32),
    )
    weights = (Wedge[:EDGE_DIM], We, be.reshape(1, -1))
    in_specs = [_row_spec(_EDGE_BLK, EDGE_DIM),
                ] + [_full_spec(w) for w in weights]
    out_specs = (
        _row_spec(_EDGE_BLK, EDGE_DIM),
        _row_spec(_EDGE_BLK, EDGE_DIM),
    )
    return pl.pallas_call(
        _edge_dense_kernel, grid=grid, in_specs=in_specs, out_specs=out_specs,
        out_shape=out_shape,
    )(edge_out, *weights)



_SC_NC, _SC_NS = 2, 16
_EPT = E // _SC_NS
_N_PAD = 10240

_sc_mesh = plsc.VectorSubcoreMesh(core_axis_name="c", subcore_axis_name="s")


def _vperm(v, perm):
    return lax.gather(
        v, perm[:, None],
        lax.GatherDimensionNumbers(offset_dims=(), collapsed_slice_dims=(0,),
                                   start_index_map=(0,)),
        slice_sizes=(1,), mode=lax.GatherScatterMode.PROMISE_IN_BOUNDS)


def _make_node_gather(width, gb):
    scratch = [pltpu.VMEM((gb,), jnp.int32),
               pltpu.VMEM((gb, width), jnp.float32),
               pltpu.VMEM((gb,), jnp.int32),
               pltpu.VMEM((gb, width), jnp.float32),
               pltpu.SemaphoreType.DMA, pltpu.SemaphoreType.DMA]

    def body(tab_hbm, src_hbm, out_hbm, src_t0, rows_0, src_t1, rows_1,
             sem0, sem1):
        c = lax.axis_index("c")
        s = lax.axis_index("s")
        wid = s * _SC_NC + c
        ept2 = _EPT // _SC_NC
        base = wid * ept2
        nb2 = ept2 // gb
        slot0 = (src_t0, rows_0, sem0)
        slot1 = (src_t1, rows_1, sem1)

        def issue(b, slot):
            src_t, rows, sem = slot
            soff = base + b * gb
            pltpu.sync_copy(src_hbm.at[pl.ds(soff, gb)], src_t)
            pltpu.async_copy(tab_hbm.at[src_t], rows, sem)

        def flush(b, slot):
            src_t, rows, sem = slot
            pltpu.make_async_copy(tab_hbm.at[pl.ds(0, gb)], rows, sem).wait()
            pltpu.sync_copy(rows, out_hbm.at[pl.ds(base + b * gb, gb)])

        issue(0, slot0)

        def pair_body(i, carry):
            issue(2 * i + 1, slot1)
            flush(2 * i, slot0)
            issue(jnp.minimum(2 * i + 2, nb2 - 1), slot0)
            flush(2 * i + 1, slot1)
            return carry

        lax.fori_loop(0, nb2 // 2, pair_body, 0)
        pltpu.make_async_copy(tab_hbm.at[pl.ds(0, gb)], rows_0, sem0).wait()

    return functools.partial(
        pl.kernel,
        out_type=jax.ShapeDtypeStruct((E, width), jnp.float32),
        mesh=_sc_mesh,
        scratch_types=scratch,
    )(body)


def _node_msg_kernel(g_ref, ea_ref, W_ref, b_ref, msg_ref):
    msg_ref[...] = _elu(g_ref[...] + ea_ref[...] @ W_ref[...] + b_ref[...])


def _node_msg(gathered, edge_attr, Wneg_e, bneg):
    grid = (pl.cdiv(E, _EDGE_BLK),)
    weights = (Wneg_e, bneg.reshape(1, -1))
    in_specs = [_row_spec(_EDGE_BLK, IN_CH), _row_spec(_EDGE_BLK, EDGE_DIM),
                ] + [_full_spec(w) for w in weights]
    return pl.pallas_call(
        _node_msg_kernel, grid=grid, in_specs=in_specs,
        out_specs=_row_spec(_EDGE_BLK, IN_CH),
        out_shape=jax.ShapeDtypeStruct((E, IN_CH), jnp.float32),
    )(gathered, edge_attr, *weights)


def _make_node_scatter(width, n_chunks, chunk, gb):
    cps = n_chunks // _SC_NC
    stripe = chunk // _SC_NS
    nb = _EPT // gb
    assert nb % 2 == 0

    idx = lambda: pltpu.VMEM((gb,), jnp.int32)
    rows = lambda: pltpu.VMEM((gb, width), jnp.float32)
    scratch = [idx(), idx(), rows(), idx(), idx(), rows(),
               pltpu.VMEM_SHARED((chunk + 16, width), jnp.float32),
               pltpu.SemaphoreType.DMA, pltpu.SemaphoreType.DMA]

    def body(msg_hbm, dst_hbm, init_hbm, out_hbm,
             dst_t0, dl_b0, rows_0, dst_t1, dl_b1, rows_1, acc, sem0, sem1):
        c = lax.axis_index("c")
        s = lax.axis_index("s")
        iota16 = lax.iota(jnp.int32, 16)
        trash16 = chunk + iota16
        slot0 = (dst_t0, dl_b0, rows_0, sem0)
        slot1 = (dst_t1, dl_b1, rows_1, sem1)

        for p in range(cps):
            ck = c * cps + p
            lo = pl.multiple_of(ck * chunk, chunk)
            pltpu.sync_copy(
                init_hbm.at[pl.ds(lo + s * stripe, stripe)],
                acc.at[pl.ds(s * stripe, stripe)])
            plsc.subcore_barrier()

            def issue(b, slot):
                dst_t, dl_b, rows, sem = slot
                soff = s * _EPT + b * gb
                pltpu.sync_copy(dst_hbm.at[pl.ds(soff, gb)], dst_t)
                for q in range(gb // 16):
                    sl = pl.ds(q * 16, 16)
                    d = dst_t[sl]
                    m = (d >= lo) & (d < lo + chunk)
                    dl_b[sl] = jnp.where(m, d - lo, trash16)
                pltpu.async_copy(msg_hbm.at[pl.ds(soff, gb)], rows, sem)

            def scat(slot):
                dst_t, dl_b, rows, sem = slot
                pltpu.make_async_copy(msg_hbm.at[pl.ds(0, gb)], rows,
                                      sem).wait()
                pltpu.sync_copy(rows, acc.at[dl_b], add=True)

            issue(0, slot0)

            def pair_body(i, carry):
                issue(2 * i + 1, slot1)
                scat(slot0)
                issue(jnp.minimum(2 * i + 2, nb - 1), slot0)
                scat(slot1)
                return carry

            lax.fori_loop(0, nb // 2, pair_body, 0)
            pltpu.make_async_copy(msg_hbm.at[pl.ds(0, gb)], rows_0,
                                  sem0).wait()
            plsc.subcore_barrier()
            pltpu.sync_copy(
                acc.at[pl.ds(s * stripe, stripe)],
                out_hbm.at[pl.ds(lo + s * stripe, stripe)])
            plsc.subcore_barrier()

    return functools.partial(
        pl.kernel,
        out_type=jax.ShapeDtypeStruct((n_chunks * chunk, width), jnp.float32),
        mesh=_sc_mesh,
        scratch_types=scratch,
    )(body)


_node_gather = _make_node_gather(width=IN_CH, gb=200)


def _edge_msg_kernel(a_ref, b_ref, out_ref):
    out_ref[...] = _elu(a_ref[:, :EDGE_DIM] + b_ref[:, :EDGE_DIM])


def _edge_msg(a, b):
    grid = (pl.cdiv(E, _EDGE_BLK),)
    return pl.pallas_call(
        _edge_msg_kernel, grid=grid,
        in_specs=[_row_spec(_EDGE_BLK, IN_CH), _row_spec(_EDGE_BLK, IN_CH)],
        out_specs=_row_spec(_EDGE_BLK, EDGE_DIM),
        out_shape=jax.ShapeDtypeStruct((E, EDGE_DIM), jnp.float32),
    )(a, b)
_node_scatter = _make_node_scatter(width=IN_CH, n_chunks=2,
                                   chunk=_N_PAD // 2, gb=80)


def kernel(x, edge_index, edge_attr, global_state, edge_out, origin_x,
           atom_index, e_idx,
           Wg1, bg1, Wg2, bg2, Wg3, bg3, Wneg, bneg, Wroot, broot,
           Wedge, bedge, We, be):
    gs, node_proj, root, oc_proj = _node_dense(
        x, global_state, origin_x, Wg1, bg1, Wg2, bg2, Wg3, bg3,
        Wneg, bneg, Wroot, broot, Wedge, bedge)
    eo_proj, ee = _edge_dense(edge_out, Wedge, We, be)

    gathered = _node_gather(node_proj, edge_index[1])
    msg = _node_msg(gathered, edge_attr, Wneg[IN_CH + STATE:], bneg)
    x_out = _node_scatter(msg, edge_index[0], root)[:N]

    eo_pad = jnp.pad(eo_proj, ((0, 0), (0, IN_CH - EDGE_DIM)))
    oc_pad = jnp.pad(oc_proj, ((0, 0), (0, IN_CH - EDGE_DIM)))
    g1 = _node_gather(eo_pad, e_idx[1])
    g2 = _node_gather(oc_pad, atom_index[0])
    emsg = _edge_msg(g1, g2)
    edge_out2 = ee + jax.ops.segment_sum(emsg, e_idx[0], num_segments=E)
    return (x_out, gs[:N], edge_out2)

# --- scband reference (transcript-rebuilt; emitter-appended) ---
"""Pipeline reference for scband-oled-conv-ne-53644141527059 (READ-ONLY COPY).

The authoritative reference and input builder live on the scoring server;
editing this copy changes nothing except your own understanding.
"""

import jax, jax.numpy as jnp
import numpy as np

N = 10000
E = 320000
IN_CH = 128
OUT_CH = 128
HOP = 16
EDGE_DIM = IN_CH // 4 + HOP  # 48
STATE = 5


def _lin(key, fi, fo):
    s = (2.0 / (fi + fo)) ** 0.5
    W = jax.random.normal(key, (fi, fo), jnp.float32) * s
    b = jnp.zeros((fo,), jnp.float32)
    return W, b


def setup_inputs(seed: int = 0) -> dict:
    key = jax.random.key(seed)
    ks = jax.random.split(key, 16)
    x = jax.random.normal(ks[0], (N, IN_CH), jnp.float32)
    edge_index = jax.random.randint(ks[1], (2, E), 0, N, dtype=jnp.int32)
    edge_attr = jax.random.normal(ks[2], (E, EDGE_DIM), jnp.float32)
    global_state = jax.random.normal(ks[3], (N, STATE), jnp.float32)
    edge_out = jax.random.normal(ks[4], (E, EDGE_DIM), jnp.float32)
    origin_x = jax.random.normal(ks[5], (N, IN_CH), jnp.float32)
    atom_index = jax.random.randint(ks[6], (2, E), 0, N, dtype=jnp.int32)
    e_idx = jax.random.randint(ks[7], (2, E), 0, E, dtype=jnp.int32)
    Wg1, bg1 = _lin(ks[8], STATE, 64)
    Wg2, bg2 = _lin(ks[9], 64, 32)
    Wg3, bg3 = _lin(ks[10], 32, STATE)
    Wneg, bneg = _lin(ks[11], IN_CH + EDGE_DIM + STATE, OUT_CH)
    Wroot, broot = _lin(ks[12], IN_CH + STATE, OUT_CH)
    Wedge, bedge = _lin(ks[13], IN_CH + EDGE_DIM + STATE, EDGE_DIM)
    We, be = _lin(ks[14], EDGE_DIM, EDGE_DIM)
    return {"x": x, "edge_index": edge_index, "edge_attr": edge_attr,
            "global_state": global_state, "edge_out": edge_out, "origin_x": origin_x,
            "atom_index": atom_index, "e_idx": e_idx,
            "Wg1": Wg1, "bg1": bg1, "Wg2": Wg2, "bg2": bg2, "Wg3": Wg3, "bg3": bg3,
            "Wneg": Wneg, "bneg": bneg, "Wroot": Wroot, "broot": broot,
            "Wedge": Wedge, "bedge": bedge, "We": We, "be": be}


def reference(x, edge_index, edge_attr, global_state, edge_out, origin_x, atom_index, e_idx,
              Wg1, bg1, Wg2, bg2, Wg3, bg3, Wneg, bneg, Wroot, broot, Wedge, bedge, We, be):
    # globalconv
    gs = jax.nn.relu(global_state @ Wg1 + bg1)
    gs = jax.nn.relu(gs @ Wg2 + bg2)
    gs = gs @ Wg3 + bg3
    # NodeConv
    xc = jnp.concatenate([x, gs], axis=1)
    x_adj = jnp.concatenate([xc[edge_index[1]], edge_attr], axis=1)
    x_adj = jax.nn.elu(x_adj @ Wneg + bneg)
    neg_sum = jax.ops.segment_sum(x_adj, edge_index[0], num_segments=x.shape[0])
    x_out = jax.nn.elu(xc @ Wroot + broot) + neg_sum
    # EdgeConv
    oc = jnp.concatenate([origin_x, gs], axis=1)
    edge_adj = jnp.concatenate([edge_out[e_idx[1]], oc[atom_index[0]]], axis=-1)
    edge_adj = jax.nn.elu(edge_adj @ Wedge + bedge)
    e_scat = jax.ops.segment_sum(edge_adj, e_idx[0], num_segments=edge_out.shape[0])
    edge_out2 = jax.nn.elu(edge_out @ We + be) + e_scat
    return (x_out, gs, edge_out2)

if __name__ == "__main__":
    import jax
    _d = setup_inputs()
    print(jax.jit(kernel)(*tuple(_d.values())))

</pallas_src>

<mosaic_0001>
#map = affine_map<(d0, d1) -> (0, 0)>
#map1 = affine_map<(d0, d1) -> (0)>
module attributes {stable_mosaic.version = 14 : i64} {
  func.func @body(%arg0: i32, %arg1: i32, %arg2: memref<320000x128xf32, #tpu.memory_space<hbm>>, %arg3: memref<320000xi32, #tpu.memory_space<hbm>>, %arg4: memref<320000x128xf32, #tpu.memory_space<hbm>>, %arg5: memref<200xi32, #tpu.memory_space<vmem>>, %arg6: memref<200x128xf32, #tpu.memory_space<vmem>>, %arg7: memref<200xi32, #tpu.memory_space<vmem>>, %arg8: memref<200x128xf32, #tpu.memory_space<vmem>>, %arg9: memref<!tpu.dma_semaphore, #tpu.memory_space<semaphore_mem>>, %arg10: memref<!tpu.dma_semaphore, #tpu.memory_space<semaphore_mem>>) attributes {dimension_semantics = [#tpu.dimension_semantics<core_parallel>, #tpu.dimension_semantics<subcore_parallel>], iteration_bounds = array<i64: 2, 16>, scalar_prefetch = 0 : i64, scratch_operands = 6 : i64, tpu.core_type = #tpu.core_type<sc_vector_subcore>, window_params = [{transform_indices = #map}, {transform_indices = #map1}, {transform_indices = #map}]} {
    %mul3A = arith.constant 2 : i32
    %mul3A_0 = arith.muli %arg1, %mul3A : i32
    %add3A = arith.addi %mul3A_0, %arg0 : i32
    %mul3A_1 = arith.constant 10000 : i32
    %mul3A_2 = arith.muli %add3A, %mul3A_1 : i32
    %add3A_3 = arith.constant 0 : i32
    %add3A_4 = arith.addi %mul3A_2, %add3A_3 : i32
    "tpu.region"() ({
      %run_scoped3A = tpu.sem_alloc : memref<!tpu.dma_semaphore, #tpu.memory_space<semaphore_mem>>
      %dma_start3A_17 = tpu.memref_slice %arg3[%add3A_4] : memref<320000xi32, #tpu.memory_space<hbm>> -> memref<200xi32, #tpu.memory_space<hbm>>
      %dma_start3A_18 = tpu.memref_slice %arg3[%add3A_4] : memref<320000xi32, #tpu.memory_space<hbm>> -> memref<200xi32, #tpu.memory_space<hbm>>
      tpu.enqueue_dma source(%dma_start3A_18 : memref<200xi32, #tpu.memory_space<hbm>>) target(%arg5 : memref<200xi32, #tpu.memory_space<vmem>>) target_semaphore(%run_scoped3A : memref<!tpu.dma_semaphore, #tpu.memory_space<semaphore_mem>>)
      %dma_wait3A_19 = tpu.memref_slice %arg3[%add3A_4] : memref<320000xi32, #tpu.memory_space<hbm>> -> memref<200xi32, #tpu.memory_space<hbm>>
      %dma_wait3A_20 = tpu.memref_slice %arg3[%add3A_4] : memref<320000xi32, #tpu.memory_space<hbm>> -> memref<200xi32, #tpu.memory_space<hbm>>
      tpu.wait_dma2 semaphore(%run_scoped3A : memref<!tpu.dma_semaphore, #tpu.memory_space<semaphore_mem>>) src(%dma_wait3A_20 : memref<200xi32, #tpu.memory_space<hbm>>) dst(%arg5 : memref<200xi32, #tpu.memory_space<vmem>>)
      tpu.yield
    }) : () -> ()
    %dma_start3A = arith.constant 0 : i32
    %dma_start3A_5 = arith.constant 0 : i32
    %dma_start3A_6 = tpu.memref_slice %arg2[%dma_start3A, %dma_start3A_5] : memref<320000x128xf32, #tpu.memory_space<hbm>> -> memref<320000x128xf32, #tpu.memory_space<hbm>>
    tpu.enqueue_indirect_dma source(%dma_start3A_6 : memref<320000x128xf32, #tpu.memory_space<hbm>>) target(%arg6 : memref<200x128xf32, #tpu.memory_space<vmem>>) offsets(%arg5 : memref<200xi32, #tpu.memory_space<vmem>>) semaphore(%arg9 : memref<!tpu.dma_semaphore, #tpu.memory_space<semaphore_mem>>)
    %scan3A = arith.constant 0 : i32
    %scan3A_7 = arith.constant 0 : i32
    %scan3A_8 = arith.constant 25 : i32
    %scan3A_9 = arith.addi %scan3A_7, %scan3A_8 : i32
    %scan3A_10 = arith.constant 1 : i32
    scf.for %scan3A_17 = %scan3A_7 to %scan3A_9 step %scan3A_10  : i32 {
      %mul3A_18 = arith.constant 2 : i32
      %mul3A_19 = arith.muli %mul3A_18, %scan3A_17 : i32
      %add3A_20 = arith.constant 1 : i32
      %add3A_21 = arith.addi %mul3A_19, %add3A_20 : i32
      %mul3A_22 = arith.constant 200 : i32
      %mul3A_23 = arith.muli %add3A_21, %mul3A_22 : i32
      %add3A_24 = arith.addi %mul3A_2, %mul3A_23 : i32
      "tpu.region"() ({
        %run_scoped3A = tpu.sem_alloc : memref<!tpu.dma_semaphore, #tpu.memory_space<semaphore_mem>>
        %dma_start3A_63 = tpu.memref_slice %arg3[%add3A_24] : memref<320000xi32, #tpu.memory_space<hbm>> -> memref<200xi32, #tpu.memory_space<hbm>>
        %dma_start3A_64 = tpu.memref_slice %arg3[%add3A_24] : memref<320000xi32, #tpu.memory_space<hbm>> -> memref<200xi32, #tpu.memory_space<hbm>>
        tpu.enqueue_dma source(%dma_start3A_64 : memref<200xi32, #tpu.memory_space<hbm>>) target(%arg7 : memref<200xi32, #tpu.memory_space<vmem>>) target_semaphore(%run_scoped3A : memref<!tpu.dma_semaphore, #tpu.memory_space<semaphore_mem>>)
        %dma_wait3A_65 = tpu.memref_slice %arg3[%add3A_24] : memref<320000xi32, #tpu.memory_space<hbm>> -> memref<200xi32, #tpu.memory_space<hbm>>
        %dma_wait3A_66 = tpu.memref_slice %arg3[%add3A_24] : memref<320000xi32, #tpu.memory_space<hbm>> -> memref<200xi32, #tpu.memory_space<hbm>>
        tpu.wait_dma2 semaphore(%run_scoped3A : memref<!tpu.dma_semaphore, #tpu.memory_space<semaphore_mem>>) src(%dma_wait3A_66 : memref<200xi32, #tpu.memory_space<hbm>>) dst(%arg7 : memref<200xi32, #tpu.memory_space<vmem>>)
        tpu.yield
      }) : () -> ()
      %dma_start3A_25 = arith.constant 0 : i32
      %dma_start3A_26 = arith.constant 0 : i32
      %dma_start3A_27 = tpu.memref_slice %arg2[%dma_start3A_25, %dma_start3A_26] : memref<320000x128xf32, #tpu.memory_space<hbm>> -> memref<320000x128xf32, #tpu.memory_space<hbm>>
      tpu.enqueue_indirect_dma source(%dma_start3A_27 : memref<320000x128xf32, #tpu.memory_space<hbm>>) target(%arg8 : memref<200x128xf32, #tpu.memory_space<vmem>>) offsets(%arg7 : memref<200xi32, #tpu.memory_space<vmem>>) semaphore(%arg10 : memref<!tpu.dma_semaphore, #tpu.memory_space<semaphore_mem>>)
      %mul3A_28 = arith.constant 2 : i32
      %mul3A_29 = arith.muli %mul3A_28, %scan3A_17 : i32
      %dma_wait3A_30 = arith.constant 0 : i32
      %dma_wait3A_31 = arith.constant 0 : i32
      %dma_wait3A_32 = tpu.memref_slice %arg2[%dma_wait3A_30, %dma_wait3A_31] : memref<320000x128xf32, #tpu.memory_space<hbm>> -> memref<200x128xf32, #tpu.memory_space<hbm>>
      %dma_wait3A_33 = arith.constant 0 : i32
      %dma_wait3A_34 = arith.constant 0 : i32
      %dma_wait3A_35 = tpu.memref_slice %arg2[%dma_wait3A_33, %dma_wait3A_34] : memref<320000x128xf32, #tpu.memory_space<hbm>> -> memref<200x128xf32, #tpu.memory_space<hbm>>
      tpu.wait_dma2 semaphore(%arg9 : memref<!tpu.dma_semaphore, #tpu.memory_space<semaphore_mem>>) src(%dma_wait3A_35 : memref<200x128xf32, #tpu.memory_space<hbm>>) dst(%arg6 : memref<200x128xf32, #tpu.memory_space<vmem>>)
      %mul3A_36 = arith.constant 200 : i32
      %mul3A_37 = arith.muli %mul3A_29, %mul3A_36 : i32
      %add3A_38 = arith.addi %mul3A_2, %mul3A_37 : i32
      "tpu.region"() ({
        %run_scoped3A = tpu.sem_alloc : memref<!tpu.dma_semaphore, #tpu.memory_space<semaphore_mem>>
        %dma_start3A_63 = arith.constant 0 : i32
        %dma_start3A_64 = tpu.memref_slice %arg4[%add3A_38, %dma_start3A_63] : memref<320000x128xf32, #tpu.memory_space<hbm>> -> memref<200x128xf32, #tpu.memory_space<hbm>>
        %dma_start3A_65 = arith.constant 0 : i32
        %dma_start3A_66 = tpu.memref_slice %arg4[%add3A_38, %dma_start3A_65] : memref<320000x128xf32, #tpu.memory_space<hbm>> -> memref<200x128xf32, #tpu.memory_space<hbm>>
        tpu.enqueue_dma source(%arg6 : memref<200x128xf32, #tpu.memory_space<vmem>>) target(%dma_start3A_66 : memref<200x128xf32, #tpu.memory_space<hbm>>) target_semaphore(%run_scoped3A : memref<!tpu.dma_semaphore, #tpu.memory_space<semaphore_mem>>)
        %dma_wait3A_67 = arith.constant 0 : i32
        %dma_wait3A_68 = tpu.memref_slice %arg4[%add3A_38, %dma_wait3A_67] : memref<320000x128xf32, #tpu.memory_space<hbm>> -> memref<200x128xf32, #tpu.memory_space<hbm>>
        %dma_wait3A_69 = arith.constant 0 : i32
        %dma_wait3A_70 = tpu.memref_slice %arg4[%add3A_38, %dma_wait3A_69] : memref<320000x128xf32, #tpu.memory_space<hbm>> -> memref<200x128xf32, #tpu.memory_space<hbm>>
        tpu.wait_dma2 semaphore(%run_scoped3A : memref<!tpu.dma_semaphore, #tpu.memory_space<semaphore_mem>>) src(%arg6 : memref<200x128xf32, #tpu.memory_space<vmem>>) dst(%dma_wait3A_70 : memref<200x128xf32, #tpu.memory_space<hbm>>)
        tpu.yield
      }) : () -> ()
      %mul3A_39 = arith.constant 2 : i32
      %mul3A_40 = arith.muli %mul3A_39, %scan3A_17 : i32
      %add3A_41 = arith.constant 2 : i32
      %add3A_42 = arith.addi %mul3A_40, %add3A_41 : i32
      %min3A = arith.constant 49 : i32
      %min3A_43 = arith.minsi %add3A_42, %min3A : i32
      %mul3A_44 = arith.constant 200 : i32
      %mul3A_45 = arith.muli %min3A_43, %mul3A_44 : i32
      %add3A_46 = arith.addi %mul3A_2, %mul3A_45 : i32
      "tpu.region"() ({
        %run_scoped3A = tpu.sem_alloc : memref<!tpu.dma_semaphore, #tpu.memory_space<semaphore_mem>>
        %dma_start3A_63 = tpu.memref_slice %arg3[%add3A_46] : memref<320000xi32, #tpu.memory_space<hbm>> -> memref<200xi32, #tpu.memory_space<hbm>>
        %dma_start3A_64 = tpu.memref_slice %arg3[%add3A_46] : memref<320000xi32, #tpu.memory_space<hbm>> -> memref<200xi32, #tpu.memory_space<hbm>>
        tpu.enqueue_dma source(%dma_start3A_64 : memref<200xi32, #tpu.memory_space<hbm>>) target(%arg5 : memref<200xi32, #tpu.memory_space<vmem>>) target_semaphore(%run_scoped3A : memref<!tpu.dma_semaphore, #tpu.memory_space<semaphore_mem>>)
        %dma_wait3A_65 = tpu.memref_slice %arg3[%add3A_46] : memref<320000xi32, #tpu.memory_space<hbm>> -> memref<200xi32, #tpu.memory_space<hbm>>
        %dma_wait3A_66 = tpu.memref_slice %arg3[%add3A_46] : memref<320000xi32, #tpu.memory_space<hbm>> -> memref<200xi32, #tpu.memory_space<hbm>>
        tpu.wait_dma2 semaphore(%run_scoped3A : memref<!tpu.dma_semaphore, #tpu.memory_space<semaphore_mem>>) src(%dma_wait3A_66 : memref<200xi32, #tpu.memory_space<hbm>>) dst(%arg5 : memref<200xi32, #tpu.memory_space<vmem>>)
        tpu.yield
      }) : () -> ()
      %dma_start3A_47 = arith.constant 0 : i32
      %dma_start3A_48 = arith.constant 0 : i32
      %dma_start3A_49 = tpu.memref_slice %arg2[%dma_start3A_47, %dma_start3A_48] : memref<320000x128xf32, #tpu.memory_space<hbm>> -> memref<320000x128xf32, #tpu.memory_space<hbm>>
      tpu.enqueue_indirect_dma source(%dma_start3A_49 : memref<320000x128xf32, #tpu.memory_space<hbm>>) target(%arg6 : memref<200x128xf32, #tpu.memory_space<vmem>>) offsets(%arg5 : memref<200xi32, #tpu.memory_space<vmem>>) semaphore(%arg9 : memref<!tpu.dma_semaphore, #tpu.memory_space<semaphore_mem>>)
      %mul3A_50 = arith.constant 2 : i32
      %mul3A_51 = arith.muli %mul3A_50, %scan3A_17 : i32
      %add3A_52 = arith.constant 1 : i32
      %add3A_53 = arith.addi %mul3A_51, %add3A_52 : i32
      %dma_wait3A_54 = arith.constant 0 : i32
      %dma_wait3A_55 = arith.constant 0 : i32
      %dma_wait3A_56 = tpu.memref_slice %arg2[%dma_wait3A_54, %dma_wait3A_55] : memref<320000x128xf32, #tpu.memory_space<hbm>> -> memref<200x128xf32, #tpu.memory_space<hbm>>
      %dma_wait3A_57 = arith.constant 0 : i32
      %dma_wait3A_58 = arith.constant 0 : i32
      %dma_wait3A_59 = tpu.memref_slice %arg2[%dma_wait3A_57, %dma_wait3A_58] : memref<320000x128xf32, #tpu.memory_space<hbm>> -> memref<200x128xf32, #tpu.memory_space<hbm>>
      tpu.wait_dma2 semaphore(%arg10 : memref<!tpu.dma_semaphore, #tpu.memory_space<semaphore_mem>>) src(%dma_wait3A_59 : memref<200x128xf32, #tpu.memory_space<hbm>>) dst(%arg8 : memref<200x128xf32, #tpu.memory_space<vmem>>)
      %mul3A_60 = arith.constant 200 : i32
      %mul3A_61 = arith.muli %add3A_53, %mul3A_60 : i32
      %add3A_62 = arith.addi %mul3A_2, %mul3A_61 : i32
      "tpu.region"() ({
        %run_scoped3A = tpu.sem_alloc : memref<!tpu.dma_semaphore, #tpu.memory_space<semaphore_mem>>
        %dma_start3A_63 = arith.constant 0 : i32
        %dma_start3A_64 = tpu.memref_slice %arg4[%add3A_62, %dma_start3A_63] : memref<320000x128xf32, #tpu.memory_space<hbm>> -> memref<200x128xf32, #tpu.memory_space<hbm>>
        %dma_start3A_65 = arith.constant 0 : i32
        %dma_start3A_66 = tpu.memref_slice %arg4[%add3A_62, %dma_start3A_65] : memref<320000x128xf32, #tpu.memory_space<hbm>> -> memref<200x128xf32, #tpu.memory_space<hbm>>
        tpu.enqueue_dma source(%arg8 : memref<200x128xf32, #tpu.memory_space<vmem>>) target(%dma_start3A_66 : memref<200x128xf32, #tpu.memory_space<hbm>>) target_semaphore(%run_scoped3A : memref<!tpu.dma_semaphore, #tpu.memory_space<semaphore_mem>>)
        %dma_wait3A_67 = arith.constant 0 : i32
        %dma_wait3A_68 = tpu.memref_slice %arg4[%add3A_62, %dma_wait3A_67] : memref<320000x128xf32, #tpu.memory_space<hbm>> -> memref<200x128xf32, #tpu.memory_space<hbm>>
        %dma_wait3A_69 = arith.constant 0 : i32
        %dma_wait3A_70 = tpu.memref_slice %arg4[%add3A_62, %dma_wait3A_69] : memref<320000x128xf32, #tpu.memory_space<hbm>> -> memref<200x128xf32, #tpu.memory_space<hbm>>
        tpu.wait_dma2 semaphore(%run_scoped3A : memref<!tpu.dma_semaphore, #tpu.memory_space<semaphore_mem>>) src(%arg8 : memref<200x128xf32, #tpu.memory_space<vmem>>) dst(%dma_wait3A_70 : memref<200x128xf32, #tpu.memory_space<hbm>>)
        tpu.yield
      }) : () -> ()
    }
    %scan3A_11 = arith.constant 25 : i32
    %dma_wait3A = arith.constant 0 : i32
    %dma_wait3A_12 = arith.constant 0 : i32
    %dma_wait3A_13 = tpu.memref_slice %arg2[%dma_wait3A, %dma_wait3A_12] : memref<320000x128xf32, #tpu.memory_space<hbm>> -> memref<200x128xf32, #tpu.memory_space<hbm>>
    %dma_wait3A_14 = arith.constant 0 : i32
    %dma_wait3A_15 = arith.constant 0 : i32
    %dma_wait3A_16 = tpu.memref_slice %arg2[%dma_wait3A_14, %dma_wait3A_15] : memref<320000x128xf32, #tpu.memory_space<hbm>> -> memref<200x128xf32, #tpu.memory_space<hbm>>
    tpu.wait_dma2 semaphore(%arg9 : memref<!tpu.dma_semaphore, #tpu.memory_space<semaphore_mem>>) src(%dma_wait3A_16 : memref<200x128xf32, #tpu.memory_space<hbm>>) dst(%arg6 : memref<200x128xf32, #tpu.memory_space<vmem>>)
    return
  }
}

#map = affine_map<(d0, d1) -> (0, 0)>
#map1 = affine_map<(d0, d1) -> (0)>
module attributes {stable_mosaic.version = 14 : i64} {
  func.func @body(%arg0: i32, %arg1: i32, %arg2: memref<10240x128xf32, #tpu.memory_space<hbm>>, %arg3: memref<320000xi32, #tpu.memory_space<hbm>>, %arg4: memref<320000x128xf32, #tpu.memory_space<hbm>>, %arg5: memref<200xi32, #tpu.memory_space<vmem>>, %arg6: memref<200x128xf32, #tpu.memory_space<vmem>>, %arg7: memref<200xi32, #tpu.memory_space<vmem>>, %arg8: memref<200x128xf32, #tpu.memory_space<vmem>>, %arg9: memref<!tpu.dma_semaphore, #tpu.memory_space<semaphore_mem>>, %arg10: memref<!tpu.dma_semaphore, #tpu.memory_space<semaphore_mem>>) attributes {dimension_semantics = [#tpu.dimension_semantics<core_parallel>, #tpu.dimension_semantics<subcore_parallel>], iteration_bounds = array<i64: 2, 16>, scalar_prefetch = 0 : i64, scratch_operands = 6 : i64, tpu.core_type = #tpu.core_type<sc_vector_subcore>, window_params = [{transform_indices = #map}, {transform_indices = #map1}, {transform_indices = #map}]} {
    %mul3A = arith.constant 2 : i32
    %mul3A_0 = arith.muli %arg1, %mul3A : i32
    %add3A = arith.addi %mul3A_0, %arg0 : i32
    %mul3A_1 = arith.constant 10000 : i32
    %mul3A_2 = arith.muli %add3A, %mul3A_1 : i32
    %add3A_3 = arith.constant 0 : i32
    %add3A_4 = arith.addi %mul3A_2, %add3A_3 : i32
    "tpu.region"() ({
      %run_scoped3A = tpu.sem_alloc : memref<!tpu.dma_semaphore, #tpu.memory_space<semaphore_mem>>
      %dma_start3A_17 = tpu.memref_slice %arg3[%add3A_4] : memref<320000xi32, #tpu.memory_space<hbm>> -> memref<200xi32, #tpu.memory_space<hbm>>
      %dma_start3A_18 = tpu.memref_slice %arg3[%add3A_4] : memref<320000xi32, #tpu.memory_space<hbm>> -> memref<200xi32, #tpu.memory_space<hbm>>
      tpu.enqueue_dma source(%dma_start3A_18 : memref<200xi32, #tpu.memory_space<hbm>>) target(%arg5 : memref<200xi32, #tpu.memory_space<vmem>>) target_semaphore(%run_scoped3A : memref<!tpu.dma_semaphore, #tpu.memory_space<semaphore_mem>>)
      %dma_wait3A_19 = tpu.memref_slice %arg3[%add3A_4] : memref<320000xi32, #tpu.memory_space<hbm>> -> memref<200xi32, #tpu.memory_space<hbm>>
      %dma_wait3A_20 = tpu.memref_slice %arg3[%add3A_4] : memref<320000xi32, #tpu.memory_space<hbm>> -> memref<200xi32, #tpu.memory_space<hbm>>
      tpu.wait_dma2 semaphore(%run_scoped3A : memref<!tpu.dma_semaphore, #tpu.memory_space<semaphore_mem>>) src(%dma_wait3A_20 : memref<200xi32, #tpu.memory_space<hbm>>) dst(%arg5 : memref<200xi32, #tpu.memory_space<vmem>>)
      tpu.yield
    }) : () -> ()
    %dma_start3A = arith.constant 0 : i32
    %dma_start3A_5 = arith.constant 0 : i32
    %dma_start3A_6 = tpu.memref_slice %arg2[%dma_start3A, %dma_start3A_5] : memref<10240x128xf32, #tpu.memory_space<hbm>> -> memref<10240x128xf32, #tpu.memory_space<hbm>>
    tpu.enqueue_indirect_dma source(%dma_start3A_6 : memref<10240x128xf32, #tpu.memory_space<hbm>>) target(%arg6 : memref<200x128xf32, #tpu.memory_space<vmem>>) offsets(%arg5 : memref<200xi32, #tpu.memory_space<vmem>>) semaphore(%arg9 : memref<!tpu.dma_semaphore, #tpu.memory_space<semaphore_mem>>)
    %scan3A = arith.constant 0 : i32
    %scan3A_7 = arith.constant 0 : i32
    %scan3A_8 = arith.constant 25 : i32
    %scan3A_9 = arith.addi %scan3A_7, %scan3A_8 : i32
    %scan3A_10 = arith.constant 1 : i32
    scf.for %scan3A_17 = %scan3A_7 to %scan3A_9 step %scan3A_10  : i32 {
      %mul3A_18 = arith.constant 2 : i32
      %mul3A_19 = arith.muli %mul3A_18, %scan3A_17 : i32
      %add3A_20 = arith.constant 1 : i32
      %add3A_21 = arith.addi %mul3A_19, %add3A_20 : i32
      %mul3A_22 = arith.constant 200 : i32
      %mul3A_23 = arith.muli %add3A_21, %mul3A_22 : i32
      %add3A_24 = arith.addi %mul3A_2, %mul3A_23 : i32
      "tpu.region"() ({
        %run_scoped3A = tpu.sem_alloc : memref<!tpu.dma_semaphore, #tpu.memory_space<semaphore_mem>>
        %dma_start3A_63 = tpu.memref_slice %arg3[%add3A_24] : memref<320000xi32, #tpu.memory_space<hbm>> -> memref<200xi32, #tpu.memory_space<hbm>>
        %dma_start3A_64 = tpu.memref_slice %arg3[%add3A_24] : memref<320000xi32, #tpu.memory_space<hbm>> -> memref<200xi32, #tpu.memory_space<hbm>>
        tpu.enqueue_dma source(%dma_start3A_64 : memref<200xi32, #tpu.memory_space<hbm>>) target(%arg7 : memref<200xi32, #tpu.memory_space<vmem>>) target_semaphore(%run_scoped3A : memref<!tpu.dma_semaphore, #tpu.memory_space<semaphore_mem>>)
        %dma_wait3A_65 = tpu.memref_slice %arg3[%add3A_24] : memref<320000xi32, #tpu.memory_space<hbm>> -> memref<200xi32, #tpu.memory_space<hbm>>
        %dma_wait3A_66 = tpu.memref_slice %arg3[%add3A_24] : memref<320000xi32, #tpu.memory_space<hbm>> -> memref<200xi32, #tpu.memory_space<hbm>>
        tpu.wait_dma2 semaphore(%run_scoped3A : memref<!tpu.dma_semaphore, #tpu.memory_space<semaphore_mem>>) src(%dma_wait3A_66 : memref<200xi32, #tpu.memory_space<hbm>>) dst(%arg7 : memref<200xi32, #tpu.memory_space<vmem>>)
        tpu.yield
      }) : () -> ()
      %dma_start3A_25 = arith.constant 0 : i32
      %dma_start3A_26 = arith.constant 0 : i32
      %dma_start3A_27 = tpu.memref_slice %arg2[%dma_start3A_25, %dma_start3A_26] : memref<10240x128xf32, #tpu.memory_space<hbm>> -> memref<10240x128xf32, #tpu.memory_space<hbm>>
      tpu.enqueue_indirect_dma source(%dma_start3A_27 : memref<10240x128xf32, #tpu.memory_space<hbm>>) target(%arg8 : memref<200x128xf32, #tpu.memory_space<vmem>>) offsets(%arg7 : memref<200xi32, #tpu.memory_space<vmem>>) semaphore(%arg10 : memref<!tpu.dma_semaphore, #tpu.memory_space<semaphore_mem>>)
      %mul3A_28 = arith.constant 2 : i32
      %mul3A_29 = arith.muli %mul3A_28, %scan3A_17 : i32
      %dma_wait3A_30 = arith.constant 0 : i32
      %dma_wait3A_31 = arith.constant 0 : i32
      %dma_wait3A_32 = tpu.memref_slice %arg2[%dma_wait3A_30, %dma_wait3A_31] : memref<10240x128xf32, #tpu.memory_space<hbm>> -> memref<200x128xf32, #tpu.memory_space<hbm>>
      %dma_wait3A_33 = arith.constant 0 : i32
      %dma_wait3A_34 = arith.constant 0 : i32
      %dma_wait3A_35 = tpu.memref_slice %arg2[%dma_wait3A_33, %dma_wait3A_34] : memref<10240x128xf32, #tpu.memory_space<hbm>> -> memref<200x128xf32, #tpu.memory_space<hbm>>
      tpu.wait_dma2 semaphore(%arg9 : memref<!tpu.dma_semaphore, #tpu.memory_space<semaphore_mem>>) src(%dma_wait3A_35 : memref<200x128xf32, #tpu.memory_space<hbm>>) dst(%arg6 : memref<200x128xf32, #tpu.memory_space<vmem>>)
      %mul3A_36 = arith.constant 200 : i32
      %mul3A_37 = arith.muli %mul3A_29, %mul3A_36 : i32
      %add3A_38 = arith.addi %mul3A_2, %mul3A_37 : i32
      "tpu.region"() ({
        %run_scoped3A = tpu.sem_alloc : memref<!tpu.dma_semaphore, #tpu.memory_space<semaphore_mem>>
        %dma_start3A_63 = arith.constant 0 : i32
        %dma_start3A_64 = tpu.memref_slice %arg4[%add3A_38, %dma_start3A_63] : memref<320000x128xf32, #tpu.memory_space<hbm>> -> memref<200x128xf32, #tpu.memory_space<hbm>>
        %dma_start3A_65 = arith.constant 0 : i32
        %dma_start3A_66 = tpu.memref_slice %arg4[%add3A_38, %dma_start3A_65] : memref<320000x128xf32, #tpu.memory_space<hbm>> -> memref<200x128xf32, #tpu.memory_space<hbm>>
        tpu.enqueue_dma source(%arg6 : memref<200x128xf32, #tpu.memory_space<vmem>>) target(%dma_start3A_66 : memref<200x128xf32, #tpu.memory_space<hbm>>) target_semaphore(%run_scoped3A : memref<!tpu.dma_semaphore, #tpu.memory_space<semaphore_mem>>)
        %dma_wait3A_67 = arith.constant 0 : i32
        %dma_wait3A_68 = tpu.memref_slice %arg4[%add3A_38, %dma_wait3A_67] : memref<320000x128xf32, #tpu.memory_space<hbm>> -> memref<200x128xf32, #tpu.memory_space<hbm>>
        %dma_wait3A_69 = arith.constant 0 : i32
        %dma_wait3A_70 = tpu.memref_slice %arg4[%add3A_38, %dma_wait3A_69] : memref<320000x128xf32, #tpu.memory_space<hbm>> -> memref<200x128xf32, #tpu.memory_space<hbm>>
        tpu.wait_dma2 semaphore(%run_scoped3A : memref<!tpu.dma_semaphore, #tpu.memory_space<semaphore_mem>>) src(%arg6 : memref<200x128xf32, #tpu.memory_space<vmem>>) dst(%dma_wait3A_70 : memref<200x128xf32, #tpu.memory_space<hbm>>)
        tpu.yield
      }) : () -> ()
      %mul3A_39 = arith.constant 2 : i32
      %mul3A_40 = arith.muli %mul3A_39, %scan3A_17 : i32
      %add3A_41 = arith.constant 2 : i32
      %add3A_42 = arith.addi %mul3A_40, %add3A_41 : i32
      %min3A = arith.constant 49 : i32
      %min3A_43 = arith.minsi %add3A_42, %min3A : i32
      %mul3A_44 = arith.constant 200 : i32
      %mul3A_45 = arith.muli %min3A_43, %mul3A_44 : i32
      %add3A_46 = arith.addi %mul3A_2, %mul3A_45 : i32
      "tpu.region"() ({
        %run_scoped3A = tpu.sem_alloc : memref<!tpu.dma_semaphore, #tpu.memory_space<semaphore_mem>>
        %dma_start3A_63 = tpu.memref_slice %arg3[%add3A_46] : memref<320000xi32, #tpu.memory_space<hbm>> -> memref<200xi32, #tpu.memory_space<hbm>>
        %dma_start3A_64 = tpu.memref_slice %arg3[%add3A_46] : memref<320000xi32, #tpu.memory_space<hbm>> -> memref<200xi32, #tpu.memory_space<hbm>>
        tpu.enqueue_dma source(%dma_start3A_64 : memref<200xi32, #tpu.memory_space<hbm>>) target(%arg5 : memref<200xi32, #tpu.memory_space<vmem>>) target_semaphore(%run_scoped3A : memref<!tpu.dma_semaphore, #tpu.memory_space<semaphore_mem>>)
        %dma_wait3A_65 = tpu.memref_slice %arg3[%add3A_46] : memref<320000xi32, #tpu.memory_space<hbm>> -> memref<200xi32, #tpu.memory_space<hbm>>
        %dma_wait3A_66 = tpu.memref_slice %arg3[%add3A_46] : memref<320000xi32, #tpu.memory_space<hbm>> -> memref<200xi32, #tpu.memory_space<hbm>>
        tpu.wait_dma2 semaphore(%run_scoped3A : memref<!tpu.dma_semaphore, #tpu.memory_space<semaphore_mem>>) src(%dma_wait3A_66 : memref<200xi32, #tpu.memory_space<hbm>>) dst(%arg5 : memref<200xi32, #tpu.memory_space<vmem>>)
        tpu.yield
      }) : () -> ()
      %dma_start3A_47 = arith.constant 0 : i32
      %dma_start3A_48 = arith.constant 0 : i32
      %dma_start3A_49 = tpu.memref_slice %arg2[%dma_start3A_47, %dma_start3A_48] : memref<10240x128xf32, #tpu.memory_space<hbm>> -> memref<10240x128xf32, #tpu.memory_space<hbm>>
      tpu.enqueue_indirect_dma source(%dma_start3A_49 : memref<10240x128xf32, #tpu.memory_space<hbm>>) target(%arg6 : memref<200x128xf32, #tpu.memory_space<vmem>>) offsets(%arg5 : memref<200xi32, #tpu.memory_space<vmem>>) semaphore(%arg9 : memref<!tpu.dma_semaphore, #tpu.memory_space<semaphore_mem>>)
      %mul3A_50 = arith.constant 2 : i32
      %mul3A_51 = arith.muli %mul3A_50, %scan3A_17 : i32
      %add3A_52 = arith.constant 1 : i32
      %add3A_53 = arith.addi %mul3A_51, %add3A_52 : i32
      %dma_wait3A_54 = arith.constant 0 : i32
      %dma_wait3A_55 = arith.constant 0 : i32
      %dma_wait3A_56 = tpu.memref_slice %arg2[%dma_wait3A_54, %dma_wait3A_55] : memref<10240x128xf32, #tpu.memory_space<hbm>> -> memref<200x128xf32, #tpu.memory_space<hbm>>
      %dma_wait3A_57 = arith.constant 0 : i32
      %dma_wait3A_58 = arith.constant 0 : i32
      %dma_wait3A_59 = tpu.memref_slice %arg2[%dma_wait3A_57, %dma_wait3A_58] : memref<10240x128xf32, #tpu.memory_space<hbm>> -> memref<200x128xf32, #tpu.memory_space<hbm>>
      tpu.wait_dma2 semaphore(%arg10 : memref<!tpu.dma_semaphore, #tpu.memory_space<semaphore_mem>>) src(%dma_wait3A_59 : memref<200x128xf32, #tpu.memory_space<hbm>>) dst(%arg8 : memref<200x128xf32, #tpu.memory_space<vmem>>)
      %mul3A_60 = arith.constant 200 : i32
      %mul3A_61 = arith.muli %add3A_53, %mul3A_60 : i32
      %add3A_62 = arith.addi %mul3A_2, %mul3A_61 : i32
      "tpu.region"() ({
        %run_scoped3A = tpu.sem_alloc : memref<!tpu.dma_semaphore, #tpu.memory_space<semaphore_mem>>
        %dma_start3A_63 = arith.constant 0 : i32
        %dma_start3A_64 = tpu.memref_slice %arg4[%add3A_62, %dma_start3A_63] : memref<320000x128xf32, #tpu.memory_space<hbm>> -> memref<200x128xf32, #tpu.memory_space<hbm>>
        %dma_start3A_65 = arith.constant 0 : i32
        %dma_start3A_66 = tpu.memref_slice %arg4[%add3A_62, %dma_start3A_65] : memref<320000x128xf32, #tpu.memory_space<hbm>> -> memref<200x128xf32, #tpu.memory_space<hbm>>
        tpu.enqueue_dma source(%arg8 : memref<200x128xf32, #tpu.memory_space<vmem>>) target(%dma_start3A_66 : memref<200x128xf32, #tpu.memory_space<hbm>>) target_semaphore(%run_scoped3A : memref<!tpu.dma_semaphore, #tpu.memory_space<semaphore_mem>>)
        %dma_wait3A_67 = arith.constant 0 : i32
        %dma_wait3A_68 = tpu.memref_slice %arg4[%add3A_62, %dma_wait3A_67] : memref<320000x128xf32, #tpu.memory_space<hbm>> -> memref<200x128xf32, #tpu.memory_space<hbm>>
        %dma_wait3A_69 = arith.constant 0 : i32
        %dma_wait3A_70 = tpu.memref_slice %arg4[%add3A_62, %dma_wait3A_69] : memref<320000x128xf32, #tpu.memory_space<hbm>> -> memref<200x128xf32, #tpu.memory_space<hbm>>
        tpu.wait_dma2 semaphore(%run_scoped3A : memref<!tpu.dma_semaphore, #tpu.memory_space<semaphore_mem>>) src(%arg8 : memref<200x128xf32, #tpu.memory_space<vmem>>) dst(%dma_wait3A_70 : memref<200x128xf32, #tpu.memory_space<hbm>>)
        tpu.yield
      }) : () -> ()
    }
    %scan3A_11 = arith.constant 25 : i32
    %dma_wait3A = arith.constant 0 : i32
    %dma_wait3A_12 = arith.constant 0 : i32
    %dma_wait3A_13 = tpu.memref_slice %arg2[%dma_wait3A, %dma_wait3A_12] : memref<10240x128xf32, #tpu.memory_space<hbm>> -> memref<200x128xf32, #tpu.memory_space<hbm>>
    %dma_wait3A_14 = arith.constant 0 : i32
    %dma_wait3A_15 = arith.constant 0 : i32
    %dma_wait3A_16 = tpu.memref_slice %arg2[%dma_wait3A_14, %dma_wait3A_15] : memref<10240x128xf32, #tpu.memory_space<hbm>> -> memref<200x128xf32, #tpu.memory_space<hbm>>
    tpu.wait_dma2 semaphore(%arg9 : memref<!tpu.dma_semaphore, #tpu.memory_space<semaphore_mem>>) src(%dma_wait3A_16 : memref<200x128xf32, #tpu.memory_space<hbm>>) dst(%arg6 : memref<200x128xf32, #tpu.memory_space<vmem>>)
    return
  }
}

#map = affine_map<(d0, d1) -> (0, 0)>
#map1 = affine_map<(d0, d1) -> (0)>
module attributes {stable_mosaic.version = 14 : i64} {
  func.func @body(%arg0: i32, %arg1: i32, %arg2: memref<10240x128xf32, #tpu.memory_space<hbm>>, %arg3: memref<320000xi32, #tpu.memory_space<hbm>>, %arg4: memref<320000x128xf32, #tpu.memory_space<hbm>>, %arg5: memref<200xi32, #tpu.memory_space<vmem>>, %arg6: memref<200x128xf32, #tpu.memory_space<vmem>>, %arg7: memref<200xi32, #tpu.memory_space<vmem>>, %arg8: memref<200x128xf32, #tpu.memory_space<vmem>>, %arg9: memref<!tpu.dma_semaphore, #tpu.memory_space<semaphore_mem>>, %arg10: memref<!tpu.dma_semaphore, #tpu.memory_space<semaphore_mem>>) attributes {dimension_semantics = [#tpu.dimension_semantics<core_parallel>, #tpu.dimension_semantics<subcore_parallel>], iteration_bounds = array<i64: 2, 16>, scalar_prefetch = 0 : i64, scratch_operands = 6 : i64, tpu.core_type = #tpu.core_type<sc_vector_subcore>, window_params = [{transform_indices = #map}, {transform_indices = #map1}, {transform_indices = #map}]} {
    %mul3A = arith.constant 2 : i32
    %mul3A_0 = arith.muli %arg1, %mul3A : i32
    %add3A = arith.addi %mul3A_0, %arg0 : i32
    %mul3A_1 = arith.constant 10000 : i32
    %mul3A_2 = arith.muli %add3A, %mul3A_1 : i32
    %add3A_3 = arith.constant 0 : i32
    %add3A_4 = arith.addi %mul3A_2, %add3A_3 : i32
    "tpu.region"() ({
      %run_scoped3A = tpu.sem_alloc : memref<!tpu.dma_semaphore, #tpu.memory_space<semaphore_mem>>
      %dma_start3A_17 = tpu.memref_slice %arg3[%add3A_4] : memref<320000xi32, #tpu.memory_space<hbm>> -> memref<200xi32, #tpu.memory_space<hbm>>
      %dma_start3A_18 = tpu.memref_slice %arg3[%add3A_4] : memref<320000xi32, #tpu.memory_space<hbm>> -> memref<200xi32, #tpu.memory_space<hbm>>
      tpu.enqueue_dma source(%dma_start3A_18 : memref<200xi32, #tpu.memory_space<hbm>>) target(%arg5 : memref<200xi32, #tpu.memory_space<vmem>>) target_semaphore(%run_scoped3A : memref<!tpu.dma_semaphore, #tpu.memory_space<semaphore_mem>>)
      %dma_wait3A_19 = tpu.memref_slice %arg3[%add3A_4] : memref<320000xi32, #tpu.memory_space<hbm>> -> memref<200xi32, #tpu.memory_space<hbm>>
      %dma_wait3A_20 = tpu.memref_slice %arg3[%add3A_4] : memref<320000xi32, #tpu.memory_space<hbm>> -> memref<200xi32, #tpu.memory_space<hbm>>
      tpu.wait_dma2 semaphore(%run_scoped3A : memref<!tpu.dma_semaphore, #tpu.memory_space<semaphore_mem>>) src(%dma_wait3A_20 : memref<200xi32, #tpu.memory_space<hbm>>) dst(%arg5 : memref<200xi32, #tpu.memory_space<vmem>>)
      tpu.yield
    }) : () -> ()
    %dma_start3A = arith.constant 0 : i32
    %dma_start3A_5 = arith.constant 0 : i32
    %dma_start3A_6 = tpu.memref_slice %arg2[%dma_start3A, %dma_start3A_5] : memref<10240x128xf32, #tpu.memory_space<hbm>> -> memref<10240x128xf32, #tpu.memory_space<hbm>>
    tpu.enqueue_indirect_dma source(%dma_start3A_6 : memref<10240x128xf32, #tpu.memory_space<hbm>>) target(%arg6 : memref<200x128xf32, #tpu.memory_space<vmem>>) offsets(%arg5 : memref<200xi32, #tpu.memory_space<vmem>>) semaphore(%arg9 : memref<!tpu.dma_semaphore, #tpu.memory_space<semaphore_mem>>)
    %scan3A = arith.constant 0 : i32
    %scan3A_7 = arith.constant 0 : i32
    %scan3A_8 = arith.constant 25 : i32
    %scan3A_9 = arith.addi %scan3A_7, %scan3A_8 : i32
    %scan3A_10 = arith.constant 1 : i32
    scf.for %scan3A_17 = %scan3A_7 to %scan3A_9 step %scan3A_10  : i32 {
      %mul3A_18 = arith.constant 2 : i32
      %mul3A_19 = arith.muli %mul3A_18, %scan3A_17 : i32
      %add3A_20 = arith.constant 1 : i32
      %add3A_21 = arith.addi %mul3A_19, %add3A_20 : i32
      %mul3A_22 = arith.constant 200 : i32
      %mul3A_23 = arith.muli %add3A_21, %mul3A_22 : i32
      %add3A_24 = arith.addi %mul3A_2, %mul3A_23 : i32
      "tpu.region"() ({
        %run_scoped3A = tpu.sem_alloc : memref<!tpu.dma_semaphore, #tpu.memory_space<semaphore_mem>>
        %dma_start3A_63 = tpu.memref_slice %arg3[%add3A_24] : memref<320000xi32, #tpu.memory_space<hbm>> -> memref<200xi32, #tpu.memory_space<hbm>>
        %dma_start3A_64 = tpu.memref_slice %arg3[%add3A_24] : memref<320000xi32, #tpu.memory_space<hbm>> -> memref<200xi32, #tpu.memory_space<hbm>>
        tpu.enqueue_dma source(%dma_start3A_64 : memref<200xi32, #tpu.memory_space<hbm>>) target(%arg7 : memref<200xi32, #tpu.memory_space<vmem>>) target_semaphore(%run_scoped3A : memref<!tpu.dma_semaphore, #tpu.memory_space<semaphore_mem>>)
        %dma_wait3A_65 = tpu.memref_slice %arg3[%add3A_24] : memref<320000xi32, #tpu.memory_space<hbm>> -> memref<200xi32, #tpu.memory_space<hbm>>
        %dma_wait3A_66 = tpu.memref_slice %arg3[%add3A_24] : memref<320000xi32, #tpu.memory_space<hbm>> -> memref<200xi32, #tpu.memory_space<hbm>>
        tpu.wait_dma2 semaphore(%run_scoped3A : memref<!tpu.dma_semaphore, #tpu.memory_space<semaphore_mem>>) src(%dma_wait3A_66 : memref<200xi32, #tpu.memory_space<hbm>>) dst(%arg7 : memref<200xi32, #tpu.memory_space<vmem>>)
        tpu.yield
      }) : () -> ()
      %dma_start3A_25 = arith.constant 0 : i32
      %dma_start3A_26 = arith.constant 0 : i32
      %dma_start3A_27 = tpu.memref_slice %arg2[%dma_start3A_25, %dma_start3A_26] : memref<10240x128xf32, #tpu.memory_space<hbm>> -> memref<10240x128xf32, #tpu.memory_space<hbm>>
      tpu.enqueue_indirect_dma source(%dma_start3A_27 : memref<10240x128xf32, #tpu.memory_space<hbm>>) target(%arg8 : memref<200x128xf32, #tpu.memory_space<vmem>>) offsets(%arg7 : memref<200xi32, #tpu.memory_space<vmem>>) semaphore(%arg10 : memref<!tpu.dma_semaphore, #tpu.memory_space<semaphore_mem>>)
      %mul3A_28 = arith.constant 2 : i32
      %mul3A_29 = arith.muli %mul3A_28, %scan3A_17 : i32
      %dma_wait3A_30 = arith.constant 0 : i32
      %dma_wait3A_31 = arith.constant 0 : i32
      %dma_wait3A_32 = tpu.memref_slice %arg2[%dma_wait3A_30, %dma_wait3A_31] : memref<10240x128xf32, #tpu.memory_space<hbm>> -> memref<200x128xf32, #tpu.memory_space<hbm>>
      %dma_wait3A_33 = arith.constant 0 : i32
      %dma_wait3A_34 = arith.constant 0 : i32
      %dma_wait3A_35 = tpu.memref_slice %arg2[%dma_wait3A_33, %dma_wait3A_34] : memref<10240x128xf32, #tpu.memory_space<hbm>> -> memref<200x128xf32, #tpu.memory_space<hbm>>
      tpu.wait_dma2 semaphore(%arg9 : memref<!tpu.dma_semaphore, #tpu.memory_space<semaphore_mem>>) src(%dma_wait3A_35 : memref<200x128xf32, #tpu.memory_space<hbm>>) dst(%arg6 : memref<200x128xf32, #tpu.memory_space<vmem>>)
      %mul3A_36 = arith.constant 200 : i32
      %mul3A_37 = arith.muli %mul3A_29, %mul3A_36 : i32
      %add3A_38 = arith.addi %mul3A_2, %mul3A_37 : i32
      "tpu.region"() ({
        %run_scoped3A = tpu.sem_alloc : memref<!tpu.dma_semaphore, #tpu.memory_space<semaphore_mem>>
        %dma_start3A_63 = arith.constant 0 : i32
        %dma_start3A_64 = tpu.memref_slice %arg4[%add3A_38, %dma_start3A_63] : memref<320000x128xf32, #tpu.memory_space<hbm>> -> memref<200x128xf32, #tpu.memory_space<hbm>>
        %dma_start3A_65 = arith.constant 0 : i32
        %dma_start3A_66 = tpu.memref_slice %arg4[%add3A_38, %dma_start3A_65] : memref<320000x128xf32, #tpu.memory_space<hbm>> -> memref<200x128xf32, #tpu.memory_space<hbm>>
        tpu.enqueue_dma source(%arg6 : memref<200x128xf32, #tpu.memory_space<vmem>>) target(%dma_start3A_66 : memref<200x128xf32, #tpu.memory_space<hbm>>) target_semaphore(%run_scoped3A : memref<!tpu.dma_semaphore, #tpu.memory_space<semaphore_mem>>)
        %dma_wait3A_67 = arith.constant 0 : i32
        %dma_wait3A_68 = tpu.memref_slice %arg4[%add3A_38, %dma_wait3A_67] : memref<320000x128xf32, #tpu.memory_space<hbm>> -> memref<200x128xf32, #tpu.memory_space<hbm>>
        %dma_wait3A_69 = arith.constant 0 : i32
        %dma_wait3A_70 = tpu.memref_slice %arg4[%add3A_38, %dma_wait3A_69] : memref<320000x128xf32, #tpu.memory_space<hbm>> -> memref<200x128xf32, #tpu.memory_space<hbm>>
        tpu.wait_dma2 semaphore(%run_scoped3A : memref<!tpu.dma_semaphore, #tpu.memory_space<semaphore_mem>>) src(%arg6 : memref<200x128xf32, #tpu.memory_space<vmem>>) dst(%dma_wait3A_70 : memref<200x128xf32, #tpu.memory_space<hbm>>)
        tpu.yield
      }) : () -> ()
      %mul3A_39 = arith.constant 2 : i32
      %mul3A_40 = arith.muli %mul3A_39, %scan3A_17 : i32
      %add3A_41 = arith.constant 2 : i32
      %add3A_42 = arith.addi %mul3A_40, %add3A_41 : i32
      %min3A = arith.constant 49 : i32
      %min3A_43 = arith.minsi %add3A_42, %min3A : i32
      %mul3A_44 = arith.constant 200 : i32
      %mul3A_45 = arith.muli %min3A_43, %mul3A_44 : i32
      %add3A_46 = arith.addi %mul3A_2, %mul3A_45 : i32
      "tpu.region"() ({
        %run_scoped3A = tpu.sem_alloc : memref<!tpu.dma_semaphore, #tpu.memory_space<semaphore_mem>>
        %dma_start3A_63 = tpu.memref_slice %arg3[%add3A_46] : memref<320000xi32, #tpu.memory_space<hbm>> -> memref<200xi32, #tpu.memory_space<hbm>>
        %dma_start3A_64 = tpu.memref_slice %arg3[%add3A_46] : memref<320000xi32, #tpu.memory_space<hbm>> -> memref<200xi32, #tpu.memory_space<hbm>>
        tpu.enqueue_dma source(%dma_start3A_64 : memref<200xi32, #tpu.memory_space<hbm>>) target(%arg5 : memref<200xi32, #tpu.memory_space<vmem>>) target_semaphore(%run_scoped3A : memref<!tpu.dma_semaphore, #tpu.memory_space<semaphore_mem>>)
        %dma_wait3A_65 = tpu.memref_slice %arg3[%add3A_46] : memref<320000xi32, #tpu.memory_space<hbm>> -> memref<200xi32, #tpu.memory_space<hbm>>
        %dma_wait3A_66 = tpu.memref_slice %arg3[%add3A_46] : memref<320000xi32, #tpu.memory_space<hbm>> -> memref<200xi32, #tpu.memory_space<hbm>>
        tpu.wait_dma2 semaphore(%run_scoped3A : memref<!tpu.dma_semaphore, #tpu.memory_space<semaphore_mem>>) src(%dma_wait3A_66 : memref<200xi32, #tpu.memory_space<hbm>>) dst(%arg5 : memref<200xi32, #tpu.memory_space<vmem>>)
        tpu.yield
      }) : () -> ()
      %dma_start3A_47 = arith.constant 0 : i32
      %dma_start3A_48 = arith.constant 0 : i32
      %dma_start3A_49 = tpu.memref_slice %arg2[%dma_start3A_47, %dma_start3A_48] : memref<10240x128xf32, #tpu.memory_space<hbm>> -> memref<10240x128xf32, #tpu.memory_space<hbm>>
      tpu.enqueue_indirect_dma source(%dma_start3A_49 : memref<10240x128xf32, #tpu.memory_space<hbm>>) target(%arg6 : memref<200x128xf32, #tpu.memory_space<vmem>>) offsets(%arg5 : memref<200xi32, #tpu.memory_space<vmem>>) semaphore(%arg9 : memref<!tpu.dma_semaphore, #tpu.memory_space<semaphore_mem>>)
      %mul3A_50 = arith.constant 2 : i32
      %mul3A_51 = arith.muli %mul3A_50, %scan3A_17 : i32
      %add3A_52 = arith.constant 1 : i32
      %add3A_53 = arith.addi %mul3A_51, %add3A_52 : i32
      %dma_wait3A_54 = arith.constant 0 : i32
      %dma_wait3A_55 = arith.constant 0 : i32
      %dma_wait3A_56 = tpu.memref_slice %arg2[%dma_wait3A_54, %dma_wait3A_55] : memref<10240x128xf32, #tpu.memory_space<hbm>> -> memref<200x128xf32, #tpu.memory_space<hbm>>
      %dma_wait3A_57 = arith.constant 0 : i32
      %dma_wait3A_58 = arith.constant 0 : i32
      %dma_wait3A_59 = tpu.memref_slice %arg2[%dma_wait3A_57, %dma_wait3A_58] : memref<10240x128xf32, #tpu.memory_space<hbm>> -> memref<200x128xf32, #tpu.memory_space<hbm>>
      tpu.wait_dma2 semaphore(%arg10 : memref<!tpu.dma_semaphore, #tpu.memory_space<semaphore_mem>>) src(%dma_wait3A_59 : memref<200x128xf32, #tpu.memory_space<hbm>>) dst(%arg8 : memref<200x128xf32, #tpu.memory_space<vmem>>)
      %mul3A_60 = arith.constant 200 : i32
      %mul3A_61 = arith.muli %add3A_53, %mul3A_60 : i32
      %add3A_62 = arith.addi %mul3A_2, %mul3A_61 : i32
      "tpu.region"() ({
        %run_scoped3A = tpu.sem_alloc : memref<!tpu.dma_semaphore, #tpu.memory_space<semaphore_mem>>
        %dma_start3A_63 = arith.constant 0 : i32
        %dma_start3A_64 = tpu.memref_slice %arg4[%add3A_62, %dma_start3A_63] : memref<320000x128xf32, #tpu.memory_space<hbm>> -> memref<200x128xf32, #tpu.memory_space<hbm>>
        %dma_start3A_65 = arith.constant 0 : i32
        %dma_start3A_66 = tpu.memref_slice %arg4[%add3A_62, %dma_start3A_65] : memref<320000x128xf32, #tpu.memory_space<hbm>> -> memref<200x128xf32, #tpu.memory_space<hbm>>
        tpu.enqueue_dma source(%arg8 : memref<200x128xf32, #tpu.memory_space<vmem>>) target(%dma_start3A_66 : memref<200x128xf32, #tpu.memory_space<hbm>>) target_semaphore(%run_scoped3A : memref<!tpu.dma_semaphore, #tpu.memory_space<semaphore_mem>>)
        %dma_wait3A_67 = arith.constant 0 : i32
        %dma_wait3A_68 = tpu.memref_slice %arg4[%add3A_62, %dma_wait3A_67] : memref<320000x128xf32, #tpu.memory_space<hbm>> -> memref<200x128xf32, #tpu.memory_space<hbm>>
        %dma_wait3A_69 = arith.constant 0 : i32
        %dma_wait3A_70 = tpu.memref_slice %arg4[%add3A_62, %dma_wait3A_69] : memref<320000x128xf32, #tpu.memory_space<hbm>> -> memref<200x128xf32, #tpu.memory_space<hbm>>
        tpu.wait_dma2 semaphore(%run_scoped3A : memref<!tpu.dma_semaphore, #tpu.memory_space<semaphore_mem>>) src(%arg8 : memref<200x128xf32, #tpu.memory_space<vmem>>) dst(%dma_wait3A_70 : memref<200x128xf32, #tpu.memory_space<hbm>>)
        tpu.yield
      }) : () -> ()
    }
    %scan3A_11 = arith.constant 25 : i32
    %dma_wait3A = arith.constant 0 : i32
    %dma_wait3A_12 = arith.constant 0 : i32
    %dma_wait3A_13 = tpu.memref_slice %arg2[%dma_wait3A, %dma_wait3A_12] : memref<10240x128xf32, #tpu.memory_space<hbm>> -> memref<200x128xf32, #tpu.memory_space<hbm>>
    %dma_wait3A_14 = arith.constant 0 : i32
    %dma_wait3A_15 = arith.constant 0 : i32
    %dma_wait3A_16 = tpu.memref_slice %arg2[%dma_wait3A_14, %dma_wait3A_15] : memref<10240x128xf32, #tpu.memory_space<hbm>> -> memref<200x128xf32, #tpu.memory_space<hbm>>
    tpu.wait_dma2 semaphore(%arg9 : memref<!tpu.dma_semaphore, #tpu.memory_space<semaphore_mem>>) src(%dma_wait3A_16 : memref<200x128xf32, #tpu.memory_space<hbm>>) dst(%arg6 : memref<200x128xf32, #tpu.memory_space<vmem>>)
    return
  }
}

#map = affine_map<(d0, d1) -> (0, 0)>
#map1 = affine_map<(d0, d1) -> (0)>
module attributes {stable_mosaic.version = 14 : i64} {
  func.func @body(%arg0: i32, %arg1: i32, %arg2: memref<320000x128xf32, #tpu.memory_space<hbm>>, %arg3: memref<320000xi32, #tpu.memory_space<hbm>>, %arg4: memref<10240x128xf32, #tpu.memory_space<hbm>>, %arg5: memref<10240x128xf32, #tpu.memory_space<hbm>>, %arg6: memref<80xi32, #tpu.memory_space<vmem>>, %arg7: memref<80xi32, #tpu.memory_space<vmem>>, %arg8: memref<80x128xf32, #tpu.memory_space<vmem>>, %arg9: memref<80xi32, #tpu.memory_space<vmem>>, %arg10: memref<80xi32, #tpu.memory_space<vmem>>, %arg11: memref<80x128xf32, #tpu.memory_space<vmem>>, %arg12: memref<5136x128xf32, #tpu.memory_space<vmem_shared>>, %arg13: memref<!tpu.dma_semaphore, #tpu.memory_space<semaphore_mem>>, %arg14: memref<!tpu.dma_semaphore, #tpu.memory_space<semaphore_mem>>) attributes {dimension_semantics = [#tpu.dimension_semantics<core_parallel>, #tpu.dimension_semantics<subcore_parallel>], iteration_bounds = array<i64: 2, 16>, scalar_prefetch = 0 : i64, scratch_operands = 9 : i64, tpu.core_type = #tpu.core_type<sc_vector_subcore>, window_params = [{transform_indices = #map}, {transform_indices = #map1}, {transform_indices = #map}, {transform_indices = #map}]} {
    %iota3A = tpu.iota {dimensions = array<i32: 0>} : vector<16xi32>
    %add3A = arith.constant 5120 : i32
    %add3A_0 = vector.broadcast %add3A : i32 to vector<16xi32>
    %add3A_1 = arith.addi %add3A_0, %iota3A : vector<16xi32>
    %mul3A = arith.constant 1 : i32
    %mul3A_2 = arith.muli %arg0, %mul3A : i32
    %add3A_3 = arith.constant 0 : i32
    %add3A_4 = arith.addi %mul3A_2, %add3A_3 : i32
    %mul3A_5 = arith.constant 5120 : i32
    %mul3A_6 = arith.muli %add3A_4, %mul3A_5 : i32
    %multiple_of3A = tpu.assume_multiple %mul3A_6, 5120 : i32
    %mul3A_7 = arith.constant 320 : i32
    %mul3A_8 = arith.muli %arg1, %mul3A_7 : i32
    %add3A_9 = arith.addi %multiple_of3A, %mul3A_8 : i32
    %mul3A_10 = arith.constant 320 : i32
    %mul3A_11 = arith.muli %arg1, %mul3A_10 : i32
    "tpu.region"() ({
      %run_scoped3A = tpu.sem_alloc : memref<!tpu.dma_semaphore, #tpu.memory_space<semaphore_mem>>
      %dma_start3A_114 = arith.constant 0 : i32
      %dma_start3A_115 = tpu.memref_slice %arg12[%mul3A_11, %dma_start3A_114] : memref<5136x128xf32, #tpu.memory_space<vmem_shared>> -> memref<320x128xf32, #tpu.memory_space<vmem_shared>>
      %dma_start3A_116 = arith.constant 0 : i32
      %dma_start3A_117 = tpu.memref_slice %arg4[%add3A_9, %dma_start3A_116] : memref<10240x128xf32, #tpu.memory_space<hbm>> -> memref<320x128xf32, #tpu.memory_space<hbm>>
      tpu.enqueue_dma source(%dma_start3A_117 : memref<320x128xf32, #tpu.memory_space<hbm>>) target(%dma_start3A_115 : memref<320x128xf32, #tpu.memory_space<vmem_shared>>) target_semaphore(%run_scoped3A : memref<!tpu.dma_semaphore, #tpu.memory_space<semaphore_mem>>)
      %dma_wait3A_118 = arith.constant 0 : i32
      %dma_wait3A_119 = tpu.memref_slice %arg12[%mul3A_11, %dma_wait3A_118] : memref<5136x128xf32, #tpu.memory_space<vmem_shared>> -> memref<320x128xf32, #tpu.memory_space<vmem_shared>>
      %dma_wait3A_120 = arith.constant 0 : i32
      %dma_wait3A_121 = tpu.memref_slice %arg4[%add3A_9, %dma_wait3A_120] : memref<10240x128xf32, #tpu.memory_space<hbm>> -> memref<320x128xf32, #tpu.memory_space<hbm>>
      tpu.wait_dma2 semaphore(%run_scoped3A : memref<!tpu.dma_semaphore, #tpu.memory_space<semaphore_mem>>) src(%dma_wait3A_121 : memref<320x128xf32, #tpu.memory_space<hbm>>) dst(%dma_wait3A_119 : memref<320x128xf32, #tpu.memory_space<vmem_shared>>)
      tpu.yield
    }) : () -> ()
    %barrier3A = arith.constant 0 : index
    tpu.barrier barrier_id(%barrier3A)
    %mul3A_12 = arith.constant 20000 : i32
    %mul3A_13 = arith.muli %arg1, %mul3A_12 : i32
    %add3A_14 = arith.constant 0 : i32
    %add3A_15 = arith.addi %mul3A_13, %add3A_14 : i32
    "tpu.region"() ({
      %run_scoped3A = tpu.sem_alloc : memref<!tpu.dma_semaphore, #tpu.memory_space<semaphore_mem>>
      %dma_start3A_114 = tpu.memref_slice %arg3[%add3A_15] : memref<320000xi32, #tpu.memory_space<hbm>> -> memref<80xi32, #tpu.memory_space<hbm>>
      %dma_start3A_115 = tpu.memref_slice %arg3[%add3A_15] : memref<320000xi32, #tpu.memory_space<hbm>> -> memref<80xi32, #tpu.memory_space<hbm>>
      tpu.enqueue_dma source(%dma_start3A_115 : memref<80xi32, #tpu.memory_space<hbm>>) target(%arg6 : memref<80xi32, #tpu.memory_space<vmem>>) target_semaphore(%run_scoped3A : memref<!tpu.dma_semaphore, #tpu.memory_space<semaphore_mem>>)
      %dma_wait3A_116 = tpu.memref_slice %arg3[%add3A_15] : memref<320000xi32, #tpu.memory_space<hbm>> -> memref<80xi32, #tpu.memory_space<hbm>>
      %dma_wait3A_117 = tpu.memref_slice %arg3[%add3A_15] : memref<320000xi32, #tpu.memory_space<hbm>> -> memref<80xi32, #tpu.memory_space<hbm>>
      tpu.wait_dma2 semaphore(%run_scoped3A : memref<!tpu.dma_semaphore, #tpu.memory_space<semaphore_mem>>) src(%dma_wait3A_117 : memref<80xi32, #tpu.memory_space<hbm>>) dst(%arg6 : memref<80xi32, #tpu.memory_space<vmem>>)
      tpu.yield
    }) : () -> ()
    %get3A = arith.constant 0 : index
    %get3A_16 = tpu.vector_load %arg6[%get3A] {strides = array<i32>} : memref<80xi32, #tpu.memory_space<vmem>>, vector<16xi32>,
    %get3A_17 = vector.shape_cast %get3A_16 : vector<16xi32> to vector<16xi32>
    %ge3A = vector.broadcast %multiple_of3A : i32 to vector<16xi32>
    %ge3A_18 = arith.cmpi sge, %get3A_17, %ge3A : vector<16xi32>
    %add3A_19 = arith.constant 5120 : i32
    %add3A_20 = arith.addi %multiple_of3A, %add3A_19 : i32
    %lt3A = vector.broadcast %add3A_20 : i32 to vector<16xi32>
    %lt3A_21 = arith.cmpi slt, %get3A_17, %lt3A : vector<16xi32>
    %and3A = arith.andi %ge3A_18, %lt3A_21 : vector<16xi1>
    %sub3A = vector.broadcast %multiple_of3A : i32 to vector<16xi32>
    %sub3A_22 = arith.subi %get3A_17, %sub3A : vector<16xi32>
    %select_n3A = arith.select %and3A, %sub3A_22, %add3A_1 : vector<16xi1>, vector<16xi32>
    %swap3A = arith.constant 0 : index
    %swap3A_23 = tpu.vector_load %arg7[%swap3A] {strides = array<i32>} : memref<80xi32, #tpu.memory_space<vmem>>, vector<16xi32>,
    %swap3A_24 = vector.shape_cast %swap3A_23 : vector<16xi32> to vector<16xi32>
    %swap3A_25 = vector.shape_cast %select_n3A : vector<16xi32> to vector<16xi32>
    tpu.vector_store %arg7[%swap3A], %swap3A_25 {strides = array<i32>} : memref<80xi32, #tpu.memory_space<vmem>>, vector<16xi32>,
    %get3A_26 = arith.constant 16 : index
    %get3A_27 = tpu.vector_load %arg6[%get3A_26] {strides = array<i32>} : memref<80xi32, #tpu.memory_space<vmem>>, vector<16xi32>,
    %get3A_28 = vector.shape_cast %get3A_27 : vector<16xi32> to vector<16xi32>
    %ge3A_29 = vector.broadcast %multiple_of3A : i32 to vector<16xi32>
    %ge3A_30 = arith.cmpi sge, %get3A_28, %ge3A_29 : vector<16xi32>
    %add3A_31 = arith.constant 5120 : i32
    %add3A_32 = arith.addi %multiple_of3A, %add3A_31 : i32
    %lt3A_33 = vector.broadcast %add3A_32 : i32 to vector<16xi32>
    %lt3A_34 = arith.cmpi slt, %get3A_28, %lt3A_33 : vector<16xi32>
    %and3A_35 = arith.andi %ge3A_30, %lt3A_34 : vector<16xi1>
    %sub3A_36 = vector.broadcast %multiple_of3A : i32 to vector<16xi32>
    %sub3A_37 = arith.subi %get3A_28, %sub3A_36 : vector<16xi32>
    %select_n3A_38 = arith.select %and3A_35, %sub3A_37, %add3A_1 : vector<16xi1>, vector<16xi32>
    %swap3A_39 = arith.constant 16 : index
    %swap3A_40 = tpu.vector_load %arg7[%swap3A_39] {strides = array<i32>} : memref<80xi32, #tpu.memory_space<vmem>>, vector<16xi32>,
    %swap3A_41 = vector.shape_cast %swap3A_40 : vector<16xi32> to vector<16xi32>
    %swap3A_42 = vector.shape_cast %select_n3A_38 : vector<16xi32> to vector<16xi32>
    tpu.vector_store %arg7[%swap3A_39], %swap3A_42 {strides = array<i32>} : memref<80xi32, #tpu.memory_space<vmem>>, vector<16xi32>,
    %get3A_43 = arith.constant 32 : index
    %get3A_44 = tpu.vector_load %arg6[%get3A_43] {strides = array<i32>} : memref<80xi32, #tpu.memory_space<vmem>>, vector<16xi32>,
    %get3A_45 = vector.shape_cast %get3A_44 : vector<16xi32> to vector<16xi32>
    %ge3A_46 = vector.broadcast %multiple_of3A : i32 to vector<16xi32>
    %ge3A_47 = arith.cmpi sge, %get3A_45, %ge3A_46 : vector<16xi32>
    %add3A_48 = arith.constant 5120 : i32
    %add3A_49 = arith.addi %multiple_of3A, %add3A_48 : i32
    %lt3A_50 = vector.broadcast %add3A_49 : i32 to vector<16xi32>
    %lt3A_51 = arith.cmpi slt, %get3A_45, %lt3A_50 : vector<16xi32>
    %and3A_52 = arith.andi %ge3A_47, %lt3A_51 : vector<16xi1>
    %sub3A_53 = vector.broadcast %multiple_of3A : i32 to vector<16xi32>
    %sub3A_54 = arith.subi %get3A_45, %sub3A_53 : vector<16xi32>
    %select_n3A_55 = arith.select %and3A_52, %sub3A_54, %add3A_1 : vector<16xi1>, vector<16xi32>
    %swap3A_56 = arith.constant 32 : index
    %swap3A_57 = tpu.vector_load %arg7[%swap3A_56] {strides = array<i32>} : memref<80xi32, #tpu.memory_space<vmem>>, vector<16xi32>,
    %swap3A_58 = vector.shape_cast %swap3A_57 : vector<16xi32> to vector<16xi32>
    %swap3A_59 = vector.shape_cast %select_n3A_55 : vector<16xi32> to vector<16xi32>
    tpu.vector_store %arg7[%swap3A_56], %swap3A_59 {strides = array<i32>} : memref<80xi32, #tpu.memory_space<vmem>>, vector<16xi32>,
    %get3A_60 = arith.constant 48 : index
    %get3A_61 = tpu.vector_load %arg6[%get3A_60] {strides = array<i32>} : memref<80xi32, #tpu.memory_space<vmem>>, vector<16xi32>,
    %get3A_62 = vector.shape_cast %get3A_61 : vector<16xi32> to vector<16xi32>
    %ge3A_63 = vector.broadcast %multiple_of3A : i32 to vector<16xi32>
    %ge3A_64 = arith.cmpi sge, %get3A_62, %ge3A_63 : vector<16xi32>
    %add3A_65 = arith.constant 5120 : i32
    %add3A_66 = arith.addi %multiple_of3A, %add3A_65 : i32
    %lt3A_67 = vector.broadcast %add3A_66 : i32 to vector<16xi32>
    %lt3A_68 = arith.cmpi slt, %get3A_62, %lt3A_67 : vector<16xi32>
    %and3A_69 = arith.andi %ge3A_64, %lt3A_68 : vector<16xi1>
    %sub3A_70 = vector.broadcast %multiple_of3A : i32 to vector<16xi32>
    %sub3A_71 = arith.subi %get3A_62, %sub3A_70 : vector<16xi32>
    %select_n3A_72 = arith.select %and3A_69, %sub3A_71, %add3A_1 : vector<16xi1>, vector<16xi32>
    %swap3A_73 = arith.constant 48 : index
    %swap3A_74 = tpu.vector_load %arg7[%swap3A_73] {strides = array<i32>} : memref<80xi32, #tpu.memory_space<vmem>>, vector<16xi32>,
    %swap3A_75 = vector.shape_cast %swap3A_74 : vector<16xi32> to vector<16xi32>
    %swap3A_76 = vector.shape_cast %select_n3A_72 : vector<16xi32> to vector<16xi32>
    tpu.vector_store %arg7[%swap3A_73], %swap3A_76 {strides = array<i32>} : memref<80xi32, #tpu.memory_space<vmem>>, vector<16xi32>,
    %get3A_77 = arith.constant 64 : index
    %get3A_78 = tpu.vector_load %arg6[%get3A_77] {strides = array<i32>} : memref<80xi32, #tpu.memory_space<vmem>>, vector<16xi32>,
    %get3A_79 = vector.shape_cast %get3A_78 : vector<16xi32> to vector<16xi32>
    %ge3A_80 = vector.broadcast %multiple_of3A : i32 to vector<16xi32>
    %ge3A_81 = arith.cmpi sge, %get3A_79, %ge3A_80 : vector<16xi32>
    %add3A_82 = arith.constant 5120 : i32
    %add3A_83 = arith.addi %multiple_of3A, %add3A_82 : i32
    %lt3A_84 = vector.broadcast %add3A_83 : i32 to vector<16xi32>
    %lt3A_85 = arith.cmpi slt, %get3A_79, %lt3A_84 : vector<16xi32>
    %and3A_86 = arith.andi %ge3A_81, %lt3A_85 : vector<16xi1>
    %sub3A_87 = vector.broadcast %multiple_of3A : i32 to vector<16xi32>
    %sub3A_88 = arith.subi %get3A_79, %sub3A_87 : vector<16xi32>
    %select_n3A_89 = arith.select %and3A_86, %sub3A_88, %add3A_1 : vector<16xi1>, vector<16xi32>
    %swap3A_90 = arith.constant 64 : index
    %swap3A_91 = tpu.vector_load %arg7[%swap3A_90] {strides = array<i32>} : memref<80xi32, #tpu.memory_space<vmem>>, vector<16xi32>,
    %swap3A_92 = vector.shape_cast %swap3A_91 : vector<16xi32> to vector<16xi32>
    %swap3A_93 = vector.shape_cast %select_n3A_89 : vector<16xi32> to vector<16xi32>
    tpu.vector_store %arg7[%swap3A_90], %swap3A_93 {strides = array<i32>} : memref<80xi32, #tpu.memory_space<vmem>>, vector<16xi32>,
    %dma_start3A = arith.constant 0 : i32
    %dma_start3A_94 = tpu.memref_slice %arg2[%add3A_15, %dma_start3A] : memref<320000x128xf32, #tpu.memory_space<hbm>> -> memref<80x128xf32, #tpu.memory_space<hbm>>
    %dma_start3A_95 = arith.constant 0 : i32
    %dma_start3A_96 = tpu.memref_slice %arg2[%add3A_15, %dma_start3A_95] : memref<320000x128xf32, #tpu.memory_space<hbm>> -> memref<80x128xf32, #tpu.memory_space<hbm>>
    tpu.enqueue_dma source(%dma_start3A_96 : memref<80x128xf32, #tpu.memory_space<hbm>>) target(%arg8 : memref<80x128xf32, #tpu.memory_space<vmem>>) target_semaphore(%arg13 : memref<!tpu.dma_semaphore, #tpu.memory_space<semaphore_mem>>)
    %scan3A = arith.constant 0 : i32
    %scan3A_97 = arith.constant 0 : i32
    %scan3A_98 = arith.constant 125 : i32
    %scan3A_99 = arith.addi %scan3A_97, %scan3A_98 : i32
    %scan3A_100 = arith.constant 1 : i32
    scf.for %scan3A_114 = %scan3A_97 to %scan3A_99 step %scan3A_100  : i32 {
      %mul3A_115 = arith.constant 2 : i32
      %mul3A_116 = arith.muli %mul3A_115, %scan3A_114 : i32
      %add3A_117 = arith.constant 1 : i32
      %add3A_118 = arith.addi %mul3A_116, %add3A_117 : i32
      %mul3A_119 = arith.constant 20000 : i32
      %mul3A_120 = arith.muli %arg1, %mul3A_119 : i32
      %mul3A_121 = arith.constant 80 : i32
      %mul3A_122 = arith.muli %add3A_118, %mul3A_121 : i32
      %add3A_123 = arith.addi %mul3A_120, %mul3A_122 : i32
      "tpu.region"() ({
        %run_scoped3A = tpu.sem_alloc : memref<!tpu.dma_semaphore, #tpu.memory_space<semaphore_mem>>
        %dma_start3A_324 = tpu.memref_slice %arg3[%add3A_123] : memref<320000xi32, #tpu.memory_space<hbm>> -> memref<80xi32, #tpu.memory_space<hbm>>
        %dma_start3A_325 = tpu.memref_slice %arg3[%add3A_123] : memref<320000xi32, #tpu.memory_space<hbm>> -> memref<80xi32, #tpu.memory_space<hbm>>
        tpu.enqueue_dma source(%dma_start3A_325 : memref<80xi32, #tpu.memory_space<hbm>>) target(%arg9 : memref<80xi32, #tpu.memory_space<vmem>>) target_semaphore(%run_scoped3A : memref<!tpu.dma_semaphore, #tpu.memory_space<semaphore_mem>>)
        %dma_wait3A_326 = tpu.memref_slice %arg3[%add3A_123] : memref<320000xi32, #tpu.memory_space<hbm>> -> memref<80xi32, #tpu.memory_space<hbm>>
        %dma_wait3A_327 = tpu.memref_slice %arg3[%add3A_123] : memref<320000xi32, #tpu.memory_space<hbm>> -> memref<80xi32, #tpu.memory_space<hbm>>
        tpu.wait_dma2 semaphore(%run_scoped3A : memref<!tpu.dma_semaphore, #tpu.memory_space<semaphore_mem>>) src(%dma_wait3A_327 : memref<80xi32, #tpu.memory_space<hbm>>) dst(%arg9 : memref<80xi32, #tpu.memory_space<vmem>>)
        tpu.yield
      }) : () -> ()
      %get3A_124 = arith.constant 0 : index
      %get3A_125 = tpu.vector_load %arg9[%get3A_124] {strides = array<i32>} : memref<80xi32, #tpu.memory_space<vmem>>, vector<16xi32>,
      %get3A_126 = vector.shape_cast %get3A_125 : vector<16xi32> to vector<16xi32>
      %ge3A_127 = vector.broadcast %multiple_of3A : i32 to vector<16xi32>
      %ge3A_128 = arith.cmpi sge, %get3A_126, %ge3A_127 : vector<16xi32>
      %add3A_129 = arith.constant 5120 : i32
      %add3A_130 = arith.addi %multiple_of3A, %add3A_129 : i32
      %lt3A_131 = vector.broadcast %add3A_130 : i32 to vector<16xi32>
      %lt3A_132 = arith.cmpi slt, %get3A_126, %lt3A_131 : vector<16xi32>
      %and3A_133 = arith.andi %ge3A_128, %lt3A_132 : vector<16xi1>
      %sub3A_134 = vector.broadcast %multiple_of3A : i32 to vector<16xi32>
      %sub3A_135 = arith.subi %get3A_126, %sub3A_134 : vector<16xi32>
      %select_n3A_136 = arith.select %and3A_133, %sub3A_135, %add3A_1 : vector<16xi1>, vector<16xi32>
      %swap3A_137 = arith.constant 0 : index
      %swap3A_138 = tpu.vector_load %arg10[%swap3A_137] {strides = array<i32>} : memref<80xi32, #tpu.memory_space<vmem>>, vector<16xi32>,
      %swap3A_139 = vector.shape_cast %swap3A_138 : vector<16xi32> to vector<16xi32>
      %swap3A_140 = vector.shape_cast %select_n3A_136 : vector<16xi32> to vector<16xi32>
      tpu.vector_store %arg10[%swap3A_137], %swap3A_140 {strides = array<i32>} : memref<80xi32, #tpu.memory_space<vmem>>, vector<16xi32>,
      %get3A_141 = arith.constant 16 : index
      %get3A_142 = tpu.vector_load %arg9[%get3A_141] {strides = array<i32>} : memref<80xi32, #tpu.memory_space<vmem>>, vector<16xi32>,
      %get3A_143 = vector.shape_cast %get3A_142 : vector<16xi32> to vector<16xi32>
      %ge3A_144 = vector.broadcast %multiple_of3A : i32 to vector<16xi32>
      %ge3A_145 = arith.cmpi sge, %get3A_143, %ge3A_144 : vector<16xi32>
      %add3A_146 = arith.constant 5120 : i32
      %add3A_147 = arith.addi %multiple_of3A, %add3A_146 : i32
      %lt3A_148 = vector.broadcast %add3A_147 : i32 to vector<16xi32>
      %lt3A_149 = arith.cmpi slt, %get3A_143, %lt3A_148 : vector<16xi32>
      %and3A_150 = arith.andi %ge3A_145, %lt3A_149 : vector<16xi1>
      %sub3A_151 = vector.broadcast %multiple_of3A : i32 to vector<16xi32>
      %sub3A_152 = arith.subi %get3A_143, %sub3A_151 : vector<16xi32>
      %select_n3A_153 = arith.select %and3A_150, %sub3A_152, %add3A_1 : vector<16xi1>, vector<16xi32>
      %swap3A_154 = arith.constant 16 : index
      %swap3A_155 = tpu.vector_load %arg10[%swap3A_154] {strides = array<i32>} : memref<80xi32, #tpu.memory_space<vmem>>, vector<16xi32>,
      %swap3A_156 = vector.shape_cast %swap3A_155 : vector<16xi32> to vector<16xi32>
      %swap3A_157 = vector.shape_cast %select_n3A_153 : vector<16xi32> to vector<16xi32>
      tpu.vector_store %arg10[%swap3A_154], %swap3A_157 {strides = array<i32>} : memref<80xi32, #tpu.memory_space<vmem>>, vector<16xi32>,
      %get3A_158 = arith.constant 32 : index
      %get3A_159 = tpu.vector_load %arg9[%get3A_158] {strides = array<i32>} : memref<80xi32, #tpu.memory_space<vmem>>, vector<16xi32>,
      %get3A_160 = vector.shape_cast %get3A_159 : vector<16xi32> to vector<16xi32>
      %ge3A_161 = vector.broadcast %multiple_of3A : i32 to vector<16xi32>
      %ge3A_162 = arith.cmpi sge, %get3A_160, %ge3A_161 : vector<16xi32>
      %add3A_163 = arith.constant 5120 : i32
      %add3A_164 = arith.addi %multiple_of3A, %add3A_163 : i32
      %lt3A_165 = vector.broadcast %add3A_164 : i32 to vector<16xi32>
      %lt3A_166 = arith.cmpi slt, %get3A_160, %lt3A_165 : vector<16xi32>
      %and3A_167 = arith.andi %ge3A_162, %lt3A_166 : vector<16xi1>
      %sub3A_168 = vector.broadcast %multiple_of3A : i32 to vector<16xi32>
      %sub3A_169 = arith.subi %get3A_160, %sub3A_168 : vector<16xi32>
      %select_n3A_170 = arith.select %and3A_167, %sub3A_169, %add3A_1 : vector<16xi1>, vector<16xi32>
      %swap3A_171 = arith.constant 32 : index
      %swap3A_172 = tpu.vector_load %arg10[%swap3A_171] {strides = array<i32>} : memref<80xi32, #tpu.memory_space<vmem>>, vector<16xi32>,
      %swap3A_173 = vector.shape_cast %swap3A_172 : vector<16xi32> to vector<16xi32>
      %swap3A_174 = vector.shape_cast %select_n3A_170 : vector<16xi32> to vector<16xi32>
      tpu.vector_store %arg10[%swap3A_171], %swap3A_174 {strides = array<i32>} : memref<80xi32, #tpu.memory_space<vmem>>, vector<16xi32>,
      %get3A_175 = arith.constant 48 : index
      %get3A_176 = tpu.vector_load %arg9[%get3A_175] {strides = array<i32>} : memref<80xi32, #tpu.memory_space<vmem>>, vector<16xi32>,
      %get3A_177 = vector.shape_cast %get3A_176 : vector<16xi32> to vector<16xi32>
      %ge3A_178 = vector.broadcast %multiple_of3A : i32 to vector<16xi32>
      %ge3A_179 = arith.cmpi sge, %get3A_177, %ge3A_178 : vector<16xi32>
      %add3A_180 = arith.constant 5120 : i32
      %add3A_181 = arith.addi %multiple_of3A, %add3A_180 : i32
      %lt3A_182 = vector.broadcast %add3A_181 : i32 to vector<16xi32>
      %lt3A_183 = arith.cmpi slt, %get3A_177, %lt3A_182 : vector<16xi32>
      %and3A_184 = arith.andi %ge3A_179, %lt3A_183 : vector<16xi1>
      %sub3A_185 = vector.broadcast %multiple_of3A : i32 to vector<16xi32>
      %sub3A_186 = arith.subi %get3A_177, %sub3A_185 : vector<16xi32>
      %select_n3A_187 = arith.select %and3A_184, %sub3A_186, %add3A_1 : vector<16xi1>, vector<16xi32>
      %swap3A_188 = arith.constant 48 : index
      %swap3A_189 = tpu.vector_load %arg10[%swap3A_188] {strides = array<i32>} : memref<80xi32, #tpu.memory_space<vmem>>, vector<16xi32>,
      %swap3A_190 = vector.shape_cast %swap3A_189 : vector<16xi32> to vector<16xi32>
      %swap3A_191 = vector.shape_cast %select_n3A_187 : vector<16xi32> to vector<16xi32>
      tpu.vector_store %arg10[%swap3A_188], %swap3A_191 {strides = array<i32>} : memref<80xi32, #tpu.memory_space<vmem>>, vector<16xi32>,
      %get3A_192 = arith.constant 64 : index
      %get3A_193 = tpu.vector_load %arg9[%get3A_192] {strides = array<i32>} : memref<80xi32, #tpu.memory_space<vmem>>, vector<16xi32>,
      %get3A_194 = vector.shape_cast %get3A_193 : vector<16xi32> to vector<16xi32>
      %ge3A_195 = vector.broadcast %multiple_of3A : i32 to vector<16xi32>
      %ge3A_196 = arith.cmpi sge, %get3A_194, %ge3A_195 : vector<16xi32>
      %add3A_197 = arith.constant 5120 : i32
      %add3A_198 = arith.addi %multiple_of3A, %add3A_197 : i32
      %lt3A_199 = vector.broadcast %add3A_198 : i32 to vector<16xi32>
      %lt3A_200 = arith.cmpi slt, %get3A_194, %lt3A_199 : vector<16xi32>
      %and3A_201 = arith.andi %ge3A_196, %lt3A_200 : vector<16xi1>
      %sub3A_202 = vector.broadcast %multiple_of3A : i32 to vector<16xi32>
      %sub3A_203 = arith.subi %get3A_194, %sub3A_202 : vector<16xi32>
      %select_n3A_204 = arith.select %and3A_201, %sub3A_203, %add3A_1 : vector<16xi1>, vector<16xi32>
      %swap3A_205 = arith.constant 64 : index
      %swap3A_206 = tpu.vector_load %arg10[%swap3A_205] {strides = array<i32>} : memref<80xi32, #tpu.memory_space<vmem>>, vector<16xi32>,
      %swap3A_207 = vector.shape_cast %swap3A_206 : vector<16xi32> to vector<16xi32>
      %swap3A_208 = vector.shape_cast %select_n3A_204 : vector<16xi32> to vector<16xi32>
      tpu.vector_store %arg10[%swap3A_205], %swap3A_208 {strides = array<i32>} : memref<80xi32, #tpu.memory_space<vmem>>, vector<16xi32>,
      %dma_start3A_209 = arith.constant 0 : i32
      %dma_start3A_210 = tpu.memref_slice %arg2[%add3A_123, %dma_start3A_209] : memref<320000x128xf32, #tpu.memory_space<hbm>> -> memref<80x128xf32, #tpu.memory_space<hbm>>
      %dma_start3A_211 = arith.constant 0 : i32
      %dma_start3A_212 = tpu.memref_slice %arg2[%add3A_123, %dma_start3A_211] : memref<320000x128xf32, #tpu.memory_space<hbm>> -> memref<80x128xf32, #tpu.memory_space<hbm>>
      tpu.enqueue_dma source(%dma_start3A_212 : memref<80x128xf32, #tpu.memory_space<hbm>>) target(%arg11 : memref<80x128xf32, #tpu.memory_space<vmem>>) target_semaphore(%arg14 : memref<!tpu.dma_semaphore, #tpu.memory_space<semaphore_mem>>)
      %dma_wait3A_213 = arith.constant 0 : i32
      %dma_wait3A_214 = arith.constant 0 : i32
      %dma_wait3A_215 = tpu.memref_slice %arg2[%dma_wait3A_213, %dma_wait3A_214] : memref<320000x128xf32, #tpu.memory_space<hbm>> -> memref<80x128xf32, #tpu.memory_space<hbm>>
      %dma_wait3A_216 = arith.constant 0 : i32
      %dma_wait3A_217 = arith.constant 0 : i32
      %dma_wait3A_218 = tpu.memref_slice %arg2[%dma_wait3A_216, %dma_wait3A_217] : memref<320000x128xf32, #tpu.memory_space<hbm>> -> memref<80x128xf32, #tpu.memory_space<hbm>>
      tpu.wait_dma2 semaphore(%arg13 : memref<!tpu.dma_semaphore, #tpu.memory_space<semaphore_mem>>) src(%dma_wait3A_218 : memref<80x128xf32, #tpu.memory_space<hbm>>) dst(%arg8 : memref<80x128xf32, #tpu.memory_space<vmem>>)
      "tpu.region"() ({
        %run_scoped3A = tpu.sem_alloc : memref<!tpu.dma_semaphore, #tpu.memory_space<semaphore_mem>>
        %dma_start3A_324 = arith.constant 0 : i32
        %dma_start3A_325 = arith.constant 0 : i32
        %dma_start3A_326 = tpu.memref_slice %arg12[%dma_start3A_324, %dma_start3A_325] : memref<5136x128xf32, #tpu.memory_space<vmem_shared>> -> memref<5136x128xf32, #tpu.memory_space<vmem_shared>>
        tpu.enqueue_indirect_dma source(%arg8 : memref<80x128xf32, #tpu.memory_space<vmem>>) target(%dma_start3A_326 : memref<5136x128xf32, #tpu.memory_space<vmem_shared>>) offsets(%arg7 : memref<80xi32, #tpu.memory_space<vmem>>) semaphore(%run_scoped3A : memref<!tpu.dma_semaphore, #tpu.memory_space<semaphore_mem>>) {add = true}
        %dma_wait3A_327 = arith.constant 0 : i32
        %dma_wait3A_328 = arith.constant 0 : i32
        %dma_wait3A_329 = tpu.memref_slice %arg12[%dma_wait3A_327, %dma_wait3A_328] : memref<5136x128xf32, #tpu.memory_space<vmem_shared>> -> memref<5136x128xf32, #tpu.memory_space<vmem_shared>>
        tpu.wait_indirect_dma semaphore(%run_scoped3A : memref<!tpu.dma_semaphore, #tpu.memory_space<semaphore_mem>>) src(%arg8 : memref<80x128xf32, #tpu.memory_space<vmem>>) dst(%dma_wait3A_329 : memref<5136x128xf32, #tpu.memory_space<vmem_shared>>)
        tpu.yield
      }) : () -> ()
      %mul3A_219 = arith.constant 2 : i32
      %mul3A_220 = arith.muli %mul3A_219, %scan3A_114 : i32
      %add3A_221 = arith.constant 2 : i32
      %add3A_222 = arith.addi %mul3A_220, %add3A_221 : i32
      %min3A = arith.constant 249 : i32
      %min3A_223 = arith.minsi %add3A_222, %min3A : i32
      %mul3A_224 = arith.constant 20000 : i32
      %mul3A_225 = arith.muli %arg1, %mul3A_224 : i32
      %mul3A_226 = arith.constant 80 : i32
      %mul3A_227 = arith.muli %min3A_223, %mul3A_226 : i32
      %add3A_228 = arith.addi %mul3A_225, %mul3A_227 : i32
      "tpu.region"() ({
        %run_scoped3A = tpu.sem_alloc : memref<!tpu.dma_semaphore, #tpu.memory_space<semaphore_mem>>
        %dma_start3A_324 = tpu.memref_slice %arg3[%add3A_228] : memref<320000xi32, #tpu.memory_space<hbm>> -> memref<80xi32, #tpu.memory_space<hbm>>
        %dma_start3A_325 = tpu.memref_slice %arg3[%add3A_228] : memref<320000xi32, #tpu.memory_space<hbm>> -> memref<80xi32, #tpu.memory_space<hbm>>
        tpu.enqueue_dma source(%dma_start3A_325 : memref<80xi32, #tpu.memory_space<hbm>>) target(%arg6 : memref<80xi32, #tpu.memory_space<vmem>>) target_semaphore(%run_scoped3A : memref<!tpu.dma_semaphore, #tpu.memory_space<semaphore_mem>>)
        %dma_wait3A_326 = tpu.memref_slice %arg3[%add3A_228] : memref<320000xi32, #tpu.memory_space<hbm>> -> memref<80xi32, #tpu.memory_space<hbm>>
        %dma_wait3A_327 = tpu.memref_slice %arg3[%add3A_228] : memref<320000xi32, #tpu.memory_space<hbm>> -> memref<80xi32, #tpu.memory_space<hbm>>
        tpu.wait_dma2 semaphore(%run_scoped3A : memref<!tpu.dma_semaphore, #tpu.memory_space<semaphore_mem>>) src(%dma_wait3A_327 : memref<80xi32, #tpu.memory_space<hbm>>) dst(%arg6 : memref<80xi32, #tpu.memory_space<vmem>>)
        tpu.yield
      }) : () -> ()
      %get3A_229 = arith.constant 0 : index
      %get3A_230 = tpu.vector_load %arg6[%get3A_229] {strides = array<i32>} : memref<80xi32, #tpu.memory_space<vmem>>, vector<16xi32>,
      %get3A_231 = vector.shape_cast %get3A_230 : vector<16xi32> to vector<16xi32>
      %ge3A_232 = vector.broadcast %multiple_of3A : i32 to vector<16xi32>
      %ge3A_233 = arith.cmpi sge, %get3A_231, %ge3A_232 : vector<16xi32>
      %add3A_234 = arith.constant 5120 : i32
      %add3A_235 = arith.addi %multiple_of3A, %add3A_234 : i32
      %lt3A_236 = vector.broadcast %add3A_235 : i32 to vector<16xi32>
      %lt3A_237 = arith.cmpi slt, %get3A_231, %lt3A_236 : vector<16xi32>
      %and3A_238 = arith.andi %ge3A_233, %lt3A_237 : vector<16xi1>
      %sub3A_239 = vector.broadcast %multiple_of3A : i32 to vector<16xi32>
      %sub3A_240 = arith.subi %get3A_231, %sub3A_239 : vector<16xi32>
      %select_n3A_241 = arith.select %and3A_238, %sub3A_240, %add3A_1 : vector<16xi1>, vector<16xi32>
      %swap3A_242 = arith.constant 0 : index
      %swap3A_243 = tpu.vector_load %arg7[%swap3A_242] {strides = array<i32>} : memref<80xi32, #tpu.memory_space<vmem>>, vector<16xi32>,
      %swap3A_244 = vector.shape_cast %swap3A_243 : vector<16xi32> to vector<16xi32>
      %swap3A_245 = vector.shape_cast %select_n3A_241 : vector<16xi32> to vector<16xi32>
      tpu.vector_store %arg7[%swap3A_242], %swap3A_245 {strides = array<i32>} : memref<80xi32, #tpu.memory_space<vmem>>, vector<16xi32>,
      %get3A_246 = arith.constant 16 : index
      %get3A_247 = tpu.vector_load %arg6[%get3A_246] {strides = array<i32>} : memref<80xi32, #tpu.memory_space<vmem>>, vector<16xi32>,
      %get3A_248 = vector.shape_cast %get3A_247 : vector<16xi32> to vector<16xi32>
      %ge3A_249 = vector.broadcast %multiple_of3A : i32 to vector<16xi32>
      %ge3A_250 = arith.cmpi sge, %get3A_248, %ge3A_249 : vector<16xi32>
      %add3A_251 = arith.constant 5120 : i32
      %add3A_252 = arith.addi %multiple_of3A, %add3A_251 : i32
      %lt3A_253 = vector.broadcast %add3A_252 : i32 to vector<16xi32>
      %lt3A_254 = arith.cmpi slt, %get3A_248, %lt3A_253 : vector<16xi32>
      %and3A_255 = arith.andi %ge3A_250, %lt3A_254 : vector<16xi1>
      %sub3A_256 = vector.broadcast %multiple_of3A : i32 to vector<16xi32>
      %sub3A_257 = arith.subi %get3A_248, %sub3A_256 : vector<16xi32>
      %select_n3A_258 = arith.select %and3A_255, %sub3A_257, %add3A_1 : vector<16xi1>, vector<16xi32>
      %swap3A_259 = arith.constant 16 : index
      %swap3A_260 = tpu.vector_load %arg7[%swap3A_259] {strides = array<i32>} : memref<80xi32, #tpu.memory_space<vmem>>, vector<16xi32>,
      %swap3A_261 = vector.shape_cast %swap3A_260 : vector<16xi32> to vector<16xi32>
      %swap3A_262 = vector.shape_cast %select_n3A_258 : vector<16xi32> to vector<16xi32>
      tpu.vector_store %arg7[%swap3A_259], %swap3A_262 {strides = array<i32>} : memref<80xi32, #tpu.memory_space<vmem>>, vector<16xi32>,
      %get3A_263 = arith.constant 32 : index
      %get3A_264 = tpu.vector_load %arg6[%get3A_263] {strides = array<i32>} : memref<80xi32, #tpu.memory_space<vmem>>, vector<16xi32>,
      %get3A_265 = vector.shape_cast %get3A_264 : vector<16xi32> to vector<16xi32>
      %ge3A_266 = vector.broadcast %multiple_of3A : i32 to vector<16xi32>
      %ge3A_267 = arith.cmpi sge, %get3A_265, %ge3A_266 : vector<16xi32>
      %add3A_268 = arith.constant 5120 : i32
      %add3A_269 = arith.addi %multiple_of3A, %add3A_268 : i32
      %lt3A_270 = vector.broadcast %add3A_269 : i32 to vector<16xi32>
      %lt3A_271 = arith.cmpi slt, %get3A_265, %lt3A_270 : vector<16xi32>
      %and3A_272 = arith.andi %ge3A_267, %lt3A_271 : vector<16xi1>
      %sub3A_273 = vector.broadcast %multiple_of3A : i32 to vector<16xi32>
      %sub3A_274 = arith.subi %get3A_265, %sub3A_273 : vector<16xi32>
      %select_n3A_275 = arith.select %and3A_272, %sub3A_274, %add3A_1 : vector<16xi1>, vector<16xi32>
      %swap3A_276 = arith.constant 32 : index
      %swap3A_277 = tpu.vector_load %arg7[%swap3A_276] {strides = array<i32>} : memref<80xi32, #tpu.memory_space<vmem>>, vector<16xi32>,
      %swap3A_278 = vector.shape_cast %swap3A_277 : vector<16xi32> to vector<16xi32>
      %swap3A_279 = vector.shape_cast %select_n3A_275 : vector<16xi32> to vector<16xi32>
      tpu.vector_store %arg7[%swap3A_276], %swap3A_279 {strides = array<i32>} : memref<80xi32, #tpu.memory_space<vmem>>, vector<16xi32>,
      %get3A_280 = arith.constant 48 : index
      %get3A_281 = tpu.vector_load %arg6[%get3A_280] {strides = array<i32>} : memref<80xi32, #tpu.memory_space<vmem>>, vector<16xi32>,
      %get3A_282 = vector.shape_cast %get3A_281 : vector<16xi32> to vector<16xi32>
      %ge3A_283 = vector.broadcast %multiple_of3A : i32 to vector<16xi32>
      %ge3A_284 = arith.cmpi sge, %get3A_282, %ge3A_283 : vector<16xi32>
      %add3A_285 = arith.constant 5120 : i32
      %add3A_286 = arith.addi %multiple_of3A, %add3A_285 : i32
      %lt3A_287 = vector.broadcast %add3A_286 : i32 to vector<16xi32>
      %lt3A_288 = arith.cmpi slt, %get3A_282, %lt3A_287 : vector<16xi32>
      %and3A_289 = arith.andi %ge3A_284, %lt3A_288 : vector<16xi1>
      %sub3A_290 = vector.broadcast %multiple_of3A : i32 to vector<16xi32>
      %sub3A_291 = arith.subi %get3A_282, %sub3A_290 : vector<16xi32>
      %select_n3A_292 = arith.select %and3A_289, %sub3A_291, %add3A_1 : vector<16xi1>, vector<16xi32>
      %swap3A_293 = arith.constant 48 : index
      %swap3A_294 = tpu.vector_load %arg7[%swap3A_293] {strides = array<i32>} : memref<80xi32, #tpu.memory_space<vmem>>, vector<16xi32>,
      %swap3A_295 = vector.shape_cast %swap3A_294 : vector<16xi32> to vector<16xi32>
      %swap3A_296 = vector.shape_cast %select_n3A_292 : vector<16xi32> to vector<16xi32>
      tpu.vector_store %arg7[%swap3A_293], %swap3A_296 {strides = array<i32>} : memref<80xi32, #tpu.memory_space<vmem>>, vector<16xi32>,
      %get3A_297 = arith.constant 64 : index
      %get3A_298 = tpu.vector_load %arg6[%get3A_297] {strides = array<i32>} : memref<80xi32, #tpu.memory_space<vmem>>, vector<16xi32>,
      %get3A_299 = vector.shape_cast %get3A_298 : vector<16xi32> to vector<16xi32>
      %ge3A_300 = vector.broadcast %multiple_of3A : i32 to vector<16xi32>
      %ge3A_301 = arith.cmpi sge, %get3A_299, %ge3A_300 : vector<16xi32>
      %add3A_302 = arith.constant 5120 : i32
      %add3A_303 = arith.addi %multiple_of3A, %add3A_302 : i32
      %lt3A_304 = vector.broadcast %add3A_303 : i32 to vector<16xi32>
      %lt3A_305 = arith.cmpi slt, %get3A_299, %lt3A_304 : vector<16xi32>
      %and3A_306 = arith.andi %ge3A_301, %lt3A_305 : vector<16xi1>
      %sub3A_307 = vector.broadcast %multiple_of3A : i32 to vector<16xi32>
      %sub3A_308 = arith.subi %get3A_299, %sub3A_307 : vector<16xi32>
      %select_n3A_309 = arith.select %and3A_306, %sub3A_308, %add3A_1 : vector<16xi1>, vector<16xi32>
      %swap3A_310 = arith.constant 64 : index
      %swap3A_311 = tpu.vector_load %arg7[%swap3A_310] {strides = array<i32>} : memref<80xi32, #tpu.memory_space<vmem>>, vector<16xi32>,
      %swap3A_312 = vector.shape_cast %swap3A_311 : vector<16xi32> to vector<16xi32>
      %swap3A_313 = vector.shape_cast %select_n3A_309 : vector<16xi32> to vector<16xi32>
      tpu.vector_store %arg7[%swap3A_310], %swap3A_313 {strides = array<i32>} : memref<80xi32, #tpu.memory_space<vmem>>, vector<16xi32>,
      %dma_start3A_314 = arith.constant 0 : i32
      %dma_start3A_315 = tpu.memref_slice %arg2[%add3A_228, %dma_start3A_314] : memref<320000x128xf32, #tpu.memory_space<hbm>> -> memref<80x128xf32, #tpu.memory_space<hbm>>
      %dma_start3A_316 = arith.constant 0 : i32
      %dma_start3A_317 = tpu.memref_slice %arg2[%add3A_228, %dma_start3A_316] : memref<320000x128xf32, #tpu.memory_space<hbm>> -> memref<80x128xf32, #tpu.memory_space<hbm>>
      tpu.enqueue_dma source(%dma_start3A_317 : memref<80x128xf32, #tpu.memory_space<hbm>>) target(%arg8 : memref<80x128xf32, #tpu.memory_space<vmem>>) target_semaphore(%arg13 : memref<!tpu.dma_semaphore, #tpu.memory_space<semaphore_mem>>)
      %dma_wait3A_318 = arith.constant 0 : i32
      %dma_wait3A_319 = arith.constant 0 : i32
      %dma_wait3A_320 = tpu.memref_slice %arg2[%dma_wait3A_318, %dma_wait3A_319] : memref<320000x128xf32, #tpu.memory_space<hbm>> -> memref<80x128xf32, #tpu.memory_space<hbm>>
      %dma_wait3A_321 = arith.constant 0 : i32
      %dma_wait3A_322 = arith.constant 0 : i32
      %dma_wait3A_323 = tpu.memref_slice %arg2[%dma_wait3A_321, %dma_wait3A_322] : memref<320000x128xf32, #tpu.memory_space<hbm>> -> memref<80x128xf32, #tpu.memory_space<hbm>>
      tpu.wait_dma2 semaphore(%arg14 : memref<!tpu.dma_semaphore, #tpu.memory_space<semaphore_mem>>) src(%dma_wait3A_323 : memref<80x128xf32, #tpu.memory_space<hbm>>) dst(%arg11 : memref<80x128xf32, #tpu.memory_space<vmem>>)
      "tpu.region"() ({
        %run_scoped3A = tpu.sem_alloc : memref<!tpu.dma_semaphore, #tpu.memory_space<semaphore_mem>>
        %dma_start3A_324 = arith.constant 0 : i32
        %dma_start3A_325 = arith.constant 0 : i32
        %dma_start3A_326 = tpu.memref_slice %arg12[%dma_start3A_324, %dma_start3A_325] : memref<5136x128xf32, #tpu.memory_space<vmem_shared>> -> memref<5136x128xf32, #tpu.memory_space<vmem_shared>>
        tpu.enqueue_indirect_dma source(%arg11 : memref<80x128xf32, #tpu.memory_space<vmem>>) target(%dma_start3A_326 : memref<5136x128xf32, #tpu.memory_space<vmem_shared>>) offsets(%arg10 : memref<80xi32, #tpu.memory_space<vmem>>) semaphore(%run_scoped3A : memref<!tpu.dma_semaphore, #tpu.memory_space<semaphore_mem>>) {add = true}
        %dma_wait3A_327 = arith.constant 0 : i32
        %dma_wait3A_328 = arith.constant 0 : i32
        %dma_wait3A_329 = tpu.memref_slice %arg12[%dma_wait3A_327, %dma_wait3A_328] : memref<5136x128xf32, #tpu.memory_space<vmem_shared>> -> memref<5136x128xf32, #tpu.memory_space<vmem_shared>>
        tpu.wait_indirect_dma semaphore(%run_scoped3A : memref<!tpu.dma_semaphore, #tpu.memory_space<semaphore_mem>>) src(%arg11 : memref<80x128xf32, #tpu.memory_space<vmem>>) dst(%dma_wait3A_329 : memref<5136x128xf32, #tpu.memory_space<vmem_shared>>)
        tpu.yield
      }) : () -> ()
    }
    %scan3A_101 = arith.constant 125 : i32
    %dma_wait3A = arith.constant 0 : i32
    %dma_wait3A_102 = arith.constant 0 : i32
    %dma_wait3A_103 = tpu.memref_slice %arg2[%dma_wait3A, %dma_wait3A_102] : memref<320000x128xf32, #tpu.memory_space<hbm>> -> memref<80x128xf32, #tpu.memory_space<hbm>>
    %dma_wait3A_104 = arith.constant 0 : i32
    %dma_wait3A_105 = arith.constant 0 : i32
    %dma_wait3A_106 = tpu.memref_slice %arg2[%dma_wait3A_104, %dma_wait3A_105] : memref<320000x128xf32, #tpu.memory_space<hbm>> -> memref<80x128xf32, #tpu.memory_space<hbm>>
    tpu.wait_dma2 semaphore(%arg13 : memref<!tpu.dma_semaphore, #tpu.memory_space<semaphore_mem>>) src(%dma_wait3A_106 : memref<80x128xf32, #tpu.memory_space<hbm>>) dst(%arg8 : memref<80x128xf32, #tpu.memory_space<vmem>>)
    %barrier3A_107 = arith.constant 0 : index
    tpu.barrier barrier_id(%barrier3A_107)
    %mul3A_108 = arith.constant 320 : i32
    %mul3A_109 = arith.muli %arg1, %mul3A_108 : i32
    %mul3A_110 = arith.constant 320 : i32
    %mul3A_111 = arith.muli %arg1, %mul3A_110 : i32
    %add3A_112 = arith.addi %multiple_of3A, %mul3A_111 : i32
    "tpu.region"() ({
      %run_scoped3A = tpu.sem_alloc : memref<!tpu.dma_semaphore, #tpu.memory_space<semaphore_mem>>
      %dma_start3A_114 = arith.constant 0 : i32
      %dma_start3A_115 = tpu.memref_slice %arg5[%add3A_112, %dma_start3A_114] : memref<10240x128xf32, #tpu.memory_space<hbm>> -> memref<320x128xf32, #tpu.memory_space<hbm>>
      %dma_start3A_116 = arith.constant 0 : i32
      %dma_start3A_117 = tpu.memref_slice %arg12[%mul3A_109, %dma_start3A_116] : memref<5136x128xf32, #tpu.memory_space<vmem_shared>> -> memref<320x128xf32, #tpu.memory_space<vmem_shared>>
      tpu.enqueue_dma source(%dma_start3A_117 : memref<320x128xf32, #tpu.memory_space<vmem_shared>>) target(%dma_start3A_115 : memref<320x128xf32, #tpu.memory_space<hbm>>) target_semaphore(%run_scoped3A : memref<!tpu.dma_semaphore, #tpu.memory_space<semaphore_mem>>)
      %dma_wait3A_118 = arith.constant 0 : i32
      %dma_wait3A_119 = tpu.memref_slice %arg5[%add3A_112, %dma_wait3A_118] : memref<10240x128xf32, #tpu.memory_space<hbm>> -> memref<320x128xf32, #tpu.memory_space<hbm>>
      %dma_wait3A_120 = arith.constant 0 : i32
      %dma_wait3A_121 = tpu.memref_slice %arg12[%mul3A_109, %dma_wait3A_120] : memref<5136x128xf32, #tpu.memory_space<vmem_shared>> -> memref<320x128xf32, #tpu.memory_space<vmem_shared>>
      tpu.wait_dma2 semaphore(%run_scoped3A : memref<!tpu.dma_semaphore, #tpu.memory_space<semaphore_mem>>) src(%dma_wait3A_121 : memref<320x128xf32, #tpu.memory_space<vmem_shared>>) dst(%dma_wait3A_119 : memref<320x128xf32, #tpu.memory_space<hbm>>)
      tpu.yield
    }) : () -> ()
    %barrier3A_113 = arith.constant 0 : index
    tpu.barrier barrier_id(%barrier3A_113)
    return
  }
}

module attributes {stable_mosaic.version = 14 : i64} {
  func.func @_edge_dense_kernel(%arg0: i32, %arg1: memref<4096x48xf32, #tpu.memory_space<vmem>>, %arg2: memref<48x48xf32, #tpu.memory_space<vmem>>, %arg3: memref<48x48xf32, #tpu.memory_space<vmem>>, %arg4: memref<1x48xf32, #tpu.memory_space<vmem>>, %arg5: memref<4096x48xf32, #tpu.memory_space<vmem>>, %arg6: memref<4096x48xf32, #tpu.memory_space<vmem>>) attributes {dimension_semantics = [#tpu.dimension_semantics<arbitrary>], iteration_bounds = array<i64: 79>, scalar_prefetch = 0 : i64, scratch_operands = 0 : i64, tpu.core_type = #tpu.core_type<tc>, window_params = [{transform_indices = @transform_0, window_bounds = array<i64: 4096, 48>}, {pipeline_mode = #tpu.pipeline_mode<synchronous>, transform_indices = @transform_1, window_bounds = array<i64: 48, 48>}, {pipeline_mode = #tpu.pipeline_mode<synchronous>, transform_indices = @transform_2, window_bounds = array<i64: 48, 48>}, {pipeline_mode = #tpu.pipeline_mode<synchronous>, transform_indices = @transform_3, window_bounds = array<i64: 1, 48>}, {transform_indices = @transform_4, window_bounds = array<i64: 4096, 48>}, {transform_indices = @transform_5, window_bounds = array<i64: 4096, 48>}]} {
    %get3A = arith.constant 0 : index
    %get3A_0 = arith.constant 0 : index
    %get3A_1 = vector.load %arg1[%get3A, %get3A_0] : memref<4096x48xf32, #tpu.memory_space<vmem>>, vector<4096x48xf32>
    %get3A_2 = arith.constant 0 : index
    %get3A_3 = arith.constant 0 : index
    %get3A_4 = vector.load %arg2[%get3A_2, %get3A_3] : memref<48x48xf32, #tpu.memory_space<vmem>>, vector<48x48xf32>
    %dot_general3A = arith.constant dense<0.000000e+00> : vector<4096x48xf32>
    %dot_general3A_5 = tpu.matmul %get3A_1, %get3A_4, %dot_general3A {dimension_numbers = #tpu.dot_dimension_numbers<[1], [0], [0], [1], [0, 0, 1, 1], [], []>, transpose_lhs_hint = false} : vector<4096x48xf32>, vector<48x48xf32>, vector<4096x48xf32> -> vector<4096x48xf32>
    %swap3A = arith.constant 0 : index
    %swap3A_6 = arith.constant 0 : index
    %swap3A_7 = vector.load %arg5[%swap3A, %swap3A_6] : memref<4096x48xf32, #tpu.memory_space<vmem>>, vector<4096x48xf32>
    tpu.vector_store %arg5[%swap3A, %swap3A_6], %dot_general3A_5 {strides = array<i32>} : memref<4096x48xf32, #tpu.memory_space<vmem>>, vector<4096x48xf32>,
    %get3A_8 = arith.constant 0 : index
    %get3A_9 = arith.constant 0 : index
    %get3A_10 = vector.load %arg3[%get3A_8, %get3A_9] : memref<48x48xf32, #tpu.memory_space<vmem>>, vector<48x48xf32>
    %dot_general3A_11 = arith.constant dense<0.000000e+00> : vector<4096x48xf32>
    %dot_general3A_12 = tpu.matmul %get3A_1, %get3A_10, %dot_general3A_11 {dimension_numbers = #tpu.dot_dimension_numbers<[1], [0], [0], [1], [0, 0, 1, 1], [], []>, transpose_lhs_hint = false} : vector<4096x48xf32>, vector<48x48xf32>, vector<4096x48xf32> -> vector<4096x48xf32>
    %get3A_13 = arith.constant 0 : index
    %get3A_14 = arith.constant 0 : index
    %get3A_15 = vector.load %arg4[%get3A_13, %get3A_14] : memref<1x48xf32, #tpu.memory_space<vmem>>, vector<1x48xf32>
    %add3A = vector.broadcast %get3A_15 : vector<1x48xf32> to vector<4096x48xf32>
    %add3A_16 = arith.addf %dot_general3A_12, %add3A : vector<4096x48xf32>
    %gt3A = arith.constant 0.000000e+00 : f32
    %gt3A_17 = vector.broadcast %gt3A : f32 to vector<4096x48xf32>
    %gt3A_18 = arith.cmpf ogt, %add3A_16, %gt3A_17 : vector<4096x48xf32>
    %min3A = arith.constant 0.000000e+00 : f32
    %min3A_19 = vector.broadcast %min3A : f32 to vector<4096x48xf32>
    %min3A_20 = arith.minimumf %add3A_16, %min3A_19 : vector<4096x48xf32>
    %exp3A = math.exp %min3A_20 : vector<4096x48xf32>
    %sub3A = arith.constant 1.000000e+00 : f32
    %sub3A_21 = vector.broadcast %sub3A : f32 to vector<4096x48xf32>
    %sub3A_22 = arith.subf %exp3A, %sub3A_21 : vector<4096x48xf32>
    %select_n3A = arith.select %gt3A_18, %add3A_16, %sub3A_22 : vector<4096x48xi1>, vector<4096x48xf32>
    %swap3A_23 = arith.constant 0 : index
    %swap3A_24 = arith.constant 0 : index
    %swap3A_25 = vector.load %arg6[%swap3A_23, %swap3A_24] : memref<4096x48xf32, #tpu.memory_space<vmem>>, vector<4096x48xf32>
    tpu.vector_store %arg6[%swap3A_23, %swap3A_24], %select_n3A {strides = array<i32>} : memref<4096x48xf32, #tpu.memory_space<vmem>>, vector<4096x48xf32>,
    return
  }
  func.func @transform_0(%arg0: i32) -> (i32, i32) {
    %c0_i32 = arith.constant 0 : i32
    %c0_i32_0 = arith.constant 0 : i32
    return %arg0, %c0_i32 : i32, i32
  }
  func.func @transform_1(%arg0: i32) -> (i32, i32) {
    %c0_i32 = arith.constant 0 : i32
    %c0_i32_0 = arith.constant 0 : i32
    %c0_i32_1 = arith.constant 0 : i32
    return %c0_i32, %c0_i32_0 : i32, i32
  }
  func.func @transform_2(%arg0: i32) -> (i32, i32) {
    %c0_i32 = arith.constant 0 : i32
    %c0_i32_0 = arith.constant 0 : i32
    %c0_i32_1 = arith.constant 0 : i32
    return %c0_i32, %c0_i32_0 : i32, i32
  }
  func.func @transform_3(%arg0: i32) -> (i32, i32) {
    %c0_i32 = arith.constant 0 : i32
    %c0_i32_0 = arith.constant 0 : i32
    %c0_i32_1 = arith.constant 0 : i32
    return %c0_i32, %c0_i32_0 : i32, i32
  }
  func.func @transform_4(%arg0: i32) -> (i32, i32) {
    %c0_i32 = arith.constant 0 : i32
    %c0_i32_0 = arith.constant 0 : i32
    return %arg0, %c0_i32 : i32, i32
  }
  func.func @transform_5(%arg0: i32) -> (i32, i32) {
    %c0_i32 = arith.constant 0 : i32
    %c0_i32_0 = arith.constant 0 : i32
    return %arg0, %c0_i32 : i32, i32
  }
}

module attributes {stable_mosaic.version = 14 : i64} {
  func.func @_node_dense_kernel(%arg0: i32, %arg1: memref<1024x128xf32, #tpu.memory_space<vmem>>, %arg2: memref<1024x5xf32, #tpu.memory_space<vmem>>, %arg3: memref<1024x128xf32, #tpu.memory_space<vmem>>, %arg4: memref<5x64xf32, #tpu.memory_space<vmem>>, %arg5: memref<1x64xf32, #tpu.memory_space<vmem>>, %arg6: memref<64x32xf32, #tpu.memory_space<vmem>>, %arg7: memref<1x32xf32, #tpu.memory_space<vmem>>, %arg8: memref<32x5xf32, #tpu.memory_space<vmem>>, %arg9: memref<1x5xf32, #tpu.memory_space<vmem>>, %arg10: memref<128x128xf32, #tpu.memory_space<vmem>>, %arg11: memref<5x128xf32, #tpu.memory_space<vmem>>, %arg12: memref<128x128xf32, #tpu.memory_space<vmem>>, %arg13: memref<5x128xf32, #tpu.memory_space<vmem>>, %arg14: memref<1x128xf32, #tpu.memory_space<vmem>>, %arg15: memref<128x48xf32, #tpu.memory_space<vmem>>, %arg16: memref<5x48xf32, #tpu.memory_space<vmem>>, %arg17: memref<1x48xf32, #tpu.memory_space<vmem>>, %arg18: memref<1024x5xf32, #tpu.memory_space<vmem>>, %arg19: memref<1024x128xf32, #tpu.memory_space<vmem>>, %arg20: memref<1024x128xf32, #tpu.memory_space<vmem>>, %arg21: memref<1024x48xf32, #tpu.memory_space<vmem>>) attributes {dimension_semantics = [#tpu.dimension_semantics<arbitrary>], iteration_bounds = array<i64: 10>, scalar_prefetch = 0 : i64, scratch_operands = 0 : i64, tpu.core_type = #tpu.core_type<tc>, window_params = [{transform_indices = @transform_0, window_bounds = array<i64: 1024, 128>}, {transform_indices = @transform_1, window_bounds = array<i64: 1024, 5>}, {transform_indices = @transform_2, window_bounds = array<i64: 1024, 128>}, {pipeline_mode = #tpu.pipeline_mode<synchronous>, transform_indices = @transform_3, window_bounds = array<i64: 5, 64>}, {pipeline_mode = #tpu.pipeline_mode<synchronous>, transform_indices = @transform_4, window_bounds = array<i64: 1, 64>}, {pipeline_mode = #tpu.pipeline_mode<synchronous>, transform_indices = @transform_5, window_bounds = array<i64: 64, 32>}, {pipeline_mode = #tpu.pipeline_mode<synchronous>, transform_indices = @transform_6, window_bounds = array<i64: 1, 32>}, {pipeline_mode = #tpu.pipeline_mode<synchronous>, transform_indices = @transform_7, window_bounds = array<i64: 32, 5>}, {pipeline_mode = #tpu.pipeline_mode<synchronous>, transform_indices = @transform_8, window_bounds = array<i64: 1, 5>}, {pipeline_mode = #tpu.pipeline_mode<synchronous>, transform_indices = @transform_9, window_bounds = array<i64: 128, 128>}, {pipeline_mode = #tpu.pipeline_mode<synchronous>, transform_indices = @transform_10, window_bounds = array<i64: 5, 128>}, {pipeline_mode = #tpu.pipeline_mode<synchronous>, transform_indices = @transform_11, window_bounds = array<i64: 128, 128>}, {pipeline_mode = #tpu.pipeline_mode<synchronous>, transform_indices = @transform_12, window_bounds = array<i64: 5, 128>}, {pipeline_mode = #tpu.pipeline_mode<synchronous>, transform_indices = @transform_13, window_bounds = array<i64: 1, 128>}, {pipeline_mode = #tpu.pipeline_mode<synchronous>, transform_indices = @transform_14, window_bounds = array<i64: 128, 48>}, {pipeline_mode = #tpu.pipeline_mode<synchronous>, transform_indices = @transform_15, window_bounds = array<i64: 5, 48>}, {pipeline_mode = #tpu.pipeline_mode<synchronous>, transform_indices = @transform_16, window_bounds = array<i64: 1, 48>}, {transform_indices = @transform_17, window_bounds = array<i64: 1024, 5>}, {transform_indices = @transform_18, window_bounds = array<i64: 1024, 128>}, {transform_indices = @transform_19, window_bounds = array<i64: 1024, 128>}, {transform_indices = @transform_20, window_bounds = array<i64: 1024, 48>}]} {
    %get3A = arith.constant 0 : index
    %get3A_0 = arith.constant 0 : index
    %get3A_1 = vector.load %arg2[%get3A, %get3A_0] : memref<1024x5xf32, #tpu.memory_space<vmem>>, vector<1024x5xf32>
    %get3A_2 = arith.constant 0 : index
    %get3A_3 = arith.constant 0 : index
    %get3A_4 = vector.load %arg4[%get3A_2, %get3A_3] : memref<5x64xf32, #tpu.memory_space<vmem>>, vector<5x64xf32>
    %dot_general3A = arith.constant dense<0.000000e+00> : vector<1024x64xf32>
    %dot_general3A_5 = tpu.matmul %get3A_1, %get3A_4, %dot_general3A {dimension_numbers = #tpu.dot_dimension_numbers<[1], [0], [0], [1], [0, 0, 1, 1], [], []>, transpose_lhs_hint = false} : vector<1024x5xf32>, vector<5x64xf32>, vector<1024x64xf32> -> vector<1024x64xf32>
    %get3A_6 = arith.constant 0 : index
    %get3A_7 = arith.constant 0 : index
    %get3A_8 = vector.load %arg5[%get3A_6, %get3A_7] : memref<1x64xf32, #tpu.memory_space<vmem>>, vector<1x64xf32>
    %add3A = vector.broadcast %get3A_8 : vector<1x64xf32> to vector<1024x64xf32>
    %add3A_9 = arith.addf %dot_general3A_5, %add3A : vector<1024x64xf32>
    %max3A = arith.constant 0.000000e+00 : f32
    %max3A_10 = vector.broadcast %max3A : f32 to vector<1024x64xf32>
    %max3A_11 = arith.maximumf %add3A_9, %max3A_10 : vector<1024x64xf32>
    %get3A_12 = arith.constant 0 : index
    %get3A_13 = arith.constant 0 : index
    %get3A_14 = vector.load %arg6[%get3A_12, %get3A_13] : memref<64x32xf32, #tpu.memory_space<vmem>>, vector<64x32xf32>
    %dot_general3A_15 = arith.constant dense<0.000000e+00> : vector<1024x32xf32>
    %dot_general3A_16 = tpu.matmul %max3A_11, %get3A_14, %dot_general3A_15 {dimension_numbers = #tpu.dot_dimension_numbers<[1], [0], [0], [1], [0, 0, 1, 1], [], []>, transpose_lhs_hint = false} : vector<1024x64xf32>, vector<64x32xf32>, vector<1024x32xf32> -> vector<1024x32xf32>
    %get3A_17 = arith.constant 0 : index
    %get3A_18 = arith.constant 0 : index
    %get3A_19 = vector.load %arg7[%get3A_17, %get3A_18] : memref<1x32xf32, #tpu.memory_space<vmem>>, vector<1x32xf32>
    %add3A_20 = vector.broadcast %get3A_19 : vector<1x32xf32> to vector<1024x32xf32>
    %add3A_21 = arith.addf %dot_general3A_16, %add3A_20 : vector<1024x32xf32>
    %max3A_22 = arith.constant 0.000000e+00 : f32
    %max3A_23 = vector.broadcast %max3A_22 : f32 to vector<1024x32xf32>
    %max3A_24 = arith.maximumf %add3A_21, %max3A_23 : vector<1024x32xf32>
    %get3A_25 = arith.constant 0 : index
    %get3A_26 = arith.constant 0 : index
    %get3A_27 = vector.load %arg8[%get3A_25, %get3A_26] : memref<32x5xf32, #tpu.memory_space<vmem>>, vector<32x5xf32>
    %dot_general3A_28 = arith.constant dense<0.000000e+00> : vector<1024x5xf32>
    %dot_general3A_29 = tpu.matmul %max3A_24, %get3A_27, %dot_general3A_28 {dimension_numbers = #tpu.dot_dimension_numbers<[1], [0], [0], [1], [0, 0, 1, 1], [], []>, transpose_lhs_hint = false} : vector<1024x32xf32>, vector<32x5xf32>, vector<1024x5xf32> -> vector<1024x5xf32>
    %get3A_30 = arith.constant 0 : index
    %get3A_31 = arith.constant 0 : index
    %get3A_32 = vector.load %arg9[%get3A_30, %get3A_31] : memref<1x5xf32, #tpu.memory_space<vmem>>, vector<1x5xf32>
    %add3A_33 = vector.broadcast %get3A_32 : vector<1x5xf32> to vector<1024x5xf32>
    %add3A_34 = arith.addf %dot_general3A_29, %add3A_33 : vector<1024x5xf32>
    %swap3A = arith.constant 0 : index
    %swap3A_35 = arith.constant 0 : index
    %swap3A_36 = vector.load %arg18[%swap3A, %swap3A_35] : memref<1024x5xf32, #tpu.memory_space<vmem>>, vector<1024x5xf32>
    tpu.vector_store %arg18[%swap3A, %swap3A_35], %add3A_34 {strides = array<i32>} : memref<1024x5xf32, #tpu.memory_space<vmem>>, vector<1024x5xf32>,
    %get3A_37 = arith.constant 0 : index
    %get3A_38 = arith.constant 0 : index
    %get3A_39 = vector.load %arg1[%get3A_37, %get3A_38] : memref<1024x128xf32, #tpu.memory_space<vmem>>, vector<1024x128xf32>
    %get3A_40 = arith.constant 0 : index
    %get3A_41 = arith.constant 0 : index
    %get3A_42 = vector.load %arg10[%get3A_40, %get3A_41] : memref<128x128xf32, #tpu.memory_space<vmem>>, vector<128x128xf32>
    %dot_general3A_43 = arith.constant dense<0.000000e+00> : vector<1024x128xf32>
    %dot_general3A_44 = tpu.matmul %get3A_39, %get3A_42, %dot_general3A_43 {dimension_numbers = #tpu.dot_dimension_numbers<[1], [0], [0], [1], [0, 0, 1, 1], [], []>, transpose_lhs_hint = false} : vector<1024x128xf32>, vector<128x128xf32>, vector<1024x128xf32> -> vector<1024x128xf32>
    %get3A_45 = arith.constant 0 : index
    %get3A_46 = arith.constant 0 : index
    %get3A_47 = vector.load %arg11[%get3A_45, %get3A_46] : memref<5x128xf32, #tpu.memory_space<vmem>>, vector<5x128xf32>
    %dot_general3A_48 = arith.constant dense<0.000000e+00> : vector<1024x128xf32>
    %dot_general3A_49 = tpu.matmul %add3A_34, %get3A_47, %dot_general3A_48 {dimension_numbers = #tpu.dot_dimension_numbers<[1], [0], [0], [1], [0, 0, 1, 1], [], []>, transpose_lhs_hint = false} : vector<1024x5xf32>, vector<5x128xf32>, vector<1024x128xf32> -> vector<1024x128xf32>
    %add3A_50 = arith.addf %dot_general3A_44, %dot_general3A_49 : vector<1024x128xf32>
    %swap3A_51 = arith.constant 0 : index
    %swap3A_52 = arith.constant 0 : index
    %swap3A_53 = vector.load %arg19[%swap3A_51, %swap3A_52] : memref<1024x128xf32, #tpu.memory_space<vmem>>, vector<1024x128xf32>
    tpu.vector_store %arg19[%swap3A_51, %swap3A_52], %add3A_50 {strides = array<i32>} : memref<1024x128xf32, #tpu.memory_space<vmem>>, vector<1024x128xf32>,
    %get3A_54 = arith.constant 0 : index
    %get3A_55 = arith.constant 0 : index
    %get3A_56 = vector.load %arg12[%get3A_54, %get3A_55] : memref<128x128xf32, #tpu.memory_space<vmem>>, vector<128x128xf32>
    %dot_general3A_57 = arith.constant dense<0.000000e+00> : vector<1024x128xf32>
    %dot_general3A_58 = tpu.matmul %get3A_39, %get3A_56, %dot_general3A_57 {dimension_numbers = #tpu.dot_dimension_numbers<[1], [0], [0], [1], [0, 0, 1, 1], [], []>, transpose_lhs_hint = false} : vector<1024x128xf32>, vector<128x128xf32>, vector<1024x128xf32> -> vector<1024x128xf32>
    %get3A_59 = arith.constant 0 : index
    %get3A_60 = arith.constant 0 : index
    %get3A_61 = vector.load %arg13[%get3A_59, %get3A_60] : memref<5x128xf32, #tpu.memory_space<vmem>>, vector<5x128xf32>
    %dot_general3A_62 = arith.constant dense<0.000000e+00> : vector<1024x128xf32>
    %dot_general3A_63 = tpu.matmul %add3A_34, %get3A_61, %dot_general3A_62 {dimension_numbers = #tpu.dot_dimension_numbers<[1], [0], [0], [1], [0, 0, 1, 1], [], []>, transpose_lhs_hint = false} : vector<1024x5xf32>, vector<5x128xf32>, vector<1024x128xf32> -> vector<1024x128xf32>
    %add3A_64 = arith.addf %dot_general3A_58, %dot_general3A_63 : vector<1024x128xf32>
    %get3A_65 = arith.constant 0 : index
    %get3A_66 = arith.constant 0 : index
    %get3A_67 = vector.load %arg14[%get3A_65, %get3A_66] : memref<1x128xf32, #tpu.memory_space<vmem>>, vector<1x128xf32>
    %add3A_68 = vector.broadcast %get3A_67 : vector<1x128xf32> to vector<1024x128xf32>
    %add3A_69 = arith.addf %add3A_64, %add3A_68 : vector<1024x128xf32>
    %gt3A = arith.constant 0.000000e+00 : f32
    %gt3A_70 = vector.broadcast %gt3A : f32 to vector<1024x128xf32>
    %gt3A_71 = arith.cmpf ogt, %add3A_69, %gt3A_70 : vector<1024x128xf32>
    %min3A = arith.constant 0.000000e+00 : f32
    %min3A_72 = vector.broadcast %min3A : f32 to vector<1024x128xf32>
    %min3A_73 = arith.minimumf %add3A_69, %min3A_72 : vector<1024x128xf32>
    %exp3A = math.exp %min3A_73 : vector<1024x128xf32>
    %sub3A = arith.constant 1.000000e+00 : f32
    %sub3A_74 = vector.broadcast %sub3A : f32 to vector<1024x128xf32>
    %sub3A_75 = arith.subf %exp3A, %sub3A_74 : vector<1024x128xf32>
    %select_n3A = arith.select %gt3A_71, %add3A_69, %sub3A_75 : vector<1024x128xi1>, vector<1024x128xf32>
    %swap3A_76 = arith.constant 0 : index
    %swap3A_77 = arith.constant 0 : index
    %swap3A_78 = vector.load %arg20[%swap3A_76, %swap3A_77] : memref<1024x128xf32, #tpu.memory_space<vmem>>, vector<1024x128xf32>
    tpu.vector_store %arg20[%swap3A_76, %swap3A_77], %select_n3A {strides = array<i32>} : memref<1024x128xf32, #tpu.memory_space<vmem>>, vector<1024x128xf32>,
    %get3A_79 = arith.constant 0 : index
    %get3A_80 = arith.constant 0 : index
    %get3A_81 = vector.load %arg3[%get3A_79, %get3A_80] : memref<1024x128xf32, #tpu.memory_space<vmem>>, vector<1024x128xf32>
    %get3A_82 = arith.constant 0 : index
    %get3A_83 = arith.constant 0 : index
    %get3A_84 = vector.load %arg15[%get3A_82, %get3A_83] : memref<128x48xf32, #tpu.memory_space<vmem>>, vector<128x48xf32>
    %dot_general3A_85 = arith.constant dense<0.000000e+00> : vector<1024x48xf32>
    %dot_general3A_86 = tpu.matmul %get3A_81, %get3A_84, %dot_general3A_85 {dimension_numbers = #tpu.dot_dimension_numbers<[1], [0], [0], [1], [0, 0, 1, 1], [], []>, transpose_lhs_hint = false} : vector<1024x128xf32>, vector<128x48xf32>, vector<1024x48xf32> -> vector<1024x48xf32>
    %get3A_87 = arith.constant 0 : index
    %get3A_88 = arith.constant 0 : index
    %get3A_89 = vector.load %arg16[%get3A_87, %get3A_88] : memref<5x48xf32, #tpu.memory_space<vmem>>, vector<5x48xf32>
    %dot_general3A_90 = arith.constant dense<0.000000e+00> : vector<1024x48xf32>
    %dot_general3A_91 = tpu.matmul %add3A_34, %get3A_89, %dot_general3A_90 {dimension_numbers = #tpu.dot_dimension_numbers<[1], [0], [0], [1], [0, 0, 1, 1], [], []>, transpose_lhs_hint = false} : vector<1024x5xf32>, vector<5x48xf32>, vector<1024x48xf32> -> vector<1024x48xf32>
    %add3A_92 = arith.addf %dot_general3A_86, %dot_general3A_91 : vector<1024x48xf32>
    %get3A_93 = arith.constant 0 : index
    %get3A_94 = arith.constant 0 : index
    %get3A_95 = vector.load %arg17[%get3A_93, %get3A_94] : memref<1x48xf32, #tpu.memory_space<vmem>>, vector<1x48xf32>
    %add3A_96 = vector.broadcast %get3A_95 : vector<1x48xf32> to vector<1024x48xf32>
    %add3A_97 = arith.addf %add3A_92, %add3A_96 : vector<1024x48xf32>
    %swap3A_98 = arith.constant 0 : index
    %swap3A_99 = arith.constant 0 : index
    %swap3A_100 = vector.load %arg21[%swap3A_98, %swap3A_99] : memref<1024x48xf32, #tpu.memory_space<vmem>>, vector<1024x48xf32>
    tpu.vector_store %arg21[%swap3A_98, %swap3A_99], %add3A_97 {strides = array<i32>} : memref<1024x48xf32, #tpu.memory_space<vmem>>, vector<1024x48xf32>,
    return
  }
  func.func @transform_0(%arg0: i32) -> (i32, i32) {
    %c0_i32 = arith.constant 0 : i32
    %c0_i32_0 = arith.constant 0 : i32
    return %arg0, %c0_i32 : i32, i32
  }
  func.func @transform_1(%arg0: i32) -> (i32, i32) {
    %c0_i32 = arith.constant 0 : i32
    %c0_i32_0 = arith.constant 0 : i32
    return %arg0, %c0_i32 : i32, i32
  }
  func.func @transform_2(%arg0: i32) -> (i32, i32) {
    %c0_i32 = arith.constant 0 : i32
    %c0_i32_0 = arith.constant 0 : i32
    return %arg0, %c0_i32 : i32, i32
  }
  func.func @transform_3(%arg0: i32) -> (i32, i32) {
    %c0_i32 = arith.constant 0 : i32
    %c0_i32_0 = arith.constant 0 : i32
    %c0_i32_1 = arith.constant 0 : i32
    return %c0_i32, %c0_i32_0 : i32, i32
  }
  func.func @transform_4(%arg0: i32) -> (i32, i32) {
    %c0_i32 = arith.constant 0 : i32
    %c0_i32_0 = arith.constant 0 : i32
    %c0_i32_1 = arith.constant 0 : i32
    return %c0_i32, %c0_i32_0 : i32, i32
  }
  func.func @transform_5(%arg0: i32) -> (i32, i32) {
    %c0_i32 = arith.constant 0 : i32
    %c0_i32_0 = arith.constant 0 : i32
    %c0_i32_1 = arith.constant 0 : i32
    return %c0_i32, %c0_i32_0 : i32, i32
  }
  func.func @transform_6(%arg0: i32) -> (i32, i32) {
    %c0_i32 = arith.constant 0 : i32
    %c0_i32_0 = arith.constant 0 : i32
    %c0_i32_1 = arith.constant 0 : i32
    return %c0_i32, %c0_i32_0 : i32, i32
  }
  func.func @transform_7(%arg0: i32) -> (i32, i32) {
    %c0_i32 = arith.constant 0 : i32
    %c0_i32_0 = arith.constant 0 : i32
    %c0_i32_1 = arith.constant 0 : i32
    return %c0_i32, %c0_i32_0 : i32, i32
  }
  func.func @transform_8(%arg0: i32) -> (i32, i32) {
    %c0_i32 = arith.constant 0 : i32
    %c0_i32_0 = arith.constant 0 : i32
    %c0_i32_1 = arith.constant 0 : i32
    return %c0_i32, %c0_i32_0 : i32, i32
  }
  func.func @transform_9(%arg0: i32) -> (i32, i32) {
    %c0_i32 = arith.constant 0 : i32
    %c0_i32_0 = arith.constant 0 : i32
    %c0_i32_1 = arith.constant 0 : i32
    return %c0_i32, %c0_i32_0 : i32, i32
  }
  func.func @transform_10(%arg0: i32) -> (i32, i32) {
    %c0_i32 = arith.constant 0 : i32
    %c0_i32_0 = arith.constant 0 : i32
    %c0_i32_1 = arith.constant 0 : i32
    return %c0_i32, %c0_i32_0 : i32, i32
  }
  func.func @transform_11(%arg0: i32) -> (i32, i32) {
    %c0_i32 = arith.constant 0 : i32
    %c0_i32_0 = arith.constant 0 : i32
    %c0_i32_1 = arith.constant 0 : i32
    return %c0_i32, %c0_i32_0 : i32, i32
  }
  func.func @transform_12(%arg0: i32) -> (i32, i32) {
    %c0_i32 = arith.constant 0 : i32
    %c0_i32_0 = arith.constant 0 : i32
    %c0_i32_1 = arith.constant 0 : i32
    return %c0_i32, %c0_i32_0 : i32, i32
  }
  func.func @transform_13(%arg0: i32) -> (i32, i32) {
    %c0_i32 = arith.constant 0 : i32
    %c0_i32_0 = arith.constant 0 : i32
    %c0_i32_1 = arith.constant 0 : i32
    return %c0_i32, %c0_i32_0 : i32, i32
  }
  func.func @transform_14(%arg0: i32) -> (i32, i32) {
    %c0_i32 = arith.constant 0 : i32
    %c0_i32_0 = arith.constant 0 : i32
    %c0_i32_1 = arith.constant 0 : i32
    return %c0_i32, %c0_i32_0 : i32, i32
  }
  func.func @transform_15(%arg0: i32) -> (i32, i32) {
    %c0_i32 = arith.constant 0 : i32
    %c0_i32_0 = arith.constant 0 : i32
    %c0_i32_1 = arith.constant 0 : i32
    return %c0_i32, %c0_i32_0 : i32, i32
  }
  func.func @transform_16(%arg0: i32) -> (i32, i32) {
    %c0_i32 = arith.constant 0 : i32
    %c0_i32_0 = arith.constant 0 : i32
    %c0_i32_1 = arith.constant 0 : i32
    return %c0_i32, %c0_i32_0 : i32, i32
  }
  func.func @transform_17(%arg0: i32) -> (i32, i32) {
    %c0_i32 = arith.constant 0 : i32
    %c0_i32_0 = arith.constant 0 : i32
    return %arg0, %c0_i32 : i32, i32
  }
  func.func @transform_18(%arg0: i32) -> (i32, i32) {
    %c0_i32 = arith.constant 0 : i32
    %c0_i32_0 = arith.constant 0 : i32
    return %arg0, %c0_i32 : i32, i32
  }
  func.func @transform_19(%arg0: i32) -> (i32, i32) {
    %c0_i32 = arith.constant 0 : i32
    %c0_i32_0 = arith.constant 0 : i32
    return %arg0, %c0_i32 : i32, i32
  }
  func.func @transform_20(%arg0: i32) -> (i32, i32) {
    %c0_i32 = arith.constant 0 : i32
    %c0_i32_0 = arith.constant 0 : i32
    return %arg0, %c0_i32 : i32, i32
  }
}

module attributes {stable_mosaic.version = 14 : i64} {
  func.func @_edge_msg_kernel(%arg0: i32, %arg1: memref<4096x128xf32, #tpu.memory_space<vmem>>, %arg2: memref<4096x128xf32, #tpu.memory_space<vmem>>, %arg3: memref<4096x48xf32, #tpu.memory_space<vmem>>) attributes {dimension_semantics = [#tpu.dimension_semantics<arbitrary>], iteration_bounds = array<i64: 79>, scalar_prefetch = 0 : i64, scratch_operands = 0 : i64, tpu.core_type = #tpu.core_type<tc>, window_params = [{transform_indices = @transform_0, window_bounds = array<i64: 4096, 128>}, {transform_indices = @transform_1, window_bounds = array<i64: 4096, 128>}, {transform_indices = @transform_2, window_bounds = array<i64: 4096, 48>}]} {
    %get3A = arith.constant 0 : index
    %get3A_0 = arith.constant 0 : index
    %get3A_1 = vector.load %arg1[%get3A, %get3A_0] : memref<4096x128xf32, #tpu.memory_space<vmem>>, vector<4096x48xf32>
    %get3A_2 = arith.constant 0 : index
    %get3A_3 = arith.constant 0 : index
    %get3A_4 = vector.load %arg2[%get3A_2, %get3A_3] : memref<4096x128xf32, #tpu.memory_space<vmem>>, vector<4096x48xf32>
    %add3A = arith.addf %get3A_1, %get3A_4 : vector<4096x48xf32>
    %gt3A = arith.constant 0.000000e+00 : f32
    %gt3A_5 = vector.broadcast %gt3A : f32 to vector<4096x48xf32>
    %gt3A_6 = arith.cmpf ogt, %add3A, %gt3A_5 : vector<4096x48xf32>
    %min3A = arith.constant 0.000000e+00 : f32
    %min3A_7 = vector.broadcast %min3A : f32 to vector<4096x48xf32>
    %min3A_8 = arith.minimumf %add3A, %min3A_7 : vector<4096x48xf32>
    %exp3A = math.exp %min3A_8 : vector<4096x48xf32>
    %sub3A = arith.constant 1.000000e+00 : f32
    %sub3A_9 = vector.broadcast %sub3A : f32 to vector<4096x48xf32>
    %sub3A_10 = arith.subf %exp3A, %sub3A_9 : vector<4096x48xf32>
    %select_n3A = arith.select %gt3A_6, %add3A, %sub3A_10 : vector<4096x48xi1>, vector<4096x48xf32>
    %swap3A = arith.constant 0 : index
    %swap3A_11 = arith.constant 0 : index
    %swap3A_12 = vector.load %arg3[%swap3A, %swap3A_11] : memref<4096x48xf32, #tpu.memory_space<vmem>>, vector<4096x48xf32>
    tpu.vector_store %arg3[%swap3A, %swap3A_11], %select_n3A {strides = array<i32>} : memref<4096x48xf32, #tpu.memory_space<vmem>>, vector<4096x48xf32>,
    return
  }
  func.func @transform_0(%arg0: i32) -> (i32, i32) {
    %c0_i32 = arith.constant 0 : i32
    %c0_i32_0 = arith.constant 0 : i32
    return %arg0, %c0_i32 : i32, i32
  }
  func.func @transform_1(%arg0: i32) -> (i32, i32) {
    %c0_i32 = arith.constant 0 : i32
    %c0_i32_0 = arith.constant 0 : i32
    return %arg0, %c0_i32 : i32, i32
  }
  func.func @transform_2(%arg0: i32) -> (i32, i32) {
    %c0_i32 = arith.constant 0 : i32
    %c0_i32_0 = arith.constant 0 : i32
    return %arg0, %c0_i32 : i32, i32
  }
}

module attributes {stable_mosaic.version = 14 : i64} {
  func.func @_node_msg_kernel(%arg0: i32, %arg1: memref<4096x128xf32, #tpu.memory_space<vmem>>, %arg2: memref<4096x48xf32, #tpu.memory_space<vmem>>, %arg3: memref<48x128xf32, #tpu.memory_space<vmem>>, %arg4: memref<1x128xf32, #tpu.memory_space<vmem>>, %arg5: memref<4096x128xf32, #tpu.memory_space<vmem>>) attributes {dimension_semantics = [#tpu.dimension_semantics<arbitrary>], iteration_bounds = array<i64: 79>, scalar_prefetch = 0 : i64, scratch_operands = 0 : i64, tpu.core_type = #tpu.core_type<tc>, window_params = [{transform_indices = @transform_0, window_bounds = array<i64: 4096, 128>}, {transform_indices = @transform_1, window_bounds = array<i64: 4096, 48>}, {pipeline_mode = #tpu.pipeline_mode<synchronous>, transform_indices = @transform_2, window_bounds = array<i64: 48, 128>}, {pipeline_mode = #tpu.pipeline_mode<synchronous>, transform_indices = @transform_3, window_bounds = array<i64: 1, 128>}, {transform_indices = @transform_4, window_bounds = array<i64: 4096, 128>}]} {
    %get3A = arith.constant 0 : index
    %get3A_0 = arith.constant 0 : index
    %get3A_1 = vector.load %arg1[%get3A, %get3A_0] : memref<4096x128xf32, #tpu.memory_space<vmem>>, vector<4096x128xf32>
    %get3A_2 = arith.constant 0 : index
    %get3A_3 = arith.constant 0 : index
    %get3A_4 = vector.load %arg2[%get3A_2, %get3A_3] : memref<4096x48xf32, #tpu.memory_space<vmem>>, vector<4096x48xf32>
    %get3A_5 = arith.constant 0 : index
    %get3A_6 = arith.constant 0 : index
    %get3A_7 = vector.load %arg3[%get3A_5, %get3A_6] : memref<48x128xf32, #tpu.memory_space<vmem>>, vector<48x128xf32>
    %dot_general3A = arith.constant dense<0.000000e+00> : vector<4096x128xf32>
    %dot_general3A_8 = tpu.matmul %get3A_4, %get3A_7, %dot_general3A {dimension_numbers = #tpu.dot_dimension_numbers<[1], [0], [0], [1], [0, 0, 1, 1], [], []>, transpose_lhs_hint = false} : vector<4096x48xf32>, vector<48x128xf32>, vector<4096x128xf32> -> vector<4096x128xf32>
    %add3A = arith.addf %get3A_1, %dot_general3A_8 : vector<4096x128xf32>
    %get3A_9 = arith.constant 0 : index
    %get3A_10 = arith.constant 0 : index
    %get3A_11 = vector.load %arg4[%get3A_9, %get3A_10] : memref<1x128xf32, #tpu.memory_space<vmem>>, vector<1x128xf32>
    %add3A_12 = vector.broadcast %get3A_11 : vector<1x128xf32> to vector<4096x128xf32>
    %add3A_13 = arith.addf %add3A, %add3A_12 : vector<4096x128xf32>
    %gt3A = arith.constant 0.000000e+00 : f32
    %gt3A_14 = vector.broadcast %gt3A : f32 to vector<4096x128xf32>
    %gt3A_15 = arith.cmpf ogt, %add3A_13, %gt3A_14 : vector<4096x128xf32>
    %min3A = arith.constant 0.000000e+00 : f32
    %min3A_16 = vector.broadcast %min3A : f32 to vector<4096x128xf32>
    %min3A_17 = arith.minimumf %add3A_13, %min3A_16 : vector<4096x128xf32>
    %exp3A = math.exp %min3A_17 : vector<4096x128xf32>
    %sub3A = arith.constant 1.000000e+00 : f32
    %sub3A_18 = vector.broadcast %sub3A : f32 to vector<4096x128xf32>
    %sub3A_19 = arith.subf %exp3A, %sub3A_18 : vector<4096x128xf32>
    %select_n3A = arith.select %gt3A_15, %add3A_13, %sub3A_19 : vector<4096x128xi1>, vector<4096x128xf32>
    %swap3A = arith.constant 0 : index
    %swap3A_20 = arith.constant 0 : index
    %swap3A_21 = vector.load %arg5[%swap3A, %swap3A_20] : memref<4096x128xf32, #tpu.memory_space<vmem>>, vector<4096x128xf32>
    tpu.vector_store %arg5[%swap3A, %swap3A_20], %select_n3A {strides = array<i32>} : memref<4096x128xf32, #tpu.memory_space<vmem>>, vector<4096x128xf32>,
    return
  }
  func.func @transform_0(%arg0: i32) -> (i32, i32) {
    %c0_i32 = arith.constant 0 : i32
    %c0_i32_0 = arith.constant 0 : i32
    return %arg0, %c0_i32 : i32, i32
  }
  func.func @transform_1(%arg0: i32) -> (i32, i32) {
    %c0_i32 = arith.constant 0 : i32
    %c0_i32_0 = arith.constant 0 : i32
    return %arg0, %c0_i32 : i32, i32
  }
  func.func @transform_2(%arg0: i32) -> (i32, i32) {
    %c0_i32 = arith.constant 0 : i32
    %c0_i32_0 = arith.constant 0 : i32
    %c0_i32_1 = arith.constant 0 : i32
    return %c0_i32, %c0_i32_0 : i32, i32
  }
  func.func @transform_3(%arg0: i32) -> (i32, i32) {
    %c0_i32 = arith.constant 0 : i32
    %c0_i32_0 = arith.constant 0 : i32
    %c0_i32_1 = arith.constant 0 : i32
    return %c0_i32, %c0_i32_0 : i32, i32
  }
  func.func @transform_4(%arg0: i32) -> (i32, i32) {
    %c0_i32 = arith.constant 0 : i32
    %c0_i32_0 = arith.constant 0 : i32
    return %arg0, %c0_i32 : i32, i32
  }
}

</mosaic_0001>

<sc_bundles>
// kernel: kernel.10.cloned.1.call-start
scs
__scs_entry_jumppad:
0x0: {  	(pc) =	sbr.rel $0x88, $3  }
0x1: {  	(tag) =	ssettag $0x0;
	lr =	simm.s32 $0x1  }
0x2: {  	[smem:$0x3F8B] =	sst lr;
	_ =	strace $0xD0000000  }
0x3: {  	_ = 	snop  }
0x4: {  	_ = 	snop  }
0x5: {  	_ = 	snop  }
0x6: {  	_ = 	snop  }
0x7: {  	_ = 	snop  }
__scs_overlays_trampoline_lowered:
0x8: {  	[smem:$0x3F9A] =	sst s0  }
0x9: {  	[smem:$0x3F9B] =	sst s1  }
0xa: {  	[smem:$0x3F9C] =	sst s2  }
0xb: {  	[smem:$0x3F9D] =	sst s3  }
0xc: {  	[smem:$0x3F9E] =	sst s4  }
0xd: {  	[smem:$0x3F9F] =	sst s5  }
0xe: {  	[smem:$0x3FA0] =	sst s6  }
0xf: {  	[smem:$0x3FA1] =	sst s7  }
0x10: {  	[smem:$0x3FA2] =	sst s8  }
0x11: {  	[smem:$0x3FA3] =	sst s9;
	s0 =	simm.s32 @!p0 $0x0  }
0x12: {  	s1 =	sld [smem:$0x3F89];
	s0 =	simm.s32 @p0 $0x1  }
0x13: {  	[smem:$0x3FA4] =	sst s0;
	s0 =	simm.s32 @!p1 $0x0  }
0x14: {  	s2 =	sld [smem:$0x3F88];
	s0 =	simm.s32 @p1 $0x1  }
0x15: {  	[smem:$0x3FA5] =	sst s0;
	s0 =	simm.s32 @!p2 $0x0  }
0x16: {  	s3 =	sld [smem:$0x3FDB];
	s0 =	simm.s32 @p2 $0x1  }
0x17: {  	s4 =	simm.s32 $0x1BF5;
	[smem:$0x3FA7] =	sst s0  }
0x18: {  	s0 =	sld [smem:$0x3F8A];
	_ =	swait.ge [sflag:s4], $0x0  }
0x19: {  	s7 =	sld [smem:$0x3F8B]  }
0x1a: {  	s8 =	sadd.s32 $0xFFFFE003, lr  }
0x1b: {  	s9 =	sadd.s32 $0xFFFFFEF7, lr;
	s5 =	simm.s32 $0xFFFFFFFF;
	p2 =	slt.u32 s8, $0xFFFFF086  }
0x1c: {  	p1 =	slt.u32 s9, $0xF7A;
	s5 =	simm.s32 @!p2 $0x0  }
0x1d: {  	s5 =	simm.s32 @p1 $0x1;
	p0 =	seq.s32 s7, s2  }
0x1e: {  	s7 =	smul.u32 @!p0 $0xF7A, s2;
	p2 =	seq.s32 @!p0 s5, $0x0  }
0x1f: {  	s9 =	smul.u32 $0xF7A, s1;
	s8 =	simm.s32 @!p0 $0x1BF5;
	p2 =	por !p2, p0  }
0x20: {  	[sflag:s8] =	ssyncset.s32 @!p0 $0xFFFFF086;
	s6 =	sadd.s32 @!p0 s3, s7;
	s7 =	simm.s32 @!p0 $0x108  }
0x21: {  	s3 =	sadd.s32 s3, s9;
	s6 =	sadd.s32 @!p0 $0x88, s6;
	s7 =	simm.s32 @p2 $0x1082  }
0x22: {  	[simem:s7], [sflag:s8] =	dma.local @!p0 [hbm:s6], $0xF7A  }
0x23: {  	s9 =	sor.u32 $0xD0000000, s2;
	s6 =	simm.s32 $0x108;
	_ =	swait.ge @!p0 [sflag:s8], $0x0  }
0x24: {  	s3 =	sadd.s32 $0x88, s3;
	s6 =	simm.s32 @!p1 $0x1082;
	[sflag:s4] =	ssyncset.s32 $0xFFFFF086  }
0x25: {  	[simem:s6], [sflag:s4] =	dma.local [hbm:s3], $0xF7A  }
0x26: {  	[smem:$0x3F8B] =	sst s1;
	(tag) =	ssettag s2;
	_ =	strace s9  }
0x27: {  	s1 =	sld [smem:$0x3F9B]  }
0x28: {  	s2 =	sld [smem:$0x3F9C]  }
0x29: {  	s4 =	sld [smem:$0x3F9E]  }
0x2a: {  	p0 =	seq.s32 s5, $0x0;
	s5 =	sld [smem:$0x3F9F]  }
0x2b: {  	s6 =	sld [smem:$0x3FA0]  }
0x2c: {  	s7 =	sld [smem:$0x3FA1]  }
0x2d: {  	s3 =	simm.s32 $0x108;
	s8 =	sld [smem:$0x3FA2]  }
0x2e: {  	s3 =	simm.s32 @!p0 $0x1082;
	s9 =	sld [smem:$0x3FA3]  }
0x2f: {  	lr =	sadd.s32 s0, s3;
	s0 =	sld [smem:$0x3F9A]  }
0x30: {  	s3 =	sld [smem:$0x3F9D]  }
0x31: {  	[smem:$0x3FA6] =	sst s10  }
0x32: {  	s10 =	sld [smem:$0x3FA4];
	_ =	sdelay $0x3  }
0x33: {  	p0 =	seq.s32 s10, $0x1;
	s10 =	sld [smem:$0x3FA6];
	_ =	sdelay $0x3  }
0x34: {  	[smem:$0x3FA6] =	sst s10  }
0x35: {  	s10 =	sld [smem:$0x3FA5];
	_ =	sdelay $0x3  }
0x36: {  	p1 =	seq.s32 s10, $0x1;
	s10 =	sld [smem:$0x3FA6];
	_ =	sdelay $0x3  }
0x37: {  	[smem:$0x3FA6] =	sst s10  }
0x38: {  	s10 =	sld [smem:$0x3FA7]  }
0x39: {  	_ = 	snop;
	(pc) =	sbr.ind lr, $3  }
0x3a: {  	_ = 	snop  }
0x3b: {  	_ = 	snop  }
0x3c: {  	p2 =	seq.s32 s10, $0x1;
	s10 =	sld [smem:$0x3FA6]  }
0x3d: {  	_ =	shalt  }
0x3e: {  	_ =	shalt  }
0x3f: {  	_ =	shalt  }
0x40: {  	_ =	shalt  }
0x41: {  	_ =	shalt  }
0x42: {  	_ =	shalt  }
0x43: {  	_ =	shalt  }
0x44: {  	_ =	shalt  }
0x45: {  	_ =	shalt  }
0x46: {  	_ =	shalt  }
0x47: {  	_ =	shalt  }
0x48: {  	_ =	shalt  }
0x49: {  	_ =	shalt  }
0x4a: {  	_ =	shalt  }
0x4b: {  	_ =	shalt  }
0x4c: {  	_ =	shalt  }
0x4d: {  	_ =	shalt  }
0x4e: {  	_ =	shalt  }
0x4f: {  	_ =	shalt  }
0x50: {  	_ =	shalt  }
0x51: {  	_ =	shalt  }
0x52: {  	_ =	shalt  }
0x53: {  	_ =	shalt  }
0x54: {  	_ =	shalt  }
0x55: {  	_ =	shalt  }
0x56: {  	_ =	shalt  }
0x57: {  	_ =	shalt  }
0x58: {  	_ =	shalt  }
0x59: {  	_ =	shalt  }
0x5a: {  	_ =	shalt  }
0x5b: {  	_ =	shalt  }
0x5c: {  	_ =	shalt  }
0x5d: {  	_ =	shalt  }
0x5e: {  	_ =	shalt  }
0x5f: {  	_ =	shalt  }
0x60: {  	_ =	shalt  }
0x61: {  	_ =	shalt  }
0x62: {  	_ =	shalt  }
0x63: {  	_ =	shalt  }
0x64: {  	_ =	shalt  }
0x65: {  	_ =	shalt  }
0x66: {  	_ =	shalt  }
0x67: {  	_ =	shalt  }
0x68: {  	_ =	shalt  }
0x69: {  	_ =	shalt  }
0x6a: {  	_ =	shalt  }
0x6b: {  	_ =	shalt  }
0x6c: {  	_ =	shalt  }
0x6d: {  	_ =	shalt  }
0x6e: {  	_ =	shalt  }
0x6f: {  	_ =	shalt  }
0x70: {  	_ =	shalt  }
0x71: {  	_ =	shalt  }
0x72: {  	_ =	shalt  }
0x73: {  	_ =	shalt  }
0x74: {  	_ =	shalt  }
0x75: {  	_ =	shalt  }
0x76: {  	_ =	shalt  }
0x77: {  	_ =	shalt  }
0x78: {  	_ =	shalt  }
0x79: {  	_ =	shalt  }
0x7a: {  	_ =	shalt  }
0x7b: {  	_ =	shalt  }
0x7c: {  	_ =	shalt  }
0x7d: {  	_ =	shalt  }
0x7e: {  	_ =	shalt  }
0x7f: {  	_ =	shalt  }
0x80: {  	_ =	shalt  }
0x81: {  	_ =	shalt  }
0x82: {  	_ =	shalt  }
0x83: {  	_ =	shalt  }
0x84: {  	_ =	shalt  }
0x85: {  	_ =	shalt  }
0x86: {  	_ =	shalt  }
0x87: {  	_ =	shalt  }
.Lfunc_end0:
.L_simem_size_0:
called_computation.2_lowered:
.L_overlay_start_0:
0x88: {  	s2 =	sld [smem:$0x3FD9]  }
0x89: {  	s3 =	sld [smem:$0x3FFE];
	_ =	sdelay $0x1  }
0x8a: {  	s1 =	srdreg.scid  }
0x8b: {  	s0 =	sand.u32 $0x1, s1  }
0x8c: {  	s15 =	sshll.u32 s0, $0xA;
	s2 =	sadd.s32 s3, s2  }
0x8d: {  	s2 =	sadd.s32 s2, s15  }
0x8e: {  	[smem:$0x3FB2] =	sst s2  }
0x8f: {  	_ = 	snop  }
0x90: {  	s2 =	sld [smem:$0x3FD0];
	_ =	sdelay $0x2  }
0x91: {  	s16 =	simm.s32 $0xC;
	s4 =	simm.s32 $0x10  }
0x92: {  	[smem:s4], [sflag:s16] =	dma.local [hbm:s2], $0x1  }
0x93: {  	_ =	swait.eq [sflag:s16], $0x1  }
0x94: {  	[sflag:s16] =	ssyncset.done $0x0  }
0x95: {  	[sflag:s16] =	ssyncadd.s32 $0xFFFFFFFF  }
0x96: {  	s17 =	sld [smem:$0x12];
	(tm) =	ssettm $0x1  }
0x97: {  	s18 =	sld [smem:$0x3FFB];
	_ =	sdelay $0x3  }
0x98: {  	_ =	strace s18  }
0x99: {  	s2 =	sld [smem:$0x3FFC];
	_ =	sdelay $0x3  }
0x9a: {  	_ =	strace s2  }
0x9b: {  	s2 =	sld [smem:$0x3FFD];
	_ =	sdelay $0x3  }
0x9c: {  	_ =	strace s2  }
0x9d: {  	_ =	strace $0x8FFFFFFF  }
0x9e: {  	s19 =	sld [smem:$0x3FDB];
	_ =	sdelay $0x1  }
0x9f: {  	s20 =	simm.s32 $_scs_section_size  }
0xa0: {  	s5 =	simm.s32 $_size__tile_overlayer_lowered;
	s6 =	simm.s32 $_tile_overlayer_lowered  }
0xa1: {  	s7 =	simm.s32 $0x1BFF;
	s21 =	sshll.u32 s6, $0x1;
	s4 =	sadd.s32 s20, s19  }
0xa2: {  	s22 =	simm.s32 $0x0;
	s5 =	sshll.u32 s5, $0x1;
	s6 =	sadd.s32 s21, s4  }
0xa3: {  	[timem:s22], [sflag:s7] =	dma.local [hbm:s6], s5  }
0xa4: {  	_ =	swait.ge [sflag:s7], s5  }
0xa5: {  	s5 =	ssub.s32 $0x0, s5;
	[sflag:s7] =	ssyncset.done $0x0  }
0xa6: {  	[sflag:s7] =	ssyncadd.s32 s5;
	_ =	sdelay $0x1  }
0xa7: {  	s23 =	simm.s32 $0x1B8B  }
0xa8: {  	_ =	swait.ge [sflag:s23], $0x1  }
0xa9: {  	[sflag:s23] =	ssyncset.done $0x0  }
0xaa: {  	[sflag:s23] =	ssyncadd.s32 $0xFFFFFFFF  }
0xab: {  	s5 =	sld [smem:$0x0]  }
0xac: {  	s6 =	sand.u32 $0xFFFFFFFE, s1  }
0xad: {  	p0 =	sne.s32 s1, s6  }
0xae: {  	s6 =	sshll.u32 @p0 s6, $0xE  }
0xaf: {  	s6 =	sadd.s32 @p0 $0x11B8D, s6;
	s7 =	sshll.u32 @p0 s5, $0x11  }
0xb0: {  	s6 =	sor.u32 @p0 s7, s6  }
0xb1: {  	[sflag:s6] =	ssyncadd.remote.s32 @p0 $0x1;
	_ =	sdelay $0x1  }
0xb2: {  	s6 =	simm.s32 @p0 $0x1B8D  }
0xb3: {  	_ =	swait.eq @p0 [sflag:s6], $0x1  }
0xb4: {  	[sflag:s6] =	ssyncadd.s32 @p0 $0xFFFFFFFF  }
0xb5: {  	s7 =	sshll.u32 @!p0 s1, $0xE  }
0xb6: {  	s7 =	sor.u32 @!p0 $0x4000, s7;
	s6 =	simm.s32 @!p0 $0x1B8D  }
0xb7: {  	s5 =	sshll.u32 @!p0 s5, $0x11;
	s7 =	sadd.s32 @!p0 $0x11B8D, s7;
	_ =	swait.eq @!p0 [sflag:s6], $0x1  }
0xb8: {  	s5 =	sor.u32 @!p0 s5, s7;
	[sflag:s6] =	ssyncadd.s32 @!p0 $0xFFFFFFFF  }
0xb9: {  	s25 =	simm.s32 $0x1B8E;
	s24 =	sld [smem:$0x3FFE];
	[sflag:s5] =	ssyncadd.remote.s32 @!p0 $0x1  }
0xba: {  	s26 =	simm.s32 $execute0_lowered;
	[smem:$0x3FD2] =	sst s25  }
0xbb: {  	s6 =	sshll.u32 s26, $0x1;
	_ =	strace $0x8000004C;
	[dreg:$0x1] =	wrdreg $0xFFFFFFFF  }
0xbc: {  	s28 =	simm.s32 $_size_execute0_lowered;
	s4 =	sadd.s32 s4, s6;
	[dreg:$0x0] =	wrdreg $0x0  }
0xbd: {  	s6 =	sshll.u32 s28, $0x1;
	[dreg:$0x2] =	wrdreg s4  }
0xbe: {  	[dreg:$0x3] =	wrdreg s6  }
0xbf: {  	[dreg:$0x4] =	wrdreg $0xC0  }
0xc0: {  	_ =	task [dreg:s22], $0x5FFFF  }
0xc1: {  	[dreg:$0x1] =	wrdreg $0xFFFFFFFF  }
0xc2: {  	[dreg:$0x0] =	wrdreg $0x60  }
0xc3: {  	[dreg:$0x2] =	wrdreg s17  }
0xc4: {  	[dreg:$0x3] =	wrdreg s24  }
0xc5: {  	[dreg:$0x4] =	wrdreg $0x9  }
0xc6: {  	_ =	task.clear_ibuf [dreg:s22], $0x5FFFF;
	_ =	strace $0x9000004C  }
0xc7: {  	s29 =	simm.s32 $0x9;
	_ =	strace $0x8000004E  }
0xc8: {  	_ =	swait.ge [sflag:s29], $0x1  }
0xc9: {  	[sflag:s29] =	ssyncadd.s32 $0xFFFFFFFF  }
0xca: {  	_ =	strace $0x9000004E  }
0xcb: {  	_ =	sfence  }
0xcc: {  	s30 =	sld [smem:$0x0];
	_ =	sdelay $0x2  }
0xcd: {  	s31 =	sshll.u32 s1, $0xD;
	s1 =	sshrl.u32 s1, $0x2  }
0xce: {  	s4 =	sand.u32 $0x4000, s31;
	s1 =	sadd.s32 s1, s30  }
0xcf: {  	s0 =	sor.u32 s4, s0;
	s1 =	sshll.u32 s1, $0x11  }
0xd0: {  	s0 =	sor.u32 s1, s0  }
0xd1: {  	s0 =	sadd.s32 $0x8F2B, s0  }
0xd2: {  	[sflag:s0] =	ssyncadd.remote.s32 $0x1  }
0xd3: {  	_ =	sfence.sel $0xFFFF  }
0xd4: {  	[dreg:$0x0] =	wrdreg $0xFFFFFFFF;
	(pc) =	sbr.abs _section_cstart, $3  }
0xd5: {  	[dreg:$0x1] =	wrdreg $0xFFFFFFFF  }
0xd6: {  	_ =	task.clear_ibuf [dreg:s22], $0x2FFFF;
	_ =	strace $0x9FFFFFFF  }
0xd7: {  	(tm) =	ssettm $0x7FFFFFFF  }
tec
execute0_lowered:
.L_overlay_start_1:
0x0: {  	(tag) =	ssettag $0x1  }
0x1: {  	s1 =	rddreg [dreg:$0x0]  }
0x2: {  	s5 =	rddreg [dreg:$0x1]  }
0x3: {  	s0 =	rddreg [dreg:$0x2]  }
0x4: {  	s3 =	simm.s32 $0x0;
	s4 =	srdreg.scid;
	s2 =	stileid.u32  }
0x5: {  	s16 =	simm.s32 $0x6500;
	s17 =	simm.s32 $0x6600;
	s18 =	simm.s32 $0x1  }
0x6: {  	s19 =	simm.s32 $0x2;
	s20 =	simm.s32 $0x0;
	s12 =	smul.u32 $0x4E20, s2  }
0x7: {  	[smem:$0x7FF] =	sst s3;
	s8 =	sand.u32 $0x1, s4;
	s14 =	smul.u32 $0x4E200, s2  }
0x8: {  	s26 =	sshll.u32 s2, $0x1;
	s4 =	sadd.s32 $0xEC5C00, s5;
	s13 =	smul.u32 $0x2710, s8  }
0x9: {  	s11 =	sadd.s32 $0x143DE00, s5;
	s7 =	sor.u32 s8, s26;
	s15 =	smul.u32 $0x27100, s8  }
0xa: {  	_ =	strace $0x8000004D;
	s6 =	ssub.s32 $0x2, s8;
	s10 =	smul.u32 $0x2710, s7  }
0xb: {  	s9 =	sshrl.u32 s6, $0x1;
	s28 =	smul.u32 $0x27100, s7;
	s31 =	sadd.s32 s14, s11  }
0xc: {  	s6 =	ssub.s32 s6, s9;
	s12 =	sadd.s32 s13, s12;
	s14 =	sadd.s32 s15, s31  }
0xd: {  	s15 =	simm.s32 $0x100;
	s29 =	sshrl.u32 s10, $0x3;
	s10 =	sadd.s32 $0x2648, s10  }
0xe: {  	s6 =	smax.u32 s6, $0x1;
	s9 =	sadd.s32 s11, s28;
	s13 =	sadd.s32 $0xC8, s12  }
0xf: {  	s12 =	sadd.s32 $0x190, s12;
	s5 =	sadd.s32 s4, s29;
	s30 =	sshrl.u32 s10, $0x3  }
0x10: {  	s8 =	sadd.s32 $0x25800, s9;
	s10 =	sshll.u32 s10, $0x4;
	s13 =	sshrl.u32 s13, $0x3  }
0x11: {  	s7 =	sadd.s32 s4, s30;
	s9 =	sadd.s32 s11, s10;
	s10 =	sadd.s32 $0xC80, s14  }
0x12: {  	s11 =	sadd.s32 s13, s4;
	s13 =	simm.s32 $0x3;
	s14 =	simm.s32 $0xC8  }
.LBB2_1:
0x13: {  	[tilespmem:s3], [sflag:$0x3] =	stream.linear.gather [hbm4b:s5+s3], $0xC8, $0x38;
	[tilespmem:$0xCA00] =	vst v63  }
0x14: {  	_ =	swait.ge [sflag:s13], $0xC8  }
0x15: {  	[sflag:s13] =	ssyncset.done $0x0  }
0x16: {  	[sflag:s13] =	ssyncadd.s32 $0xFFFFFF38  }
0x17: {  	[tilespmem:s15], [sflag:$0x1] =	stream.indirect.gather [hbm4b:s1+s14], $0x80, s3, s14, $0xb8;
	[tilespmem:$0xCA00] =	vst v63  }
0x18: {  	s21 =	sadd.s32 $0x0, s11  }
0x19: {  	[tilespmem:s16], [sflag:$0x3] =	stream.linear.gather [hbm4b:s21+s3], $0xC8, $0x38;
	[tilespmem:$0xCA00] =	vst v63  }
0x1a: {  	_ =	swait.ge [sflag:s13], $0xC8  }
0x1b: {  	[sflag:s13] =	ssyncset.done $0x0  }
0x1c: {  	[sflag:s13] =	ssyncadd.s32 $0xFFFFFF38  }
0x1d: {  	[tilespmem:s17], [sflag:$0x2] =	stream.indirect.gather [hbm4b:s1+s14], $0x80, s16, s14, $0xb8;
	[tilespmem:$0xCA00] =	vst v63  }
0x1e: {  	_ =	swait.ge [sflag:s18], $0x6400  }
0x1f: {  	[sflag:s18] =	ssyncset.done $0x0  }
0x20: {  	s30 =	sadd.s32 $0xFFFFF380, s10;
	[sflag:s18] =	ssyncadd.s32 $0xFFFF9C00  }
0x21: {  	[hbm4b:s30+s3] =	stream.linear.scatter [tilespmem:s15], [sflag:$0x3], $0x6400, $0x38;
	[tilespmem:$0xCA00] =	vst v63  }
0x22: {  	_ =	swait.ge [sflag:s13], $0x6400  }
0x23: {  	s31 =	sshrl.u32 s12, $0x3;
	[sflag:s13] =	ssyncset.done $0x0  }
0x24: {  	s21 =	sadd.s32 s4, s31;
	[sflag:s13] =	ssyncadd.s32 $0xFFFF9C00  }
0x25: {  	[tilespmem:s3], [sflag:$0x3] =	stream.linear.gather [hbm4b:s21+s3], $0xC8, $0x38;
	[tilespmem:$0xCA00] =	vst v63  }
0x26: {  	_ =	swait.ge [sflag:s13], $0xC8  }
0x27: {  	[sflag:s13] =	ssyncset.done $0x0  }
0x28: {  	[sflag:s13] =	ssyncadd.s32 $0xFFFFFF38  }
0x29: {  	[tilespmem:s15], [sflag:$0x1] =	stream.indirect.gather [hbm4b:s1+s14], $0x80, s3, s14, $0xb8;
	[tilespmem:$0xCA00] =	vst v63  }
0x2a: {  	_ =	swait.ge [sflag:s19], $0x6400  }
0x2b: {  	[sflag:s19] =	ssyncset.done $0x0  }
0x2c: {  	[sflag:s19] =	ssyncadd.s32 $0xFFFF9C00  }
0x2d: {  	[hbm4b:s10+s3] =	stream.linear.scatter [tilespmem:s17], [sflag:$0x3], $0x6400, $0x38;
	[tilespmem:$0xCA00] =	vst v63  }
0x2e: {  	s23 =	simm.s32 $0x32;
	s24 =	simm.s32 $0x64;
	_ =	swait.ge [sflag:s13], $0x6400  }
0x2f: {  	s22 =	sadd.s32 $0x190, s12;
	s21 =	sadd.s32 $0x1900, s10;
	[sflag:s13] =	ssyncset.done $0x0  }
.LBB2_2:
0x30: {  	s25 =	sadd.s32 s23, s11  }
0x31: {  	[sflag:s13] =	ssyncadd.s32 $0xFFFF9C00;
	s23 =	smov.u32 s24;
	s26 =	sadd.s32 $0x32, s24  }
0x32: {  	[tilespmem:s16], [sflag:$0x3] =	stream.linear.gather [hbm4b:s25+s3], $0xC8, $0x38;
	[tilespmem:$0xCA00] =	vst v63  }
0x33: {  	p0 =	sne.s32 s24, $0x47E;
	_ =	swait.ge [sflag:s13], $0xC8  }
0x34: {  	[sflag:s13] =	ssyncset.done $0x0  }
0x35: {  	[sflag:s13] =	ssyncadd.s32 $0xFFFFFF38  }
0x36: {  	[tilespmem:s17], [sflag:$0x2] =	stream.indirect.gather [hbm4b:s1+s14], $0x80, s16, s14, $0xb8;
	[tilespmem:$0xCA00] =	vst v63  }
0x37: {  	_ =	swait.ge [sflag:s18], $0x6400  }
0x38: {  	[sflag:s18] =	ssyncset.done $0x0  }
0x39: {  	s24 =	sadd.s32 $0xFFFFF380, s21;
	[sflag:s18] =	ssyncadd.s32 $0xFFFF9C00  }
0x3a: {  	[hbm4b:s24+s3] =	stream.linear.scatter [tilespmem:s15], [sflag:$0x3], $0x6400, $0x38;
	[tilespmem:$0xCA00] =	vst v63  }
0x3b: {  	_ =	swait.ge [sflag:s13], $0x6400  }
0x3c: {  	s24 =	sshrl.u32 s22, $0x3;
	[sflag:s13] =	ssyncset.done $0x0  }
0x3d: {  	s24 =	sadd.s32 s4, s24;
	[sflag:s13] =	ssyncadd.s32 $0xFFFF9C00  }
0x3e: {  	[tilespmem:s3], [sflag:$0x3] =	stream.linear.gather [hbm4b:s24+s3], $0xC8, $0x38;
	[tilespmem:$0xCA00] =	vst v63  }
0x3f: {  	_ =	swait.ge [sflag:s13], $0xC8  }
0x40: {  	[sflag:s13] =	ssyncset.done $0x0  }
0x41: {  	[sflag:s13] =	ssyncadd.s32 $0xFFFFFF38  }
0x42: {  	[tilespmem:s15], [sflag:$0x1] =	stream.indirect.gather [hbm4b:s1+s14], $0x80, s3, s14, $0xb8;
	[tilespmem:$0xCA00] =	vst v63  }
0x43: {  	_ =	swait.ge [sflag:s19], $0x6400  }
.Ltmp0:
0x44: {  	[sflag:s19] =	ssyncset.done $0x0;
	(pc) =	sbr.rel @p0 .LBB2_2-.Ltmp0, $4  }
0x45: {  	[sflag:s19] =	ssyncadd.s32 $0xFFFF9C00  }
0x46: {  	[hbm4b:s21+s3] =	stream.linear.scatter [tilespmem:s17], [sflag:$0x3], $0x6400, $0x38;
	[tilespmem:$0xCA00] =	vst v63  }
0x47: {  	s22 =	sadd.s32 $0x190, s22;
	_ =	swait.ge [sflag:s13], $0x6400  }
0x48: {  	s24 =	smov.u32 s26;
	s21 =	sadd.s32 $0x1900, s21;
	[sflag:s13] =	ssyncset.done $0x0  }
0x49: {  	s23 =	sadd.s32 s23, s11;
	[sflag:s13] =	ssyncadd.s32 $0xFFFF9C00  }
0x4a: {  	[tilespmem:s16], [sflag:$0x3] =	stream.linear.gather [hbm4b:s23+s3], $0xC8, $0x38;
	[tilespmem:$0xCA00] =	vst v63  }
0x4b: {  	_ =	swait.ge [sflag:s13], $0xC8  }
0x4c: {  	[sflag:s13] =	ssyncset.done $0x0  }
0x4d: {  	[sflag:s13] =	ssyncadd.s32 $0xFFFFFF38  }
0x4e: {  	[tilespmem:s17], [sflag:$0x2] =	stream.indirect.gather [hbm4b:s1+s14], $0x80, s16, s14, $0xb8;
	[tilespmem:$0xCA00] =	vst v63  }
0x4f: {  	_ =	swait.ge [sflag:s18], $0x6400  }
0x50: {  	[sflag:s18] =	ssyncset.done $0x0  }
0x51: {  	s31 =	sadd.s32 $0xFFFFF380, s21;
	[sflag:s18] =	ssyncadd.s32 $0xFFFF9C00  }
0x52: {  	[hbm4b:s31+s3] =	stream.linear.scatter [tilespmem:s15], [sflag:$0x3], $0x6400, $0x38;
	[tilespmem:$0xCA00] =	vst v63  }
0x53: {  	_ =	swait.ge [sflag:s13], $0x6400  }
0x54: {  	s22 =	sshrl.u32 s22, $0x3;
	[sflag:s13] =	ssyncset.done $0x0  }
0x55: {  	s22 =	sadd.s32 s4, s22;
	[sflag:s13] =	ssyncadd.s32 $0xFFFF9C00  }
0x56: {  	[tilespmem:s3], [sflag:$0x3] =	stream.linear.gather [hbm4b:s22+s3], $0xC8, $0x38;
	[tilespmem:$0xCA00] =	vst v63  }
0x57: {  	_ =	swait.ge [sflag:s13], $0xC8  }
0x58: {  	[sflag:s13] =	ssyncset.done $0x0  }
0x59: {  	[sflag:s13] =	ssyncadd.s32 $0xFFFFFF38  }
0x5a: {  	[tilespmem:s15], [sflag:$0x1] =	stream.indirect.gather [hbm4b:s1+s14], $0x80, s3, s14, $0xb8;
	[tilespmem:$0xCA00] =	vst v63  }
0x5b: {  	_ =	swait.ge [sflag:s19], $0x6400  }
0x5c: {  	[sflag:s19] =	ssyncset.done $0x0  }
0x5d: {  	[sflag:s19] =	ssyncadd.s32 $0xFFFF9C00  }
0x5e: {  	[hbm4b:s21+s3] =	stream.linear.scatter [tilespmem:s17], [sflag:$0x3], $0x6400, $0x38;
	[tilespmem:$0xCA00] =	vst v63  }
0x5f: {  	_ =	swait.ge [sflag:s13], $0x6400  }
0x60: {  	[sflag:s13] =	ssyncset.done $0x0  }
0x61: {  	[sflag:s13] =	ssyncadd.s32 $0xFFFF9C00  }
0x62: {  	[tilespmem:s16], [sflag:$0x3] =	stream.linear.gather [hbm4b:s7+s3], $0xC8, $0x38;
	[tilespmem:$0xCA00] =	vst v63  }
0x63: {  	_ =	swait.ge [sflag:s13], $0xC8  }
0x64: {  	[sflag:s13] =	ssyncset.done $0x0  }
0x65: {  	[sflag:s13] =	ssyncadd.s32 $0xFFFFFF38  }
0x66: {  	[tilespmem:s17], [sflag:$0x2] =	stream.indirect.gather [hbm4b:s1+s14], $0x80, s16, s14, $0xb8;
	[tilespmem:$0xCA00] =	vst v63  }
0x67: {  	_ =	swait.ge [sflag:s18], $0x6400  }
0x68: {  	[sflag:s18] =	ssyncset.done $0x0  }
0x69: {  	[sflag:s18] =	ssyncadd.s32 $0xFFFF9C00  }
0x6a: {  	[hbm4b:s8+s3] =	stream.linear.scatter [tilespmem:s15], [sflag:$0x3], $0x6400, $0x38;
	[tilespmem:$0xCA00] =	vst v63  }
0x6b: {  	_ =	swait.ge [sflag:s13], $0x6400  }
0x6c: {  	[sflag:s13] =	ssyncset.done $0x0  }
0x6d: {  	[sflag:s13] =	ssyncadd.s32 $0xFFFF9C00  }
0x6e: {  	[tilespmem:s3], [sflag:$0x3] =	stream.linear.gather [hbm4b:s7+s3], $0xC8, $0x38;
	[tilespmem:$0xCA00] =	vst v63  }
0x6f: {  	_ =	swait.ge [sflag:s13], $0xC8  }
0x70: {  	[sflag:s13] =	ssyncset.done $0x0  }
0x71: {  	[sflag:s13] =	ssyncadd.s32 $0xFFFFFF38  }
0x72: {  	[tilespmem:s15], [sflag:$0x1] =	stream.indirect.gather [hbm4b:s1+s14], $0x80, s3, s14, $0xb8;
	[tilespmem:$0xCA00] =	vst v63  }
0x73: {  	_ =	swait.ge [sflag:s19], $0x6400  }
0x74: {  	[sflag:s19] =	ssyncset.done $0x0  }
0x75: {  	s20 =	sadd.s32 $0x1, s20;
	[sflag:s19] =	ssyncadd.s32 $0xFFFF9C00  }
0x76: {  	[hbm4b:s9+s3] =	stream.linear.scatter [tilespmem:s17], [sflag:$0x3], $0x6400, $0x38;
	[tilespmem:$0xCA00] =	vst v63  }
0x77: {  	p0 =	sne.s32 s20, s6;
	_ =	swait.ge [sflag:s13], $0x6400  }
.Ltmp1:
0x78: {  	[sflag:s13] =	ssyncset.done $0x0;
	(pc) =	sbr.rel @p0 .LBB2_1-.Ltmp1, $4  }
0x79: {  	[sflag:s13] =	ssyncadd.s32 $0xFFFF9C00  }
0x7a: {  	_ =	swait.ge [sflag:s18], $0x6400  }
0x7b: {  	[sflag:s18] =	ssyncset.done $0x0  }
0x7c: {  	[sflag:s18] =	ssyncadd.s32 $0xFFFF9C00  }
0x7d: {  	_ =	sfence.sel $0x180000  }
0x7e: {  	[bflag:$0x0] =	sbarrier.arrive $0xFFFF  }
0x7f: {  	p0 =	sne.s32 s2, $0x0;
	_ =	strace $0x9000004D  }
0x80: {  	s0 =	sadd.s32 @!p0 $0x100000, s0;
	[bflag:$0x2] =	sbarrier.arrive $0xFFFF  }
0x81: {  	[sflag:s0] =	ssyncadd.tile.s32 @!p0 $0x1;
	_ =	shalt  }
.Lfunc_end2:
_tile_overlayer_lowered:
.L_overlay_start_2:
0x82: {  	(tag) =	ssettag $0x2  }
0x83: {  	s0 =	rddreg [dreg:$0x0];
	s2 =	stileid.u32  }
0x84: {  	s1 =	rddreg [dreg:$0x1];
	p0 =	sne.s32 s2, $0x0  }
0x85: {  	s3 =	rddreg [dreg:$0x2];
	[bflag:$0x3] =	sbarrier.arrive $0xFFFF;
	s2 =	simm.s32 @!p0 $0x1C03  }
0x86: {  	[timem:s3], [sflag:s2] =	dma.local @!p0 [hbm:s0], s1  }
0x87: {  	s0 =	simm.s32 @!p0 $0x3  }
0x88: {  	_ =	swait.ge @!p0 [sflag:s0], s1  }
0x89: {  	s1 =	ssub.s32 @!p0 $0x0, s1;
	[sflag:s0] =	ssyncset.done @!p0 $0x0  }
0x8a: {  	[sflag:s0] =	ssyncadd.s32 @!p0 s1  }
0x8b: {  	[bflag:$0x3] =	sbarrier.arrive $0xFFFF  }
0x8c: {  	_ =	shalt  }

// kernel: kernel.13.cloned.1.call-start
scs
__scs_entry_jumppad:
0x0: {  	(pc) =	sbr.rel $0x88, $3  }
0x1: {  	(tag) =	ssettag $0x0;
	lr =	simm.s32 $0x1  }
0x2: {  	[smem:$0x3F8B] =	sst lr;
	_ =	strace $0xD0000000  }
0x3: {  	_ = 	snop  }
0x4: {  	_ = 	snop  }
0x5: {  	_ = 	snop  }
0x6: {  	_ = 	snop  }
0x7: {  	_ = 	snop  }
__scs_overlays_trampoline_lowered:
0x8: {  	[smem:$0x3F9A] =	sst s0  }
0x9: {  	[smem:$0x3F9B] =	sst s1  }
0xa: {  	[smem:$0x3F9C] =	sst s2  }
0xb: {  	[smem:$0x3F9D] =	sst s3  }
0xc: {  	[smem:$0x3F9E] =	sst s4  }
0xd: {  	[smem:$0x3F9F] =	sst s5  }
0xe: {  	[smem:$0x3FA0] =	sst s6  }
0xf: {  	[smem:$0x3FA1] =	sst s7  }
0x10: {  	[smem:$0x3FA2] =	sst s8  }
0x11: {  	[smem:$0x3FA3] =	sst s9;
	s0 =	simm.s32 @!p0 $0x0  }
0x12: {  	s1 =	sld [smem:$0x3F89];
	s0 =	simm.s32 @p0 $0x1  }
0x13: {  	[smem:$0x3FA4] =	sst s0;
	s0 =	simm.s32 @!p1 $0x0  }
0x14: {  	s2 =	sld [smem:$0x3F88];
	s0 =	simm.s32 @p1 $0x1  }
0x15: {  	[smem:$0x3FA5] =	sst s0;
	s0 =	simm.s32 @!p2 $0x0  }
0x16: {  	s3 =	sld [smem:$0x3FDB];
	s0 =	simm.s32 @p2 $0x1  }
0x17: {  	s4 =	simm.s32 $0x1BF5;
	[smem:$0x3FA7] =	sst s0  }
0x18: {  	s0 =	sld [smem:$0x3F8A];
	_ =	swait.ge [sflag:s4], $0x0  }
0x19: {  	s7 =	sld [smem:$0x3F8B]  }
0x1a: {  	s8 =	sadd.s32 $0xFFFFE003, lr  }
0x1b: {  	s9 =	sadd.s32 $0xFFFFFEF7, lr;
	s5 =	simm.s32 $0xFFFFFFFF;
	p2 =	slt.u32 s8, $0xFFFFF086  }
0x1c: {  	p1 =	slt.u32 s9, $0xF7A;
	s5 =	simm.s32 @!p2 $0x0  }
0x1d: {  	s5 =	simm.s32 @p1 $0x1;
	p0 =	seq.s32 s7, s2  }
0x1e: {  	s7 =	smul.u32 @!p0 $0xF7A, s2;
	p2 =	seq.s32 @!p0 s5, $0x0  }
0x1f: {  	s9 =	smul.u32 $0xF7A, s1;
	s8 =	simm.s32 @!p0 $0x1BF5;
	p2 =	por !p2, p0  }
0x20: {  	[sflag:s8] =	ssyncset.s32 @!p0 $0xFFFFF086;
	s6 =	sadd.s32 @!p0 s3, s7;
	s7 =	simm.s32 @!p0 $0x108  }
0x21: {  	s3 =	sadd.s32 s3, s9;
	s6 =	sadd.s32 @!p0 $0x88, s6;
	s7 =	simm.s32 @p2 $0x1082  }
0x22: {  	[simem:s7], [sflag:s8] =	dma.local @!p0 [hbm:s6], $0xF7A  }
0x23: {  	s9 =	sor.u32 $0xD0000000, s2;
	s6 =	simm.s32 $0x108;
	_ =	swait.ge @!p0 [sflag:s8], $0x0  }
0x24: {  	s3 =	sadd.s32 $0x88, s3;
	s6 =	simm.s32 @!p1 $0x1082;
	[sflag:s4] =	ssyncset.s32 $0xFFFFF086  }
0x25: {  	[simem:s6], [sflag:s4] =	dma.local [hbm:s3], $0xF7A  }
0x26: {  	[smem:$0x3F8B] =	sst s1;
	(tag) =	ssettag s2;
	_ =	strace s9  }
0x27: {  	s1 =	sld [smem:$0x3F9B]  }
0x28: {  	s2 =	sld [smem:$0x3F9C]  }
0x29: {  	s4 =	sld [smem:$0x3F9E]  }
0x2a: {  	p0 =	seq.s32 s5, $0x0;
	s5 =	sld [smem:$0x3F9F]  }
0x2b: {  	s6 =	sld [smem:$0x3FA0]  }
0x2c: {  	s7 =	sld [smem:$0x3FA1]  }
0x2d: {  	s3 =	simm.s32 $0x108;
	s8 =	sld [smem:$0x3FA2]  }
0x2e: {  	s3 =	simm.s32 @!p0 $0x1082;
	s9 =	sld [smem:$0x3FA3]  }
0x2f: {  	lr =	sadd.s32 s0, s3;
	s0 =	sld [smem:$0x3F9A]  }
0x30: {  	s3 =	sld [smem:$0x3F9D]  }
0x31: {  	[smem:$0x3FA6] =	sst s10  }
0x32: {  	s10 =	sld [smem:$0x3FA4];
	_ =	sdelay $0x3  }
0x33: {  	p0 =	seq.s32 s10, $0x1;
	s10 =	sld [smem:$0x3FA6];
	_ =	sdelay $0x3  }
0x34: {  	[smem:$0x3FA6] =	sst s10  }
0x35: {  	s10 =	sld [smem:$0x3FA5];
	_ =	sdelay $0x3  }
0x36: {  	p1 =	seq.s32 s10, $0x1;
	s10 =	sld [smem:$0x3FA6];
	_ =	sdelay $0x3  }
0x37: {  	[smem:$0x3FA6] =	sst s10  }
0x38: {  	s10 =	sld [smem:$0x3FA7]  }
0x39: {  	_ = 	snop;
	(pc) =	sbr.ind lr, $3  }
0x3a: {  	_ = 	snop  }
0x3b: {  	_ = 	snop  }
0x3c: {  	p2 =	seq.s32 s10, $0x1;
	s10 =	sld [smem:$0x3FA6]  }
0x3d: {  	_ =	shalt  }
0x3e: {  	_ =	shalt  }
0x3f: {  	_ =	shalt  }
0x40: {  	_ =	shalt  }
0x41: {  	_ =	shalt  }
0x42: {  	_ =	shalt  }
0x43: {  	_ =	shalt  }
0x44: {  	_ =	shalt  }
0x45: {  	_ =	shalt  }
0x46: {  	_ =	shalt  }
0x47: {  	_ =	shalt  }
0x48: {  	_ =	shalt  }
0x49: {  	_ =	shalt  }
0x4a: {  	_ =	shalt  }
0x4b: {  	_ =	shalt  }
0x4c: {  	_ =	shalt  }
0x4d: {  	_ =	shalt  }
0x4e: {  	_ =	shalt  }
0x4f: {  	_ =	shalt  }
0x50: {  	_ =	shalt  }
0x51: {  	_ =	shalt  }
0x52: {  	_ =	shalt  }
0x53: {  	_ =	shalt  }
0x54: {  	_ =	shalt  }
0x55: {  	_ =	shalt  }
0x56: {  	_ =	shalt  }
0x57: {  	_ =	shalt  }
0x58: {  	_ =	shalt  }
0x59: {  	_ =	shalt  }
0x5a: {  	_ =	shalt  }
0x5b: {  	_ =	shalt  }
0x5c: {  	_ =	shalt  }
0x5d: {  	_ =	shalt  }
0x5e: {  	_ =	shalt  }
0x5f: {  	_ =	shalt  }
0x60: {  	_ =	shalt  }
0x61: {  	_ =	shalt  }
0x62: {  	_ =	shalt  }
0x63: {  	_ =	shalt  }
0x64: {  	_ =	shalt  }
0x65: {  	_ =	shalt  }
0x66: {  	_ =	shalt  }
0x67: {  	_ =	shalt  }
0x68: {  	_ =	shalt  }
0x69: {  	_ =	shalt  }
0x6a: {  	_ =	shalt  }
0x6b: {  	_ =	shalt  }
0x6c: {  	_ =	shalt  }
0x6d: {  	_ =	shalt  }
0x6e: {  	_ =	shalt  }
0x6f: {  	_ =	shalt  }
0x70: {  	_ =	shalt  }
0x71: {  	_ =	shalt  }
0x72: {  	_ =	shalt  }
0x73: {  	_ =	shalt  }
0x74: {  	_ =	shalt  }
0x75: {  	_ =	shalt  }
0x76: {  	_ =	shalt  }
0x77: {  	_ =	shalt  }
0x78: {  	_ =	shalt  }
0x79: {  	_ =	shalt  }
0x7a: {  	_ =	shalt  }
0x7b: {  	_ =	shalt  }
0x7c: {  	_ =	shalt  }
0x7d: {  	_ =	shalt  }
0x7e: {  	_ =	shalt  }
0x7f: {  	_ =	shalt  }
0x80: {  	_ =	shalt  }
0x81: {  	_ =	shalt  }
0x82: {  	_ =	shalt  }
0x83: {  	_ =	shalt  }
0x84: {  	_ =	shalt  }
0x85: {  	_ =	shalt  }
0x86: {  	_ =	shalt  }
0x87: {  	_ =	shalt  }
.Lfunc_end0:
.L_simem_size_0:
called_computation.3_lowered:
.L_overlay_start_0:
0x88: {  	s2 =	sld [smem:$0x3FD9]  }
0x89: {  	s3 =	sld [smem:$0x3FFE];
	_ =	sdelay $0x1  }
0x8a: {  	s1 =	srdreg.scid  }
0x8b: {  	s0 =	sand.u32 $0x1, s1  }
0x8c: {  	s15 =	sshll.u32 s0, $0xA;
	s2 =	sadd.s32 s3, s2  }
0x8d: {  	s2 =	sadd.s32 s2, s15  }
0x8e: {  	[smem:$0x3FB2] =	sst s2  }
0x8f: {  	_ = 	snop  }
0x90: {  	s2 =	sld [smem:$0x3FD0];
	_ =	sdelay $0x2  }
0x91: {  	s16 =	simm.s32 $0xC;
	s4 =	simm.s32 $0x10  }
0x92: {  	[smem:s4], [sflag:s16] =	dma.local [hbm:s2], $0x1  }
0x93: {  	_ =	swait.eq [sflag:s16], $0x1  }
0x94: {  	[sflag:s16] =	ssyncset.done $0x0  }
0x95: {  	[sflag:s16] =	ssyncadd.s32 $0xFFFFFFFF  }
0x96: {  	s17 =	sld [smem:$0x10];
	(tm) =	ssettm $0x1  }
0x97: {  	s18 =	sld [smem:$0x3FFB];
	_ =	sdelay $0x3  }
0x98: {  	_ =	strace s18  }
0x99: {  	s2 =	sld [smem:$0x3FFC];
	_ =	sdelay $0x3  }
0x9a: {  	_ =	strace s2  }
0x9b: {  	s2 =	sld [smem:$0x3FFD];
	_ =	sdelay $0x3  }
0x9c: {  	_ =	strace s2  }
0x9d: {  	_ =	strace $0x8FFFFFFF  }
0x9e: {  	s19 =	sld [smem:$0x3FDB];
	_ =	sdelay $0x1  }
0x9f: {  	s20 =	simm.s32 $_scs_section_size  }
0xa0: {  	s5 =	simm.s32 $_size__tile_overlayer_lowered;
	s6 =	simm.s32 $_tile_overlayer_lowered  }
0xa1: {  	s7 =	simm.s32 $0x1BFF;
	s21 =	sshll.u32 s6, $0x1;
	s4 =	sadd.s32 s20, s19  }
0xa2: {  	s22 =	simm.s32 $0x0;
	s5 =	sshll.u32 s5, $0x1;
	s6 =	sadd.s32 s21, s4  }
0xa3: {  	[timem:s22], [sflag:s7] =	dma.local [hbm:s6], s5  }
0xa4: {  	_ =	swait.ge [sflag:s7], s5  }
0xa5: {  	s5 =	ssub.s32 $0x0, s5;
	[sflag:s7] =	ssyncset.done $0x0  }
0xa6: {  	[sflag:s7] =	ssyncadd.s32 s5;
	_ =	sdelay $0x1  }
0xa7: {  	s23 =	simm.s32 $0x1B8B  }
0xa8: {  	_ =	swait.ge [sflag:s23], $0x1  }
0xa9: {  	[sflag:s23] =	ssyncset.done $0x0  }
0xaa: {  	[sflag:s23] =	ssyncadd.s32 $0xFFFFFFFF  }
0xab: {  	s5 =	sld [smem:$0x0]  }
0xac: {  	s6 =	sand.u32 $0xFFFFFFFE, s1  }
0xad: {  	p0 =	sne.s32 s1, s6  }
0xae: {  	s6 =	sshll.u32 @p0 s6, $0xE  }
0xaf: {  	s6 =	sadd.s32 @p0 $0x11B8D, s6;
	s7 =	sshll.u32 @p0 s5, $0x11  }
0xb0: {  	s6 =	sor.u32 @p0 s7, s6  }
0xb1: {  	[sflag:s6] =	ssyncadd.remote.s32 @p0 $0x1;
	_ =	sdelay $0x1  }
0xb2: {  	s6 =	simm.s32 @p0 $0x1B8D  }
0xb3: {  	_ =	swait.eq @p0 [sflag:s6], $0x1  }
0xb4: {  	[sflag:s6] =	ssyncadd.s32 @p0 $0xFFFFFFFF  }
0xb5: {  	s7 =	sshll.u32 @!p0 s1, $0xE  }
0xb6: {  	s7 =	sor.u32 @!p0 $0x4000, s7;
	s6 =	simm.s32 @!p0 $0x1B8D  }
0xb7: {  	s5 =	sshll.u32 @!p0 s5, $0x11;
	s7 =	sadd.s32 @!p0 $0x11B8D, s7;
	_ =	swait.eq @!p0 [sflag:s6], $0x1  }
0xb8: {  	s5 =	sor.u32 @!p0 s5, s7;
	[sflag:s6] =	ssyncadd.s32 @!p0 $0xFFFFFFFF  }
0xb9: {  	s25 =	simm.s32 $0x1B8E;
	s24 =	sld [smem:$0x3FFE];
	[sflag:s5] =	ssyncadd.remote.s32 @!p0 $0x1  }
0xba: {  	s26 =	simm.s32 $execute0_lowered;
	[smem:$0x3FD2] =	sst s25  }
0xbb: {  	s6 =	sshll.u32 s26, $0x1;
	_ =	strace $0x80000052;
	[dreg:$0x1] =	wrdreg $0xFFFFFFFF  }
0xbc: {  	s28 =	simm.s32 $_size_execute0_lowered;
	s4 =	sadd.s32 s4, s6;
	[dreg:$0x0] =	wrdreg $0x0  }
0xbd: {  	s6 =	sshll.u32 s28, $0x1;
	[dreg:$0x2] =	wrdreg s4  }
0xbe: {  	[dreg:$0x3] =	wrdreg s6  }
0xbf: {  	[dreg:$0x4] =	wrdreg $0xC0  }
0xc0: {  	_ =	task [dreg:s22], $0x5FFFF  }
0xc1: {  	[dreg:$0x1] =	wrdreg $0xFFFFFFFF  }
0xc2: {  	[dreg:$0x0] =	wrdreg $0x60  }
0xc3: {  	[dreg:$0x2] =	wrdreg s24  }
0xc4: {  	[dreg:$0x3] =	wrdreg s17  }
0xc5: {  	[dreg:$0x4] =	wrdreg $0x52000  }
0xc6: {  	[dreg:$0x5] =	wrdreg $0x9  }
0xc7: {  	_ =	task.clear_ibuf [dreg:s22], $0x6FFFF;
	_ =	strace $0x90000052  }
0xc8: {  	s29 =	simm.s32 $0x9;
	_ =	strace $0x80000054  }
0xc9: {  	_ =	swait.ge [sflag:s29], $0x1  }
0xca: {  	[sflag:s29] =	ssyncadd.s32 $0xFFFFFFFF  }
0xcb: {  	_ =	strace $0x90000054  }
0xcc: {  	_ =	sfence  }
0xcd: {  	s30 =	sld [smem:$0x0];
	_ =	sdelay $0x2  }
0xce: {  	s31 =	sshll.u32 s1, $0xD;
	s1 =	sshrl.u32 s1, $0x2  }
0xcf: {  	s4 =	sand.u32 $0x4000, s31;
	s1 =	sadd.s32 s1, s30  }
0xd0: {  	s0 =	sor.u32 s4, s0;
	s1 =	sshll.u32 s1, $0x11  }
0xd1: {  	s0 =	sor.u32 s1, s0  }
0xd2: {  	s0 =	sadd.s32 $0x8F2B, s0  }
0xd3: {  	[sflag:s0] =	ssyncadd.remote.s32 $0x1  }
0xd4: {  	_ =	sfence.sel $0xFFFF  }
0xd5: {  	[dreg:$0x0] =	wrdreg $0xFFFFFFFF;
	(pc) =	sbr.abs _section_cstart, $3  }
0xd6: {  	[dreg:$0x1] =	wrdreg $0xFFFFFFFF  }
0xd7: {  	_ =	task.clear_ibuf [dreg:s22], $0x2FFFF;
	_ =	strace $0x9FFFFFFF  }
0xd8: {  	(tm) =	ssettm $0x7FFFFFFF  }
0xd9: {  	_ =	shalt  }
tec
execute0_lowered:
.L_overlay_start_1:
0x0: {  	(tag) =	ssettag $0x1  }
0x1: {  	s0 =	rddreg [dreg:$0x0]  }
0x2: {  	s2 =	rddreg [dreg:$0x1]  }
0x3: {  	s1 =	srdreg.scid;
	s3 =	rddreg [dreg:$0x2]  }
0x4: {  	s11 =	stileid.u32;
	s4 =	simm.s32 $0x0;
	s17 =	simm.s32 $0x100  }
0x5: {  	s18 =	simm.s32 $0x2900;
	s19 =	simm.s32 $0x2A00;
	s5 =	smul.u32 $0x140, s11  }
0x6: {  	s20 =	simm.s32 $0x1;
	s21 =	simm.s32 $0x50;
	s7 =	smul.u32 $0x28000, s11  }
0x7: {  	s22 =	simm.s32 $0x80;
	s24 =	simm.s32 $0x2980;
	s10 =	smul.u32 $0x4E20, s11  }
0x8: {  	s25 =	simm.s32 $0x0;
	s1 =	sand.u32 $0x1, s1;
	s9 =	smul.u32 $0x4E200, s11  }
0x9: {  	[smem:$0x7FF] =	sst s4;
	s30 =	sshll.u32 s11, $0x6;
	s16 =	smul.u32 $0x9C4, s11  }
0xa: {  	s14 =	smul.u32 $0x1400, s1;
	_ =	strace $0x80000053;
	s1 =	ssub.s32 $0x2, s1  }
0xb: {  	s26 =	sshrl.u32 s1, $0x1;
	s28 =	sshrl.u32 s7, $0x2;
	s7 =	sor.u32 $0x1C03, s30  }
0xc: {  	s8 =	sshrl.u32 s10, $0x3;
	s10 =	sadd.s32 $0xA0, s10;
	s31 =	sadd.s32 s16, s2  }
0xd: {  	s16 =	simm.s32 $0x3;
	s5 =	sadd.s32 s5, s14;
	s1 =	ssub.s32 s1, s26  }
0xe: {  	s15 =	sadd.s32 s28, s3;
	s8 =	sadd.s32 s2, s8;
	s23 =	sadd.s32 $0x1400, s14  }
0xf: {  	s6 =	sshll.u32 s5, $0x4;
	s5 =	sadd.s32 $0xF33E00, s0;
	s12 =	smax.u32 s1, $0x1  }
0x10: {  	s15 =	sshrl.u32 s15, $0x3;
	v1 =	vmov s23;
	s23 =	simm.s32 $0x2;
	s0 =	sadd.s32 s6, s0  }
0x11: {  	v2 =	vlaneseq.u32;
	s9 =	sadd.s32 s5, s9;
	s29 =	sadd.s32 $0xEE3E00, s0;
	s11 =	sadd.s32 $0x4EE000, s0  }
0x12: {  	v2 =	vor.u32 $0x1400, v2;
	v0 =	vmov s14;
	s13 =	sadd.s32 $0x500, s9;
	s0 =	sadd.s32 $0xA, s31;
	[dreg:$0x4] =	wrdreg s29  }
.LBB2_1:
0x13: {  	s1 =	rddreg [dreg:$0x4]  }
0x14: {  	[spmem:s15], [sflag:s7] =	dma.local [hbm:s1], $0x1400  }
0x15: {  	_ =	swait.ge [sflag:s16], $0x1400  }
0x16: {  	[sflag:s16] =	ssyncset.done $0x0  }
0x17: {  	[sflag:s16] =	ssyncadd.s32 $0xFFFFEC00  }
0x18: {  	[bflag:$0x0] =	sbarrier.arrive $0xFFFF  }
0x19: {  	[tilespmem:s4], [sflag:$0x3] =	stream.linear.gather [hbm4b:s8+s4], $0x50, $0x38;
	[tilespmem:$0xF280] =	vst v63  }
0x1a: {  	_ =	swait.ge [sflag:s16], $0x50  }
0x1b: {  	[sflag:s16] =	ssyncset.done $0x0  }
0x1c: {  	[sflag:s16] =	ssyncadd.s32 $0xFFFFFFB0  }
0x1d: {  	v3 =	vld [tilespmem:$0x0]  }
0x1e: {  	v4 =	vld [tilespmem:$0x10]  }
0x1f: {  	v5 =	vld [tilespmem:$0x20];
	_ =	sdelay $0x1  }
0x20: {  	v6 =	vld [tilespmem:$0x30];
	_ =	sdelay $0x1  }
0x21: {  	v7 =	vld [tilespmem:$0x40];
	vm0 =	vge.s32 v3, v0;
	vm1 =	vlt.s32 v3, v1;
	v3 =	vsub.s32 v3, v0  }
0x22: {  	vm7 =	vge.s32 v4, v0;
	vm8 =	vlt.s32 v4, v1;
	vm2 =	vge.s32 v5, v0  }
0x23: {  	vm3 =	vlt.s32 v5, v1;
	v4 =	vsub.s32 v4, v0;
	v5 =	vsub.s32 v5, v0  }
0x24: {  	vm10 =	vge.s32 v6, v0;
	vm11 =	vlt.s32 v6, v1;
	vm0 =	vmand vm0, vm1  }
0x25: {  	v63 =	vsub.s32 v6, v0;
	v3 =	vsel vm0, v3, v2;
	vm0 =	vmand vm7, vm8  }
0x26: {  	vm13 =	vge.s32 v7, v0;
	vm9 =	vmand vm2, vm3;
	v4 =	vsel vm0, v4, v2;
	[tilespmem:$0x80] =	vst v3  }
0x27: {  	vm14 =	vlt.s32 v7, v1;
	vm12 =	vmand vm10, vm11;
	v3 =	vsel vm9, v5, v2;
	[tilespmem:$0x90] =	vst v4  }
0x28: {  	vm15 =	vmand vm13, vm14;
	v4 =	vsel vm12, v63, v2;
	[tilespmem:$0xA0] =	vst v3;
	v3 =	vsub.s32 v7, v0  }
0x29: {  	s29 =	simm.s32 $0x2;
	s30 =	sadd.s32 $0xA00, s13;
	s31 =	sadd.s32 $0x14, s0;
	[tilespmem:$0xB0] =	vst v4;
	v3 =	vsel vm15, v3, v2  }
0x2a: {  	s14 =	smov.u32 s0;
	s28 =	smov.u32 s13;
	s26 =	simm.s32 $0x0;
	[tilespmem:$0xC0] =	vst v3  }
0x2b: {  	[tilespmem:s17], [sflag:$0x1] =	stream.linear.gather [hbm4b:s9+s4], $0x2800, $0x38;
	[tilespmem:$0xF280] =	vst v63  }
.LBB2_2:
0x2c: {  	[tilespmem:s18], [sflag:$0x3] =	stream.linear.gather [hbm4b:s14+s4], $0x50, $0x38;
	[tilespmem:$0xF280] =	vst v63  }
0x2d: {  	s1 =	smov.u32 s29;
	s14 =	smov.u32 s31  }
0x2e: {  	p0 =	sne.s32 s29, $0xF8;
	s29 =	sadd.s32 $0x2, s29;
	_ =	swait.ge [sflag:s16], $0x50  }
0x2f: {  	[sflag:s16] =	ssyncset.done $0x0  }
0x30: {  	[sflag:s16] =	ssyncadd.s32 $0xFFFFFFB0  }
0x31: {  	v3 =	vld [tilespmem:$0x2930]  }
0x32: {  	v4 =	vld [tilespmem:$0x2940]  }
0x33: {  	v5 =	vld [tilespmem:$0x2920]  }
0x34: {  	v6 =	vld [tilespmem:$0x2900]  }
0x35: {  	v7 =	vld [tilespmem:$0x2910]  }
0x36: {  	vm0 =	vge.s32 v3, v0;
	vm1 =	vlt.s32 v3, v1;
	v3 =	vsub.s32 v3, v0  }
0x37: {  	vm0 =	vmand vm0, vm1;
	vm1 =	vge.s32 v4, v0;
	v8 =	vsub.s32 v4, v0  }
0x38: {  	vm2 =	vge.s32 v5, v0;
	v3 =	vsel vm0, v3, v2;
	vm0 =	vlt.s32 v4, v1  }
0x39: {  	vm3 =	vge.s32 v6, v0;
	vm4 =	vlt.s32 v6, v1;
	v4 =	vsub.s32 v6, v0;
	[tilespmem:$0x29B0] =	vst v3  }
0x3a: {  	vm5 =	vlt.s32 v5, v1;
	v3 =	vsub.s32 v5, v0;
	vm0 =	vmand vm1, vm0  }
0x3b: {  	vm2 =	vmand vm2, vm5;
	vm1 =	vlt.s32 v7, v1;
	v5 =	vsub.s32 v7, v0  }
0x3c: {  	vm3 =	vmand vm3, vm4;
	vm4 =	vge.s32 v7, v0;
	v3 =	vsel vm2, v3, v2  }
0x3d: {  	v4 =	vsel vm3, v4, v2;
	vm1 =	vmand vm4, vm1;
	[tilespmem:$0x29A0] =	vst v3;
	v3 =	vsel vm0, v8, v2  }
0x3e: {  	[tilespmem:$0x2980] =	vst v4;
	v4 =	vsel vm1, v5, v2  }
0x3f: {  	[tilespmem:$0x29C0] =	vst v3  }
0x40: {  	[tilespmem:$0x2990] =	vst v4  }
0x41: {  	[tilespmem:s19], [sflag:$0x2] =	stream.linear.gather [hbm4b:s28+s4], $0x2800, $0x38;
	[tilespmem:$0xF280] =	vst v63  }
0x42: {  	s28 =	smov.u32 s30;
	_ =	swait.ge [sflag:s20], $0x2800  }
0x43: {  	s6 =	smin.u32 s26, $0xF7;
	s26 =	smov.u32 s1;
	[sflag:s20] =	ssyncset.done $0x0  }
0x44: {  	s1 =	smul.u32 $0x50, s6;
	[sflag:s20] =	ssyncadd.s32 $0xFFFFD800  }
0x45: {  	[spmem:s3] =	stream.indirect.scatter.add.f32 [tilespmem:s17], [sflag:$0x3], $0x80, s22, s21, $0xb8;
	[tilespmem:$0xF280] =	vst v63  }
0x46: {  	s1 =	sadd.s32 s1, s10;
	_ =	swait.ge [sflag:s16], $0x2800  }
0x47: {  	s6 =	sshrl.u32 s1, $0x3;
	s1 =	sshll.u32 s1, $0x4;
	[sflag:s16] =	ssyncset.done $0x0  }
0x48: {  	s6 =	sadd.s32 s2, s6;
	[sflag:s16] =	ssyncadd.s32 $0xFFFFD800  }
0x49: {  	[tilespmem:s4], [sflag:$0x3] =	stream.linear.gather [hbm4b:s6+s4], $0x50, $0x38;
	[tilespmem:$0xF280] =	vst v63  }
0x4a: {  	_ =	swait.ge [sflag:s16], $0x50  }
0x4b: {  	[sflag:s16] =	ssyncset.done $0x0  }
0x4c: {  	[sflag:s16] =	ssyncadd.s32 $0xFFFFFFB0  }
0x4d: {  	v3 =	vld [tilespmem:$0x30]  }
0x4e: {  	v4 =	vld [tilespmem:$0x10]  }
0x4f: {  	v5 =	vld [tilespmem:$0x20]  }
0x50: {  	v6 =	vld [tilespmem:$0x0]  }
0x51: {  	v7 =	vld [tilespmem:$0x40]  }
0x52: {  	vm0 =	vge.s32 v3, v0;
	vm1 =	vlt.s32 v3, v1;
	v3 =	vsub.s32 v3, v0  }
0x53: {  	vm2 =	vge.s32 v4, v0;
	vm3 =	vlt.s32 v4, v1;
	v4 =	vsub.s32 v4, v0  }
0x54: {  	vm2 =	vmand vm2, vm3;
	vm3 =	vge.s32 v5, v0;
	vm4 =	vlt.s32 v5, v1  }
0x55: {  	v5 =	vsub.s32 v5, v0;
	v4 =	vsel vm2, v4, v2;
	vm2 =	vmand vm3, vm4  }
0x56: {  	vm3 =	vge.s32 v6, v0;
	vm4 =	vlt.s32 v6, v1;
	[tilespmem:$0x90] =	vst v4;
	v4 =	vsel vm2, v5, v2  }
0x57: {  	vm2 =	vmand vm3, vm4;
	v5 =	vsub.s32 v6, v0;
	vm3 =	vlt.s32 v7, v1;
	[tilespmem:$0xA0] =	vst v4  }
0x58: {  	vm0 =	vmand vm0, vm1;
	vm1 =	vge.s32 v7, v0;
	v4 =	vsel vm2, v5, v2  }
0x59: {  	v3 =	vsel vm0, v3, v2;
	vm0 =	vmand vm1, vm3;
	[tilespmem:$0x80] =	vst v4;
	v4 =	vsub.s32 v7, v0  }
0x5a: {  	[tilespmem:$0xB0] =	vst v3;
	v3 =	vsel vm0, v4, v2  }
0x5b: {  	s1 =	sadd.s32 s5, s1;
	[tilespmem:$0xC0] =	vst v3  }
0x5c: {  	[tilespmem:s17], [sflag:$0x1] =	stream.linear.gather [hbm4b:s1+s4], $0x2800, $0x38;
	[tilespmem:$0xF280] =	vst v63  }
0x5d: {  	_ =	swait.ge [sflag:s23], $0x2800  }
0x5e: {  	[sflag:s23] =	ssyncset.done $0x0  }
.Ltmp0:
0x5f: {  	[sflag:s23] =	ssyncadd.s32 $0xFFFFD800;
	(pc) =	sbr.rel @p0 .LBB2_2-.Ltmp0, $4  }
0x60: {  	[spmem:s3] =	stream.indirect.scatter.add.f32 [tilespmem:s19], [sflag:$0x3], $0x80, s24, s21, $0xb8;
	[tilespmem:$0xF280] =	vst v63  }
0x61: {  	_ =	swait.ge [sflag:s16], $0x2800  }
0x62: {  	[sflag:s16] =	ssyncset.done $0x0  }
0x63: {  	s31 =	sadd.s32 $0x14, s31;
	s30 =	sadd.s32 $0xA00, s30;
	[sflag:s16] =	ssyncadd.s32 $0xFFFFD800  }
0x64: {  	[tilespmem:s18], [sflag:$0x3] =	stream.linear.gather [hbm4b:s14+s4], $0x50, $0x38;
	[tilespmem:$0xF280] =	vst v63  }
0x65: {  	_ =	swait.ge [sflag:s16], $0x50  }
0x66: {  	[sflag:s16] =	ssyncset.done $0x0  }
0x67: {  	[sflag:s16] =	ssyncadd.s32 $0xFFFFFFB0  }
0x68: {  	v3 =	vld [tilespmem:$0x2930]  }
0x69: {  	v4 =	vld [tilespmem:$0x2940]  }
0x6a: {  	v5 =	vld [tilespmem:$0x2920]  }
0x6b: {  	v6 =	vld [tilespmem:$0x2900];
	_ =	sdelay $0x2  }
0x6c: {  	v7 =	vld [tilespmem:$0x2910];
	vm0 =	vge.s32 v3, v0;
	vm1 =	vlt.s32 v3, v1;
	v3 =	vsub.s32 v3, v0  }
0x6d: {  	vm15 =	vge.s32 v4, v0;
	v8 =	vsub.s32 v4, v0;
	vm2 =	vge.s32 v5, v0  }
0x6e: {  	vm8 =	vlt.s32 v4, v1;
	vm3 =	vge.s32 v6, v0;
	vm4 =	vlt.s32 v6, v1  }
0x6f: {  	vm5 =	vlt.s32 v5, v1;
	v56 =	vsub.s32 v6, v0;
	vm0 =	vmand vm0, vm1  }
0x70: {  	v5 =	vsub.s32 v5, v0;
	vm9 =	vmand vm3, vm4;
	v3 =	vsel vm0, v3, v2  }
0x71: {  	vm10 =	vlt.s32 v7, v1;
	vm2 =	vmand vm2, vm5;
	v4 =	vsel vm9, v56, v2;
	[tilespmem:$0x29B0] =	vst v3  }
0x72: {  	vm11 =	vge.s32 v7, v0;
	vm0 =	vmand vm15, vm8;
	v3 =	vsel vm2, v5, v2;
	[tilespmem:$0x2980] =	vst v4  }
0x73: {  	vm12 =	vmand vm11, vm10;
	v57 =	vsel vm0, v8, v2;
	[tilespmem:$0x29A0] =	vst v3;
	v3 =	vsub.s32 v7, v0  }
0x74: {  	[tilespmem:$0x29C0] =	vst v57;
	v3 =	vsel vm12, v3, v2  }
0x75: {  	[tilespmem:$0x2990] =	vst v3  }
0x76: {  	[tilespmem:s19], [sflag:$0x2] =	stream.linear.gather [hbm4b:s28+s4], $0x2800, $0x38;
	[tilespmem:$0xF280] =	vst v63  }
0x77: {  	_ =	swait.ge [sflag:s20], $0x2800  }
0x78: {  	s1 =	smin.u32 s26, $0xF7;
	[sflag:s20] =	ssyncset.done $0x0  }
0x79: {  	s1 =	smul.u32 $0x50, s1;
	[sflag:s20] =	ssyncadd.s32 $0xFFFFD800  }
0x7a: {  	[spmem:s3] =	stream.indirect.scatter.add.f32 [tilespmem:s17], [sflag:$0x3], $0x80, s22, s21, $0xb8;
	[tilespmem:$0xF280] =	vst v63  }
0x7b: {  	s1 =	sadd.s32 s1, s10;
	_ =	swait.ge [sflag:s16], $0x2800  }
0x7c: {  	s6 =	sshrl.u32 s1, $0x3;
	[sflag:s16] =	ssyncset.done $0x0  }
0x7d: {  	s6 =	sadd.s32 s2, s6;
	[sflag:s16] =	ssyncadd.s32 $0xFFFFD800  }
0x7e: {  	[tilespmem:s4], [sflag:$0x3] =	stream.linear.gather [hbm4b:s6+s4], $0x50, $0x38;
	[tilespmem:$0xF280] =	vst v63  }
0x7f: {  	_ =	swait.ge [sflag:s16], $0x50  }
0x80: {  	[sflag:s16] =	ssyncset.done $0x0  }
0x81: {  	[sflag:s16] =	ssyncadd.s32 $0xFFFFFFB0  }
0x82: {  	v3 =	vld [tilespmem:$0x30]  }
0x83: {  	v58 =	vld [tilespmem:$0x10]  }
0x84: {  	v59 =	vld [tilespmem:$0x20]  }
0x85: {  	v60 =	vld [tilespmem:$0x0];
	_ =	sdelay $0x1  }
0x86: {  	vm0 =	vge.s32 v3, v0;
	vm1 =	vlt.s32 v3, v1;
	v3 =	vsub.s32 v3, v0  }
0x87: {  	v61 =	vld [tilespmem:$0x40];
	vm13 =	vge.s32 v58, v0;
	vm14 =	vlt.s32 v58, v1;
	v4 =	vsub.s32 v58, v0  }
0x88: {  	vm15 =	vge.s32 v59, v0;
	vm8 =	vlt.s32 v59, v1;
	v5 =	vsub.s32 v59, v0  }
0x89: {  	vm10 =	vge.s32 v60, v0;
	vm11 =	vlt.s32 v60, v1;
	vm2 =	vmand vm13, vm14  }
0x8a: {  	v62 =	vsub.s32 v60, v0;
	vm9 =	vmand vm15, vm8;
	v4 =	vsel vm2, v4, v2  }
0x8b: {  	vm12 =	vmand vm10, vm11;
	vm0 =	vmand vm0, vm1;
	v5 =	vsel vm9, v5, v2;
	[tilespmem:$0x90] =	vst v4  }
0x8c: {  	vm13 =	vlt.s32 v61, v1;
	vm14 =	vge.s32 v61, v0;
	v3 =	vsel vm0, v3, v2;
	[tilespmem:$0xA0] =	vst v5  }
0x8d: {  	v63 =	vsub.s32 v61, v0;
	vm15 =	vmand vm14, vm13;
	v4 =	vsel vm12, v62, v2;
	[tilespmem:$0xB0] =	vst v3  }
0x8e: {  	s1 =	sshll.u32 s1, $0x4;
	v3 =	vsel vm15, v63, v2;
	[tilespmem:$0x80] =	vst v4  }
0x8f: {  	s1 =	sadd.s32 s5, s1;
	[tilespmem:$0xC0] =	vst v3  }
0x90: {  	[tilespmem:s17], [sflag:$0x1] =	stream.linear.gather [hbm4b:s1+s4], $0x2800, $0x38;
	[tilespmem:$0xF280] =	vst v63  }
0x91: {  	_ =	swait.ge [sflag:s23], $0x2800  }
0x92: {  	[sflag:s23] =	ssyncset.done $0x0  }
0x93: {  	[sflag:s23] =	ssyncadd.s32 $0xFFFFD800  }
0x94: {  	[spmem:s3] =	stream.indirect.scatter.add.f32 [tilespmem:s19], [sflag:$0x3], $0x80, s24, s21, $0xb8;
	[tilespmem:$0xF280] =	vst v63  }
0x95: {  	_ =	swait.ge [sflag:s16], $0x2800  }
0x96: {  	[sflag:s16] =	ssyncset.done $0x0  }
0x97: {  	[sflag:s16] =	ssyncadd.s32 $0xFFFFD800  }
0x98: {  	_ =	swait.ge [sflag:s20], $0x2800  }
0x99: {  	[sflag:s20] =	ssyncset.done $0x0  }
0x9a: {  	s25 =	sadd.s32 $0x1, s25;
	[sflag:s20] =	ssyncadd.s32 $0xFFFFD800  }
0x9b: {  	p0 =	sne.s32 s25, s12;
	[bflag:$0x0] =	sbarrier.arrive $0xFFFF  }
0x9c: {  	[hbm:s11], [sflag:s7] =	dma.local [spmem:s15], $0x1400  }
.Ltmp1:
0x9d: {  	_ =	swait.ge [sflag:s16], $0x1400;
	(pc) =	sbr.rel @p0 .LBB2_1-.Ltmp1, $3  }
0x9e: {  	[sflag:s16] =	ssyncset.done $0x0  }
0x9f: {  	[sflag:s16] =	ssyncadd.s32 $0xFFFFEC00  }
0xa0: {  	[bflag:$0x0] =	sbarrier.arrive $0xFFFF;
	_ =	sdelay $0x1  }
0xa1: {  	_ =	sfence.sel $0x180000  }
0xa2: {  	[bflag:$0x0] =	sbarrier.arrive $0xFFFF  }
0xa3: {  	_ =	strace $0x90000053  }
0xa4: {  	s0 =	stileid.u32;
	[bflag:$0x2] =	sbarrier.arrive $0xFFFF  }
0xa5: {  	p0 =	sne.s32 s0, $0x0;
	s0 =	rddreg [dreg:$0x3]  }
0xa6: {  	s0 =	sadd.s32 @!p0 $0x100000, s0  }
0xa7: {  	[sflag:s0] =	ssyncadd.tile.s32 @!p0 $0x1;
	_ =	shalt  }
.Lfunc_end2:
_tile_overlayer_lowered:
.L_overlay_start_2:
0xa8: {  	(tag) =	ssettag $0x2  }
0xa9: {  	s0 =	rddreg [dreg:$0x0];
	s2 =	stileid.u32  }
0xaa: {  	s1 =	rddreg [dreg:$0x1];
	p0 =	sne.s32 s2, $0x0  }
0xab: {  	s3 =	rddreg [dreg:$0x2];
	[bflag:$0x3] =	sbarrier.arrive $0xFFFF;
	s2 =	simm.s32 @!p0 $0x1C03  }
0xac: {  	[timem:s3], [sflag:s2] =	dma.local @!p0 [hbm:s0], s1  }
0xad: {  	s0 =	simm.s32 @!p0 $0x3  }
0xae: {  	_ =	swait.ge @!p0 [sflag:s0], s1  }
0xaf: {  	s1 =	ssub.s32 @!p0 $0x0, s1;
	[sflag:s0] =	ssyncset.done @!p0 $0x0  }
0xb0: {  	[sflag:s0] =	ssyncadd.s32 @!p0 s1  }
0xb1: {  	[bflag:$0x3] =	sbarrier.arrive $0xFFFF  }
0xb2: {  	_ =	shalt  }

// kernel: kernel.16.cloned.1.call-start
scs
__scs_entry_jumppad:
0x0: {  	(pc) =	sbr.rel $0x88, $3  }
0x1: {  	(tag) =	ssettag $0x0;
	lr =	simm.s32 $0x1  }
0x2: {  	[smem:$0x3F8B] =	sst lr;
	_ =	strace $0xD0000000  }
0x3: {  	_ = 	snop  }
0x4: {  	_ = 	snop  }
0x5: {  	_ = 	snop  }
0x6: {  	_ = 	snop  }
0x7: {  	_ = 	snop  }
__scs_overlays_trampoline_lowered:
0x8: {  	[smem:$0x3F9A] =	sst s0  }
0x9: {  	[smem:$0x3F9B] =	sst s1  }
0xa: {  	[smem:$0x3F9C] =	sst s2  }
0xb: {  	[smem:$0x3F9D] =	sst s3  }
0xc: {  	[smem:$0x3F9E] =	sst s4  }
0xd: {  	[smem:$0x3F9F] =	sst s5  }
0xe: {  	[smem:$0x3FA0] =	sst s6  }
0xf: {  	[smem:$0x3FA1] =	sst s7  }
0x10: {  	[smem:$0x3FA2] =	sst s8  }
0x11: {  	[smem:$0x3FA3] =	sst s9;
	s0 =	simm.s32 @!p0 $0x0  }
0x12: {  	s1 =	sld [smem:$0x3F89];
	s0 =	simm.s32 @p0 $0x1  }
0x13: {  	[smem:$0x3FA4] =	sst s0;
	s0 =	simm.s32 @!p1 $0x0  }
0x14: {  	s2 =	sld [smem:$0x3F88];
	s0 =	simm.s32 @p1 $0x1  }
0x15: {  	[smem:$0x3FA5] =	sst s0;
	s0 =	simm.s32 @!p2 $0x0  }
0x16: {  	s3 =	sld [smem:$0x3FDB];
	s0 =	simm.s32 @p2 $0x1  }
0x17: {  	s4 =	simm.s32 $0x1BF5;
	[smem:$0x3FA7] =	sst s0  }
0x18: {  	s0 =	sld [smem:$0x3F8A];
	_ =	swait.ge [sflag:s4], $0x0  }
0x19: {  	s7 =	sld [smem:$0x3F8B]  }
0x1a: {  	s8 =	sadd.s32 $0xFFFFE003, lr  }
0x1b: {  	s9 =	sadd.s32 $0xFFFFFEF7, lr;
	s5 =	simm.s32 $0xFFFFFFFF;
	p2 =	slt.u32 s8, $0xFFFFF086  }
0x1c: {  	p1 =	slt.u32 s9, $0xF7A;
	s5 =	simm.s32 @!p2 $0x0  }
0x1d: {  	s5 =	simm.s32 @p1 $0x1;
	p0 =	seq.s32 s7, s2  }
0x1e: {  	s7 =	smul.u32 @!p0 $0xF7A, s2;
	p2 =	seq.s32 @!p0 s5, $0x0  }
0x1f: {  	s9 =	smul.u32 $0xF7A, s1;
	s8 =	simm.s32 @!p0 $0x1BF5;
	p2 =	por !p2, p0  }
0x20: {  	[sflag:s8] =	ssyncset.s32 @!p0 $0xFFFFF086;
	s6 =	sadd.s32 @!p0 s3, s7;
	s7 =	simm.s32 @!p0 $0x108  }
0x21: {  	s3 =	sadd.s32 s3, s9;
	s6 =	sadd.s32 @!p0 $0x88, s6;
	s7 =	simm.s32 @p2 $0x1082  }
0x22: {  	[simem:s7], [sflag:s8] =	dma.local @!p0 [hbm:s6], $0xF7A  }
0x23: {  	s9 =	sor.u32 $0xD0000000, s2;
	s6 =	simm.s32 $0x108;
	_ =	swait.ge @!p0 [sflag:s8], $0x0  }
0x24: {  	s3 =	sadd.s32 $0x88, s3;
	s6 =	simm.s32 @!p1 $0x1082;
	[sflag:s4] =	ssyncset.s32 $0xFFFFF086  }
0x25: {  	[simem:s6], [sflag:s4] =	dma.local [hbm:s3], $0xF7A  }
0x26: {  	[smem:$0x3F8B] =	sst s1;
	(tag) =	ssettag s2;
	_ =	strace s9  }
0x27: {  	s1 =	sld [smem:$0x3F9B]  }
0x28: {  	s2 =	sld [smem:$0x3F9C]  }
0x29: {  	s4 =	sld [smem:$0x3F9E]  }
0x2a: {  	p0 =	seq.s32 s5, $0x0;
	s5 =	sld [smem:$0x3F9F]  }
0x2b: {  	s6 =	sld [smem:$0x3FA0]  }
0x2c: {  	s7 =	sld [smem:$0x3FA1]  }
0x2d: {  	s3 =	simm.s32 $0x108;
	s8 =	sld [smem:$0x3FA2]  }
0x2e: {  	s3 =	simm.s32 @!p0 $0x1082;
	s9 =	sld [smem:$0x3FA3]  }
0x2f: {  	lr =	sadd.s32 s0, s3;
	s0 =	sld [smem:$0x3F9A]  }
0x30: {  	s3 =	sld [smem:$0x3F9D]  }
0x31: {  	[smem:$0x3FA6] =	sst s10  }
0x32: {  	s10 =	sld [smem:$0x3FA4];
	_ =	sdelay $0x3  }
0x33: {  	p0 =	seq.s32 s10, $0x1;
	s10 =	sld [smem:$0x3FA6];
	_ =	sdelay $0x3  }
0x34: {  	[smem:$0x3FA6] =	sst s10  }
0x35: {  	s10 =	sld [smem:$0x3FA5];
	_ =	sdelay $0x3  }
0x36: {  	p1 =	seq.s32 s10, $0x1;
	s10 =	sld [smem:$0x3FA6];
	_ =	sdelay $0x3  }
0x37: {  	[smem:$0x3FA6] =	sst s10  }
0x38: {  	s10 =	sld [smem:$0x3FA7]  }
0x39: {  	_ = 	snop;
	(pc) =	sbr.ind lr, $3  }
0x3a: {  	_ = 	snop  }
0x3b: {  	_ = 	snop  }
0x3c: {  	p2 =	seq.s32 s10, $0x1;
	s10 =	sld [smem:$0x3FA6]  }
0x3d: {  	_ =	shalt  }
0x3e: {  	_ =	shalt  }
0x3f: {  	_ =	shalt  }
0x40: {  	_ =	shalt  }
0x41: {  	_ =	shalt  }
0x42: {  	_ =	shalt  }
0x43: {  	_ =	shalt  }
0x44: {  	_ =	shalt  }
0x45: {  	_ =	shalt  }
0x46: {  	_ =	shalt  }
0x47: {  	_ =	shalt  }
0x48: {  	_ =	shalt  }
0x49: {  	_ =	shalt  }
0x4a: {  	_ =	shalt  }
0x4b: {  	_ =	shalt  }
0x4c: {  	_ =	shalt  }
0x4d: {  	_ =	shalt  }
0x4e: {  	_ =	shalt  }
0x4f: {  	_ =	shalt  }
0x50: {  	_ =	shalt  }
0x51: {  	_ =	shalt  }
0x52: {  	_ =	shalt  }
0x53: {  	_ =	shalt  }
0x54: {  	_ =	shalt  }
0x55: {  	_ =	shalt  }
0x56: {  	_ =	shalt  }
0x57: {  	_ =	shalt  }
0x58: {  	_ =	shalt  }
0x59: {  	_ =	shalt  }
0x5a: {  	_ =	shalt  }
0x5b: {  	_ =	shalt  }
0x5c: {  	_ =	shalt  }
0x5d: {  	_ =	shalt  }
0x5e: {  	_ =	shalt  }
0x5f: {  	_ =	shalt  }
0x60: {  	_ =	shalt  }
0x61: {  	_ =	shalt  }
0x62: {  	_ =	shalt  }
0x63: {  	_ =	shalt  }
0x64: {  	_ =	shalt  }
0x65: {  	_ =	shalt  }
0x66: {  	_ =	shalt  }
0x67: {  	_ =	shalt  }
0x68: {  	_ =	shalt  }
0x69: {  	_ =	shalt  }
0x6a: {  	_ =	shalt  }
0x6b: {  	_ =	shalt  }
0x6c: {  	_ =	shalt  }
0x6d: {  	_ =	shalt  }
0x6e: {  	_ =	shalt  }
0x6f: {  	_ =	shalt  }
0x70: {  	_ =	shalt  }
0x71: {  	_ =	shalt  }
0x72: {  	_ =	shalt  }
0x73: {  	_ =	shalt  }
0x74: {  	_ =	shalt  }
0x75: {  	_ =	shalt  }
0x76: {  	_ =	shalt  }
0x77: {  	_ =	shalt  }
0x78: {  	_ =	shalt  }
0x79: {  	_ =	shalt  }
0x7a: {  	_ =	shalt  }
0x7b: {  	_ =	shalt  }
0x7c: {  	_ =	shalt  }
0x7d: {  	_ =	shalt  }
0x7e: {  	_ =	shalt  }
0x7f: {  	_ =	shalt  }
0x80: {  	_ =	shalt  }
0x81: {  	_ =	shalt  }
0x82: {  	_ =	shalt  }
0x83: {  	_ =	shalt  }
0x84: {  	_ =	shalt  }
0x85: {  	_ =	shalt  }
0x86: {  	_ =	shalt  }
0x87: {  	_ =	shalt  }
.Lfunc_end0:
.L_simem_size_0:
called_computation.4_lowered:
.L_overlay_start_0:
0x88: {  	s2 =	sld [smem:$0x3FD9]  }
0x89: {  	s3 =	sld [smem:$0x3FFE];
	_ =	sdelay $0x1  }
0x8a: {  	s1 =	srdreg.scid  }
0x8b: {  	s0 =	sand.u32 $0x1, s1  }
0x8c: {  	s16 =	sshll.u32 s0, $0xA;
	s2 =	sadd.s32 s3, s2  }
0x8d: {  	s2 =	sadd.s32 s2, s16  }
0x8e: {  	[smem:$0x3FB2] =	sst s2  }
0x8f: {  	_ = 	snop  }
0x90: {  	(tm) =	ssettm $0x1  }
0x91: {  	s17 =	sld [smem:$0x3FFB];
	_ =	sdelay $0x3  }
0x92: {  	_ =	strace s17  }
0x93: {  	s2 =	sld [smem:$0x3FFC];
	_ =	sdelay $0x3  }
0x94: {  	_ =	strace s2  }
0x95: {  	s2 =	sld [smem:$0x3FFD];
	_ =	sdelay $0x3  }
0x96: {  	_ =	strace s2  }
0x97: {  	_ =	strace $0x8FFFFFFF  }
0x98: {  	s18 =	sld [smem:$0x3FDB];
	_ =	sdelay $0x1  }
0x99: {  	s19 =	simm.s32 $_scs_section_size  }
0x9a: {  	s4 =	simm.s32 $_size__tile_overlayer_lowered;
	s5 =	simm.s32 $_tile_overlayer_lowered  }
0x9b: {  	s22 =	simm.s32 $0x1BFF;
	s21 =	sshll.u32 s5, $0x1;
	s2 =	sadd.s32 s19, s18  }
0x9c: {  	s6 =	simm.s32 $0x0;
	s20 =	sshll.u32 s4, $0x1;
	s4 =	sadd.s32 s21, s2  }
0x9d: {  	[timem:s6], [sflag:s22] =	dma.local [hbm:s4], s20  }
0x9e: {  	_ =	swait.ge [sflag:s22], s20  }
0x9f: {  	s3 =	ssub.s32 $0x0, s20;
	[sflag:s22] =	ssyncset.done $0x0  }
0xa0: {  	[sflag:s22] =	ssyncadd.s32 s3;
	_ =	sdelay $0x1  }
0xa1: {  	s23 =	simm.s32 $0x1B8B  }
0xa2: {  	_ =	swait.ge [sflag:s23], $0x1  }
0xa3: {  	[sflag:s23] =	ssyncset.done $0x0  }
0xa4: {  	s25 =	simm.s32 $0x1B8E;
	s24 =	sld [smem:$0x3FFE];
	[sflag:s23] =	ssyncadd.s32 $0xFFFFFFFF  }
0xa5: {  	s26 =	simm.s32 $execute0_lowered;
	[smem:$0x3FD2] =	sst s25  }
0xa6: {  	s4 =	sshll.u32 s26, $0x1;
	_ =	strace $0x80000046;
	[dreg:$0x1] =	wrdreg $0xFFFFFFFF  }
0xa7: {  	s28 =	simm.s32 $_size_execute0_lowered;
	s2 =	sadd.s32 s2, s4;
	[dreg:$0x0] =	wrdreg $0x0  }
0xa8: {  	s4 =	sshll.u32 s28, $0x1;
	[dreg:$0x2] =	wrdreg s2  }
0xa9: {  	[dreg:$0x3] =	wrdreg s4  }
0xaa: {  	[dreg:$0x4] =	wrdreg $0xC0  }
0xab: {  	_ =	task [dreg:s6], $0x5FFFF  }
0xac: {  	[dreg:$0x1] =	wrdreg $0xFFFFFFFF  }
0xad: {  	[dreg:$0x0] =	wrdreg $0x60  }
0xae: {  	[dreg:$0x2] =	wrdreg s24  }
0xaf: {  	[dreg:$0x3] =	wrdreg $0xA  }
0xb0: {  	_ =	task.clear_ibuf [dreg:s6], $0x4FFFF;
	_ =	strace $0x90000046  }
0xb1: {  	s29 =	simm.s32 $0xA;
	_ =	strace $0x80000048  }
0xb2: {  	_ =	swait.ge [sflag:s29], $0x1  }
0xb3: {  	[sflag:s29] =	ssyncadd.s32 $0xFFFFFFFF  }
0xb4: {  	_ =	strace $0x90000048  }
0xb5: {  	_ =	sfence  }
0xb6: {  	s30 =	sld [smem:$0x0];
	_ =	sdelay $0x2  }
0xb7: {  	s31 =	sshll.u32 s1, $0xD;
	s1 =	sshrl.u32 s1, $0x2  }
0xb8: {  	s3 =	sand.u32 $0x4000, s31;
	s1 =	sadd.s32 s1, s30  }
0xb9: {  	s0 =	sor.u32 s3, s0;
	s1 =	sshll.u32 s1, $0x11  }
0xba: {  	s0 =	sor.u32 s1, s0  }
0xbb: {  	s0 =	sadd.s32 $0x8F2B, s0  }
0xbc: {  	[sflag:s0] =	ssyncadd.remote.s32 $0x1  }
0xbd: {  	_ =	sfence.sel $0xFFFF  }
0xbe: {  	[dreg:$0x0] =	wrdreg $0xFFFFFFFF;
	(pc) =	sbr.abs _section_cstart, $3  }
0xbf: {  	[dreg:$0x1] =	wrdreg $0xFFFFFFFF  }
0xc0: {  	_ =	task.clear_ibuf [dreg:s6], $0x2FFFF;
	_ =	strace $0x9FFFFFFF  }
0xc1: {  	(tm) =	ssettm $0x7FFFFFFF  }
tec
execute0_lowered:
.L_overlay_start_1:
0x0: {  	(tag) =	ssettag $0x1  }
0x1: {  	s5 =	rddreg [dreg:$0x0]  }
0x2: {  	s0 =	rddreg [dreg:$0x1];
	s2 =	simm.s32 $0x0  }
0x3: {  	s3 =	srdreg.scid;
	s1 =	stileid.u32;
	s16 =	simm.s32 $0x6500  }
0x4: {  	s17 =	simm.s32 $0x6600;
	s18 =	simm.s32 $0x1;
	s19 =	simm.s32 $0x2  }
0x5: {  	s20 =	simm.s32 $0x0;
	[smem:$0x7FF] =	sst s2;
	s12 =	smul.u32 $0x4E20, s1  }
0x6: {  	s8 =	sand.u32 $0x1, s3;
	s4 =	sshll.u32 s1, $0x1;
	s14 =	smul.u32 $0x4E200, s1  }
0x7: {  	s3 =	sadd.s32 $0x2200, s5;
	s11 =	sadd.s32 $0x4F7E00, s5;
	s13 =	smul.u32 $0x2710, s8  }
0x8: {  	_ =	strace $0x80000047;
	s7 =	sor.u32 s8, s4;
	s15 =	smul.u32 $0x27100, s8  }
0x9: {  	s6 =	ssub.s32 $0x2, s8;
	s4 =	sadd.s32 $0x4EE000, s5;
	s10 =	smul.u32 $0x2710, s7  }
0xa: {  	s9 =	sshrl.u32 s6, $0x1;
	s28 =	smul.u32 $0x27100, s7;
	s31 =	sadd.s32 s14, s11  }
0xb: {  	s6 =	ssub.s32 s6, s9;
	s12 =	sadd.s32 s13, s12;
	s14 =	sadd.s32 s15, s31  }
0xc: {  	s15 =	simm.s32 $0x100;
	s29 =	sshrl.u32 s10, $0x3;
	s10 =	sadd.s32 $0x2648, s10  }
0xd: {  	s6 =	smax.u32 s6, $0x1;
	s9 =	sadd.s32 s11, s28;
	s13 =	sadd.s32 $0xC8, s12  }
0xe: {  	s12 =	sadd.s32 $0x190, s12;
	s5 =	sadd.s32 s4, s29;
	s30 =	sshrl.u32 s10, $0x3  }
0xf: {  	s8 =	sadd.s32 $0x25800, s9;
	s10 =	sshll.u32 s10, $0x4;
	s13 =	sshrl.u32 s13, $0x3  }
0x10: {  	s7 =	sadd.s32 s4, s30;
	s9 =	sadd.s32 s11, s10;
	s10 =	sadd.s32 $0xC80, s14  }
0x11: {  	s11 =	sadd.s32 s13, s4;
	s13 =	simm.s32 $0x3;
	s14 =	simm.s32 $0xC8  }
.LBB2_1:
0x12: {  	[tilespmem:s2], [sflag:$0x3] =	stream.linear.gather [hbm4b:s5+s2], $0xC8, $0x38;
	[tilespmem:$0xCA00] =	vst v63  }
0x13: {  	_ =	swait.ge [sflag:s13], $0xC8  }
0x14: {  	[sflag:s13] =	ssyncset.done $0x0  }
0x15: {  	[sflag:s13] =	ssyncadd.s32 $0xFFFFFF38  }
0x16: {  	[tilespmem:s15], [sflag:$0x1] =	stream.indirect.gather [hbm4b:s3+s14], $0x80, s2, s14, $0xb8;
	[tilespmem:$0xCA00] =	vst v63  }
0x17: {  	s21 =	sadd.s32 $0x0, s11  }
0x18: {  	[tilespmem:s16], [sflag:$0x3] =	stream.linear.gather [hbm4b:s21+s2], $0xC8, $0x38;
	[tilespmem:$0xCA00] =	vst v63  }
0x19: {  	_ =	swait.ge [sflag:s13], $0xC8  }
0x1a: {  	[sflag:s13] =	ssyncset.done $0x0  }
0x1b: {  	[sflag:s13] =	ssyncadd.s32 $0xFFFFFF38  }
0x1c: {  	[tilespmem:s17], [sflag:$0x2] =	stream.indirect.gather [hbm4b:s3+s14], $0x80, s16, s14, $0xb8;
	[tilespmem:$0xCA00] =	vst v63  }
0x1d: {  	_ =	swait.ge [sflag:s18], $0x6400  }
0x1e: {  	[sflag:s18] =	ssyncset.done $0x0  }
0x1f: {  	s30 =	sadd.s32 $0xFFFFF380, s10;
	[sflag:s18] =	ssyncadd.s32 $0xFFFF9C00  }
0x20: {  	[hbm4b:s30+s2] =	stream.linear.scatter [tilespmem:s15], [sflag:$0x3], $0x6400, $0x38;
	[tilespmem:$0xCA00] =	vst v63  }
0x21: {  	_ =	swait.ge [sflag:s13], $0x6400  }
0x22: {  	s31 =	sshrl.u32 s12, $0x3;
	[sflag:s13] =	ssyncset.done $0x0  }
0x23: {  	s21 =	sadd.s32 s4, s31;
	[sflag:s13] =	ssyncadd.s32 $0xFFFF9C00  }
0x24: {  	[tilespmem:s2], [sflag:$0x3] =	stream.linear.gather [hbm4b:s21+s2], $0xC8, $0x38;
	[tilespmem:$0xCA00] =	vst v63  }
0x25: {  	_ =	swait.ge [sflag:s13], $0xC8  }
0x26: {  	[sflag:s13] =	ssyncset.done $0x0  }
0x27: {  	[sflag:s13] =	ssyncadd.s32 $0xFFFFFF38  }
0x28: {  	[tilespmem:s15], [sflag:$0x1] =	stream.indirect.gather [hbm4b:s3+s14], $0x80, s2, s14, $0xb8;
	[tilespmem:$0xCA00] =	vst v63  }
0x29: {  	_ =	swait.ge [sflag:s19], $0x6400  }
0x2a: {  	[sflag:s19] =	ssyncset.done $0x0  }
0x2b: {  	[sflag:s19] =	ssyncadd.s32 $0xFFFF9C00  }
0x2c: {  	[hbm4b:s10+s2] =	stream.linear.scatter [tilespmem:s17], [sflag:$0x3], $0x6400, $0x38;
	[tilespmem:$0xCA00] =	vst v63  }
0x2d: {  	s23 =	simm.s32 $0x32;
	s24 =	simm.s32 $0x64;
	_ =	swait.ge [sflag:s13], $0x6400  }
0x2e: {  	s22 =	sadd.s32 $0x190, s12;
	s21 =	sadd.s32 $0x1900, s10;
	[sflag:s13] =	ssyncset.done $0x0  }
.LBB2_2:
0x2f: {  	s25 =	sadd.s32 s23, s11  }
0x30: {  	[sflag:s13] =	ssyncadd.s32 $0xFFFF9C00;
	s23 =	smov.u32 s24;
	s26 =	sadd.s32 $0x32, s24  }
0x31: {  	[tilespmem:s16], [sflag:$0x3] =	stream.linear.gather [hbm4b:s25+s2], $0xC8, $0x38;
	[tilespmem:$0xCA00] =	vst v63  }
0x32: {  	p0 =	sne.s32 s24, $0x47E;
	_ =	swait.ge [sflag:s13], $0xC8  }
0x33: {  	[sflag:s13] =	ssyncset.done $0x0  }
0x34: {  	[sflag:s13] =	ssyncadd.s32 $0xFFFFFF38  }
0x35: {  	[tilespmem:s17], [sflag:$0x2] =	stream.indirect.gather [hbm4b:s3+s14], $0x80, s16, s14, $0xb8;
	[tilespmem:$0xCA00] =	vst v63  }
0x36: {  	_ =	swait.ge [sflag:s18], $0x6400  }
0x37: {  	[sflag:s18] =	ssyncset.done $0x0  }
0x38: {  	s24 =	sadd.s32 $0xFFFFF380, s21;
	[sflag:s18] =	ssyncadd.s32 $0xFFFF9C00  }
0x39: {  	[hbm4b:s24+s2] =	stream.linear.scatter [tilespmem:s15], [sflag:$0x3], $0x6400, $0x38;
	[tilespmem:$0xCA00] =	vst v63  }
0x3a: {  	_ =	swait.ge [sflag:s13], $0x6400  }
0x3b: {  	s24 =	sshrl.u32 s22, $0x3;
	[sflag:s13] =	ssyncset.done $0x0  }
0x3c: {  	s24 =	sadd.s32 s4, s24;
	[sflag:s13] =	ssyncadd.s32 $0xFFFF9C00  }
0x3d: {  	[tilespmem:s2], [sflag:$0x3] =	stream.linear.gather [hbm4b:s24+s2], $0xC8, $0x38;
	[tilespmem:$0xCA00] =	vst v63  }
0x3e: {  	_ =	swait.ge [sflag:s13], $0xC8  }
0x3f: {  	[sflag:s13] =	ssyncset.done $0x0  }
0x40: {  	[sflag:s13] =	ssyncadd.s32 $0xFFFFFF38  }
0x41: {  	[tilespmem:s15], [sflag:$0x1] =	stream.indirect.gather [hbm4b:s3+s14], $0x80, s2, s14, $0xb8;
	[tilespmem:$0xCA00] =	vst v63  }
0x42: {  	_ =	swait.ge [sflag:s19], $0x6400  }
.Ltmp0:
0x43: {  	[sflag:s19] =	ssyncset.done $0x0;
	(pc) =	sbr.rel @p0 .LBB2_2-.Ltmp0, $4  }
0x44: {  	[sflag:s19] =	ssyncadd.s32 $0xFFFF9C00  }
0x45: {  	[hbm4b:s21+s2] =	stream.linear.scatter [tilespmem:s17], [sflag:$0x3], $0x6400, $0x38;
	[tilespmem:$0xCA00] =	vst v63  }
0x46: {  	s22 =	sadd.s32 $0x190, s22;
	_ =	swait.ge [sflag:s13], $0x6400  }
0x47: {  	s24 =	smov.u32 s26;
	s21 =	sadd.s32 $0x1900, s21;
	[sflag:s13] =	ssyncset.done $0x0  }
0x48: {  	s23 =	sadd.s32 s23, s11;
	[sflag:s13] =	ssyncadd.s32 $0xFFFF9C00  }
0x49: {  	[tilespmem:s16], [sflag:$0x3] =	stream.linear.gather [hbm4b:s23+s2], $0xC8, $0x38;
	[tilespmem:$0xCA00] =	vst v63  }
0x4a: {  	_ =	swait.ge [sflag:s13], $0xC8  }
0x4b: {  	[sflag:s13] =	ssyncset.done $0x0  }
0x4c: {  	[sflag:s13] =	ssyncadd.s32 $0xFFFFFF38  }
0x4d: {  	[tilespmem:s17], [sflag:$0x2] =	stream.indirect.gather [hbm4b:s3+s14], $0x80, s16, s14, $0xb8;
	[tilespmem:$0xCA00] =	vst v63  }
0x4e: {  	_ =	swait.ge [sflag:s18], $0x6400  }
0x4f: {  	[sflag:s18] =	ssyncset.done $0x0  }
0x50: {  	s31 =	sadd.s32 $0xFFFFF380, s21;
	[sflag:s18] =	ssyncadd.s32 $0xFFFF9C00  }
0x51: {  	[hbm4b:s31+s2] =	stream.linear.scatter [tilespmem:s15], [sflag:$0x3], $0x6400, $0x38;
	[tilespmem:$0xCA00] =	vst v63  }
0x52: {  	_ =	swait.ge [sflag:s13], $0x6400  }
0x53: {  	s22 =	sshrl.u32 s22, $0x3;
	[sflag:s13] =	ssyncset.done $0x0  }
0x54: {  	s22 =	sadd.s32 s4, s22;
	[sflag:s13] =	ssyncadd.s32 $0xFFFF9C00  }
0x55: {  	[tilespmem:s2], [sflag:$0x3] =	stream.linear.gather [hbm4b:s22+s2], $0xC8, $0x38;
	[tilespmem:$0xCA00] =	vst v63  }
0x56: {  	_ =	swait.ge [sflag:s13], $0xC8  }
0x57: {  	[sflag:s13] =	ssyncset.done $0x0  }
0x58: {  	[sflag:s13] =	ssyncadd.s32 $0xFFFFFF38  }
0x59: {  	[tilespmem:s15], [sflag:$0x1] =	stream.indirect.gather [hbm4b:s3+s14], $0x80, s2, s14, $0xb8;
	[tilespmem:$0xCA00] =	vst v63  }
0x5a: {  	_ =	swait.ge [sflag:s19], $0x6400  }
0x5b: {  	[sflag:s19] =	ssyncset.done $0x0  }
0x5c: {  	[sflag:s19] =	ssyncadd.s32 $0xFFFF9C00  }
0x5d: {  	[hbm4b:s21+s2] =	stream.linear.scatter [tilespmem:s17], [sflag:$0x3], $0x6400, $0x38;
	[tilespmem:$0xCA00] =	vst v63  }
0x5e: {  	_ =	swait.ge [sflag:s13], $0x6400  }
0x5f: {  	[sflag:s13] =	ssyncset.done $0x0  }
0x60: {  	[sflag:s13] =	ssyncadd.s32 $0xFFFF9C00  }
0x61: {  	[tilespmem:s16], [sflag:$0x3] =	stream.linear.gather [hbm4b:s7+s2], $0xC8, $0x38;
	[tilespmem:$0xCA00] =	vst v63  }
0x62: {  	_ =	swait.ge [sflag:s13], $0xC8  }
0x63: {  	[sflag:s13] =	ssyncset.done $0x0  }
0x64: {  	[sflag:s13] =	ssyncadd.s32 $0xFFFFFF38  }
0x65: {  	[tilespmem:s17], [sflag:$0x2] =	stream.indirect.gather [hbm4b:s3+s14], $0x80, s16, s14, $0xb8;
	[tilespmem:$0xCA00] =	vst v63  }
0x66: {  	_ =	swait.ge [sflag:s18], $0x6400  }
0x67: {  	[sflag:s18] =	ssyncset.done $0x0  }
0x68: {  	[sflag:s18] =	ssyncadd.s32 $0xFFFF9C00  }
0x69: {  	[hbm4b:s8+s2] =	stream.linear.scatter [tilespmem:s15], [sflag:$0x3], $0x6400, $0x38;
	[tilespmem:$0xCA00] =	vst v63  }
0x6a: {  	_ =	swait.ge [sflag:s13], $0x6400  }
0x6b: {  	[sflag:s13] =	ssyncset.done $0x0  }
0x6c: {  	[sflag:s13] =	ssyncadd.s32 $0xFFFF9C00  }
0x6d: {  	[tilespmem:s2], [sflag:$0x3] =	stream.linear.gather [hbm4b:s7+s2], $0xC8, $0x38;
	[tilespmem:$0xCA00] =	vst v63  }
0x6e: {  	_ =	swait.ge [sflag:s13], $0xC8  }
0x6f: {  	[sflag:s13] =	ssyncset.done $0x0  }
0x70: {  	[sflag:s13] =	ssyncadd.s32 $0xFFFFFF38  }
0x71: {  	[tilespmem:s15], [sflag:$0x1] =	stream.indirect.gather [hbm4b:s3+s14], $0x80, s2, s14, $0xb8;
	[tilespmem:$0xCA00] =	vst v63  }
0x72: {  	_ =	swait.ge [sflag:s19], $0x6400  }
0x73: {  	[sflag:s19] =	ssyncset.done $0x0  }
0x74: {  	s20 =	sadd.s32 $0x1, s20;
	[sflag:s19] =	ssyncadd.s32 $0xFFFF9C00  }
0x75: {  	[hbm4b:s9+s2] =	stream.linear.scatter [tilespmem:s17], [sflag:$0x3], $0x6400, $0x38;
	[tilespmem:$0xCA00] =	vst v63  }
0x76: {  	p0 =	sne.s32 s20, s6;
	_ =	swait.ge [sflag:s13], $0x6400  }
.Ltmp1:
0x77: {  	[sflag:s13] =	ssyncset.done $0x0;
	(pc) =	sbr.rel @p0 .LBB2_1-.Ltmp1, $4  }
0x78: {  	[sflag:s13] =	ssyncadd.s32 $0xFFFF9C00  }
0x79: {  	_ =	swait.ge [sflag:s18], $0x6400  }
0x7a: {  	[sflag:s18] =	ssyncset.done $0x0  }
0x7b: {  	[sflag:s18] =	ssyncadd.s32 $0xFFFF9C00  }
0x7c: {  	_ =	sfence.sel $0x180000  }
0x7d: {  	[bflag:$0x0] =	sbarrier.arrive $0xFFFF  }
0x7e: {  	p0 =	sne.s32 s1, $0x0;
	_ =	strace $0x90000047  }
0x7f: {  	s0 =	sadd.s32 @!p0 $0x100000, s0;
	[bflag:$0x2] =	sbarrier.arrive $0xFFFF  }
0x80: {  	[sflag:s0] =	ssyncadd.tile.s32 @!p0 $0x1;
	_ =	shalt  }
.Lfunc_end2:
_tile_overlayer_lowered:
.L_overlay_start_2:
0x81: {  	(tag) =	ssettag $0x2  }
0x82: {  	s0 =	rddreg [dreg:$0x0];
	s2 =	stileid.u32  }
0x83: {  	s1 =	rddreg [dreg:$0x1];
	p0 =	sne.s32 s2, $0x0  }
0x84: {  	s3 =	rddreg [dreg:$0x2];
	[bflag:$0x3] =	sbarrier.arrive $0xFFFF;
	s2 =	simm.s32 @!p0 $0x1C03  }
0x85: {  	[timem:s3], [sflag:s2] =	dma.local @!p0 [hbm:s0], s1  }
0x86: {  	s0 =	simm.s32 @!p0 $0x3  }
0x87: {  	_ =	swait.ge @!p0 [sflag:s0], s1  }
0x88: {  	s1 =	ssub.s32 @!p0 $0x0, s1;
	[sflag:s0] =	ssyncset.done @!p0 $0x0  }
0x89: {  	[sflag:s0] =	ssyncadd.s32 @!p0 s1  }
0x8a: {  	[bflag:$0x3] =	sbarrier.arrive $0xFFFF  }
0x8b: {  	_ =	shalt  }

// kernel: kernel.19.cloned.1.call-start
scs
__scs_entry_jumppad:
0x0: {  	(pc) =	sbr.rel $0x88, $3  }
0x1: {  	(tag) =	ssettag $0x0;
	lr =	simm.s32 $0x1  }
0x2: {  	[smem:$0x3F8B] =	sst lr;
	_ =	strace $0xD0000000  }
0x3: {  	_ = 	snop  }
0x4: {  	_ = 	snop  }
0x5: {  	_ = 	snop  }
0x6: {  	_ = 	snop  }
0x7: {  	_ = 	snop  }
__scs_overlays_trampoline_lowered:
0x8: {  	[smem:$0x3F9A] =	sst s0  }
0x9: {  	[smem:$0x3F9B] =	sst s1  }
0xa: {  	[smem:$0x3F9C] =	sst s2  }
0xb: {  	[smem:$0x3F9D] =	sst s3  }
0xc: {  	[smem:$0x3F9E] =	sst s4  }
0xd: {  	[smem:$0x3F9F] =	sst s5  }
0xe: {  	[smem:$0x3FA0] =	sst s6  }
0xf: {  	[smem:$0x3FA1] =	sst s7  }
0x10: {  	[smem:$0x3FA2] =	sst s8  }
0x11: {  	[smem:$0x3FA3] =	sst s9;
	s0 =	simm.s32 @!p0 $0x0  }
0x12: {  	s1 =	sld [smem:$0x3F89];
	s0 =	simm.s32 @p0 $0x1  }
0x13: {  	[smem:$0x3FA4] =	sst s0;
	s0 =	simm.s32 @!p1 $0x0  }
0x14: {  	s2 =	sld [smem:$0x3F88];
	s0 =	simm.s32 @p1 $0x1  }
0x15: {  	[smem:$0x3FA5] =	sst s0;
	s0 =	simm.s32 @!p2 $0x0  }
0x16: {  	s3 =	sld [smem:$0x3FDB];
	s0 =	simm.s32 @p2 $0x1  }
0x17: {  	s4 =	simm.s32 $0x1BF5;
	[smem:$0x3FA7] =	sst s0  }
0x18: {  	s0 =	sld [smem:$0x3F8A];
	_ =	swait.ge [sflag:s4], $0x0  }
0x19: {  	s7 =	sld [smem:$0x3F8B]  }
0x1a: {  	s8 =	sadd.s32 $0xFFFFE003, lr  }
0x1b: {  	s9 =	sadd.s32 $0xFFFFFEF7, lr;
	s5 =	simm.s32 $0xFFFFFFFF;
	p2 =	slt.u32 s8, $0xFFFFF086  }
0x1c: {  	p1 =	slt.u32 s9, $0xF7A;
	s5 =	simm.s32 @!p2 $0x0  }
0x1d: {  	s5 =	simm.s32 @p1 $0x1;
	p0 =	seq.s32 s7, s2  }
0x1e: {  	s7 =	smul.u32 @!p0 $0xF7A, s2;
	p2 =	seq.s32 @!p0 s5, $0x0  }
0x1f: {  	s9 =	smul.u32 $0xF7A, s1;
	s8 =	simm.s32 @!p0 $0x1BF5;
	p2 =	por !p2, p0  }
0x20: {  	[sflag:s8] =	ssyncset.s32 @!p0 $0xFFFFF086;
	s6 =	sadd.s32 @!p0 s3, s7;
	s7 =	simm.s32 @!p0 $0x108  }
0x21: {  	s3 =	sadd.s32 s3, s9;
	s6 =	sadd.s32 @!p0 $0x88, s6;
	s7 =	simm.s32 @p2 $0x1082  }
0x22: {  	[simem:s7], [sflag:s8] =	dma.local @!p0 [hbm:s6], $0xF7A  }
0x23: {  	s9 =	sor.u32 $0xD0000000, s2;
	s6 =	simm.s32 $0x108;
	_ =	swait.ge @!p0 [sflag:s8], $0x0  }
0x24: {  	s3 =	sadd.s32 $0x88, s3;
	s6 =	simm.s32 @!p1 $0x1082;
	[sflag:s4] =	ssyncset.s32 $0xFFFFF086  }
0x25: {  	[simem:s6], [sflag:s4] =	dma.local [hbm:s3], $0xF7A  }
0x26: {  	[smem:$0x3F8B] =	sst s1;
	(tag) =	ssettag s2;
	_ =	strace s9  }
0x27: {  	s1 =	sld [smem:$0x3F9B]  }
0x28: {  	s2 =	sld [smem:$0x3F9C]  }
0x29: {  	s4 =	sld [smem:$0x3F9E]  }
0x2a: {  	p0 =	seq.s32 s5, $0x0;
	s5 =	sld [smem:$0x3F9F]  }
0x2b: {  	s6 =	sld [smem:$0x3FA0]  }
0x2c: {  	s7 =	sld [smem:$0x3FA1]  }
0x2d: {  	s3 =	simm.s32 $0x108;
	s8 =	sld [smem:$0x3FA2]  }
0x2e: {  	s3 =	simm.s32 @!p0 $0x1082;
	s9 =	sld [smem:$0x3FA3]  }
0x2f: {  	lr =	sadd.s32 s0, s3;
	s0 =	sld [smem:$0x3F9A]  }
0x30: {  	s3 =	sld [smem:$0x3F9D]  }
0x31: {  	[smem:$0x3FA6] =	sst s10  }
0x32: {  	s10 =	sld [smem:$0x3FA4];
	_ =	sdelay $0x3  }
0x33: {  	p0 =	seq.s32 s10, $0x1;
	s10 =	sld [smem:$0x3FA6];
	_ =	sdelay $0x3  }
0x34: {  	[smem:$0x3FA6] =	sst s10  }
0x35: {  	s10 =	sld [smem:$0x3FA5];
	_ =	sdelay $0x3  }
0x36: {  	p1 =	seq.s32 s10, $0x1;
	s10 =	sld [smem:$0x3FA6];
	_ =	sdelay $0x3  }
0x37: {  	[smem:$0x3FA6] =	sst s10  }
0x38: {  	s10 =	sld [smem:$0x3FA7]  }
0x39: {  	_ = 	snop;
	(pc) =	sbr.ind lr, $3  }
0x3a: {  	_ = 	snop  }
0x3b: {  	_ = 	snop  }
0x3c: {  	p2 =	seq.s32 s10, $0x1;
	s10 =	sld [smem:$0x3FA6]  }
0x3d: {  	_ =	shalt  }
0x3e: {  	_ =	shalt  }
0x3f: {  	_ =	shalt  }
0x40: {  	_ =	shalt  }
0x41: {  	_ =	shalt  }
0x42: {  	_ =	shalt  }
0x43: {  	_ =	shalt  }
0x44: {  	_ =	shalt  }
0x45: {  	_ =	shalt  }
0x46: {  	_ =	shalt  }
0x47: {  	_ =	shalt  }
0x48: {  	_ =	shalt  }
0x49: {  	_ =	shalt  }
0x4a: {  	_ =	shalt  }
0x4b: {  	_ =	shalt  }
0x4c: {  	_ =	shalt  }
0x4d: {  	_ =	shalt  }
0x4e: {  	_ =	shalt  }
0x4f: {  	_ =	shalt  }
0x50: {  	_ =	shalt  }
0x51: {  	_ =	shalt  }
0x52: {  	_ =	shalt  }
0x53: {  	_ =	shalt  }
0x54: {  	_ =	shalt  }
0x55: {  	_ =	shalt  }
0x56: {  	_ =	shalt  }
0x57: {  	_ =	shalt  }
0x58: {  	_ =	shalt  }
0x59: {  	_ =	shalt  }
0x5a: {  	_ =	shalt  }
0x5b: {  	_ =	shalt  }
0x5c: {  	_ =	shalt  }
0x5d: {  	_ =	shalt  }
0x5e: {  	_ =	shalt  }
0x5f: {  	_ =	shalt  }
0x60: {  	_ =	shalt  }
0x61: {  	_ =	shalt  }
0x62: {  	_ =	shalt  }
0x63: {  	_ =	shalt  }
0x64: {  	_ =	shalt  }
0x65: {  	_ =	shalt  }
0x66: {  	_ =	shalt  }
0x67: {  	_ =	shalt  }
0x68: {  	_ =	shalt  }
0x69: {  	_ =	shalt  }
0x6a: {  	_ =	shalt  }
0x6b: {  	_ =	shalt  }
0x6c: {  	_ =	shalt  }
0x6d: {  	_ =	shalt  }
0x6e: {  	_ =	shalt  }
0x6f: {  	_ =	shalt  }
0x70: {  	_ =	shalt  }
0x71: {  	_ =	shalt  }
0x72: {  	_ =	shalt  }
0x73: {  	_ =	shalt  }
0x74: {  	_ =	shalt  }
0x75: {  	_ =	shalt  }
0x76: {  	_ =	shalt  }
0x77: {  	_ =	shalt  }
0x78: {  	_ =	shalt  }
0x79: {  	_ =	shalt  }
0x7a: {  	_ =	shalt  }
0x7b: {  	_ =	shalt  }
0x7c: {  	_ =	shalt  }
0x7d: {  	_ =	shalt  }
0x7e: {  	_ =	shalt  }
0x7f: {  	_ =	shalt  }
0x80: {  	_ =	shalt  }
0x81: {  	_ =	shalt  }
0x82: {  	_ =	shalt  }
0x83: {  	_ =	shalt  }
0x84: {  	_ =	shalt  }
0x85: {  	_ =	shalt  }
0x86: {  	_ =	shalt  }
0x87: {  	_ =	shalt  }
.Lfunc_end0:
.L_simem_size_0:
called_computation.5_lowered:
.L_overlay_start_0:
0x88: {  	s2 =	sld [smem:$0x3FD9]  }
0x89: {  	s3 =	sld [smem:$0x3FFE];
	_ =	sdelay $0x1  }
0x8a: {  	s1 =	srdreg.scid  }
0x8b: {  	s0 =	sand.u32 $0x1, s1  }
0x8c: {  	s17 =	sshll.u32 s0, $0xA;
	s2 =	sadd.s32 s3, s2  }
0x8d: {  	s2 =	sadd.s32 s2, s17  }
0x8e: {  	[smem:$0x3FB2] =	sst s2  }
0x8f: {  	_ = 	snop  }
0x90: {  	(tm) =	ssettm $0x1  }
0x91: {  	s18 =	sld [smem:$0x3FFB];
	_ =	sdelay $0x3  }
0x92: {  	_ =	strace s18  }
0x93: {  	s2 =	sld [smem:$0x3FFC];
	_ =	sdelay $0x3  }
0x94: {  	_ =	strace s2  }
0x95: {  	s2 =	sld [smem:$0x3FFD];
	_ =	sdelay $0x3  }
0x96: {  	_ =	strace s2  }
0x97: {  	_ =	strace $0x8FFFFFFF  }
0x98: {  	s19 =	sld [smem:$0x3FDB];
	_ =	sdelay $0x1  }
0x99: {  	s20 =	simm.s32 $_scs_section_size  }
0x9a: {  	s4 =	simm.s32 $_size__tile_overlayer_lowered;
	s5 =	simm.s32 $_tile_overlayer_lowered  }
0x9b: {  	s6 =	simm.s32 $0x1BFF;
	s21 =	sshll.u32 s5, $0x1;
	s3 =	sadd.s32 s20, s19  }
0x9c: {  	s22 =	simm.s32 $0x0;
	s4 =	sshll.u32 s4, $0x1;
	s5 =	sadd.s32 s21, s3  }
0x9d: {  	[timem:s22], [sflag:s6] =	dma.local [hbm:s5], s4  }
0x9e: {  	_ =	swait.ge [sflag:s6], s4  }
0x9f: {  	s4 =	ssub.s32 $0x0, s4;
	[sflag:s6] =	ssyncset.done $0x0  }
0xa0: {  	[sflag:s6] =	ssyncadd.s32 s4;
	_ =	sdelay $0x1  }
0xa1: {  	s23 =	simm.s32 $0x1B8B  }
0xa2: {  	_ =	swait.ge [sflag:s23], $0x1  }
0xa3: {  	[sflag:s23] =	ssyncset.done $0x0  }
0xa4: {  	[sflag:s23] =	ssyncadd.s32 $0xFFFFFFFF  }
0xa5: {  	s4 =	sld [smem:$0x0]  }
0xa6: {  	s5 =	sand.u32 $0xFFFFFFFE, s1  }
0xa7: {  	p0 =	sne.s32 s1, s5  }
0xa8: {  	s5 =	sshll.u32 @p0 s5, $0xE  }
0xa9: {  	s5 =	sadd.s32 @p0 $0x11B8D, s5;
	s6 =	sshll.u32 @p0 s4, $0x11  }
0xaa: {  	s5 =	sor.u32 @p0 s6, s5  }
0xab: {  	[sflag:s5] =	ssyncadd.remote.s32 @p0 $0x1;
	_ =	sdelay $0x1  }
0xac: {  	s5 =	simm.s32 @p0 $0x1B8D  }
0xad: {  	_ =	swait.eq @p0 [sflag:s5], $0x1  }
0xae: {  	[sflag:s5] =	ssyncadd.s32 @p0 $0xFFFFFFFF  }
0xaf: {  	s6 =	sshll.u32 @!p0 s1, $0xE  }
0xb0: {  	s6 =	sor.u32 @!p0 $0x4000, s6;
	s5 =	simm.s32 @!p0 $0x1B8D  }
0xb1: {  	s4 =	sshll.u32 @!p0 s4, $0x11;
	s6 =	sadd.s32 @!p0 $0x11B8D, s6;
	_ =	swait.eq @!p0 [sflag:s5], $0x1  }
0xb2: {  	s4 =	sor.u32 @!p0 s4, s6;
	[sflag:s5] =	ssyncadd.s32 @!p0 $0xFFFFFFFF  }
0xb3: {  	s25 =	simm.s32 $0x1B8E;
	s24 =	sld [smem:$0x3FFE];
	[sflag:s4] =	ssyncadd.remote.s32 @!p0 $0x1  }
0xb4: {  	s26 =	simm.s32 $execute0_lowered;
	[smem:$0x3FD2] =	sst s25  }
0xb5: {  	s5 =	sshll.u32 s26, $0x1;
	_ =	strace $0x80000049;
	[dreg:$0x1] =	wrdreg $0xFFFFFFFF  }
0xb6: {  	s28 =	simm.s32 $_size_execute0_lowered;
	s3 =	sadd.s32 s3, s5;
	[dreg:$0x0] =	wrdreg $0x0  }
0xb7: {  	s5 =	sshll.u32 s28, $0x1;
	[dreg:$0x2] =	wrdreg s3  }
0xb8: {  	[dreg:$0x3] =	wrdreg s5  }
0xb9: {  	[dreg:$0x4] =	wrdreg $0xC0  }
0xba: {  	_ =	task [dreg:s22], $0x5FFFF  }
0xbb: {  	[dreg:$0x1] =	wrdreg $0xFFFFFFFF  }
0xbc: {  	[dreg:$0x0] =	wrdreg $0x60  }
0xbd: {  	[dreg:$0x2] =	wrdreg s24  }
0xbe: {  	[dreg:$0x3] =	wrdreg $0xB  }
0xbf: {  	_ =	task.clear_ibuf [dreg:s22], $0x4FFFF;
	_ =	strace $0x90000049  }
0xc0: {  	s29 =	simm.s32 $0xB;
	_ =	strace $0x8000004B  }
0xc1: {  	_ =	swait.ge [sflag:s29], $0x1  }
0xc2: {  	[sflag:s29] =	ssyncadd.s32 $0xFFFFFFFF  }
0xc3: {  	_ =	strace $0x9000004B  }
0xc4: {  	_ =	sfence  }
0xc5: {  	s30 =	sld [smem:$0x0];
	_ =	sdelay $0x2  }
0xc6: {  	s31 =	sshll.u32 s1, $0xD;
	s1 =	sshrl.u32 s1, $0x2  }
0xc7: {  	s4 =	sand.u32 $0x4000, s31;
	s1 =	sadd.s32 s1, s30  }
0xc8: {  	s0 =	sor.u32 s4, s0;
	s1 =	sshll.u32 s1, $0x11  }
0xc9: {  	s0 =	sor.u32 s1, s0  }
0xca: {  	s0 =	sadd.s32 $0x8F2B, s0  }
0xcb: {  	[sflag:s0] =	ssyncadd.remote.s32 $0x1  }
0xcc: {  	_ =	sfence.sel $0xFFFF  }
0xcd: {  	[dreg:$0x0] =	wrdreg $0xFFFFFFFF;
	(pc) =	sbr.abs _section_cstart, $3  }
0xce: {  	[dreg:$0x1] =	wrdreg $0xFFFFFFFF  }
0xcf: {  	_ =	task.clear_ibuf [dreg:s22], $0x2FFFF;
	_ =	strace $0x9FFFFFFF  }
0xd0: {  	(tm) =	ssettm $0x7FFFFFFF  }
0xd1: {  	_ =	shalt  }
tec
execute0_lowered:
.L_overlay_start_1:
0x0: {  	(tag) =	ssettag $0x1  }
0x1: {  	s5 =	rddreg [dreg:$0x0]  }
0x2: {  	s0 =	rddreg [dreg:$0x1];
	s2 =	simm.s32 $0x0  }
0x3: {  	s3 =	srdreg.scid;
	s1 =	stileid.u32;
	s16 =	simm.s32 $0x6500  }
0x4: {  	s17 =	simm.s32 $0x6600;
	s18 =	simm.s32 $0x1;
	s19 =	simm.s32 $0x2  }
0x5: {  	s20 =	simm.s32 $0x0;
	[smem:$0x7FF] =	sst s2;
	s12 =	smul.u32 $0x4E20, s1  }
0x6: {  	s8 =	sand.u32 $0x1, s3;
	s3 =	sadd.s32 $0xF33E00, s5;
	s14 =	smul.u32 $0x4E200, s1  }
0x7: {  	s4 =	sshll.u32 s1, $0x1;
	s11 =	sadd.s32 $0xF5BE00, s5;
	s13 =	smul.u32 $0x2710, s8  }
0x8: {  	_ =	strace $0x8000004A;
	s7 =	sor.u32 s8, s4;
	s15 =	smul.u32 $0x27100, s8  }
0x9: {  	s6 =	ssub.s32 $0x2, s8;
	s4 =	sadd.s32 $0xEBBE00, s5;
	s10 =	smul.u32 $0x2710, s7  }
0xa: {  	s9 =	sshrl.u32 s6, $0x1;
	s28 =	smul.u32 $0x27100, s7;
	s31 =	sadd.s32 s14, s11  }
0xb: {  	s6 =	ssub.s32 s6, s9;
	s12 =	sadd.s32 s13, s12;
	s14 =	sadd.s32 s15, s31  }
0xc: {  	s15 =	simm.s32 $0x100;
	s29 =	sshrl.u32 s10, $0x3;
	s10 =	sadd.s32 $0x2648, s10  }
0xd: {  	s6 =	smax.u32 s6, $0x1;
	s9 =	sadd.s32 s11, s28;
	s13 =	sadd.s32 $0xC8, s12  }
0xe: {  	s12 =	sadd.s32 $0x190, s12;
	s5 =	sadd.s32 s4, s29;
	s30 =	sshrl.u32 s10, $0x3  }
0xf: {  	s8 =	sadd.s32 $0x25800, s9;
	s10 =	sshll.u32 s10, $0x4;
	s13 =	sshrl.u32 s13, $0x3  }
0x10: {  	s7 =	sadd.s32 s4, s30;
	s9 =	sadd.s32 s11, s10;
	s10 =	sadd.s32 $0xC80, s14  }
0x11: {  	s11 =	sadd.s32 s13, s4;
	s13 =	simm.s32 $0x3;
	s14 =	simm.s32 $0xC8  }
.LBB2_1:
0x12: {  	[tilespmem:s2], [sflag:$0x3] =	stream.linear.gather [hbm4b:s5+s2], $0xC8, $0x38;
	[tilespmem:$0xCA00] =	vst v63  }
0x13: {  	_ =	swait.ge [sflag:s13], $0xC8  }
0x14: {  	[sflag:s13] =	ssyncset.done $0x0  }
0x15: {  	[sflag:s13] =	ssyncadd.s32 $0xFFFFFF38  }
0x16: {  	[tilespmem:s15], [sflag:$0x1] =	stream.indirect.gather [hbm4b:s3+s14], $0x80, s2, s14, $0xb8;
	[tilespmem:$0xCA00] =	vst v63  }
0x17: {  	s21 =	sadd.s32 $0x0, s11  }
0x18: {  	[tilespmem:s16], [sflag:$0x3] =	stream.linear.gather [hbm4b:s21+s2], $0xC8, $0x38;
	[tilespmem:$0xCA00] =	vst v63  }
0x19: {  	_ =	swait.ge [sflag:s13], $0xC8  }
0x1a: {  	[sflag:s13] =	ssyncset.done $0x0  }
0x1b: {  	[sflag:s13] =	ssyncadd.s32 $0xFFFFFF38  }
0x1c: {  	[tilespmem:s17], [sflag:$0x2] =	stream.indirect.gather [hbm4b:s3+s14], $0x80, s16, s14, $0xb8;
	[tilespmem:$0xCA00] =	vst v63  }
0x1d: {  	_ =	swait.ge [sflag:s18], $0x6400  }
0x1e: {  	[sflag:s18] =	ssyncset.done $0x0  }
0x1f: {  	s30 =	sadd.s32 $0xFFFFF380, s10;
	[sflag:s18] =	ssyncadd.s32 $0xFFFF9C00  }
0x20: {  	[hbm4b:s30+s2] =	stream.linear.scatter [tilespmem:s15], [sflag:$0x3], $0x6400, $0x38;
	[tilespmem:$0xCA00] =	vst v63  }
0x21: {  	_ =	swait.ge [sflag:s13], $0x6400  }
0x22: {  	s31 =	sshrl.u32 s12, $0x3;
	[sflag:s13] =	ssyncset.done $0x0  }
0x23: {  	s21 =	sadd.s32 s4, s31;
	[sflag:s13] =	ssyncadd.s32 $0xFFFF9C00  }
0x24: {  	[tilespmem:s2], [sflag:$0x3] =	stream.linear.gather [hbm4b:s21+s2], $0xC8, $0x38;
	[tilespmem:$0xCA00] =	vst v63  }
0x25: {  	_ =	swait.ge [sflag:s13], $0xC8  }
0x26: {  	[sflag:s13] =	ssyncset.done $0x0  }
0x27: {  	[sflag:s13] =	ssyncadd.s32 $0xFFFFFF38  }
0x28: {  	[tilespmem:s15], [sflag:$0x1] =	stream.indirect.gather [hbm4b:s3+s14], $0x80, s2, s14, $0xb8;
	[tilespmem:$0xCA00] =	vst v63  }
0x29: {  	_ =	swait.ge [sflag:s19], $0x6400  }
0x2a: {  	[sflag:s19] =	ssyncset.done $0x0  }
0x2b: {  	[sflag:s19] =	ssyncadd.s32 $0xFFFF9C00  }
0x2c: {  	[hbm4b:s10+s2] =	stream.linear.scatter [tilespmem:s17], [sflag:$0x3], $0x6400, $0x38;
	[tilespmem:$0xCA00] =	vst v63  }
0x2d: {  	s23 =	simm.s32 $0x32;
	s24 =	simm.s32 $0x64;
	_ =	swait.ge [sflag:s13], $0x6400  }
0x2e: {  	s22 =	sadd.s32 $0x190, s12;
	s21 =	sadd.s32 $0x1900, s10;
	[sflag:s13] =	ssyncset.done $0x0  }
.LBB2_2:
0x2f: {  	s25 =	sadd.s32 s23, s11  }
0x30: {  	[sflag:s13] =	ssyncadd.s32 $0xFFFF9C00;
	s23 =	smov.u32 s24;
	s26 =	sadd.s32 $0x32, s24  }
0x31: {  	[tilespmem:s16], [sflag:$0x3] =	stream.linear.gather [hbm4b:s25+s2], $0xC8, $0x38;
	[tilespmem:$0xCA00] =	vst v63  }
0x32: {  	p0 =	sne.s32 s24, $0x47E;
	_ =	swait.ge [sflag:s13], $0xC8  }
0x33: {  	[sflag:s13] =	ssyncset.done $0x0  }
0x34: {  	[sflag:s13] =	ssyncadd.s32 $0xFFFFFF38  }
0x35: {  	[tilespmem:s17], [sflag:$0x2] =	stream.indirect.gather [hbm4b:s3+s14], $0x80, s16, s14, $0xb8;
	[tilespmem:$0xCA00] =	vst v63  }
0x36: {  	_ =	swait.ge [sflag:s18], $0x6400  }
0x37: {  	[sflag:s18] =	ssyncset.done $0x0  }
0x38: {  	s24 =	sadd.s32 $0xFFFFF380, s21;
	[sflag:s18] =	ssyncadd.s32 $0xFFFF9C00  }
0x39: {  	[hbm4b:s24+s2] =	stream.linear.scatter [tilespmem:s15], [sflag:$0x3], $0x6400, $0x38;
	[tilespmem:$0xCA00] =	vst v63  }
0x3a: {  	_ =	swait.ge [sflag:s13], $0x6400  }
0x3b: {  	s24 =	sshrl.u32 s22, $0x3;
	[sflag:s13] =	ssyncset.done $0x0  }
0x3c: {  	s24 =	sadd.s32 s4, s24;
	[sflag:s13] =	ssyncadd.s32 $0xFFFF9C00  }
0x3d: {  	[tilespmem:s2], [sflag:$0x3] =	stream.linear.gather [hbm4b:s24+s2], $0xC8, $0x38;
	[tilespmem:$0xCA00] =	vst v63  }
0x3e: {  	_ =	swait.ge [sflag:s13], $0xC8  }
0x3f: {  	[sflag:s13] =	ssyncset.done $0x0  }
0x40: {  	[sflag:s13] =	ssyncadd.s32 $0xFFFFFF38  }
0x41: {  	[tilespmem:s15], [sflag:$0x1] =	stream.indirect.gather [hbm4b:s3+s14], $0x80, s2, s14, $0xb8;
	[tilespmem:$0xCA00] =	vst v63  }
0x42: {  	_ =	swait.ge [sflag:s19], $0x6400  }
.Ltmp0:
0x43: {  	[sflag:s19] =	ssyncset.done $0x0;
	(pc) =	sbr.rel @p0 .LBB2_2-.Ltmp0, $4  }
0x44: {  	[sflag:s19] =	ssyncadd.s32 $0xFFFF9C00  }
0x45: {  	[hbm4b:s21+s2] =	stream.linear.scatter [tilespmem:s17], [sflag:$0x3], $0x6400, $0x38;
	[tilespmem:$0xCA00] =	vst v63  }
0x46: {  	s22 =	sadd.s32 $0x190, s22;
	_ =	swait.ge [sflag:s13], $0x6400  }
0x47: {  	s24 =	smov.u32 s26;
	s21 =	sadd.s32 $0x1900, s21;
	[sflag:s13] =	ssyncset.done $0x0  }
0x48: {  	s23 =	sadd.s32 s23, s11;
	[sflag:s13] =	ssyncadd.s32 $0xFFFF9C00  }
0x49: {  	[tilespmem:s16], [sflag:$0x3] =	stream.linear.gather [hbm4b:s23+s2], $0xC8, $0x38;
	[tilespmem:$0xCA00] =	vst v63  }
0x4a: {  	_ =	swait.ge [sflag:s13], $0xC8  }
0x4b: {  	[sflag:s13] =	ssyncset.done $0x0  }
0x4c: {  	[sflag:s13] =	ssyncadd.s32 $0xFFFFFF38  }
0x4d: {  	[tilespmem:s17], [sflag:$0x2] =	stream.indirect.gather [hbm4b:s3+s14], $0x80, s16, s14, $0xb8;
	[tilespmem:$0xCA00] =	vst v63  }
0x4e: {  	_ =	swait.ge [sflag:s18], $0x6400  }
0x4f: {  	[sflag:s18] =	ssyncset.done $0x0  }
0x50: {  	s31 =	sadd.s32 $0xFFFFF380, s21;
	[sflag:s18] =	ssyncadd.s32 $0xFFFF9C00  }
0x51: {  	[hbm4b:s31+s2] =	stream.linear.scatter [tilespmem:s15], [sflag:$0x3], $0x6400, $0x38;
	[tilespmem:$0xCA00] =	vst v63  }
0x52: {  	_ =	swait.ge [sflag:s13], $0x6400  }
0x53: {  	s22 =	sshrl.u32 s22, $0x3;
	[sflag:s13] =	ssyncset.done $0x0  }
0x54: {  	s22 =	sadd.s32 s4, s22;
	[sflag:s13] =	ssyncadd.s32 $0xFFFF9C00  }
0x55: {  	[tilespmem:s2], [sflag:$0x3] =	stream.linear.gather [hbm4b:s22+s2], $0xC8, $0x38;
	[tilespmem:$0xCA00] =	vst v63  }
0x56: {  	_ =	swait.ge [sflag:s13], $0xC8  }
0x57: {  	[sflag:s13] =	ssyncset.done $0x0  }
0x58: {  	[sflag:s13] =	ssyncadd.s32 $0xFFFFFF38  }
0x59: {  	[tilespmem:s15], [sflag:$0x1] =	stream.indirect.gather [hbm4b:s3+s14], $0x80, s2, s14, $0xb8;
	[tilespmem:$0xCA00] =	vst v63  }
0x5a: {  	_ =	swait.ge [sflag:s19], $0x6400  }
0x5b: {  	[sflag:s19] =	ssyncset.done $0x0  }
0x5c: {  	[sflag:s19] =	ssyncadd.s32 $0xFFFF9C00  }
0x5d: {  	[hbm4b:s21+s2] =	stream.linear.scatter [tilespmem:s17], [sflag:$0x3], $0x6400, $0x38;
	[tilespmem:$0xCA00] =	vst v63  }
0x5e: {  	_ =	swait.ge [sflag:s13], $0x6400  }
0x5f: {  	[sflag:s13] =	ssyncset.done $0x0  }
0x60: {  	[sflag:s13] =	ssyncadd.s32 $0xFFFF9C00  }
0x61: {  	[tilespmem:s16], [sflag:$0x3] =	stream.linear.gather [hbm4b:s7+s2], $0xC8, $0x38;
	[tilespmem:$0xCA00] =	vst v63  }
0x62: {  	_ =	swait.ge [sflag:s13], $0xC8  }
0x63: {  	[sflag:s13] =	ssyncset.done $0x0  }
0x64: {  	[sflag:s13] =	ssyncadd.s32 $0xFFFFFF38  }
0x65: {  	[tilespmem:s17], [sflag:$0x2] =	stream.indirect.gather [hbm4b:s3+s14], $0x80, s16, s14, $0xb8;
	[tilespmem:$0xCA00] =	vst v63  }
0x66: {  	_ =	swait.ge [sflag:s18], $0x6400  }
0x67: {  	[sflag:s18] =	ssyncset.done $0x0  }
0x68: {  	[sflag:s18] =	ssyncadd.s32 $0xFFFF9C00  }
0x69: {  	[hbm4b:s8+s2] =	stream.linear.scatter [tilespmem:s15], [sflag:$0x3], $0x6400, $0x38;
	[tilespmem:$0xCA00] =	vst v63  }
0x6a: {  	_ =	swait.ge [sflag:s13], $0x6400  }
0x6b: {  	[sflag:s13] =	ssyncset.done $0x0  }
0x6c: {  	[sflag:s13] =	ssyncadd.s32 $0xFFFF9C00  }
0x6d: {  	[tilespmem:s2], [sflag:$0x3] =	stream.linear.gather [hbm4b:s7+s2], $0xC8, $0x38;
	[tilespmem:$0xCA00] =	vst v63  }
0x6e: {  	_ =	swait.ge [sflag:s13], $0xC8  }
0x6f: {  	[sflag:s13] =	ssyncset.done $0x0  }
0x70: {  	[sflag:s13] =	ssyncadd.s32 $0xFFFFFF38  }
0x71: {  	[tilespmem:s15], [sflag:$0x1] =	stream.indirect.gather [hbm4b:s3+s14], $0x80, s2, s14, $0xb8;
	[tilespmem:$0xCA00] =	vst v63  }
0x72: {  	_ =	swait.ge [sflag:s19], $0x6400  }
0x73: {  	[sflag:s19] =	ssyncset.done $0x0  }
0x74: {  	s20 =	sadd.s32 $0x1, s20;
	[sflag:s19] =	ssyncadd.s32 $0xFFFF9C00  }
0x75: {  	[hbm4b:s9+s2] =	stream.linear.scatter [tilespmem:s17], [sflag:$0x3], $0x6400, $0x38;
	[tilespmem:$0xCA00] =	vst v63  }
0x76: {  	p0 =	sne.s32 s20, s6;
	_ =	swait.ge [sflag:s13], $0x6400  }
.Ltmp1:
0x77: {  	[sflag:s13] =	ssyncset.done $0x0;
	(pc) =	sbr.rel @p0 .LBB2_1-.Ltmp1, $4  }
0x78: {  	[sflag:s13] =	ssyncadd.s32 $0xFFFF9C00  }
0x79: {  	_ =	swait.ge [sflag:s18], $0x6400  }
0x7a: {  	[sflag:s18] =	ssyncset.done $0x0  }
0x7b: {  	[sflag:s18] =	ssyncadd.s32 $0xFFFF9C00  }
0x7c: {  	_ =	sfence.sel $0x180000  }
0x7d: {  	[bflag:$0x0] =	sbarrier.arrive $0xFFFF  }
0x7e: {  	p0 =	sne.s32 s1, $0x0;
	_ =	strace $0x9000004A  }
0x7f: {  	s0 =	sadd.s32 @!p0 $0x100000, s0;
	[bflag:$0x2] =	sbarrier.arrive $0xFFFF  }
0x80: {  	[sflag:s0] =	ssyncadd.tile.s32 @!p0 $0x1;
	_ =	shalt  }
.Lfunc_end2:
_tile_overlayer_lowered:
.L_overlay_start_2:
0x81: {  	(tag) =	ssettag $0x2  }
0x82: {  	s0 =	rddreg [dreg:$0x0];
	s2 =	stileid.u32  }
0x83: {  	s1 =	rddreg [dreg:$0x1];
	p0 =	sne.s32 s2, $0x0  }
0x84: {  	s3 =	rddreg [dreg:$0x2];
	[bflag:$0x3] =	sbarrier.arrive $0xFFFF;
	s2 =	simm.s32 @!p0 $0x1C03  }
0x85: {  	[timem:s3], [sflag:s2] =	dma.local @!p0 [hbm:s0], s1  }
0x86: {  	s0 =	simm.s32 @!p0 $0x3  }
0x87: {  	_ =	swait.ge @!p0 [sflag:s0], s1  }
0x88: {  	s1 =	ssub.s32 @!p0 $0x0, s1;
	[sflag:s0] =	ssyncset.done @!p0 $0x0  }
0x89: {  	[sflag:s0] =	ssyncadd.s32 @!p0 s1  }
0x8a: {  	[bflag:$0x3] =	sbarrier.arrive $0xFFFF  }
0x8b: {  	_ =	shalt  }

// kernel: scatter_offload_async_start
scs
__scs_entry_jumppad:
0x0: {  	(pc) =	sbr.rel $0x88, $3  }
0x1: {  	(tag) =	ssettag $0x0;
	lr =	simm.s32 $0x1  }
0x2: {  	[smem:$0x3F8B] =	sst lr;
	_ =	strace $0xD0000000  }
0x3: {  	_ = 	snop  }
0x4: {  	_ = 	snop  }
0x5: {  	_ = 	snop  }
0x6: {  	_ = 	snop  }
0x7: {  	_ = 	snop  }
__scs_overlays_trampoline_lowered:
0x8: {  	[smem:$0x3F9A] =	sst s0  }
0x9: {  	[smem:$0x3F9B] =	sst s1  }
0xa: {  	[smem:$0x3F9C] =	sst s2  }
0xb: {  	[smem:$0x3F9D] =	sst s3  }
0xc: {  	[smem:$0x3F9E] =	sst s4  }
0xd: {  	[smem:$0x3F9F] =	sst s5  }
0xe: {  	[smem:$0x3FA0] =	sst s6  }
0xf: {  	[smem:$0x3FA1] =	sst s7  }
0x10: {  	[smem:$0x3FA2] =	sst s8  }
0x11: {  	[smem:$0x3FA3] =	sst s9;
	s0 =	simm.s32 @!p0 $0x0  }
0x12: {  	s1 =	sld [smem:$0x3F89];
	s0 =	simm.s32 @p0 $0x1  }
0x13: {  	[smem:$0x3FA4] =	sst s0;
	s0 =	simm.s32 @!p1 $0x0  }
0x14: {  	s2 =	sld [smem:$0x3F88];
	s0 =	simm.s32 @p1 $0x1  }
0x15: {  	[smem:$0x3FA5] =	sst s0;
	s0 =	simm.s32 @!p2 $0x0  }
0x16: {  	s3 =	sld [smem:$0x3FDB];
	s0 =	simm.s32 @p2 $0x1  }
0x17: {  	s4 =	simm.s32 $0x1BF5;
	[smem:$0x3FA7] =	sst s0  }
0x18: {  	s0 =	sld [smem:$0x3F8A];
	_ =	swait.ge [sflag:s4], $0x0  }
0x19: {  	s7 =	sld [smem:$0x3F8B]  }
0x1a: {  	s8 =	sadd.s32 $0xFFFFE003, lr  }
0x1b: {  	s9 =	sadd.s32 $0xFFFFFEF7, lr;
	s5 =	simm.s32 $0xFFFFFFFF;
	p2 =	slt.u32 s8, $0xFFFFF086  }
0x1c: {  	p1 =	slt.u32 s9, $0xF7A;
	s5 =	simm.s32 @!p2 $0x0  }
0x1d: {  	s5 =	simm.s32 @p1 $0x1;
	p0 =	seq.s32 s7, s2  }
0x1e: {  	s7 =	smul.u32 @!p0 $0xF7A, s2;
	p2 =	seq.s32 @!p0 s5, $0x0  }
0x1f: {  	s9 =	smul.u32 $0xF7A, s1;
	s8 =	simm.s32 @!p0 $0x1BF5;
	p2 =	por !p2, p0  }
0x20: {  	[sflag:s8] =	ssyncset.s32 @!p0 $0xFFFFF086;
	s6 =	sadd.s32 @!p0 s3, s7;
	s7 =	simm.s32 @!p0 $0x108  }
0x21: {  	s3 =	sadd.s32 s3, s9;
	s6 =	sadd.s32 @!p0 $0x88, s6;
	s7 =	simm.s32 @p2 $0x1082  }
0x22: {  	[simem:s7], [sflag:s8] =	dma.local @!p0 [hbm:s6], $0xF7A  }
0x23: {  	s9 =	sor.u32 $0xD0000000, s2;
	s6 =	simm.s32 $0x108;
	_ =	swait.ge @!p0 [sflag:s8], $0x0  }
0x24: {  	s3 =	sadd.s32 $0x88, s3;
	s6 =	simm.s32 @!p1 $0x1082;
	[sflag:s4] =	ssyncset.s32 $0xFFFFF086  }
0x25: {  	[simem:s6], [sflag:s4] =	dma.local [hbm:s3], $0xF7A  }
0x26: {  	[smem:$0x3F8B] =	sst s1;
	(tag) =	ssettag s2;
	_ =	strace s9  }
0x27: {  	s1 =	sld [smem:$0x3F9B]  }
0x28: {  	s2 =	sld [smem:$0x3F9C]  }
0x29: {  	s4 =	sld [smem:$0x3F9E]  }
0x2a: {  	p0 =	seq.s32 s5, $0x0;
	s5 =	sld [smem:$0x3F9F]  }
0x2b: {  	s6 =	sld [smem:$0x3FA0]  }
0x2c: {  	s7 =	sld [smem:$0x3FA1]  }
0x2d: {  	s3 =	simm.s32 $0x108;
	s8 =	sld [smem:$0x3FA2]  }
0x2e: {  	s3 =	simm.s32 @!p0 $0x1082;
	s9 =	sld [smem:$0x3FA3]  }
0x2f: {  	lr =	sadd.s32 s0, s3;
	s0 =	sld [smem:$0x3F9A]  }
0x30: {  	s3 =	sld [smem:$0x3F9D]  }
0x31: {  	[smem:$0x3FA6] =	sst s10  }
0x32: {  	s10 =	sld [smem:$0x3FA4];
	_ =	sdelay $0x3  }
0x33: {  	p0 =	seq.s32 s10, $0x1;
	s10 =	sld [smem:$0x3FA6];
	_ =	sdelay $0x3  }
0x34: {  	[smem:$0x3FA6] =	sst s10  }
0x35: {  	s10 =	sld [smem:$0x3FA5];
	_ =	sdelay $0x3  }
0x36: {  	p1 =	seq.s32 s10, $0x1;
	s10 =	sld [smem:$0x3FA6];
	_ =	sdelay $0x3  }
0x37: {  	[smem:$0x3FA6] =	sst s10  }
0x38: {  	s10 =	sld [smem:$0x3FA7]  }
0x39: {  	_ = 	snop;
	(pc) =	sbr.ind lr, $3  }
0x3a: {  	_ = 	snop  }
0x3b: {  	_ = 	snop  }
0x3c: {  	p2 =	seq.s32 s10, $0x1;
	s10 =	sld [smem:$0x3FA6]  }
0x3d: {  	_ =	shalt  }
0x3e: {  	_ =	shalt  }
0x3f: {  	_ =	shalt  }
0x40: {  	_ =	shalt  }
0x41: {  	_ =	shalt  }
0x42: {  	_ =	shalt  }
0x43: {  	_ =	shalt  }
0x44: {  	_ =	shalt  }
0x45: {  	_ =	shalt  }
0x46: {  	_ =	shalt  }
0x47: {  	_ =	shalt  }
0x48: {  	_ =	shalt  }
0x49: {  	_ =	shalt  }
0x4a: {  	_ =	shalt  }
0x4b: {  	_ =	shalt  }
0x4c: {  	_ =	shalt  }
0x4d: {  	_ =	shalt  }
0x4e: {  	_ =	shalt  }
0x4f: {  	_ =	shalt  }
0x50: {  	_ =	shalt  }
0x51: {  	_ =	shalt  }
0x52: {  	_ =	shalt  }
0x53: {  	_ =	shalt  }
0x54: {  	_ =	shalt  }
0x55: {  	_ =	shalt  }
0x56: {  	_ =	shalt  }
0x57: {  	_ =	shalt  }
0x58: {  	_ =	shalt  }
0x59: {  	_ =	shalt  }
0x5a: {  	_ =	shalt  }
0x5b: {  	_ =	shalt  }
0x5c: {  	_ =	shalt  }
0x5d: {  	_ =	shalt  }
0x5e: {  	_ =	shalt  }
0x5f: {  	_ =	shalt  }
0x60: {  	_ =	shalt  }
0x61: {  	_ =	shalt  }
0x62: {  	_ =	shalt  }
0x63: {  	_ =	shalt  }
0x64: {  	_ =	shalt  }
0x65: {  	_ =	shalt  }
0x66: {  	_ =	shalt  }
0x67: {  	_ =	shalt  }
0x68: {  	_ =	shalt  }
0x69: {  	_ =	shalt  }
0x6a: {  	_ =	shalt  }
0x6b: {  	_ =	shalt  }
0x6c: {  	_ =	shalt  }
0x6d: {  	_ =	shalt  }
0x6e: {  	_ =	shalt  }
0x6f: {  	_ =	shalt  }
0x70: {  	_ =	shalt  }
0x71: {  	_ =	shalt  }
0x72: {  	_ =	shalt  }
0x73: {  	_ =	shalt  }
0x74: {  	_ =	shalt  }
0x75: {  	_ =	shalt  }
0x76: {  	_ =	shalt  }
0x77: {  	_ =	shalt  }
0x78: {  	_ =	shalt  }
0x79: {  	_ =	shalt  }
0x7a: {  	_ =	shalt  }
0x7b: {  	_ =	shalt  }
0x7c: {  	_ =	shalt  }
0x7d: {  	_ =	shalt  }
0x7e: {  	_ =	shalt  }
0x7f: {  	_ =	shalt  }
0x80: {  	_ =	shalt  }
0x81: {  	_ =	shalt  }
0x82: {  	_ =	shalt  }
0x83: {  	_ =	shalt  }
0x84: {  	_ =	shalt  }
0x85: {  	_ =	shalt  }
0x86: {  	_ =	shalt  }
0x87: {  	_ =	shalt  }
.Lfunc_end0:
.L_simem_size_0:
called_computation_lowered:
.L_overlay_start_0:
0x88: {  	s2 =	sld [smem:$0x3FD9]  }
0x89: {  	s3 =	sld [smem:$0x3FFE];
	_ =	sdelay $0x1  }
0x8a: {  	s1 =	srdreg.scid  }
0x8b: {  	s0 =	sand.u32 $0x1, s1  }
0x8c: {  	s17 =	sshll.u32 s0, $0xA;
	s2 =	sadd.s32 s3, s2  }
0x8d: {  	s2 =	sadd.s32 s2, s17  }
0x8e: {  	[smem:$0x3FB2] =	sst s2  }
0x8f: {  	_ = 	snop  }
0x90: {  	(tm) =	ssettm $0x1  }
0x91: {  	s18 =	sld [smem:$0x3FFB];
	_ =	sdelay $0x3  }
0x92: {  	_ =	strace s18  }
0x93: {  	s2 =	sld [smem:$0x3FFC];
	_ =	sdelay $0x3  }
0x94: {  	_ =	strace s2  }
0x95: {  	s2 =	sld [smem:$0x3FFD];
	_ =	sdelay $0x3  }
0x96: {  	_ =	strace s2  }
0x97: {  	_ =	strace $0x8FFFFFFF  }
0x98: {  	s19 =	sld [smem:$0x3FDB];
	_ =	sdelay $0x1  }
0x99: {  	s20 =	simm.s32 $_scs_section_size  }
0x9a: {  	s4 =	simm.s32 $_size__tile_overlayer_lowered;
	s5 =	simm.s32 $_tile_overlayer_lowered  }
0x9b: {  	s6 =	simm.s32 $0x1BFF;
	s21 =	sshll.u32 s5, $0x1;
	s3 =	sadd.s32 s20, s19  }
0x9c: {  	s22 =	simm.s32 $0x0;
	s4 =	sshll.u32 s4, $0x1;
	s5 =	sadd.s32 s21, s3  }
0x9d: {  	[timem:s22], [sflag:s6] =	dma.local [hbm:s5], s4  }
0x9e: {  	_ =	swait.ge [sflag:s6], s4  }
0x9f: {  	s4 =	ssub.s32 $0x0, s4;
	[sflag:s6] =	ssyncset.done $0x0  }
0xa0: {  	[sflag:s6] =	ssyncadd.s32 s4;
	_ =	sdelay $0x1  }
0xa1: {  	s23 =	simm.s32 $0x1B8B  }
0xa2: {  	_ =	swait.ge [sflag:s23], $0x1  }
0xa3: {  	[sflag:s23] =	ssyncset.done $0x0  }
0xa4: {  	[sflag:s23] =	ssyncadd.s32 $0xFFFFFFFF  }
0xa5: {  	s4 =	sld [smem:$0x0]  }
0xa6: {  	s5 =	sand.u32 $0xFFFFFFFE, s1  }
0xa7: {  	p0 =	sne.s32 s1, s5  }
0xa8: {  	s5 =	sshll.u32 @p0 s5, $0xE  }
0xa9: {  	s5 =	sadd.s32 @p0 $0x11B8D, s5;
	s6 =	sshll.u32 @p0 s4, $0x11  }
0xaa: {  	s5 =	sor.u32 @p0 s6, s5  }
0xab: {  	[sflag:s5] =	ssyncadd.remote.s32 @p0 $0x1;
	_ =	sdelay $0x1  }
0xac: {  	s5 =	simm.s32 @p0 $0x1B8D  }
0xad: {  	_ =	swait.eq @p0 [sflag:s5], $0x1  }
0xae: {  	[sflag:s5] =	ssyncadd.s32 @p0 $0xFFFFFFFF  }
0xaf: {  	s6 =	sshll.u32 @!p0 s1, $0xE  }
0xb0: {  	s6 =	sor.u32 @!p0 $0x4000, s6;
	s5 =	simm.s32 @!p0 $0x1B8D  }
0xb1: {  	s7 =	sshll.u32 @!p0 s4, $0x11;
	s6 =	sadd.s32 @!p0 $0x11B8D, s6;
	_ =	swait.eq @!p0 [sflag:s5], $0x1  }
0xb2: {  	[sflag:s5] =	ssyncadd.s32 @!p0 $0xFFFFFFFF;
	s5 =	sor.u32 @!p0 s7, s6  }
0xb3: {  	s25 =	simm.s32 $0x1B8E;
	s24 =	sld [smem:$0x3FFE];
	[sflag:s5] =	ssyncadd.remote.s32 @!p0 $0x1  }
0xb4: {  	s26 =	simm.s32 $execute0_lowered;
	[smem:$0x3FD2] =	sst s25  }
0xb5: {  	s6 =	sshll.u32 s26, $0x1;
	_ =	strace $0x8000004F;
	[dreg:$0x1] =	wrdreg $0xFFFFFFFF  }
0xb6: {  	s28 =	simm.s32 $_size_execute0_lowered;
	s3 =	sadd.s32 s3, s6;
	[dreg:$0x0] =	wrdreg $0x0  }
0xb7: {  	s6 =	sshll.u32 s28, $0x1;
	[dreg:$0x2] =	wrdreg s3  }
0xb8: {  	[dreg:$0x3] =	wrdreg s6  }
0xb9: {  	[dreg:$0x4] =	wrdreg $0xC0  }
0xba: {  	_ =	task [dreg:s22], $0x5FFFF  }
0xbb: {  	[dreg:$0x1] =	wrdreg $0xFFFFFFFF  }
0xbc: {  	[dreg:$0x0] =	wrdreg $0x60  }
0xbd: {  	[dreg:$0x2] =	wrdreg s24  }
0xbe: {  	[dreg:$0x3] =	wrdreg s1  }
0xbf: {  	[dreg:$0x4] =	wrdreg s4  }
0xc0: {  	[dreg:$0x5] =	wrdreg $0xA  }
0xc1: {  	_ =	task.clear_ibuf [dreg:s22], $0x6FFFF;
	_ =	strace $0x9000004F  }
0xc2: {  	s29 =	simm.s32 $0xA;
	_ =	strace $0x80000051  }
0xc3: {  	_ =	swait.ge [sflag:s29], $0x1  }
0xc4: {  	[sflag:s29] =	ssyncadd.s32 $0xFFFFFFFF  }
0xc5: {  	_ =	strace $0x90000051  }
0xc6: {  	_ =	sfence  }
0xc7: {  	s30 =	sld [smem:$0x0];
	_ =	sdelay $0x2  }
0xc8: {  	s31 =	sshll.u32 s1, $0xD;
	s1 =	sshrl.u32 s1, $0x2  }
0xc9: {  	s4 =	sand.u32 $0x4000, s31;
	s1 =	sadd.s32 s1, s30  }
0xca: {  	s0 =	sor.u32 s4, s0;
	s1 =	sshll.u32 s1, $0x11  }
0xcb: {  	s0 =	sor.u32 s1, s0  }
0xcc: {  	s0 =	sadd.s32 $0x8F2B, s0  }
0xcd: {  	[sflag:s0] =	ssyncadd.remote.s32 $0x1  }
0xce: {  	_ =	sfence.sel $0xFFFF  }
0xcf: {  	[dreg:$0x0] =	wrdreg $0xFFFFFFFF;
	(pc) =	sbr.abs _section_cstart, $3  }
0xd0: {  	[dreg:$0x1] =	wrdreg $0xFFFFFFFF  }
0xd1: {  	_ =	task.clear_ibuf [dreg:s22], $0x2FFFF;
	_ =	strace $0x9FFFFFFF  }
0xd2: {  	(tm) =	ssettm $0x7FFFFFFF  }
0xd3: {  	_ =	shalt  }
tec
execute0_lowered:
.L_overlay_start_1:
0x0: {  	(tag) =	ssettag $0x1  }
0x1: {  	s4 =	rddreg [dreg:$0x0]  }
0x2: {  	s2 =	rddreg [dreg:$0x1];
	_ =	strace $0x80000050;
	s3 =	simm.s32 $0x1  }
0x3: {  	v0 =	vimm.s32 $0x0;
	[sflag:s3] =	ssyncpa.u1 $0x0  }
0x4: {  	[tilespmem:$0x68] =	vst v0  }
0x5: {  	[tilespmem:$0x78] =	vst v0  }
0x6: {  	[tilespmem:$0x88] =	vst v0  }
0x7: {  	[tilespmem:$0x98] =	vst v0  }
0x8: {  	[tilespmem:$0xA8] =	vst v0  }
0x9: {  	[tilespmem:$0xB8] =	vst v0  }
0xa: {  	[tilespmem:$0xC8] =	vst v0  }
0xb: {  	[tilespmem:$0xD8] =	vst v0  }
0xc: {  	[tilespmem:$0xE8] =	vst v0  }
0xd: {  	[tilespmem:$0xF8] =	vst v0  }
0xe: {  	[tilespmem:$0x108] =	vst v0  }
0xf: {  	[tilespmem:$0x118] =	vst v0  }
0x10: {  	[tilespmem:$0x128] =	vst v0  }
0x11: {  	[tilespmem:$0x138] =	vst v0  }
0x12: {  	[tilespmem:$0x148] =	vst v0  }
0x13: {  	[tilespmem:$0x158] =	vst v0  }
0x14: {  	[tilespmem:$0x168] =	vst v0  }
0x15: {  	[tilespmem:$0x178] =	vst v0  }
0x16: {  	[tilespmem:$0x188] =	vst v0  }
0x17: {  	[tilespmem:$0x198] =	vst v0  }
0x18: {  	[tilespmem:$0x1A8] =	vst v0  }
0x19: {  	[tilespmem:$0x1B8] =	vst v0  }
0x1a: {  	[tilespmem:$0x1C8] =	vst v0  }
0x1b: {  	[tilespmem:$0x1D8] =	vst v0  }
0x1c: {  	[tilespmem:$0x1E8] =	vst v0  }
0x1d: {  	[tilespmem:$0x1F8] =	vst v0  }
0x1e: {  	[tilespmem:$0x208] =	vst v0  }
0x1f: {  	[tilespmem:$0x218] =	vst v0  }
0x20: {  	[tilespmem:$0x228] =	vst v0  }
0x21: {  	[tilespmem:$0x238] =	vst v0  }
0x22: {  	[tilespmem:$0x248] =	vst v0  }
0x23: {  	[tilespmem:$0x258] =	vst v0  }
0x24: {  	[tilespmem:$0x268] =	vst v0  }
0x25: {  	[tilespmem:$0x278] =	vst v0  }
0x26: {  	[tilespmem:$0x288] =	vst v0  }
0x27: {  	[tilespmem:$0x298] =	vst v0  }
0x28: {  	[tilespmem:$0x2A8] =	vst v0  }
0x29: {  	[tilespmem:$0x2B8] =	vst v0  }
0x2a: {  	[tilespmem:$0x2C8] =	vst v0  }
0x2b: {  	[tilespmem:$0x2D8] =	vst v0  }
0x2c: {  	[tilespmem:$0x2E8] =	vst v0  }
0x2d: {  	[tilespmem:$0x2F8] =	vst v0  }
0x2e: {  	[tilespmem:$0x308] =	vst v0  }
0x2f: {  	[tilespmem:$0x318] =	vst v0  }
0x30: {  	[tilespmem:$0x328] =	vst v0  }
0x31: {  	[tilespmem:$0x338] =	vst v0  }
0x32: {  	[tilespmem:$0x348] =	vst v0  }
0x33: {  	[tilespmem:$0x358] =	vst v0  }
0x34: {  	[tilespmem:$0x368] =	vst v0  }
0x35: {  	[tilespmem:$0x378] =	vst v0  }
0x36: {  	[tilespmem:$0x388] =	vst v0  }
0x37: {  	[tilespmem:$0x398] =	vst v0  }
0x38: {  	[tilespmem:$0x3A8] =	vst v0  }
0x39: {  	[tilespmem:$0x3B8] =	vst v0  }
0x3a: {  	[tilespmem:$0x3C8] =	vst v0  }
0x3b: {  	[tilespmem:$0x3D8] =	vst v0  }
0x3c: {  	[tilespmem:$0x3E8] =	vst v0  }
0x3d: {  	[tilespmem:$0x3F8] =	vst v0  }
0x3e: {  	[tilespmem:$0x408] =	vst v0  }
0x3f: {  	[tilespmem:$0x418] =	vst v0  }
0x40: {  	[tilespmem:$0x428] =	vst v0  }
0x41: {  	[tilespmem:$0x438] =	vst v0  }
0x42: {  	[tilespmem:$0x448] =	vst v0  }
0x43: {  	[tilespmem:$0x458] =	vst v0  }
0x44: {  	[tilespmem:$0x468] =	vst v0  }
0x45: {  	[tilespmem:$0x478] =	vst v0  }
0x46: {  	[tilespmem:$0x488] =	vst v0  }
0x47: {  	[tilespmem:$0x498] =	vst v0  }
0x48: {  	[tilespmem:$0x4A8] =	vst v0  }
0x49: {  	[tilespmem:$0x4B8] =	vst v0  }
0x4a: {  	[tilespmem:$0x4C8] =	vst v0  }
0x4b: {  	[tilespmem:$0x4D8] =	vst v0  }
0x4c: {  	[tilespmem:$0x4E8] =	vst v0  }
0x4d: {  	[tilespmem:$0x4F8] =	vst v0  }
0x4e: {  	[tilespmem:$0x508] =	vst v0  }
0x4f: {  	[tilespmem:$0x518] =	vst v0  }
0x50: {  	[tilespmem:$0x528] =	vst v0  }
0x51: {  	[tilespmem:$0x538] =	vst v0  }
0x52: {  	[tilespmem:$0x548] =	vst v0  }
0x53: {  	[tilespmem:$0x558] =	vst v0  }
0x54: {  	[tilespmem:$0x568] =	vst v0  }
0x55: {  	[tilespmem:$0x578] =	vst v0  }
0x56: {  	[tilespmem:$0x588] =	vst v0  }
0x57: {  	[tilespmem:$0x598] =	vst v0  }
0x58: {  	[tilespmem:$0x5A8] =	vst v0  }
0x59: {  	[tilespmem:$0x5B8] =	vst v0  }
0x5a: {  	[tilespmem:$0x5C8] =	vst v0  }
0x5b: {  	[tilespmem:$0x5D8] =	vst v0  }
0x5c: {  	[tilespmem:$0x5E8] =	vst v0  }
0x5d: {  	[tilespmem:$0x5F8] =	vst v0  }
0x5e: {  	[tilespmem:$0x608] =	vst v0  }
0x5f: {  	[tilespmem:$0x618] =	vst v0  }
0x60: {  	[tilespmem:$0x628] =	vst v0  }
0x61: {  	[tilespmem:$0x638] =	vst v0  }
0x62: {  	[tilespmem:$0x648] =	vst v0  }
0x63: {  	[tilespmem:$0x658] =	vst v0  }
0x64: {  	[tilespmem:$0x668] =	vst v0  }
0x65: {  	[tilespmem:$0x678] =	vst v0  }
0x66: {  	[tilespmem:$0x688] =	vst v0  }
0x67: {  	[tilespmem:$0x698] =	vst v0  }
0x68: {  	[tilespmem:$0x6A8] =	vst v0  }
0x69: {  	[tilespmem:$0x6B8] =	vst v0  }
0x6a: {  	[tilespmem:$0x6C8] =	vst v0  }
0x6b: {  	[tilespmem:$0x6D8] =	vst v0  }
0x6c: {  	[tilespmem:$0x6E8] =	vst v0  }
0x6d: {  	[tilespmem:$0x6F8] =	vst v0  }
0x6e: {  	[tilespmem:$0x708] =	vst v0  }
0x6f: {  	[tilespmem:$0x718] =	vst v0  }
0x70: {  	[tilespmem:$0x728] =	vst v0  }
0x71: {  	[tilespmem:$0x738] =	vst v0  }
0x72: {  	[tilespmem:$0x748] =	vst v0  }
0x73: {  	[tilespmem:$0x758] =	vst v0  }
0x74: {  	[tilespmem:$0x768] =	vst v0  }
0x75: {  	[tilespmem:$0x778] =	vst v0  }
0x76: {  	[tilespmem:$0x788] =	vst v0  }
0x77: {  	[tilespmem:$0x798] =	vst v0  }
0x78: {  	[tilespmem:$0x7A8] =	vst v0  }
0x79: {  	[tilespmem:$0x7B8] =	vst v0  }
0x7a: {  	[tilespmem:$0x7C8] =	vst v0  }
0x7b: {  	[tilespmem:$0x7D8] =	vst v0  }
0x7c: {  	[tilespmem:$0x7E8] =	vst v0  }
0x7d: {  	[tilespmem:$0x7F8] =	vst v0  }
0x7e: {  	[tilespmem:$0x808] =	vst v0  }
0x7f: {  	[tilespmem:$0x818] =	vst v0  }
0x80: {  	[tilespmem:$0x828] =	vst v0  }
0x81: {  	[tilespmem:$0x838] =	vst v0  }
0x82: {  	[tilespmem:$0x848] =	vst v0  }
0x83: {  	[tilespmem:$0x858] =	vst v0  }
0x84: {  	[tilespmem:$0x868] =	vst v0  }
0x85: {  	[tilespmem:$0x878] =	vst v0  }
0x86: {  	[tilespmem:$0x888] =	vst v0  }
0x87: {  	[tilespmem:$0x898] =	vst v0  }
0x88: {  	[tilespmem:$0x8A8] =	vst v0  }
0x89: {  	[tilespmem:$0x8B8] =	vst v0  }
0x8a: {  	[tilespmem:$0x8C8] =	vst v0  }
0x8b: {  	[tilespmem:$0x8D8] =	vst v0  }
0x8c: {  	[tilespmem:$0x8E8] =	vst v0  }
0x8d: {  	[tilespmem:$0x8F8] =	vst v0  }
0x8e: {  	[tilespmem:$0x908] =	vst v0  }
0x8f: {  	[tilespmem:$0x918] =	vst v0  }
0x90: {  	[tilespmem:$0x928] =	vst v0  }
0x91: {  	[tilespmem:$0x938] =	vst v0  }
0x92: {  	[tilespmem:$0x948] =	vst v0  }
0x93: {  	[tilespmem:$0x958] =	vst v0  }
0x94: {  	[tilespmem:$0x968] =	vst v0  }
0x95: {  	[tilespmem:$0x978] =	vst v0  }
0x96: {  	[tilespmem:$0x988] =	vst v0  }
0x97: {  	[tilespmem:$0x998] =	vst v0  }
0x98: {  	[tilespmem:$0x9A8] =	vst v0  }
0x99: {  	[tilespmem:$0x9B8] =	vst v0  }
0x9a: {  	[tilespmem:$0x9C8] =	vst v0  }
0x9b: {  	[tilespmem:$0x9D8] =	vst v0  }
0x9c: {  	[tilespmem:$0x9E8] =	vst v0  }
0x9d: {  	[tilespmem:$0x9F8] =	vst v0  }
0x9e: {  	[tilespmem:$0xA08] =	vst v0  }
0x9f: {  	[tilespmem:$0xA18] =	vst v0  }
0xa0: {  	[tilespmem:$0xA28] =	vst v0  }
0xa1: {  	[tilespmem:$0xA38] =	vst v0  }
0xa2: {  	[tilespmem:$0xA48] =	vst v0  }
0xa3: {  	[tilespmem:$0xA58] =	vst v0  }
0xa4: {  	[tilespmem:$0xA68] =	vst v0  }
0xa5: {  	[tilespmem:$0xA78] =	vst v0  }
0xa6: {  	[tilespmem:$0xA88] =	vst v0  }
0xa7: {  	[tilespmem:$0xA98] =	vst v0  }
0xa8: {  	[tilespmem:$0xAA8] =	vst v0  }
0xa9: {  	[tilespmem:$0xAB8] =	vst v0  }
0xaa: {  	[tilespmem:$0xAC8] =	vst v0  }
0xab: {  	[tilespmem:$0xAD8] =	vst v0  }
0xac: {  	[tilespmem:$0xAE8] =	vst v0  }
0xad: {  	[tilespmem:$0xAF8] =	vst v0  }
0xae: {  	[tilespmem:$0xB08] =	vst v0  }
0xaf: {  	[tilespmem:$0xB18] =	vst v0  }
0xb0: {  	[tilespmem:$0xB28] =	vst v0  }
0xb1: {  	[tilespmem:$0xB38] =	vst v0  }
0xb2: {  	[tilespmem:$0xB48] =	vst v0  }
0xb3: {  	[tilespmem:$0xB58] =	vst v0  }
0xb4: {  	[tilespmem:$0xB68] =	vst v0  }
0xb5: {  	[tilespmem:$0xB78] =	vst v0  }
0xb6: {  	[tilespmem:$0xB88] =	vst v0  }
0xb7: {  	[tilespmem:$0xB98] =	vst v0  }
0xb8: {  	[tilespmem:$0xBA8] =	vst v0  }
0xb9: {  	[tilespmem:$0xBB8] =	vst v0  }
0xba: {  	[tilespmem:$0xBC8] =	vst v0  }
0xbb: {  	[tilespmem:$0xBD8] =	vst v0  }
0xbc: {  	[tilespmem:$0xBE8] =	vst v0  }
0xbd: {  	[tilespmem:$0xBF8] =	vst v0  }
0xbe: {  	[tilespmem:$0xC08] =	vst v0  }
0xbf: {  	[tilespmem:$0xC18] =	vst v0  }
0xc0: {  	[tilespmem:$0xC28] =	vst v0  }
0xc1: {  	[tilespmem:$0xC38] =	vst v0  }
0xc2: {  	[tilespmem:$0xC48] =	vst v0  }
0xc3: {  	[tilespmem:$0xC58] =	vst v0  }
0xc4: {  	[tilespmem:$0xC68] =	vst v0  }
0xc5: {  	[tilespmem:$0xC78] =	vst v0  }
0xc6: {  	[tilespmem:$0xC88] =	vst v0  }
0xc7: {  	[tilespmem:$0xC98] =	vst v0  }
0xc8: {  	[tilespmem:$0xCA8] =	vst v0  }
0xc9: {  	[tilespmem:$0xCB8] =	vst v0  }
0xca: {  	[tilespmem:$0xCC8] =	vst v0  }
0xcb: {  	[tilespmem:$0xCD8] =	vst v0  }
0xcc: {  	[tilespmem:$0xCE8] =	vst v0  }
0xcd: {  	[tilespmem:$0xCF8] =	vst v0  }
0xce: {  	[tilespmem:$0xD08] =	vst v0  }
0xcf: {  	[tilespmem:$0xD18] =	vst v0  }
0xd0: {  	[tilespmem:$0xD28] =	vst v0  }
0xd1: {  	[tilespmem:$0xD38] =	vst v0  }
0xd2: {  	[tilespmem:$0xD48] =	vst v0  }
0xd3: {  	[tilespmem:$0xD58] =	vst v0  }
0xd4: {  	[tilespmem:$0xD68] =	vst v0  }
0xd5: {  	[tilespmem:$0xD78] =	vst v0  }
0xd6: {  	[tilespmem:$0xD88] =	vst v0  }
0xd7: {  	[tilespmem:$0xD98] =	vst v0  }
0xd8: {  	[tilespmem:$0xDA8] =	vst v0  }
0xd9: {  	[tilespmem:$0xDB8] =	vst v0  }
0xda: {  	[tilespmem:$0xDC8] =	vst v0  }
0xdb: {  	[tilespmem:$0xDD8] =	vst v0  }
0xdc: {  	[tilespmem:$0xDE8] =	vst v0  }
0xdd: {  	[tilespmem:$0xDF8] =	vst v0  }
0xde: {  	[tilespmem:$0xE08] =	vst v0  }
0xdf: {  	[tilespmem:$0xE18] =	vst v0  }
0xe0: {  	[tilespmem:$0xE28] =	vst v0  }
0xe1: {  	[tilespmem:$0xE38] =	vst v0  }
0xe2: {  	[tilespmem:$0xE48] =	vst v0  }
0xe3: {  	[tilespmem:$0xE58] =	vst v0  }
0xe4: {  	[tilespmem:$0xE68] =	vst v0  }
0xe5: {  	[tilespmem:$0xE78] =	vst v0  }
0xe6: {  	[tilespmem:$0xE88] =	vst v0  }
0xe7: {  	[tilespmem:$0xE98] =	vst v0  }
0xe8: {  	[tilespmem:$0xEA8] =	vst v0  }
0xe9: {  	[tilespmem:$0xEB8] =	vst v0  }
0xea: {  	[tilespmem:$0xEC8] =	vst v0  }
0xeb: {  	[tilespmem:$0xED8] =	vst v0  }
0xec: {  	[tilespmem:$0xEE8] =	vst v0  }
0xed: {  	[tilespmem:$0xEF8] =	vst v0  }
0xee: {  	[tilespmem:$0xF08] =	vst v0  }
0xef: {  	[tilespmem:$0xF18] =	vst v0  }
0xf0: {  	[tilespmem:$0xF28] =	vst v0  }
0xf1: {  	[tilespmem:$0xF38] =	vst v0  }
0xf2: {  	[tilespmem:$0xF48] =	vst v0  }
0xf3: {  	[tilespmem:$0xF58] =	vst v0  }
0xf4: {  	[tilespmem:$0xF68] =	vst v0  }
0xf5: {  	[tilespmem:$0xF78] =	vst v0  }
0xf6: {  	[tilespmem:$0xF88] =	vst v0  }
0xf7: {  	[tilespmem:$0xF98] =	vst v0  }
0xf8: {  	[tilespmem:$0xFA8] =	vst v0  }
0xf9: {  	[tilespmem:$0xFB8] =	vst v0  }
0xfa: {  	[tilespmem:$0xFC8] =	vst v0  }
0xfb: {  	[tilespmem:$0xFD8] =	vst v0  }
0xfc: {  	[tilespmem:$0xFE8] =	vst v0  }
0xfd: {  	[tilespmem:$0xFF8] =	vst v0  }
0xfe: {  	[tilespmem:$0x1008] =	vst v0  }
0xff: {  	[tilespmem:$0x1018] =	vst v0  }
0x100: {  	[tilespmem:$0x1028] =	vst v0  }
0x101: {  	[tilespmem:$0x1038] =	vst v0  }
0x102: {  	[tilespmem:$0x1048] =	vst v0  }
0x103: {  	[tilespmem:$0x1058] =	vst v0  }
0x104: {  	[tilespmem:$0x1068] =	vst v0  }
0x105: {  	[tilespmem:$0x1078] =	vst v0  }
0x106: {  	[tilespmem:$0x1088] =	vst v0  }
0x107: {  	[tilespmem:$0x1098] =	vst v0  }
0x108: {  	[tilespmem:$0x10A8] =	vst v0  }
0x109: {  	[tilespmem:$0x10B8] =	vst v0  }
0x10a: {  	[tilespmem:$0x10C8] =	vst v0  }
0x10b: {  	[tilespmem:$0x10D8] =	vst v0  }
0x10c: {  	[tilespmem:$0x10E8] =	vst v0  }
0x10d: {  	[tilespmem:$0x10F8] =	vst v0  }
0x10e: {  	[tilespmem:$0x1108] =	vst v0  }
0x10f: {  	[tilespmem:$0x1118] =	vst v0  }
0x110: {  	[tilespmem:$0x1128] =	vst v0  }
0x111: {  	[tilespmem:$0x1138] =	vst v0  }
0x112: {  	[tilespmem:$0x1148] =	vst v0  }
0x113: {  	[tilespmem:$0x1158] =	vst v0  }
0x114: {  	[tilespmem:$0x1168] =	vst v0  }
0x115: {  	[tilespmem:$0x1178] =	vst v0  }
0x116: {  	[tilespmem:$0x1188] =	vst v0  }
0x117: {  	[tilespmem:$0x1198] =	vst v0  }
0x118: {  	[tilespmem:$0x11A8] =	vst v0  }
0x119: {  	[tilespmem:$0x11B8] =	vst v0  }
0x11a: {  	[tilespmem:$0x11C8] =	vst v0  }
0x11b: {  	[tilespmem:$0x11D8] =	vst v0  }
0x11c: {  	[tilespmem:$0x11E8] =	vst v0  }
0x11d: {  	[tilespmem:$0x11F8] =	vst v0  }
0x11e: {  	[tilespmem:$0x1208] =	vst v0  }
0x11f: {  	[tilespmem:$0x1218] =	vst v0  }
0x120: {  	[tilespmem:$0x1228] =	vst v0  }
0x121: {  	[tilespmem:$0x1238] =	vst v0  }
0x122: {  	[tilespmem:$0x1248] =	vst v0  }
0x123: {  	[tilespmem:$0x1258] =	vst v0  }
0x124: {  	[tilespmem:$0x1268] =	vst v0  }
0x125: {  	[tilespmem:$0x1278] =	vst v0  }
0x126: {  	[tilespmem:$0x1288] =	vst v0  }
0x127: {  	[tilespmem:$0x1298] =	vst v0  }
0x128: {  	[tilespmem:$0x12A8] =	vst v0  }
0x129: {  	[tilespmem:$0x12B8] =	vst v0  }
0x12a: {  	[tilespmem:$0x12C8] =	vst v0  }
0x12b: {  	[tilespmem:$0x12D8] =	vst v0  }
0x12c: {  	[tilespmem:$0x12E8] =	vst v0  }
0x12d: {  	[tilespmem:$0x12F8] =	vst v0  }
0x12e: {  	[tilespmem:$0x1308] =	vst v0  }
0x12f: {  	[tilespmem:$0x1318] =	vst v0  }
0x130: {  	[tilespmem:$0x1328] =	vst v0  }
0x131: {  	[tilespmem:$0x1338] =	vst v0  }
0x132: {  	[tilespmem:$0x1348] =	vst v0  }
0x133: {  	[tilespmem:$0x1358] =	vst v0  }
0x134: {  	[tilespmem:$0x1368] =	vst v0  }
0x135: {  	[tilespmem:$0x1378] =	vst v0  }
0x136: {  	[tilespmem:$0x1388] =	vst v0  }
0x137: {  	[tilespmem:$0x1398] =	vst v0  }
0x138: {  	[tilespmem:$0x13A8] =	vst v0  }
0x139: {  	[tilespmem:$0x13B8] =	vst v0  }
0x13a: {  	[tilespmem:$0x13C8] =	vst v0  }
0x13b: {  	[tilespmem:$0x13D8] =	vst v0  }
0x13c: {  	[tilespmem:$0x13E8] =	vst v0  }
0x13d: {  	[tilespmem:$0x13F8] =	vst v0  }
0x13e: {  	[tilespmem:$0x1408] =	vst v0  }
0x13f: {  	[tilespmem:$0x1418] =	vst v0  }
0x140: {  	[tilespmem:$0x1428] =	vst v0  }
0x141: {  	[tilespmem:$0x1438] =	vst v0  }
0x142: {  	[tilespmem:$0x1448] =	vst v0  }
0x143: {  	[tilespmem:$0x1458] =	vst v0  }
0x144: {  	[tilespmem:$0x2388] =	vst v0  }
0x145: {  	[tilespmem:$0x2398] =	vst v0  }
0x146: {  	[tilespmem:$0x1468] =	vst v0  }
0x147: {  	[tilespmem:$0x1478] =	vst v0  }
0x148: {  	[tilespmem:$0x1488] =	vst v0  }
0x149: {  	[tilespmem:$0x1498] =	vst v0  }
0x14a: {  	[tilespmem:$0x14A8] =	vst v0  }
0x14b: {  	[tilespmem:$0x14B8] =	vst v0  }
0x14c: {  	[tilespmem:$0x14C8] =	vst v0  }
0x14d: {  	[tilespmem:$0x14D8] =	vst v0  }
0x14e: {  	[tilespmem:$0x14E8] =	vst v0  }
0x14f: {  	[tilespmem:$0x14F8] =	vst v0  }
0x150: {  	[tilespmem:$0x1508] =	vst v0  }
0x151: {  	[tilespmem:$0x1518] =	vst v0  }
0x152: {  	[tilespmem:$0x1528] =	vst v0  }
0x153: {  	[tilespmem:$0x1538] =	vst v0  }
0x154: {  	[tilespmem:$0x1548] =	vst v0  }
0x155: {  	[tilespmem:$0x1558] =	vst v0  }
0x156: {  	[tilespmem:$0x1568] =	vst v0  }
0x157: {  	[tilespmem:$0x1578] =	vst v0  }
0x158: {  	[tilespmem:$0x1588] =	vst v0  }
0x159: {  	[tilespmem:$0x1598] =	vst v0  }
0x15a: {  	[tilespmem:$0x15A8] =	vst v0  }
0x15b: {  	[tilespmem:$0x15B8] =	vst v0  }
0x15c: {  	[tilespmem:$0x15C8] =	vst v0  }
0x15d: {  	[tilespmem:$0x15D8] =	vst v0  }
0x15e: {  	[tilespmem:$0x15E8] =	vst v0  }
0x15f: {  	[tilespmem:$0x15F8] =	vst v0  }
0x160: {  	[tilespmem:$0x1608] =	vst v0  }
0x161: {  	[tilespmem:$0x1618] =	vst v0  }
0x162: {  	[tilespmem:$0x1628] =	vst v0  }
0x163: {  	[tilespmem:$0x1638] =	vst v0  }
0x164: {  	[tilespmem:$0x1648] =	vst v0  }
0x165: {  	[tilespmem:$0x1658] =	vst v0  }
0x166: {  	[tilespmem:$0x1668] =	vst v0  }
0x167: {  	[tilespmem:$0x1678] =	vst v0  }
0x168: {  	[tilespmem:$0x1688] =	vst v0  }
0x169: {  	[tilespmem:$0x1698] =	vst v0  }
0x16a: {  	[tilespmem:$0x16A8] =	vst v0  }
0x16b: {  	[tilespmem:$0x16B8] =	vst v0  }
0x16c: {  	[tilespmem:$0x16C8] =	vst v0  }
0x16d: {  	[tilespmem:$0x16D8] =	vst v0  }
0x16e: {  	[tilespmem:$0x16E8] =	vst v0  }
0x16f: {  	[tilespmem:$0x16F8] =	vst v0  }
0x170: {  	[tilespmem:$0x1708] =	vst v0  }
0x171: {  	[tilespmem:$0x1718] =	vst v0  }
0x172: {  	[tilespmem:$0x1728] =	vst v0  }
0x173: {  	[tilespmem:$0x1738] =	vst v0  }
0x174: {  	[tilespmem:$0x1748] =	vst v0  }
0x175: {  	[tilespmem:$0x1758] =	vst v0  }
0x176: {  	[tilespmem:$0x1768] =	vst v0  }
0x177: {  	[tilespmem:$0x1778] =	vst v0  }
0x178: {  	[tilespmem:$0x1788] =	vst v0  }
0x179: {  	[tilespmem:$0x1798] =	vst v0  }
0x17a: {  	[tilespmem:$0x17A8] =	vst v0  }
0x17b: {  	[tilespmem:$0x17B8] =	vst v0  }
0x17c: {  	[tilespmem:$0x17C8] =	vst v0  }
0x17d: {  	[tilespmem:$0x17D8] =	vst v0  }
0x17e: {  	[tilespmem:$0x17E8] =	vst v0  }
0x17f: {  	[tilespmem:$0x17F8] =	vst v0  }
0x180: {  	[tilespmem:$0x1808] =	vst v0  }
0x181: {  	[tilespmem:$0x1818] =	vst v0  }
0x182: {  	[tilespmem:$0x1828] =	vst v0  }
0x183: {  	[tilespmem:$0x1838] =	vst v0  }
0x184: {  	[tilespmem:$0x1848] =	vst v0  }
0x185: {  	[tilespmem:$0x1858] =	vst v0  }
0x186: {  	[tilespmem:$0x1868] =	vst v0  }
0x187: {  	[tilespmem:$0x1878] =	vst v0  }
0x188: {  	[tilespmem:$0x1888] =	vst v0  }
0x189: {  	[tilespmem:$0x1898] =	vst v0  }
0x18a: {  	[tilespmem:$0x18A8] =	vst v0  }
0x18b: {  	[tilespmem:$0x18B8] =	vst v0  }
0x18c: {  	[tilespmem:$0x18C8] =	vst v0  }
0x18d: {  	[tilespmem:$0x18D8] =	vst v0  }
0x18e: {  	[tilespmem:$0x18E8] =	vst v0  }
0x18f: {  	[tilespmem:$0x18F8] =	vst v0  }
0x190: {  	[tilespmem:$0x1908] =	vst v0  }
0x191: {  	[tilespmem:$0x1918] =	vst v0  }
0x192: {  	[tilespmem:$0x1928] =	vst v0  }
0x193: {  	[tilespmem:$0x1938] =	vst v0  }
0x194: {  	[tilespmem:$0x1948] =	vst v0  }
0x195: {  	[tilespmem:$0x1958] =	vst v0  }
0x196: {  	[tilespmem:$0x1968] =	vst v0  }
0x197: {  	[tilespmem:$0x1978] =	vst v0  }
0x198: {  	[tilespmem:$0x1988] =	vst v0  }
0x199: {  	[tilespmem:$0x1998] =	vst v0  }
0x19a: {  	[tilespmem:$0x19A8] =	vst v0  }
0x19b: {  	[tilespmem:$0x19B8] =	vst v0  }
0x19c: {  	[tilespmem:$0x19C8] =	vst v0  }
0x19d: {  	[tilespmem:$0x19D8] =	vst v0  }
0x19e: {  	[tilespmem:$0x19E8] =	vst v0  }
0x19f: {  	[tilespmem:$0x19F8] =	vst v0  }
0x1a0: {  	[tilespmem:$0x1A08] =	vst v0  }
0x1a1: {  	[tilespmem:$0x1A18] =	vst v0  }
0x1a2: {  	[tilespmem:$0x1A28] =	vst v0  }
0x1a3: {  	[tilespmem:$0x1A38] =	vst v0  }
0x1a4: {  	[tilespmem:$0x1A48] =	vst v0  }
0x1a5: {  	[tilespmem:$0x1A58] =	vst v0  }
0x1a6: {  	[tilespmem:$0x1A68] =	vst v0  }
0x1a7: {  	[tilespmem:$0x1A78] =	vst v0  }
0x1a8: {  	[tilespmem:$0x1A88] =	vst v0  }
0x1a9: {  	[tilespmem:$0x1A98] =	vst v0  }
0x1aa: {  	[tilespmem:$0x1AA8] =	vst v0  }
0x1ab: {  	[tilespmem:$0x1AB8] =	vst v0  }
0x1ac: {  	[tilespmem:$0x1AC8] =	vst v0  }
0x1ad: {  	[tilespmem:$0x1AD8] =	vst v0  }
0x1ae: {  	[tilespmem:$0x1AE8] =	vst v0  }
0x1af: {  	[tilespmem:$0x1AF8] =	vst v0  }
0x1b0: {  	[tilespmem:$0x1B08] =	vst v0  }
0x1b1: {  	[tilespmem:$0x1B18] =	vst v0  }
0x1b2: {  	[tilespmem:$0x1B28] =	vst v0  }
0x1b3: {  	[tilespmem:$0x1B38] =	vst v0  }
0x1b4: {  	[tilespmem:$0x1B48] =	vst v0  }
0x1b5: {  	[tilespmem:$0x1B58] =	vst v0  }
0x1b6: {  	[tilespmem:$0x1B68] =	vst v0  }
0x1b7: {  	[tilespmem:$0x1B78] =	vst v0  }
0x1b8: {  	[tilespmem:$0x1B88] =	vst v0  }
0x1b9: {  	[tilespmem:$0x1B98] =	vst v0  }
0x1ba: {  	[tilespmem:$0x1BA8] =	vst v0  }
0x1bb: {  	[tilespmem:$0x1BB8] =	vst v0  }
0x1bc: {  	[tilespmem:$0x1BC8] =	vst v0  }
0x1bd: {  	[tilespmem:$0x1BD8] =	vst v0  }
0x1be: {  	[tilespmem:$0x1BE8] =	vst v0  }
0x1bf: {  	[tilespmem:$0x1BF8] =	vst v0  }
0x1c0: {  	[tilespmem:$0x1C08] =	vst v0  }
0x1c1: {  	[tilespmem:$0x1C18] =	vst v0  }
0x1c2: {  	[tilespmem:$0x1C28] =	vst v0  }
0x1c3: {  	[tilespmem:$0x1C38] =	vst v0  }
0x1c4: {  	[tilespmem:$0x1C48] =	vst v0  }
0x1c5: {  	[tilespmem:$0x1C58] =	vst v0  }
0x1c6: {  	[tilespmem:$0x1C68] =	vst v0  }
0x1c7: {  	[tilespmem:$0x1C78] =	vst v0  }
0x1c8: {  	[tilespmem:$0x1C88] =	vst v0  }
0x1c9: {  	[tilespmem:$0x1C98] =	vst v0  }
0x1ca: {  	[tilespmem:$0x1CA8] =	vst v0  }
0x1cb: {  	[tilespmem:$0x1CB8] =	vst v0  }
0x1cc: {  	[tilespmem:$0x1CC8] =	vst v0  }
0x1cd: {  	[tilespmem:$0x1CD8] =	vst v0  }
0x1ce: {  	[tilespmem:$0x1CE8] =	vst v0  }
0x1cf: {  	[tilespmem:$0x1CF8] =	vst v0  }
0x1d0: {  	[tilespmem:$0x1D08] =	vst v0  }
0x1d1: {  	[tilespmem:$0x1D18] =	vst v0  }
0x1d2: {  	[tilespmem:$0x1D28] =	vst v0  }
0x1d3: {  	[tilespmem:$0x1D38] =	vst v0  }
0x1d4: {  	[tilespmem:$0x1D48] =	vst v0  }
0x1d5: {  	[tilespmem:$0x1D58] =	vst v0  }
0x1d6: {  	[tilespmem:$0x1D68] =	vst v0  }
0x1d7: {  	[tilespmem:$0x1D78] =	vst v0  }
0x1d8: {  	[tilespmem:$0x1D88] =	vst v0  }
0x1d9: {  	[tilespmem:$0x1D98] =	vst v0  }
0x1da: {  	[tilespmem:$0x1DA8] =	vst v0  }
0x1db: {  	[tilespmem:$0x1DB8] =	vst v0  }
0x1dc: {  	[tilespmem:$0x1DC8] =	vst v0  }
0x1dd: {  	[tilespmem:$0x1DD8] =	vst v0  }
0x1de: {  	[tilespmem:$0x1DE8] =	vst v0  }
0x1df: {  	[tilespmem:$0x1DF8] =	vst v0  }
0x1e0: {  	[tilespmem:$0x1E08] =	vst v0  }
0x1e1: {  	[tilespmem:$0x1E18] =	vst v0  }
0x1e2: {  	[tilespmem:$0x1E28] =	vst v0  }
0x1e3: {  	[tilespmem:$0x1E38] =	vst v0  }
0x1e4: {  	[tilespmem:$0x1E48] =	vst v0  }
0x1e5: {  	[tilespmem:$0x1E58] =	vst v0  }
0x1e6: {  	[tilespmem:$0x1E68] =	vst v0  }
0x1e7: {  	[tilespmem:$0x1E78] =	vst v0  }
0x1e8: {  	[tilespmem:$0x1E88] =	vst v0  }
0x1e9: {  	[tilespmem:$0x1E98] =	vst v0  }
0x1ea: {  	[tilespmem:$0x1EA8] =	vst v0  }
0x1eb: {  	[tilespmem:$0x1EB8] =	vst v0  }
0x1ec: {  	[tilespmem:$0x1EC8] =	vst v0  }
0x1ed: {  	[tilespmem:$0x1ED8] =	vst v0  }
0x1ee: {  	[tilespmem:$0x1EE8] =	vst v0  }
0x1ef: {  	[tilespmem:$0x1EF8] =	vst v0  }
0x1f0: {  	[tilespmem:$0x1F08] =	vst v0  }
0x1f1: {  	[tilespmem:$0x1F18] =	vst v0  }
0x1f2: {  	[tilespmem:$0x1F28] =	vst v0  }
0x1f3: {  	[tilespmem:$0x1F38] =	vst v0  }
0x1f4: {  	[tilespmem:$0x1F48] =	vst v0  }
0x1f5: {  	[tilespmem:$0x1F58] =	vst v0  }
0x1f6: {  	[tilespmem:$0x1F68] =	vst v0  }
0x1f7: {  	[tilespmem:$0x1F78] =	vst v0  }
0x1f8: {  	[tilespmem:$0x1F88] =	vst v0  }
0x1f9: {  	[tilespmem:$0x1F98] =	vst v0  }
0x1fa: {  	[tilespmem:$0x1FA8] =	vst v0  }
0x1fb: {  	[tilespmem:$0x1FB8] =	vst v0  }
0x1fc: {  	[tilespmem:$0x1FC8] =	vst v0  }
0x1fd: {  	[tilespmem:$0x1FD8] =	vst v0  }
0x1fe: {  	[tilespmem:$0x1FE8] =	vst v0  }
0x1ff: {  	[tilespmem:$0x1FF8] =	vst v0  }
0x200: {  	[tilespmem:$0x2008] =	vst v0  }
0x201: {  	[tilespmem:$0x2018] =	vst v0  }
0x202: {  	[tilespmem:$0x2028] =	vst v0  }
0x203: {  	[tilespmem:$0x2038] =	vst v0  }
0x204: {  	[tilespmem:$0x2048] =	vst v0  }
0x205: {  	[tilespmem:$0x2058] =	vst v0  }
0x206: {  	[tilespmem:$0x2068] =	vst v0  }
0x207: {  	[tilespmem:$0x2078] =	vst v0  }
0x208: {  	[tilespmem:$0x2088] =	vst v0  }
0x209: {  	[tilespmem:$0x2098] =	vst v0  }
0x20a: {  	[tilespmem:$0x20A8] =	vst v0  }
0x20b: {  	[tilespmem:$0x20B8] =	vst v0  }
0x20c: {  	[tilespmem:$0x20C8] =	vst v0  }
0x20d: {  	[tilespmem:$0x20D8] =	vst v0  }
0x20e: {  	[tilespmem:$0x20E8] =	vst v0  }
0x20f: {  	[tilespmem:$0x20F8] =	vst v0  }
0x210: {  	[tilespmem:$0x2108] =	vst v0  }
0x211: {  	[tilespmem:$0x2118] =	vst v0  }
0x212: {  	[tilespmem:$0x2128] =	vst v0  }
0x213: {  	[tilespmem:$0x2138] =	vst v0  }
0x214: {  	[tilespmem:$0x2148] =	vst v0  }
0x215: {  	[tilespmem:$0x2158] =	vst v0  }
0x216: {  	[tilespmem:$0x2168] =	vst v0  }
0x217: {  	[tilespmem:$0x2178] =	vst v0  }
0x218: {  	[tilespmem:$0x2188] =	vst v0  }
0x219: {  	[tilespmem:$0x2198] =	vst v0  }
0x21a: {  	[tilespmem:$0x21A8] =	vst v0  }
0x21b: {  	[tilespmem:$0x21B8] =	vst v0  }
0x21c: {  	[tilespmem:$0x21C8] =	vst v0  }
0x21d: {  	[tilespmem:$0x21D8] =	vst v0  }
0x21e: {  	[tilespmem:$0x21E8] =	vst v0  }
0x21f: {  	[tilespmem:$0x21F8] =	vst v0  }
0x220: {  	[tilespmem:$0x2208] =	vst v0  }
0x221: {  	[tilespmem:$0x2218] =	vst v0  }
0x222: {  	[tilespmem:$0x2228] =	vst v0  }
0x223: {  	[tilespmem:$0x2238] =	vst v0  }
0x224: {  	[tilespmem:$0x2248] =	vst v0  }
0x225: {  	[tilespmem:$0x2258] =	vst v0  }
0x226: {  	[tilespmem:$0x2268] =	vst v0  }
0x227: {  	[tilespmem:$0x2278] =	vst v0  }
0x228: {  	[tilespmem:$0x2288] =	vst v0  }
0x229: {  	[tilespmem:$0x2298] =	vst v0  }
0x22a: {  	[tilespmem:$0x22A8] =	vst v0  }
0x22b: {  	[tilespmem:$0x22B8] =	vst v0  }
0x22c: {  	[tilespmem:$0x22C8] =	vst v0  }
0x22d: {  	[tilespmem:$0x22D8] =	vst v0  }
0x22e: {  	[tilespmem:$0x22E8] =	vst v0  }
0x22f: {  	[tilespmem:$0x22F8] =	vst v0  }
0x230: {  	[tilespmem:$0x2308] =	vst v0  }
0x231: {  	[tilespmem:$0x2318] =	vst v0  }
0x232: {  	[tilespmem:$0x2328] =	vst v0  }
0x233: {  	[tilespmem:$0x2338] =	vst v0  }
0x234: {  	[tilespmem:$0x2348] =	vst v0  }
0x235: {  	[tilespmem:$0x2358] =	vst v0  }
0x236: {  	[tilespmem:$0x2368] =	vst v0  }
0x237: {  	[tilespmem:$0x2378] =	vst v0  }
0x238: {  	[tilespmem:$0x23A8] =	vst v0  }
0x239: {  	[tilespmem:$0x23B8] =	vst v0  }
0x23a: {  	[tilespmem:$0x23C8] =	vst v0  }
0x23b: {  	[tilespmem:$0x23D8] =	vst v0  }
0x23c: {  	[tilespmem:$0x23E8] =	vst v0  }
0x23d: {  	[tilespmem:$0x23F8] =	vst v0  }
0x23e: {  	[tilespmem:$0x2408] =	vst v0  }
0x23f: {  	[tilespmem:$0x2418] =	vst v0  }
0x240: {  	[tilespmem:$0x2428] =	vst v0  }
0x241: {  	[tilespmem:$0x2438] =	vst v0  }
0x242: {  	[tilespmem:$0x2448] =	vst v0  }
0x243: {  	[tilespmem:$0x2458] =	vst v0  }
0x244: {  	[tilespmem:$0x2468] =	vst v0  }
0x245: {  	[tilespmem:$0x2478] =	vst v0  }
0x246: {  	[tilespmem:$0x2488] =	vst v0  }
0x247: {  	[tilespmem:$0x2498] =	vst v0  }
0x248: {  	[tilespmem:$0x24A8] =	vst v0  }
0x249: {  	[tilespmem:$0x24B8] =	vst v0  }
0x24a: {  	[tilespmem:$0x24C8] =	vst v0  }
0x24b: {  	[tilespmem:$0x24D8] =	vst v0  }
0x24c: {  	[tilespmem:$0x24E8] =	vst v0  }
0x24d: {  	[tilespmem:$0x24F8] =	vst v0  }
0x24e: {  	[tilespmem:$0x2508] =	vst v0  }
0x24f: {  	[tilespmem:$0x2518] =	vst v0  }
0x250: {  	[tilespmem:$0x2528] =	vst v0  }
0x251: {  	[tilespmem:$0x2538] =	vst v0  }
0x252: {  	[tilespmem:$0x2548] =	vst v0  }
0x253: {  	[tilespmem:$0x2558] =	vst v0  }
0x254: {  	[tilespmem:$0x2568] =	vst v0  }
0x255: {  	[tilespmem:$0x2578] =	vst v0  }
0x256: {  	[tilespmem:$0x2588] =	vst v0  }
0x257: {  	[tilespmem:$0x2598] =	vst v0  }
0x258: {  	[tilespmem:$0x25A8] =	vst v0  }
0x259: {  	[tilespmem:$0x25B8] =	vst v0  }
0x25a: {  	[tilespmem:$0x25C8] =	vst v0  }
0x25b: {  	[tilespmem:$0x25D8] =	vst v0  }
0x25c: {  	[tilespmem:$0x25E8] =	vst v0  }
0x25d: {  	[tilespmem:$0x25F8] =	vst v0  }
0x25e: {  	[tilespmem:$0x2608] =	vst v0  }
0x25f: {  	[tilespmem:$0x2618] =	vst v0  }
0x260: {  	[tilespmem:$0x2628] =	vst v0  }
0x261: {  	[tilespmem:$0x2638] =	vst v0  }
0x262: {  	[tilespmem:$0x2648] =	vst v0  }
0x263: {  	[tilespmem:$0x2658] =	vst v0  }
0x264: {  	[tilespmem:$0x2668] =	vst v0  }
0x265: {  	[tilespmem:$0x2678] =	vst v0  }
0x266: {  	[tilespmem:$0x2688] =	vst v0  }
0x267: {  	[tilespmem:$0x2698] =	vst v0  }
0x268: {  	[tilespmem:$0x26A8] =	vst v0  }
0x269: {  	[tilespmem:$0x26B8] =	vst v0  }
0x26a: {  	[tilespmem:$0x26C8] =	vst v0  }
0x26b: {  	[tilespmem:$0x26D8] =	vst v0  }
0x26c: {  	[tilespmem:$0x26E8] =	vst v0  }
0x26d: {  	[tilespmem:$0x26F8] =	vst v0  }
0x26e: {  	[tilespmem:$0x2708] =	vst v0  }
0x26f: {  	[tilespmem:$0x2718] =	vst v0  }
0x270: {  	[tilespmem:$0x2728] =	vst v0  }
0x271: {  	[tilespmem:$0x2738] =	vst v0  }
0x272: {  	[tilespmem:$0x2748] =	vst v0  }
0x273: {  	[tilespmem:$0x2758] =	vst v0  }
0x274: {  	[tilespmem:$0x2768] =	vst v0  }
0x275: {  	[tilespmem:$0x2778] =	vst v0  }
0x276: {  	[tilespmem:$0x2788] =	vst v0  }
0x277: {  	[tilespmem:$0x2798] =	vst v0  }
0x278: {  	[tilespmem:$0x27A8] =	vst v0  }
0x279: {  	[tilespmem:$0x27B8] =	vst v0  }
0x27a: {  	[tilespmem:$0x27C8] =	vst v0  }
0x27b: {  	[tilespmem:$0x27D8] =	vst v0  }
0x27c: {  	[tilespmem:$0x27E8] =	vst v0  }
0x27d: {  	[tilespmem:$0x27F8] =	vst v0  }
0x27e: {  	[tilespmem:$0x2808] =	vst v0  }
0x27f: {  	[tilespmem:$0x2818] =	vst v0  }
0x280: {  	[tilespmem:$0x2828] =	vst v0  }
0x281: {  	[tilespmem:$0x2838] =	vst v0  }
0x282: {  	[tilespmem:$0x2848] =	vst v0  }
0x283: {  	[tilespmem:$0x2858] =	vst v0  }
0x284: {  	[tilespmem:$0x2868] =	vst v0  }
0x285: {  	[tilespmem:$0x2878] =	vst v0  }
0x286: {  	[tilespmem:$0x2888] =	vst v0  }
0x287: {  	[tilespmem:$0x2898] =	vst v0  }
0x288: {  	[tilespmem:$0x28A8] =	vst v0  }
0x289: {  	[tilespmem:$0x28B8] =	vst v0  }
0x28a: {  	[tilespmem:$0x28C8] =	vst v0  }
0x28b: {  	[tilespmem:$0x28D8] =	vst v0  }
0x28c: {  	[tilespmem:$0x28E8] =	vst v0  }
0x28d: {  	[tilespmem:$0x28F8] =	vst v0  }
0x28e: {  	[tilespmem:$0x2908] =	vst v0  }
0x28f: {  	[tilespmem:$0x2918] =	vst v0  }
0x290: {  	[tilespmem:$0x2928] =	vst v0  }
0x291: {  	[tilespmem:$0x2938] =	vst v0  }
0x292: {  	[tilespmem:$0x2948] =	vst v0  }
0x293: {  	[tilespmem:$0x2958] =	vst v0  }
0x294: {  	[tilespmem:$0x2968] =	vst v0  }
0x295: {  	[tilespmem:$0x2978] =	vst v0  }
0x296: {  	[tilespmem:$0x2988] =	vst v0  }
0x297: {  	[tilespmem:$0x2998] =	vst v0  }
0x298: {  	[tilespmem:$0x29A8] =	vst v0  }
0x299: {  	[tilespmem:$0x29B8] =	vst v0  }
0x29a: {  	[tilespmem:$0x29C8] =	vst v0  }
0x29b: {  	[tilespmem:$0x29D8] =	vst v0  }
0x29c: {  	[tilespmem:$0x29E8] =	vst v0  }
0x29d: {  	[tilespmem:$0x29F8] =	vst v0  }
0x29e: {  	[tilespmem:$0x2A08] =	vst v0  }
0x29f: {  	[tilespmem:$0x2A18] =	vst v0  }
0x2a0: {  	[tilespmem:$0x2A28] =	vst v0  }
0x2a1: {  	[tilespmem:$0x2A38] =	vst v0  }
0x2a2: {  	[tilespmem:$0x2A48] =	vst v0  }
0x2a3: {  	[tilespmem:$0x2A58] =	vst v0  }
0x2a4: {  	[tilespmem:$0x2A68] =	vst v0  }
0x2a5: {  	[tilespmem:$0x2A78] =	vst v0  }
0x2a6: {  	[tilespmem:$0x2A88] =	vst v0  }
0x2a7: {  	[tilespmem:$0x2A98] =	vst v0  }
0x2a8: {  	[tilespmem:$0x2AA8] =	vst v0  }
0x2a9: {  	[tilespmem:$0x2AB8] =	vst v0  }
0x2aa: {  	[tilespmem:$0x2AC8] =	vst v0  }
0x2ab: {  	[tilespmem:$0x2AD8] =	vst v0  }
0x2ac: {  	[tilespmem:$0x2AE8] =	vst v0  }
0x2ad: {  	[tilespmem:$0x2AF8] =	vst v0  }
0x2ae: {  	[tilespmem:$0x2B08] =	vst v0  }
0x2af: {  	[tilespmem:$0x2B18] =	vst v0  }
0x2b0: {  	[tilespmem:$0x2B28] =	vst v0  }
0x2b1: {  	[tilespmem:$0x2B38] =	vst v0  }
0x2b2: {  	[tilespmem:$0x2B48] =	vst v0  }
0x2b3: {  	[tilespmem:$0x2B58] =	vst v0  }
0x2b4: {  	[tilespmem:$0x2B68] =	vst v0  }
0x2b5: {  	[tilespmem:$0x2B78] =	vst v0  }
0x2b6: {  	[tilespmem:$0x2B88] =	vst v0  }
0x2b7: {  	[tilespmem:$0x2B98] =	vst v0  }
0x2b8: {  	[tilespmem:$0x2BA8] =	vst v0  }
0x2b9: {  	[tilespmem:$0x2BB8] =	vst v0  }
0x2ba: {  	[tilespmem:$0x2BC8] =	vst v0  }
0x2bb: {  	[tilespmem:$0x2BD8] =	vst v0  }
0x2bc: {  	[tilespmem:$0x2BE8] =	vst v0  }
0x2bd: {  	[tilespmem:$0x2BF8] =	vst v0  }
0x2be: {  	[tilespmem:$0x2C08] =	vst v0  }
0x2bf: {  	[tilespmem:$0x2C18] =	vst v0  }
0x2c0: {  	[tilespmem:$0x2C28] =	vst v0  }
0x2c1: {  	[tilespmem:$0x2C38] =	vst v0  }
0x2c2: {  	[tilespmem:$0x2C48] =	vst v0  }
0x2c3: {  	[tilespmem:$0x2C58] =	vst v0  }
0x2c4: {  	[tilespmem:$0x2C68] =	vst v0  }
0x2c5: {  	[tilespmem:$0x2C78] =	vst v0  }
0x2c6: {  	[tilespmem:$0x2C88] =	vst v0  }
0x2c7: {  	[tilespmem:$0x2C98] =	vst v0  }
0x2c8: {  	[tilespmem:$0x2CA8] =	vst v0  }
0x2c9: {  	[tilespmem:$0x2CB8] =	vst v0  }
0x2ca: {  	[tilespmem:$0x2CC8] =	vst v0  }
0x2cb: {  	[tilespmem:$0x2CD8] =	vst v0  }
0x2cc: {  	[tilespmem:$0x2CE8] =	vst v0  }
0x2cd: {  	[tilespmem:$0x2CF8] =	vst v0  }
0x2ce: {  	[tilespmem:$0x2D08] =	vst v0  }
0x2cf: {  	[tilespmem:$0x2D18] =	vst v0  }
0x2d0: {  	[tilespmem:$0x2D28] =	vst v0  }
0x2d1: {  	[tilespmem:$0x2D38] =	vst v0  }
0x2d2: {  	[tilespmem:$0x2D48] =	vst v0  }
0x2d3: {  	[tilespmem:$0x2D58] =	vst v0  }
0x2d4: {  	[tilespmem:$0x2D68] =	vst v0  }
0x2d5: {  	[tilespmem:$0x2D78] =	vst v0  }
0x2d6: {  	[tilespmem:$0x2D88] =	vst v0  }
0x2d7: {  	[tilespmem:$0x2D98] =	vst v0  }
0x2d8: {  	[tilespmem:$0x2DA8] =	vst v0  }
0x2d9: {  	[tilespmem:$0x2DB8] =	vst v0  }
0x2da: {  	[tilespmem:$0x2DC8] =	vst v0  }
0x2db: {  	[tilespmem:$0x2DD8] =	vst v0  }
0x2dc: {  	[tilespmem:$0x2DE8] =	vst v0  }
0x2dd: {  	[tilespmem:$0x2DF8] =	vst v0  }
0x2de: {  	[tilespmem:$0x2E08] =	vst v0  }
0x2df: {  	[tilespmem:$0x2E18] =	vst v0  }
0x2e0: {  	[tilespmem:$0x2E28] =	vst v0  }
0x2e1: {  	[tilespmem:$0x2E38] =	vst v0  }
0x2e2: {  	[tilespmem:$0x2E48] =	vst v0  }
0x2e3: {  	[tilespmem:$0x2E58] =	vst v0  }
0x2e4: {  	[tilespmem:$0x2E68] =	vst v0  }
0x2e5: {  	[tilespmem:$0x2E78] =	vst v0  }
0x2e6: {  	[tilespmem:$0x2E88] =	vst v0  }
0x2e7: {  	[tilespmem:$0x2E98] =	vst v0  }
0x2e8: {  	[tilespmem:$0x2EA8] =	vst v0  }
0x2e9: {  	[tilespmem:$0x2EB8] =	vst v0  }
0x2ea: {  	[tilespmem:$0x2EC8] =	vst v0  }
0x2eb: {  	[tilespmem:$0x2ED8] =	vst v0  }
0x2ec: {  	[tilespmem:$0x2EE8] =	vst v0  }
0x2ed: {  	[tilespmem:$0x2EF8] =	vst v0  }
0x2ee: {  	[tilespmem:$0x2F08] =	vst v0  }
0x2ef: {  	[tilespmem:$0x2F18] =	vst v0  }
0x2f0: {  	[tilespmem:$0x2F28] =	vst v0  }
0x2f1: {  	[tilespmem:$0x2F38] =	vst v0  }
0x2f2: {  	[tilespmem:$0x2F48] =	vst v0  }
0x2f3: {  	[tilespmem:$0x2F58] =	vst v0  }
0x2f4: {  	[tilespmem:$0x2F68] =	vst v0  }
0x2f5: {  	[tilespmem:$0x2F78] =	vst v0  }
0x2f6: {  	[tilespmem:$0x2F88] =	vst v0  }
0x2f7: {  	[tilespmem:$0x2F98] =	vst v0  }
0x2f8: {  	[tilespmem:$0x2FA8] =	vst v0  }
0x2f9: {  	[tilespmem:$0x2FB8] =	vst v0  }
0x2fa: {  	[tilespmem:$0x2FC8] =	vst v0  }
0x2fb: {  	[tilespmem:$0x2FD8] =	vst v0  }
0x2fc: {  	[tilespmem:$0x2FE8] =	vst v0  }
0x2fd: {  	[tilespmem:$0x2FF8] =	vst v0  }
0x2fe: {  	[tilespmem:$0x3008] =	vst v0  }
0x2ff: {  	[tilespmem:$0x3018] =	vst v0  }
0x300: {  	[tilespmem:$0x3028] =	vst v0  }
0x301: {  	[tilespmem:$0x3038] =	vst v0  }
0x302: {  	[tilespmem:$0x3048] =	vst v0  }
0x303: {  	[tilespmem:$0x3058] =	vst v0  }
0x304: {  	[tilespmem:$0x3068] =	vst v0  }
0x305: {  	[tilespmem:$0x3078] =	vst v0  }
0x306: {  	[tilespmem:$0x3088] =	vst v0  }
0x307: {  	[tilespmem:$0x3098] =	vst v0  }
0x308: {  	[tilespmem:$0x30A8] =	vst v0  }
0x309: {  	[tilespmem:$0x30B8] =	vst v0  }
0x30a: {  	[tilespmem:$0x30C8] =	vst v0  }
0x30b: {  	[tilespmem:$0x30D8] =	vst v0  }
0x30c: {  	[tilespmem:$0x30E8] =	vst v0  }
0x30d: {  	[tilespmem:$0x30F8] =	vst v0  }
0x30e: {  	[tilespmem:$0x3108] =	vst v0  }
0x30f: {  	[tilespmem:$0x3118] =	vst v0  }
0x310: {  	[tilespmem:$0x3128] =	vst v0  }
0x311: {  	[tilespmem:$0x3138] =	vst v0  }
0x312: {  	[tilespmem:$0x3148] =	vst v0  }
0x313: {  	[tilespmem:$0x3158] =	vst v0  }
0x314: {  	[tilespmem:$0x3168] =	vst v0  }
0x315: {  	[tilespmem:$0x3178] =	vst v0  }
0x316: {  	[tilespmem:$0x3188] =	vst v0  }
0x317: {  	[tilespmem:$0x3198] =	vst v0  }
0x318: {  	[tilespmem:$0x31A8] =	vst v0  }
0x319: {  	[tilespmem:$0x31B8] =	vst v0  }
0x31a: {  	[tilespmem:$0x31C8] =	vst v0  }
0x31b: {  	[tilespmem:$0x31D8] =	vst v0  }
0x31c: {  	[tilespmem:$0x31E8] =	vst v0  }
0x31d: {  	[tilespmem:$0x31F8] =	vst v0  }
0x31e: {  	[tilespmem:$0x3208] =	vst v0  }
0x31f: {  	[tilespmem:$0x3218] =	vst v0  }
0x320: {  	[tilespmem:$0x3228] =	vst v0  }
0x321: {  	[tilespmem:$0x3238] =	vst v0  }
0x322: {  	[tilespmem:$0x3248] =	vst v0  }
0x323: {  	[tilespmem:$0x3258] =	vst v0  }
0x324: {  	[tilespmem:$0x3268] =	vst v0  }
0x325: {  	[tilespmem:$0x3278] =	vst v0  }
0x326: {  	[tilespmem:$0x3288] =	vst v0  }
0x327: {  	[tilespmem:$0x3298] =	vst v0  }
0x328: {  	[tilespmem:$0x32A8] =	vst v0  }
0x329: {  	[tilespmem:$0x32B8] =	vst v0  }
0x32a: {  	[tilespmem:$0x32C8] =	vst v0  }
0x32b: {  	[tilespmem:$0x32D8] =	vst v0  }
0x32c: {  	[tilespmem:$0x32E8] =	vst v0  }
0x32d: {  	[tilespmem:$0x32F8] =	vst v0  }
0x32e: {  	[tilespmem:$0x3308] =	vst v0  }
0x32f: {  	[tilespmem:$0x3318] =	vst v0  }
0x330: {  	[tilespmem:$0x3328] =	vst v0  }
0x331: {  	[tilespmem:$0x3338] =	vst v0  }
0x332: {  	[tilespmem:$0x3348] =	vst v0  }
0x333: {  	[tilespmem:$0x3358] =	vst v0  }
0x334: {  	[tilespmem:$0x3368] =	vst v0  }
0x335: {  	[tilespmem:$0x3378] =	vst v0  }
0x336: {  	[tilespmem:$0x3388] =	vst v0  }
0x337: {  	[tilespmem:$0x3398] =	vst v0  }
0x338: {  	[tilespmem:$0x3448] =	vst v0  }
0x339: {  	[tilespmem:$0x4288] =	vst v0  }
0x33a: {  	[tilespmem:$0x4278] =	vst v0  }
0x33b: {  	[tilespmem:$0x4268] =	vst v0  }
0x33c: {  	[tilespmem:$0x4258] =	vst v0  }
0x33d: {  	[tilespmem:$0x4248] =	vst v0  }
0x33e: {  	[tilespmem:$0x4238] =	vst v0  }
0x33f: {  	[tilespmem:$0x4228] =	vst v0  }
0x340: {  	[tilespmem:$0x4218] =	vst v0  }
0x341: {  	[tilespmem:$0x4208] =	vst v0  }
0x342: {  	[tilespmem:$0x41F8] =	vst v0  }
0x343: {  	[tilespmem:$0x41E8] =	vst v0  }
0x344: {  	[tilespmem:$0x41D8] =	vst v0  }
0x345: {  	[tilespmem:$0x41C8] =	vst v0  }
0x346: {  	[tilespmem:$0x41B8] =	vst v0  }
0x347: {  	[tilespmem:$0x41A8] =	vst v0  }
0x348: {  	[tilespmem:$0x4198] =	vst v0  }
0x349: {  	[tilespmem:$0x4188] =	vst v0  }
0x34a: {  	[tilespmem:$0x4178] =	vst v0  }
0x34b: {  	[tilespmem:$0x4168] =	vst v0  }
0x34c: {  	[tilespmem:$0x4158] =	vst v0  }
0x34d: {  	[tilespmem:$0x4148] =	vst v0  }
0x34e: {  	[tilespmem:$0x4138] =	vst v0  }
0x34f: {  	[tilespmem:$0x4128] =	vst v0  }
0x350: {  	[tilespmem:$0x4118] =	vst v0  }
0x351: {  	[tilespmem:$0x4108] =	vst v0  }
0x352: {  	[tilespmem:$0x40F8] =	vst v0  }
0x353: {  	[tilespmem:$0x40E8] =	vst v0  }
0x354: {  	[tilespmem:$0x40D8] =	vst v0  }
0x355: {  	[tilespmem:$0x40C8] =	vst v0  }
0x356: {  	[tilespmem:$0x40B8] =	vst v0  }
0x357: {  	[tilespmem:$0x40A8] =	vst v0  }
0x358: {  	[tilespmem:$0x4098] =	vst v0  }
0x359: {  	[tilespmem:$0x4088] =	vst v0  }
0x35a: {  	[tilespmem:$0x4078] =	vst v0  }
0x35b: {  	[tilespmem:$0x4068] =	vst v0  }
0x35c: {  	[tilespmem:$0x4058] =	vst v0  }
0x35d: {  	[tilespmem:$0x4048] =	vst v0  }
0x35e: {  	[tilespmem:$0x4038] =	vst v0  }
0x35f: {  	[tilespmem:$0x4028] =	vst v0  }
0x360: {  	[tilespmem:$0x4018] =	vst v0  }
0x361: {  	[tilespmem:$0x4008] =	vst v0  }
0x362: {  	[tilespmem:$0x3FF8] =	vst v0  }
0x363: {  	[tilespmem:$0x3FE8] =	vst v0  }
0x364: {  	[tilespmem:$0x3FD8] =	vst v0  }
0x365: {  	[tilespmem:$0x3FC8] =	vst v0  }
0x366: {  	[tilespmem:$0x3FB8] =	vst v0  }
0x367: {  	[tilespmem:$0x3FA8] =	vst v0  }
0x368: {  	[tilespmem:$0x3F98] =	vst v0  }
0x369: {  	[tilespmem:$0x3F88] =	vst v0  }
0x36a: {  	[tilespmem:$0x3F78] =	vst v0  }
0x36b: {  	[tilespmem:$0x3F68] =	vst v0  }
0x36c: {  	[tilespmem:$0x3F58] =	vst v0  }
0x36d: {  	[tilespmem:$0x3F48] =	vst v0  }
0x36e: {  	[tilespmem:$0x3F38] =	vst v0  }
0x36f: {  	[tilespmem:$0x3F28] =	vst v0  }
0x370: {  	[tilespmem:$0x3F18] =	vst v0  }
0x371: {  	[tilespmem:$0x3F08] =	vst v0  }
0x372: {  	[tilespmem:$0x3EF8] =	vst v0  }
0x373: {  	[tilespmem:$0x3EE8] =	vst v0  }
0x374: {  	[tilespmem:$0x3ED8] =	vst v0  }
0x375: {  	[tilespmem:$0x3EC8] =	vst v0  }
0x376: {  	[tilespmem:$0x3EB8] =	vst v0  }
0x377: {  	[tilespmem:$0x3EA8] =	vst v0  }
0x378: {  	[tilespmem:$0x3E98] =	vst v0  }
0x379: {  	[tilespmem:$0x3E88] =	vst v0  }
0x37a: {  	[tilespmem:$0x3E78] =	vst v0  }
0x37b: {  	[tilespmem:$0x3E68] =	vst v0  }
0x37c: {  	[tilespmem:$0x3E58] =	vst v0  }
0x37d: {  	[tilespmem:$0x3E48] =	vst v0  }
0x37e: {  	[tilespmem:$0x3E38] =	vst v0  }
0x37f: {  	[tilespmem:$0x3E28] =	vst v0  }
0x380: {  	[tilespmem:$0x3E18] =	vst v0  }
0x381: {  	[tilespmem:$0x3E08] =	vst v0  }
0x382: {  	[tilespmem:$0x3DF8] =	vst v0  }
0x383: {  	[tilespmem:$0x3DE8] =	vst v0  }
0x384: {  	[tilespmem:$0x3DD8] =	vst v0  }
0x385: {  	[tilespmem:$0x3DC8] =	vst v0  }
0x386: {  	[tilespmem:$0x3DB8] =	vst v0  }
0x387: {  	[tilespmem:$0x3DA8] =	vst v0  }
0x388: {  	[tilespmem:$0x3D98] =	vst v0  }
0x389: {  	[tilespmem:$0x3D88] =	vst v0  }
0x38a: {  	[tilespmem:$0x3D78] =	vst v0  }
0x38b: {  	[tilespmem:$0x3D68] =	vst v0  }
0x38c: {  	[tilespmem:$0x3D58] =	vst v0  }
0x38d: {  	[tilespmem:$0x3D48] =	vst v0  }
0x38e: {  	[tilespmem:$0x3D38] =	vst v0  }
0x38f: {  	[tilespmem:$0x3D28] =	vst v0  }
0x390: {  	[tilespmem:$0x3D18] =	vst v0  }
0x391: {  	[tilespmem:$0x3D08] =	vst v0  }
0x392: {  	[tilespmem:$0x3CF8] =	vst v0  }
0x393: {  	[tilespmem:$0x3CE8] =	vst v0  }
0x394: {  	[tilespmem:$0x3CD8] =	vst v0  }
0x395: {  	[tilespmem:$0x3CC8] =	vst v0  }
0x396: {  	[tilespmem:$0x3CB8] =	vst v0  }
0x397: {  	[tilespmem:$0x3CA8] =	vst v0  }
0x398: {  	[tilespmem:$0x3C98] =	vst v0  }
0x399: {  	[tilespmem:$0x3C88] =	vst v0  }
0x39a: {  	[tilespmem:$0x3C78] =	vst v0  }
0x39b: {  	[tilespmem:$0x3C68] =	vst v0  }
0x39c: {  	[tilespmem:$0x3C58] =	vst v0  }
0x39d: {  	[tilespmem:$0x3C48] =	vst v0  }
0x39e: {  	[tilespmem:$0x3C38] =	vst v0  }
0x39f: {  	[tilespmem:$0x3C28] =	vst v0  }
0x3a0: {  	[tilespmem:$0x3C18] =	vst v0  }
0x3a1: {  	[tilespmem:$0x3C08] =	vst v0  }
0x3a2: {  	[tilespmem:$0x3BF8] =	vst v0  }
0x3a3: {  	[tilespmem:$0x3BE8] =	vst v0  }
0x3a4: {  	[tilespmem:$0x3BD8] =	vst v0  }
0x3a5: {  	[tilespmem:$0x3BC8] =	vst v0  }
0x3a6: {  	[tilespmem:$0x3BB8] =	vst v0  }
0x3a7: {  	[tilespmem:$0x3BA8] =	vst v0  }
0x3a8: {  	[tilespmem:$0x3B98] =	vst v0  }
0x3a9: {  	[tilespmem:$0x3B88] =	vst v0  }
0x3aa: {  	[tilespmem:$0x3B78] =	vst v0  }
0x3ab: {  	[tilespmem:$0x3B68] =	vst v0  }
0x3ac: {  	[tilespmem:$0x3B58] =	vst v0  }
0x3ad: {  	[tilespmem:$0x3B48] =	vst v0  }
0x3ae: {  	[tilespmem:$0x3B38] =	vst v0  }
0x3af: {  	[tilespmem:$0x3B28] =	vst v0  }
0x3b0: {  	[tilespmem:$0x3B18] =	vst v0  }
0x3b1: {  	[tilespmem:$0x3B08] =	vst v0  }
0x3b2: {  	[tilespmem:$0x3AF8] =	vst v0  }
0x3b3: {  	[tilespmem:$0x3AE8] =	vst v0  }
0x3b4: {  	[tilespmem:$0x3AD8] =	vst v0  }
0x3b5: {  	[tilespmem:$0x3AC8] =	vst v0  }
0x3b6: {  	[tilespmem:$0x3AB8] =	vst v0  }
0x3b7: {  	[tilespmem:$0x3AA8] =	vst v0  }
0x3b8: {  	[tilespmem:$0x3A98] =	vst v0  }
0x3b9: {  	[tilespmem:$0x3A88] =	vst v0  }
0x3ba: {  	[tilespmem:$0x3A78] =	vst v0  }
0x3bb: {  	[tilespmem:$0x3A68] =	vst v0  }
0x3bc: {  	[tilespmem:$0x3A58] =	vst v0  }
0x3bd: {  	[tilespmem:$0x3A48] =	vst v0  }
0x3be: {  	[tilespmem:$0x3A38] =	vst v0  }
0x3bf: {  	[tilespmem:$0x3A28] =	vst v0  }
0x3c0: {  	[tilespmem:$0x3A18] =	vst v0  }
0x3c1: {  	[tilespmem:$0x3A08] =	vst v0  }
0x3c2: {  	[tilespmem:$0x39F8] =	vst v0  }
0x3c3: {  	[tilespmem:$0x39E8] =	vst v0  }
0x3c4: {  	[tilespmem:$0x39D8] =	vst v0  }
0x3c5: {  	[tilespmem:$0x39C8] =	vst v0  }
0x3c6: {  	[tilespmem:$0x39B8] =	vst v0  }
0x3c7: {  	[tilespmem:$0x39A8] =	vst v0  }
0x3c8: {  	[tilespmem:$0x3998] =	vst v0  }
0x3c9: {  	[tilespmem:$0x3988] =	vst v0  }
0x3ca: {  	[tilespmem:$0x3978] =	vst v0  }
0x3cb: {  	[tilespmem:$0x3968] =	vst v0  }
0x3cc: {  	[tilespmem:$0x3958] =	vst v0  }
0x3cd: {  	[tilespmem:$0x3948] =	vst v0  }
0x3ce: {  	[tilespmem:$0x3938] =	vst v0  }
0x3cf: {  	[tilespmem:$0x3928] =	vst v0  }
0x3d0: {  	[tilespmem:$0x3918] =	vst v0  }
0x3d1: {  	[tilespmem:$0x3908] =	vst v0  }
0x3d2: {  	[tilespmem:$0x38F8] =	vst v0  }
0x3d3: {  	[tilespmem:$0x38E8] =	vst v0  }
0x3d4: {  	[tilespmem:$0x38D8] =	vst v0  }
0x3d5: {  	[tilespmem:$0x38C8] =	vst v0  }
0x3d6: {  	[tilespmem:$0x38B8] =	vst v0  }
0x3d7: {  	[tilespmem:$0x38A8] =	vst v0  }
0x3d8: {  	[tilespmem:$0x3898] =	vst v0  }
0x3d9: {  	[tilespmem:$0x3888] =	vst v0  }
0x3da: {  	[tilespmem:$0x3878] =	vst v0  }
0x3db: {  	[tilespmem:$0x3868] =	vst v0  }
0x3dc: {  	[tilespmem:$0x3858] =	vst v0  }
0x3dd: {  	[tilespmem:$0x3848] =	vst v0  }
0x3de: {  	[tilespmem:$0x3838] =	vst v0  }
0x3df: {  	[tilespmem:$0x3828] =	vst v0  }
0x3e0: {  	[tilespmem:$0x3818] =	vst v0  }
0x3e1: {  	[tilespmem:$0x3808] =	vst v0  }
0x3e2: {  	[tilespmem:$0x37F8] =	vst v0  }
0x3e3: {  	[tilespmem:$0x37E8] =	vst v0  }
0x3e4: {  	[tilespmem:$0x37D8] =	vst v0  }
0x3e5: {  	[tilespmem:$0x37C8] =	vst v0  }
0x3e6: {  	[tilespmem:$0x37B8] =	vst v0  }
0x3e7: {  	[tilespmem:$0x37A8] =	vst v0  }
0x3e8: {  	[tilespmem:$0x3798] =	vst v0  }
0x3e9: {  	[tilespmem:$0x3788] =	vst v0  }
0x3ea: {  	[tilespmem:$0x3778] =	vst v0  }
0x3eb: {  	[tilespmem:$0x3768] =	vst v0  }
0x3ec: {  	[tilespmem:$0x3758] =	vst v0  }
0x3ed: {  	[tilespmem:$0x3748] =	vst v0  }
0x3ee: {  	[tilespmem:$0x3738] =	vst v0  }
0x3ef: {  	[tilespmem:$0x3728] =	vst v0  }
0x3f0: {  	[tilespmem:$0x3718] =	vst v0  }
0x3f1: {  	[tilespmem:$0x3708] =	vst v0  }
0x3f2: {  	[tilespmem:$0x36F8] =	vst v0  }
0x3f3: {  	[tilespmem:$0x36E8] =	vst v0  }
0x3f4: {  	[tilespmem:$0x36D8] =	vst v0  }
0x3f5: {  	[tilespmem:$0x36C8] =	vst v0  }
0x3f6: {  	[tilespmem:$0x36B8] =	vst v0  }
0x3f7: {  	[tilespmem:$0x36A8] =	vst v0  }
0x3f8: {  	[tilespmem:$0x3698] =	vst v0  }
0x3f9: {  	[tilespmem:$0x3688] =	vst v0  }
0x3fa: {  	[tilespmem:$0x3678] =	vst v0  }
0x3fb: {  	[tilespmem:$0x3668] =	vst v0  }
0x3fc: {  	[tilespmem:$0x3658] =	vst v0  }
0x3fd: {  	[tilespmem:$0x3648] =	vst v0  }
0x3fe: {  	[tilespmem:$0x3638] =	vst v0  }
0x3ff: {  	[tilespmem:$0x3628] =	vst v0  }
0x400: {  	[tilespmem:$0x3618] =	vst v0  }
0x401: {  	[tilespmem:$0x3608] =	vst v0  }
0x402: {  	[tilespmem:$0x35F8] =	vst v0  }
0x403: {  	[tilespmem:$0x35E8] =	vst v0  }
0x404: {  	[tilespmem:$0x35D8] =	vst v0  }
0x405: {  	[tilespmem:$0x35C8] =	vst v0  }
0x406: {  	[tilespmem:$0x35B8] =	vst v0  }
0x407: {  	[tilespmem:$0x35A8] =	vst v0  }
0x408: {  	[tilespmem:$0x3598] =	vst v0  }
0x409: {  	[tilespmem:$0x3588] =	vst v0  }
0x40a: {  	[tilespmem:$0x3578] =	vst v0  }
0x40b: {  	[tilespmem:$0x3568] =	vst v0  }
0x40c: {  	[tilespmem:$0x3558] =	vst v0  }
0x40d: {  	[tilespmem:$0x3548] =	vst v0  }
0x40e: {  	[tilespmem:$0x3538] =	vst v0  }
0x40f: {  	[tilespmem:$0x3528] =	vst v0  }
0x410: {  	[tilespmem:$0x3518] =	vst v0  }
0x411: {  	[tilespmem:$0x3508] =	vst v0  }
0x412: {  	[tilespmem:$0x34F8] =	vst v0  }
0x413: {  	[tilespmem:$0x34E8] =	vst v0  }
0x414: {  	[tilespmem:$0x34D8] =	vst v0  }
0x415: {  	[tilespmem:$0x34C8] =	vst v0  }
0x416: {  	[tilespmem:$0x34B8] =	vst v0  }
0x417: {  	[tilespmem:$0x34A8] =	vst v0  }
0x418: {  	[tilespmem:$0x3498] =	vst v0  }
0x419: {  	[tilespmem:$0x3488] =	vst v0  }
0x41a: {  	s10 =	stileid.u32;
	[tilespmem:$0x3478] =	vst v0  }
0x41b: {  	s0 =	smul.u32 $0x1C, s10;
	[tilespmem:$0x3468] =	vst v0  }
0x41c: {  	s1 =	smin.u32 s10, $0x7;
	[tilespmem:$0x3458] =	vst v0  }
0x41d: {  	[tilespmem:$0x3428] =	vst v0;
	s0 =	sadd.s32 s1, s0  }
0x41e: {  	p0 =	slt.u32 s10, $0x7;
	[tilespmem:$0x3438] =	vst v0;
	s1 =	simm.s32 $0x27E0;
	s8 =	smul.u32 $0x160, s0  }
0x41f: {  	s1 =	simm.s32 @!p0 $0x2680;
	[tilespmem:$0x3418] =	vst v0  }
0x420: {  	[tilespmem:$0x33B8] =	vst v0;
	s0 =	sadd.s32 s1, s8  }
0x421: {  	s6 =	simm.s32 $0x2;
	s29 =	simm.s32 $0x9;
	[tilespmem:$0x3408] =	vst v0;
	s9 =	smin.u32 s0, $0x27100  }
0x422: {  	s30 =	simm.s32 $0xA;
	s12 =	simm.s32 $0xB;
	[tilespmem:$0x33F8] =	vst v0;
	s0 =	ssub.s32 s9, s8  }
0x423: {  	s18 =	simm.s32 $0x0;
	p1 =	por $0x0, $0x0;
	[tilespmem:$0x33E8] =	vst v0;
	p0 =	sgt.s32 s0, $0x0  }
0x424: {  	s19 =	simm.s32 $0xC;
	s23 =	simm.s32 $0x0;
	[tilespmem:$0x33D8] =	vst v0;
	s0 =	simm.s32 @!p0 $0x0  }
0x425: {  	s20 =	simm.s32 $0x0;
	s22 =	simm.s32 $0x0;
	[tilespmem:$0x33C8] =	vst v0;
	s28 =	smulhi.u32 $0x2E8BA2E9, s0  }
0x426: {  	s2 =	sand.u32 $0x1, s2;
	s31 =	smul.u32 $0x180, s10;
	[tilespmem:$0x33A8] =	vst v0;
	[sflag:s6] =	ssyncpa.u1 $0x0  }
0x427: {  	v0 =	vimm.s32 $0xFFFFFFFF;
	[dreg:$0x4] =	wrdreg s2;
	s2 =	smul.u32 $0x4E20, s2;
	s1 =	sshrl.u32 s28, $0x6  }
0x428: {  	s5 =	sadd.s32 $0x9D9E00, s4;
	[tilespmem:$0x84C8] =	vst v0;
	[sflag:s29] =	ssyncpa.u1 $0x0;
	s7 =	smul.u32 $0x160, s1  }
.Ltmp0:
0x429: {  	s16 =	sshrl.u32 s31, $0x2;
	s2 =	sadd.s32 s2, s4;
	(pc) =	sbr.rel .LBB2_1-.Ltmp0, $4  }
0x42a: {  	[sflag:s30] =	ssyncpa.u1 $0x0;
	p0 =	sne.s32 s0, s7;
	s0 =	simm.s32 $0x1  }
0x42b: {  	s4 =	sadd.s32 $0x2200, s4;
	[sflag:s12] =	ssyncpa.u1 $0x0;
	s0 =	simm.s32 @!p0 $0x0  }
0x42c: {  	s14 =	sadd.s32 $0xECFA00, s2;
	s15 =	sadd.s32 $0x4E4200, s2;
	s13 =	sadd.s32 s0, s1  }
0x42d: {  	v0 =	vlaneseq.u32;
	s21 =	smov.u32 s8;
	p0 =	por $0x1, $0x1;
	s17 =	sadd.s32 $0x1, s13  }
.LBB2_22:
0x42e: {  	s0 =	sshrl.u32 s0, $0x2  }
.LBB2_24:
0x42f: {  	_ =	swait.ge [sflag:s19], s0  }
0x430: {  	s30 =	ssub.s32 $0x0, s0;
	v1 =	vmov s25;
	vm0 =	veq.s32 v0, $0x0;
	[sflag:s19] =	ssyncset.done $0x0  }
0x431: {  	vm15 =	veq.s32 v0, $0x2;
	v1 =	vsel vm0, s31, v1;
	[sflag:s19] =	ssyncadd.s32 s30  }
0x432: {  	v1 =	vsel vm15, s23, v1;
	[sflag:s19] =	ssyncpa.u1 $0x1  }
0x433: {  	[tilespmem:$0x84C8] =	vst v1  }
.LBB2_25:
0x434: {  	s0 =	sadd.s32 $0x160, s21  }
0x435: {  	s1 =	smov.u32 s8;
	p2 =	slt.s32 s0, s9  }
0x436: {  	s1 =	smov.u32 @p2 s0;
	p2 =	sne.s32 s22, s17  }
.Ltmp1:
0x437: {  	_ = 	snop;
	(pc) =	sbr.rel @!p2 .LBB2_26-.Ltmp1, $4  }
0x438: {  	_ = 	snop  }
0x439: {  	s23 =	smov.u32 s20  }
0x43a: {  	s31 =	sadd.s32 $0x1, s22;
	s20 =	smov.u32 s21;
	p0 =	por !p0, !p0  }
0x43b: {  	p1 =	por !p1, !p1;
	s22 =	smov.u32 s31;
	s21 =	smov.u32 s1  }
.LBB2_1:
0x43c: {  	p2 =	sge.u32 s22, s13  }
0x43d: {  	s0 =	smulhi.u32 @!p2 $0xAAAAAAAB, s22  }
0x43e: {  	s1 =	smov.u32 s21;
	p3 =	sgt.s32 @!p2 s21, $0x26FA0  }
0x43f: {  	s2 =	sshra.s32 @!p2 s21, $0x1F;
	p3 =	por !p3, p2;
	s0 =	sshrl.u32 @!p2 s0, $0x1  }
0x440: {  	s2 =	sand.u32 @!p2 s2, s21;
	s1 =	simm.s32 @p3 $0x26FA0;
	s0 =	smul.u32 @!p2 $0x3, s0  }
0x441: {  	s1 =	ssub.s32 @!p2 s1, s2  }
0x442: {  	s1 =	sadd.s32 @!p2 $0xFFFD9060, s1;
	s0 =	ssub.s32 @!p2 s22, s0  }
0x443: {  	s2 =	sshll.u32 @!p2 s1, $0x2;
	p3 =	sgt.s32 @!p2 s1, $0x15F;
	s0 =	smul.u32 @!p2 $0x580, s0  }
0x444: {  	s6 =	sand.u32 @!p2 $0x7, s21;
	s1 =	ssub.s32 @!p2 $0x580, s2;
	p3 =	por !p3, p2  }
0x445: {  	s2 =	sshrl.u32 @!p2 s21, $0x3;
	s1 =	sshrl.u32 @!p2 s1, $0x2;
	s0 =	sshrl.u32 @!p2 s0, $0x2  }
0x446: {  	s2 =	sadd.s32 @!p2 s2, s14;
	s1 =	simm.s32 @!p3 $0x0;
	s0 =	sadd.s32 @!p2 $0x8B08, s0  }
0x447: {  	[tilespmem:s0], [sflag:$0xA] =	stream.linear.gather @!p2 [hbm4b:s2+s6], s1, $0x38;
	[tilespmem:$0x1F1E8] =	vst v63  }
0x448: {  	s1 =	sadd.s32 $0xFFFFFFFF, s22  }
0x449: {  	p2 =	sge.u32 s1, s13  }
0x44a: {  	p3 =	sgt.s32 @!p2 s20, $0x26FA0  }
0x44b: {  	s0 =	smov.u32 s20;
	s2 =	sshra.s32 @!p2 s20, $0x1F;
	p3 =	por !p3, p2  }
0x44c: {  	s2 =	sand.u32 @!p2 s2, s20;
	s0 =	simm.s32 @p3 $0x26FA0  }
0x44d: {  	s0 =	ssub.s32 @!p2 s0, s2  }
0x44e: {  	s0 =	sadd.s32 @!p2 $0xFFFD9060, s0  }
0x44f: {  	s2 =	sshll.u32 @!p2 s0, $0x2  }
0x450: {  	p3 =	sgt.s32 @!p2 s0, $0x15F;
	s0 =	ssub.s32 @!p2 $0x580, s2  }
0x451: {  	p3 =	por !p3, p2;
	s0 =	sshrl.u32 @!p2 s0, $0x2  }
0x452: {  	s6 =	simm.s32 @!p2 $0xA;
	s2 =	sand.u32 @!p2 $0x1, s1;
	s0 =	simm.s32 @!p3 $0x0  }
0x453: {  	s2 =	smul.u32 @!p2 $0x580, s2;
	_ =	swait.ge @!p2 [sflag:s6], s0  }
0x454: {  	s7 =	ssub.s32 @!p2 $0x0, s0;
	[sflag:s6] =	ssyncset.done @!p2 $0x0  }
0x455: {  	s2 =	sshrl.u32 @!p2 s2, $0x2;
	[sflag:s6] =	ssyncadd.s32 @!p2 s7;
	s6 =	sshrl.u32 @!p2 s20, $0x3  }
0x456: {  	s2 =	sadd.s32 @!p2 $0x8F28, s2;
	s7 =	sand.u32 @!p2 $0x7, s20;
	s6 =	sadd.s32 @!p2 s6, s15  }
0x457: {  	[tilespmem:s2], [sflag:$0xB] =	stream.linear.gather @!p2 [hbm4b:s6+s7], s0, $0x38;
	[tilespmem:$0x1F1E8] =	vst v63  }
0x458: {  	s0 =	ssub.s32 @!p2 $0x27100, s20  }
0x459: {  	p3 =	slt.s32 @!p2 s0, $0x1  }
0x45a: {  	p3 =	por p2, p3  }
.Ltmp2:
0x45b: {  	_ = 	snop;
	(pc) =	sbr.rel @p3 .LBB2_7-.Ltmp2, $1  }
0x45c: {  	_ =	sdelay $0x3  }
0x45d: {  	s2 =	smulhi.u32 $0xAAAAAAAB, s1;
	_ =	sdelay $0x1  }
0x45e: {  	s2 =	sshrl.u32 s2, $0x1  }
0x45f: {  	s2 =	smul.u32 $0x3, s2;
	_ =	sdelay $0x1  }
0x460: {  	s29 =	ssub.s32 s1, s2  }
0x461: {  	s6 =	simm.s32 $0x1;
	s1 =	smul.u32 $0x580, s29  }
.Ltmp3:
0x462: {  	s6 =	simm.s32 @!p0 $0x0;
	(pc) =	sbr.rel .LBB2_4-.Ltmp3, $4  }
0x463: {  	s30 =	smul.u32 $0x2C000, s6  }
0x464: {  	p3 =	slt.s32 @!p2 s0, $0x160;
	s1 =	sshrl.u32 s1, $0x2  }
0x465: {  	p2 =	por !p3, p2;
	s2 =	sshrl.u32 s30, $0x2;
	s31 =	sadd.s32 $0x8B08, s1  }
0x466: {  	s24 =	simm.s32 $0x0;
	s0 =	simm.s32 @p2 $0x160;
	s1 =	sadd.s32 $0x91E8, s2;
	v1 =	vmov s31  }
.LBB2_3:
0x467: {  	p2 =	sge.s32 s24, s0  }
.Ltmp4:
0x468: {  	_ = 	snop;
	(pc) =	sbr.rel @p2 .LBB2_7-.Ltmp4, $2  }
0x469: {  	_ =	sdelay $0x2  }
0x46a: {  	s1 =	sadd.s32 $0x800, s1  }
.LBB2_4:
0x46b: {  	p2 =	sle.s32 s0, s24  }
.Ltmp5:
0x46c: {  	_ = 	snop;
	(pc) =	sbr.rel @p2 .LBB2_3-.Ltmp5, $2  }
0x46d: {  	_ =	sdelay $0x2  }
0x46e: {  	s2 =	smov.u32 s24;
	s24 =	sadd.s32 $0x10, s24  }
0x46f: {  	s6 =	ssub.s32 s0, s2  }
0x470: {  	p2 =	slt.s32 s6, $0x10  }
0x471: {  	s6 =	simm.s32 @!p2 $0x10  }
0x472: {  	v2 =	vmov s6  }
0x473: {  	vm0 =	vgt.s32 v2, v0;
	_ =	sdelay $0x5  }
0x474: {  	v2 =	vld.idx.msk [tilespmem:v1+s2+$0x0 ss:$0x1], vm0;
	_ =	sdelay $0x2  }
0x475: {  	s7 =	smov.u32 s0;
	p2 =	slt.s32 s24, s0  }
0x476: {  	s25 =	simm.s32 $0x0;
	s7 =	smov.u32 @p2 s24;
	s6 =	smov.u32 s1  }
.LBB2_6:
0x477: {  	(v2sf) =	vpush v2, s25;
	_ =	sdelay $0xc  }
0x478: {  	s25 =	sadd.s32 $0x1, s25  }
0x479: {  	s31 =	sadd.s32 s25, s2  }
0x47a: {  	p2 =	slt.s32 s31, s7;
	s10 =	spop (v2sf)  }
.Ltmp6:
0x47b: {  	s10 =	sshll.u32 s10, $0x4;
	(pc) =	sbr.rel @p2 .LBB2_6-.Ltmp6, $4  }
0x47c: {  	s10 =	sand.u32 $0x1FFFFFF0, s10  }
0x47d: {  	s10 =	sadd.s32 s4, s10  }
0x47e: {  	[tilespmem:s6], [sflag:$0x9] =	stream.linear.gather [hbm4b:s10+s18], $0x30, $0x38;
	[tilespmem:$0x1F1E8] =	vst v63  }
0x47f: {  	s6 =	sadd.s32 $0x80, s6  }
.Ltmp7:
0x480: {  	_ = 	snop;
	(pc) =	sbr.rel .LBB2_3-.Ltmp7, $1  }
0x481: {  	_ =	sdelay $0x3  }
.LBB2_7:
0x482: {  	p2 =	slt.u32 s22, $0x2  }
.Ltmp8:
0x483: {  	_ = 	snop;
	(pc) =	sbr.rel @p2 .LBB2_25-.Ltmp8, $1  }
0x484: {  	_ =	sdelay $0x3  }
0x485: {  	s0 =	ssub.s32 $0x27100, s23;
	p2 =	sgt.s32 s23, $0x26FA0  }
0x486: {  	s1 =	smov.u32 s23;
	s2 =	sshra.s32 s23, $0x1F;
	p3 =	slt.s32 s0, $0x160  }
0x487: {  	s1 =	simm.s32 @!p2 $0x26FA0;
	s2 =	sand.u32 s2, s23;
	s0 =	simm.s32 @!p3 $0x160  }
0x488: {  	s1 =	ssub.s32 s1, s2;
	s0 =	smul.u32 $0xC0, s0  }
0x489: {  	s1 =	sadd.s32 $0xFFFD9060, s1  }
0x48a: {  	s29 =	simm.s32 $0x9;
	s25 =	sshll.u32 s1, $0x2;
	s0 =	sshrl.u32 s0, $0x2  }
0x48b: {  	p2 =	sgt.s32 s1, $0x15F;
	s26 =	ssub.s32 $0x580, s25;
	_ =	swait.ge [sflag:s29], s0  }
0x48c: {  	s0 =	ssub.s32 $0x0, s0;
	s1 =	sshrl.u32 s26, $0x2;
	[sflag:s29] =	ssyncset.done $0x0  }
0x48d: {  	s1 =	simm.s32 @p2 $0x0;
	[sflag:s29] =	ssyncadd.s32 s0  }
0x48e: {  	_ =	swait.ge [sflag:s12], s1  }
0x48f: {  	s30 =	ssub.s32 $0x0, s1;
	[sflag:s12] =	ssyncset.done $0x0  }
0x490: {  	[sflag:s12] =	ssyncadd.s32 s30  }
0x491: {  	v1 =	vld [tilespmem:$0x84C8];
	_ =	sdelay $0x4  }
0x492: {  	(v2sf) =	vpush v1, $0x0  }
0x493: {  	(v2sf) =	vpush v1, $0x1  }
0x494: {  	(v2sf) =	vpush v1, $0x2;
	_ =	sdelay $0x3  }
0x495: {  	s0 =	sadd.s32 $0x160, s23  }
0x496: {  	p2 =	slt.s32 s9, s0;
	s1 =	ssub.s32 $0x4E200, s23  }
0x497: {  	s0 =	smov.u32 @p2 s9;
	p2 =	sgt.s32 s1, $0x0  }
0x498: {  	s0 =	ssub.s32 s0, s23;
	s1 =	simm.s32 @!p2 $0x0  }
0x499: {  	p2 =	slt.s32 s1, s0  }
0x49a: {  	s0 =	smov.u32 @p2 s1  }
0x49b: {  	s26 =	simm.s32 $0x1;
	p2 =	slt.s32 s0, $0x1  }
.Ltmp9:
0x49c: {  	s26 =	simm.s32 @!p1 $0x0;
	(pc) =	sbr.rel @p2 .LBB2_12-.Ltmp9, $4  }
0x49d: {  	s31 =	smul.u32 $0x580, s26  }
0x49e: {  	s28 =	spop (v2sf)  }
0x49f: {  	s2 =	sshrl.u32 s31, $0x2;
	s1 =	spop (v2sf)  }
0x4a0: {  	s24 =	sadd.s32 $0x8F28, s2;
	s23 =	spop (v2sf)  }
0x4a1: {  	s2 =	smin.u32 s0, $0x10  }
0x4a2: {  	v1 =	vmov s2  }
0x4a3: {  	p3 =	sgt.s32 s0, $0x10;
	vm1 =	vgt.u32 v1, v0  }
.Ltmp10:
0x4a4: {  	_ = 	snop;
	(pc) =	sbr.rel @!p3 .LBB2_11-.Ltmp10, $2  }
0x4a5: {  	_ =	sdelay $0x2  }
0x4a6: {  	s25 =	simm.s32 $0x10;
	s29 =	sadd.s32 $0xFFFFFFF0, s0;
	s2 =	smov.u32 s24;
	vm0 =	vmmov vm1  }
.LBB2_10:
0x4a7: {  	s6 =	smin.u32 s29, $0x10;
	s25 =	sadd.s32 $0x10, s25;
	v1 =	vld.msk [tilespmem:s2+$0x0 ss:$0x1], vm1  }
0x4a8: {  	v2 =	vmov s6;
	p3 =	slt.s32 s25, s0  }
0x4a9: {  	vm1 =	vgt.u32 v2, v0  }
.Ltmp11:
0x4aa: {  	(pc) =	sbr.rel @p3 .LBB2_10-.Ltmp11, $3  }
0x4ab: {  	_ =	sdelay $0x1  }
0x4ac: {  	v1 =	vshll.u32 v1, $0x4  }
0x4ad: {  	s29 =	sadd.s32 $0xFFFFFFF0, s29;
	[tilespmem:s2+$0x0] =	vst.msk vm0, v1;
	s2 =	sadd.s32 $0x10, s2;
	vm0 =	vmmov vm1  }
.LBB2_11:
0x4ae: {  	_ =	sdelay $0x4  }
0x4af: {  	v1 =	vld.msk [tilespmem:s2+$0x0 ss:$0x1], vm1;
	_ =	sdelay $0x4  }
0x4b0: {  	v1 =	vshll.u32 v1, $0x4  }
0x4b1: {  	[tilespmem:s2+$0x0] =	vst.msk vm0, v1  }
.LBB2_12:
0x4b2: {  	s2 =	sand.u32 $0x1, s22  }
0x4b3: {  	s2 =	smul.u32 $0x160, s2  }
0x4b4: {  	p3 =	sne.s32 s1, $0xFFFFFFFF  }
0x4b5: {  	v1 =	vld.msk @!p3 [tilespmem:s2+$0x8F28], $0x1;
	_ =	sdelay $0x4  }
0x4b6: {  	(v2sf) =	vpush @!p3 v1, $0x0;
	_ =	sdelay $0xc  }
.Ltmp12:
0x4b7: {  	_ = 	snop;
	(pc) =	sbr.rel @p2 .LBB2_23-.Ltmp12, $4  }
0x4b8: {  	_ = 	snop  }
0x4b9: {  	s30 =	spop @!p3 (v2sf)  }
0x4ba: {  	s23 =	simm.s32 @!p3 $0x0;
	s25 =	smov.u32 s30  }
0x4bb: {  	[sflag:s19] =	ssyncpa.u1 $0x0;
	s30 =	smov.u32 @p3 s28;
	s25 =	smov.u32 @p3 s1  }
0x4bc: {  	v1 =	vld.msk [tilespmem:s24+$0x0], $0x1;
	_ =	sdelay $0x4  }
0x4bd: {  	(v2sf) =	vpush v1, $0x0;
	_ =	sdelay $0xd  }
0x4be: {  	s2 =	smul.u32 $0x2C000, s26  }
0x4bf: {  	s26 =	ssub.s32 $0x0, s0;
	s28 =	simm.s32 $0x0;
	s1 =	spop (v2sf)  }
0x4c0: {  	s7 =	smov.u32 s30;
	s0 =	sadd.s32 $0x1, s26;
	p2 =	seq.s32 s30, s1  }
0x4c1: {  	p4 =	seq.s32 s0, $0x0;
	p3 =	sgt.s32 @!p2 s30, $0x0;
	s6 =	smul.u32 @!p2 $0xC0, s28  }
.Ltmp13:
0x4c2: {  	s2 =	sshrl.u32 s2, $0x2;
	p3 =	por !p3, p2;
	(pc) =	sbr.rel @p4 .LBB2_15-.Ltmp13, $4  }
0x4c3: {  	s29 =	sadd.s32 $0x9208, s2;
	s7 =	simm.s32 @p3 $0x0  }
0x4c4: {  	s2 =	simm.s32 @!p2 $0x1;
	s6 =	sshra.s32 @!p2 s6, $0x2;
	s10 =	smin.u32 @!p2 s7, $0x4E1FFA  }
0x4c5: {  	s2 =	smov.u32 @p2 s28;
	s7 =	sadd.s32 @!p2 $0x4298, s6;
	s31 =	sand.u32 @!p2 $0x7FFFF8, s10  }
0x4c6: {  	s6 =	sand.u32 @!p2 $0x7, s10;
	s10 =	sadd.s32 @!p2 s5, s31;
	s31 =	sadd.s32 $0x1, s24  }
.LBB2_14:
0x4c7: {  	s11 =	smov.u32 s2  }
0x4c8: {  	[tilespmem:s7], [sflag:$0x2] =	stream.linear.gather @!p2 [hbm4b:s10+s6], $0x30, $0x38;
	[tilespmem:$0x1F1E8] =	vst v63  }
0x4c9: {  	s0 =	sadd.s32 $0x1, s0;
	s6 =	smov.u32 s1;
	v1 =	vld.msk [tilespmem:s31+$0x0], $0x1  }
0x4ca: {  	p3 =	seq.s32 s0, $0x0;
	_ =	sdelay $0x3  }
0x4cb: {  	(v2sf) =	vpush v1, $0x0;
	_ =	sdelay $0xe  }
0x4cc: {  	s1 =	spop (v2sf)  }
0x4cd: {  	p2 =	seq.s32 s6, s1  }
0x4ce: {  	p4 =	sgt.s32 @!p2 s6, $0x0;
	s7 =	smul.u32 @!p2 $0xC0, s2;
	s2 =	sadd.s32 @!p2 $0x1, s2  }
.Ltmp14:
0x4cf: {  	p4 =	por !p4, p2;
	s2 =	smov.u32 @p2 s11;
	(pc) =	sbr.rel @!p3 .LBB2_14-.Ltmp14, $4  }
0x4d0: {  	s6 =	simm.s32 @p4 $0x0;
	s7 =	sshra.s32 @!p2 s7, $0x2  }
0x4d1: {  	s6 =	smin.u32 @!p2 s6, $0x4E1FFA;
	s7 =	sadd.s32 @!p2 $0x4298, s7  }
0x4d2: {  	s10 =	sand.u32 @!p2 $0x7FFFF8, s6;
	s6 =	sand.u32 @!p2 $0x7, s6  }
0x4d3: {  	s31 =	sadd.s32 $0x1, s31;
	s10 =	sadd.s32 @!p2 s5, s10  }
.LBB2_15:
0x4d4: {  	s0 =	smul.u32 $0xC0, s2  }
0x4d5: {  	[tilespmem:s7], [sflag:$0x2] =	stream.linear.gather @!p2 [hbm4b:s10+s6], $0x30, $0x38;
	[tilespmem:$0x1F1E8] =	vst v63  }
.Ltmp15:
0x4d6: {  	_ = 	snop;
	(pc) =	sbr.rel .LBB2_16-.Ltmp15, $4  }
0x4d7: {  	s1 =	simm.s32 $0x2;
	s0 =	sshrl.u32 s0, $0x2  }
0x4d8: {  	_ =	swait.ge [sflag:s1], s0  }
0x4d9: {  	s0 =	ssub.s32 $0x0, s0;
	[sflag:s1] =	ssyncset.done $0x0  }
0x4da: {  	[sflag:s1] =	ssyncadd.s32 s0;
	s0 =	simm.s32 $0x0  }
.LBB2_17:
0x4db: {  	v1 =	vld [tilespmem:s29+$0xFFFFFFE0];
	_ =	sdelay $0x4  }
0x4dc: {  	[tilespmem:s1+$0x68] =	vst.add.f32.msk $0xffff, v1  }
0x4dd: {  	v1 =	vld [tilespmem:s29+$0xFFFFFFF0];
	_ =	sdelay $0x4  }
0x4de: {  	[tilespmem:s1+$0x78] =	vst.add.f32.msk $0xffff, v1  }
0x4df: {  	v1 =	vld [tilespmem:s29+$0x0];
	_ =	sdelay $0x4  }
0x4e0: {  	[tilespmem:s1+$0x88] =	vst.add.f32.msk $0xffff, v1  }
.LBB2_21:
0x4e1: {  	s26 =	sadd.s32 $0x1, s26  }
0x4e2: {  	p2 =	seq.s32 s26, $0x0  }
.Ltmp16:
0x4e3: {  	_ = 	snop;
	(pc) =	sbr.rel @p2 .LBB2_22-.Ltmp16, $2  }
0x4e4: {  	_ =	sdelay $0x2  }
0x4e5: {  	s29 =	sadd.s32 $0x80, s29;
	s24 =	sadd.s32 $0x1, s24;
	s30 =	smov.u32 s31  }
.LBB2_16:
0x4e6: {  	v1 =	vld.msk [tilespmem:s24+$0x0], $0x1;
	_ =	sdelay $0x4  }
0x4e7: {  	(v2sf) =	vpush v1, $0x0;
	_ =	sdelay $0xe  }
0x4e8: {  	s31 =	spop (v2sf)  }
0x4e9: {  	p2 =	sne.s32 s30, s31  }
.Ltmp17:
0x4ea: {  	_ = 	snop;
	(pc) =	sbr.rel @!p2 .LBB2_17-.Ltmp17, $3  }
0x4eb: {  	_ = 	snop  }
0x4ec: {  	s1 =	smul.u32 $0xC0, s23;
	_ =	sdelay $0x1  }
0x4ed: {  	s1 =	sshra.s32 s1, $0x2  }
0x4ee: {  	p2 =	seq.s32 s30, s25  }
.Ltmp18:
0x4ef: {  	_ = 	snop;
	(pc) =	sbr.rel @!p2 .LBB2_19-.Ltmp18, $1  }
0x4f0: {  	_ =	sdelay $0x3  }
.Ltmp19:
0x4f1: {  	s1 =	sadd.s32 $0x68, s1;
	(pc) =	sbr.rel .LBB2_20-.Ltmp19, $4  }
0x4f2: {  	[spmem:s16] =	stream.linear.scatter [tilespmem:s1], [sflag:$0x1], $0x30, $0x38;
	[tilespmem:$0x1F1E8] =	vst v63  }
0x4f3: {  	_ =	swait.ge [sflag:s3], $0x30  }
0x4f4: {  	[sflag:s3] =	ssyncset.done $0x0  }
0x4f5: {  	[sflag:s3] =	ssyncadd.s32 $0xFFFFFFD0  }
.LBB2_19:
0x4f6: {  	s2 =	smul.u32 $0xC0, s28;
	_ =	sdelay $0x1  }
0x4f7: {  	s2 =	sshra.s32 s2, $0x2  }
0x4f8: {  	v1 =	vld [tilespmem:s2+$0x4298];
	_ =	sdelay $0x4  }
0x4f9: {  	[tilespmem:s1+$0x68] =	vst.add.f32.msk $0xffff, v1  }
0x4fa: {  	v1 =	vld [tilespmem:s2+$0x42A8];
	_ =	sdelay $0x4  }
0x4fb: {  	[tilespmem:s1+$0x78] =	vst.add.f32.msk $0xffff, v1  }
0x4fc: {  	v1 =	vld [tilespmem:s2+$0x42B8];
	_ =	sdelay $0x2  }
0x4fd: {  	p2 =	sgt.u32 s30, $0x4E1FFA  }
0x4fe: {  	s2 =	sand.u32 @!p2 $0x7FFFF8, s30  }
0x4ff: {  	s6 =	sadd.s32 $0x68, s1;
	[tilespmem:s1+$0x88] =	vst.add.f32.msk $0xffff, v1;
	s1 =	sadd.s32 @!p2 s5, s2;
	s2 =	sand.u32 @!p2 $0x7, s30  }
0x500: {  	[hbm4b:s1+s2] =	stream.linear.scatter @!p2 [tilespmem:s6], [sflag:$0xC], $0x30, $0x38;
	[tilespmem:$0x1F1E8] =	vst v63  }
0x501: {  	s1 =	simm.s32 $0x0  }
0x502: {  	s1 =	simm.s32 @!p2 $0xC0  }
0x503: {  	s0 =	sadd.s32 s1, s0  }
.LBB2_20:
0x504: {  	s1 =	sadd.s32 $0x1, s23  }
0x505: {  	s2 =	smulhi.u32 $0xBA2E8BA3, s1;
	_ =	sdelay $0x1  }
0x506: {  	s2 =	sshrl.u32 s2, $0x8  }
0x507: {  	s2 =	smul.u32 $0x160, s2  }
0x508: {  	v1 =	vld [tilespmem:s29+$0xFFFFFFE0]  }
0x509: {  	s23 =	ssub.s32 s1, s2  }
0x50a: {  	s1 =	smul.u32 $0xC0, s23;
	_ =	sdelay $0x1  }
0x50b: {  	s1 =	sshrl.u32 s1, $0x2  }
0x50c: {  	[tilespmem:s1+$0x68] =	vst v1  }
0x50d: {  	v1 =	vld [tilespmem:s29+$0xFFFFFFF0];
	_ =	sdelay $0x4  }
0x50e: {  	[tilespmem:s1+$0x78] =	vst v1  }
0x50f: {  	v1 =	vld [tilespmem:s29+$0x0]  }
.Ltmp20:
0x510: {  	_ = 	snop;
	(pc) =	sbr.rel .LBB2_21-.Ltmp20, $2  }
0x511: {  	_ =	sdelay $0x2  }
0x512: {  	s28 =	sadd.s32 $0x1, s28;
	[tilespmem:s1+$0x88] =	vst v1  }
.LBB2_23:
.Ltmp21:
0x513: {  	(pc) =	sbr.rel .LBB2_24-.Ltmp21, $4  }
0x514: {  	_ = 	snop  }
0x515: {  	s0 =	simm.s32 $0x2  }
0x516: {  	_ =	swait.ge [sflag:s0], $0x0  }
0x517: {  	s31 =	smov.u32 s30;
	[sflag:s0] =	ssyncset.done $0x0;
	s0 =	simm.s32 $0x0  }
.LBB2_26:
0x518: {  	_ =	sfence.sel $0x180000  }
0x519: {  	s0 =	simm.s32 $0x9;
	[bflag:$0x0] =	sbarrier.arrive $0xFFFF  }
0x51a: {  	s24 =	simm.s32 $0xA;
	[sflag:s0] =	ssyncpa.u1 $0x1  }
0x51b: {  	s25 =	simm.s32 $0xB;
	[sflag:s24] =	ssyncpa.u1 $0x1  }
0x51c: {  	s26 =	simm.s32 $0x2;
	[sflag:s25] =	ssyncpa.u1 $0x1  }
0x51d: {  	[sflag:s26] =	ssyncpa.u1 $0x1  }
0x51e: {  	v0 =	vld [tilespmem:$0x84C8];
	_ =	sdelay $0x4  }
0x51f: {  	(v2sf) =	vpush v0, $0x0  }
0x520: {  	(v2sf) =	vpush v0, $0x1  }
0x521: {  	(v2sf) =	vpush v0, $0x2;
	_ =	sdelay $0xc  }
0x522: {  	s0 =	spop (v2sf)  }
0x523: {  	s1 =	spop (v2sf)  }
0x524: {  	s2 =	smov.u32 s0;
	p0 =	sne.s32 s0, s1;
	s3 =	spop (v2sf)  }
0x525: {  	s2 =	simm.s32 @!p0 $0xFFFFFFFF;
	p0 =	seq.s32 s3, $0xFFFFFFFF  }
0x526: {  	v2 =	vimm.s32 $0x1;
	v3 =	vlaneseq.u32;
	v1 =	vmov s2;
	p1 =	sne.s32 @!p0 s0, s1  }
0x527: {  	s14 =	stileid.u32;
	v0 =	vperm.xlane v0, v2;
	s0 =	simm.s32 @!p0 $0x1;
	v1 =	vperm.xlane v1, v3;
	p1 =	por !p1, p0  }
0x528: {  	vm0 =	vcmask $0x3F04;
	s2 =	sshll.u32 s14, $0x1;
	s1 =	smul.u32 @!p0 $0xC0, s3;
	s0 =	simm.s32 @p1 $0x0  }
0x529: {  	s6 =	simm.s32 $0x84C8;
	v0 =	vsel vm0, v1, v0;
	s0 =	sor.u32 @!p0 s0, s2  }
0x52a: {  	s4 =	sor.u32 $0x600, s2;
	s1 =	sshra.s32 @!p0 s1, $0x2;
	[tilespmem:$0x84C8] =	vst v0;
	s0 =	smul.u32 @!p0 $0xC0, s0  }
0x52b: {  	[spmem:s4] =	stream.linear.scatter [tilespmem:s6], [sflag:$0x1], $0x2, $0x38;
	[tilespmem:$0x1F1E8] =	vst v63  }
0x52c: {  	s1 =	sadd.s32 @!p0 $0x68, s1;
	s0 =	sshrl.u32 @!p0 s0, $0x2  }
0x52d: {  	[spmem:s0] =	stream.linear.scatter @!p0 [tilespmem:s1], [sflag:$0x1], $0x30, $0x38;
	[tilespmem:$0x1F1E8] =	vst v63  }
0x52e: {  	s0 =	simm.s32 @!p0 $0x32  }
0x52f: {  	s28 =	simm.s32 $0x1;
	s0 =	simm.s32 @p0 $0x2  }
0x530: {  	_ =	swait.ge [sflag:s28], s0  }
0x531: {  	s0 =	ssub.s32 $0x0, s0;
	[sflag:s28] =	ssyncset.done $0x0  }
0x532: {  	p0 =	sne.s32 s14, $0x0;
	[sflag:s28] =	ssyncadd.s32 s0  }
.Ltmp22:
0x533: {  	_ =	sfence.stream.spmem;
	(pc) =	sbr.rel @p0 .LBB2_43-.Ltmp22, $4  }
0x534: {  	s29 =	simm.s32 $0x3;
	[bflag:$0x0] =	sbarrier.arrive $0xFFFF  }
0x535: {  	s30 =	simm.s32 $0x4;
	[sflag:s29] =	ssyncpa.u1 $0x1  }
0x536: {  	s31 =	simm.s32 $0x3C;
	[sflag:s30] =	ssyncpa.u1 $0x1  }
0x537: {  	s15 =	rddreg [dreg:$0x4];
	[sflag:s31] =	ssyncpa.u1 $0x1  }
0x538: {  	_ =	sfence.stream.spmem;
	s0 =	simm.s32 $0x5  }
0x539: {  	s1 =	simm.s32 $0x600;
	s2 =	simm.s32 $0x84D8;
	[sflag:s0] =	ssyncpa.u1 $0x0  }
0x53a: {  	[tilespmem:s2], [sflag:$0x5] =	stream.linear.gather [spmem:s1], $0x20, $0x38;
	[tilespmem:$0x1F1E8] =	vst v63  }
0x53b: {  	s26 =	simm.s32 $0x0;
	s28 =	simm.s32 $0x84F8  }
0x53c: {  	[tilespmem:s28], [sflag:$0x5] =	stream.linear.gather [spmem:s26], $0x600, $0x38;
	[tilespmem:$0x1F1E8] =	vst v63  }
0x53d: {  	_ =	swait.ge [sflag:s0], $0x620  }
0x53e: {  	[sflag:s0] =	ssyncset.done $0x0  }
0x53f: {  	s29 =	simm.s32 $0x0;
	[sflag:s0] =	ssyncadd.s32 $0xFFFFF9E0  }
0x540: {  	v0 =	vld.msk [tilespmem:s29+$0x84D8], $0x1;
	_ =	sdelay $0x1  }
0x541: {  	s30 =	simm.s32 $0x1  }
0x542: {  	v1 =	vld.msk [tilespmem:s30+$0x84D8], $0x1;
	_ =	sdelay $0x1  }
0x543: {  	(v2sf) =	vpush v0, $0x0;
	_ =	sdelay $0x2  }
0x544: {  	(v2sf) =	vpush v1, $0x0;
	_ =	sdelay $0x2  }
0x545: {  	s31 =	simm.s32 $0x2  }
0x546: {  	v0 =	vld.msk [tilespmem:s31+$0x84D8], $0x1;
	_ =	sdelay $0x2  }
0x547: {  	s1 =	simm.s32 $0xFFFFFFFF;
	s2 =	simm.s32 $0xFFFFFFFF;
	s0 =	simm.s32 $0xC  }
.LBB2_28:
0x548: {  	s3 =	smov.u32 s2;
	s4 =	smov.u32 s1  }
0x549: {  	s1 =	sshra.s32 s0, $0x2;
	p1 =	sne.s32 s0, $0x7C;
	s0 =	sadd.s32 $0x4, s0;
	(v2sf) =	vpush v0, $0x0  }
0x54a: {  	v0 =	vld.msk [tilespmem:s1+$0x84D8], $0x1  }
.Ltmp23:
0x54b: {  	(pc) =	sbr.rel @p1 .LBB2_28-.Ltmp23, $4  }
0x54c: {  	s2 =	spop (v2sf)  }
0x54d: {  	p2 =	sne.s32 s4, $0xFFFFFFFF;
	s1 =	smov.u32 s2  }
0x54e: {  	p3 =	seq.s32 s2, $0xFFFFFFFF;
	s1 =	smov.u32 @p2 s4  }
0x54f: {  	s2 =	smov.u32 @p3 s3;
	s1 =	smov.u32 @p3 s4  }
0x550: {  	(v2sf) =	vpush v0, $0x0;
	_ =	sdelay $0x8  }
0x551: {  	s0 =	spop (v2sf)  }
0x552: {  	p1 =	sne.s32 s1, $0xFFFFFFFF;
	s3 =	smov.u32 s0  }
0x553: {  	s9 =	simm.s32 $0x6;
	p2 =	seq.s32 s0, $0xFFFFFFFF;
	s3 =	smov.u32 @p1 s1  }
0x554: {  	s10 =	simm.s32 $0x8498;
	s3 =	smov.u32 @p2 s1;
	s1 =	spop (v2sf)  }
0x555: {  	s0 =	smov.u32 @p2 s2;
	p1 =	sne.s32 s3, $0xFFFFFFFF;
	s6 =	smov.u32 s1  }
.Ltmp24:
0x556: {  	p2 =	seq.s32 s1, $0xFFFFFFFF;
	s6 =	smov.u32 @p1 s3;
	(pc) =	sbr.rel .LBB2_30-.Ltmp24, $4  }
0x557: {  	s11 =	simm.s32 $0x0;
	s6 =	smov.u32 @p2 s3;
	s4 =	spop (v2sf)  }
0x558: {  	[sflag:s9] =	ssyncpa.u1 $0x0;
	p1 =	sne.s32 s6, $0xFFFFFFFF;
	s8 =	smov.u32 s4  }
0x559: {  	s1 =	smov.u32 @p2 s0;
	p2 =	seq.s32 s4, $0xFFFFFFFF;
	s8 =	smov.u32 @p1 s6  }
0x55a: {  	s3 =	simm.s32 $0x0;
	s4 =	smov.u32 @p2 s1;
	s8 =	smov.u32 @p2 s6  }
.LBB2_36:
0x55b: {  	p1 =	sgt.u32 s12, $0x4E1FFA  }
0x55c: {  	p2 =	seq.s32 @!p1 s12, s8  }
0x55d: {  	p1 =	por p1, p2  }
0x55e: {  	p2 =	sne.s32 @!p1 s12, s4  }
0x55f: {  	p1 =	por p1, !p2  }
0x560: {  	s0 =	smul.u32 @p1 $0xC0, s11;
	_ =	sdelay $0x1  }
0x561: {  	s0 =	sand.u32 @!p1 $0x7FFFF8, s12  }
0x562: {  	s1 =	sand.u32 @!p1 $0x7, s12;
	s0 =	sadd.s32 @!p1 s5, s0  }
0x563: {  	[tilespmem:s10], [sflag:$0x6] =	stream.linear.gather @!p1 [hbm4b:s0+s1], $0x30, $0x38;
	[tilespmem:$0x1F1E8] =	vst v63  }
0x564: {  	_ =	swait.ge @!p1 [sflag:s9], $0x30  }
0x565: {  	[sflag:s9] =	ssyncset.done @!p1 $0x0  }
0x566: {  	[sflag:s9] =	ssyncadd.s32 @!p1 $0xFFFFFFD0  }
0x567: {  	v1 =	vld @!p1 [tilespmem:$0x8498];
	_ =	sdelay $0x1  }
0x568: {  	s0 =	smul.u32 @!p1 $0xC0, s11;
	_ =	sdelay $0x1  }
0x569: {  	s1 =	sshra.s32 @!p1 s0, $0x2  }
0x56a: {  	[tilespmem:s1+$0x84F8] =	vst.add.f32.msk @!p1 $0xffff, v1  }
0x56b: {  	v1 =	vld @!p1 [tilespmem:$0x84A8];
	_ =	sdelay $0x4  }
0x56c: {  	[tilespmem:s1+$0x8508] =	vst.add.f32.msk @!p1 $0xffff, v1  }
0x56d: {  	v1 =	vld @!p1 [tilespmem:$0x84B8];
	_ =	sdelay $0x4  }
0x56e: {  	[tilespmem:s1+$0x8518] =	vst.add.f32.msk @!p1 $0xffff, v1  }
0x56f: {  	s0 =	sshra.s32 s0, $0x2;
	[tilespmem:s3+$0x84D8] =	vst.msk $0x1, v0  }
0x570: {  	v0 =	vld [tilespmem:s0+$0x84F8];
	_ =	sdelay $0x1  }
0x571: {  	s31 =	smul.u32 $0xC0, s3;
	_ =	sdelay $0x1  }
0x572: {  	s1 =	sshra.s32 s31, $0x2  }
0x573: {  	[tilespmem:s1+$0x84F8] =	vst v0  }
0x574: {  	v0 =	vld [tilespmem:s0+$0x8508];
	_ =	sdelay $0x4  }
0x575: {  	[tilespmem:s1+$0x8508] =	vst v0  }
0x576: {  	v0 =	vld [tilespmem:s0+$0x8518];
	_ =	sdelay $0x4  }
0x577: {  	s3 =	sadd.s32 $0x1, s3;
	[tilespmem:s1+$0x8518] =	vst v0  }
.LBB2_37:
0x578: {  	s11 =	sadd.s32 $0x1, s11  }
0x579: {  	p1 =	sne.s32 s11, $0x20  }
.Ltmp25:
0x57a: {  	_ = 	snop;
	(pc) =	sbr.rel @!p1 .LBB2_38-.Ltmp25, $1  }
0x57b: {  	_ =	sdelay $0x3  }
.LBB2_30:
0x57c: {  	v0 =	vld.msk [tilespmem:s11+$0x84D8], $0x1;
	_ =	sdelay $0x4  }
0x57d: {  	(v2sf) =	vpush v0, $0x0;
	_ =	sdelay $0xe  }
0x57e: {  	s12 =	spop (v2sf)  }
0x57f: {  	p1 =	seq.s32 s12, $0xFFFFFFFF  }
.Ltmp26:
0x580: {  	_ = 	snop;
	(pc) =	sbr.rel @p1 .LBB2_37-.Ltmp26, $1  }
0x581: {  	_ =	sdelay $0x3  }
0x582: {  	p1 =	slt.s32 s3, $0x1  }
.Ltmp27:
0x583: {  	_ = 	snop;
	(pc) =	sbr.rel @p1 .LBB2_36-.Ltmp27, $1  }
0x584: {  	_ =	sdelay $0x3  }
0x585: {  	s0 =	simm.s32 $0x84D8;
	p1 =	por $0x0, $0x0  }
0x586: {  	v1 =	vld.msk @!p1 [tilespmem:s0+$0x0], $0x1;
	_ =	sdelay $0x4  }
0x587: {  	(v2sf) =	vpush @!p1 v1, $0x0;
	_ =	sdelay $0xd  }
0x588: {  	p3 =	sne.s32 s3, $0x1  }
.Ltmp28:
0x589: {  	s1 =	spop @!p1 (v2sf);
	(pc) =	sbr.rel @!p3 .LBB2_34-.Ltmp28, $4  }
0x58a: {  	p2 =	seq.s32 @!p1 s12, s1  }
0x58b: {  	s13 =	simm.s32 $0x0;
	p2 =	por !p2, p1  }
0x58c: {  	s2 =	simm.s32 $0xFFFFFFFF;
	s13 =	simm.s32 @p2 $0xFFFFFFFF  }
0x58d: {  	s1 =	simm.s32 $0x1;
	s13 =	smov.u32 @p1 s2  }
.LBB2_33:
0x58e: {  	s2 =	smov.u32 s13;
	p1 =	sne.s32 s13, $0xFFFFFFFF  }
0x58f: {  	s0 =	sadd.s32 $0x1, s0;
	s13 =	smov.u32 s1;
	s1 =	sadd.s32 $0x1, s1  }
0x590: {  	p2 =	sne.s32 s3, s1;
	v1 =	vld.msk @!p1 [tilespmem:s0+$0x0], $0x1;
	_ =	sdelay $0x4  }
0x591: {  	(v2sf) =	vpush @!p1 v1, $0x0;
	_ =	sdelay $0xe  }
.Ltmp29:
0x592: {  	s6 =	spop @!p1 (v2sf);
	(pc) =	sbr.rel @p2 .LBB2_33-.Ltmp29, $4  }
0x593: {  	p3 =	seq.s32 @!p1 s12, s6  }
0x594: {  	p3 =	por !p3, p1  }
0x595: {  	s13 =	simm.s32 @p3 $0xFFFFFFFF  }
0x596: {  	s13 =	smov.u32 @p1 s2  }
.LBB2_34:
0x597: {  	p1 =	seq.s32 s13, $0xFFFFFFFF  }
.Ltmp30:
0x598: {  	_ = 	snop;
	(pc) =	sbr.rel @p1 .LBB2_36-.Ltmp30, $1  }
0x599: {  	_ =	sdelay $0x3  }
0x59a: {  	s0 =	smul.u32 $0xC0, s11;
	_ =	sdelay $0x1  }
0x59b: {  	s0 =	sshra.s32 s0, $0x2  }
0x59c: {  	v0 =	vld [tilespmem:s0+$0x84F8];
	_ =	sdelay $0x1  }
0x59d: {  	s1 =	smul.u32 $0xC0, s13;
	_ =	sdelay $0x1  }
0x59e: {  	s1 =	sshra.s32 s1, $0x2  }
0x59f: {  	[tilespmem:s1+$0x84F8] =	vst.add.f32.msk $0xffff, v0  }
0x5a0: {  	v0 =	vld [tilespmem:s0+$0x8508];
	_ =	sdelay $0x4  }
0x5a1: {  	[tilespmem:s1+$0x8508] =	vst.add.f32.msk $0xffff, v0  }
0x5a2: {  	v0 =	vld [tilespmem:s0+$0x8518]  }
.Ltmp31:
0x5a3: {  	_ = 	snop;
	(pc) =	sbr.rel .LBB2_37-.Ltmp31, $2  }
0x5a4: {  	_ =	sdelay $0x2  }
0x5a5: {  	[tilespmem:s1+$0x8518] =	vst.add.f32.msk $0xffff, v0  }
.LBB2_38:
0x5a6: {  	s0 =	simm.s32 $0x6;
	p1 =	seq.s32 s3, $0x0  }
0x5a7: {  	[sflag:s0] =	ssyncpa.u1 $0x1;
	v0 =	vimm.s32 @p1 $0xFFFFFFFF  }
0x5a8: {  	s9 =	sadd.s32 $0xFFFFFFFF, s3;
	[tilespmem:$0x8AF8] =	vst @p1 v0  }
0x5a9: {  	v0 =	vld.msk @!p1 [tilespmem:s9+$0x84D8], $0x1;
	_ =	sdelay $0x1  }
0x5aa: {  	v1 =	vld.msk @!p1 [tilespmem:$0x84D8], $0x1;
	_ =	sdelay $0x2  }
0x5ab: {  	p2 =	seq.s32 @!p1 s9, $0x0;
	v0 =	vbroadcast @!p1 v0, $0x0  }
0x5ac: {  	vm0 =	vmmov @!p1 $0x1;
	p3 =	por !p2, p1  }
0x5ad: {  	p2 =	sne.s32 @!p1 s8, s4;
	v1 =	vnsel @!p1 vm0, $0xFFFFFFFF, v1;
	vm0 =	vcmask @!p1 $0x308;
	v0 =	vpsel !p3, $0xFFFFFFFF, v0  }
0x5ae: {  	p3 =	por !p2, p1;
	v0 =	vsel @!p1 vm0, v1, v0  }
0x5af: {  	s0 =	simm.s32 @!p1 $0x84F8;
	s1 =	simm.s32 @!p1 $0x0;
	s2 =	smul.u32 @!p3 $0xC0, s9;
	[tilespmem:$0x8AF8] =	vst @!p1 v0  }
0x5b0: {  	[spmem:s1] =	stream.linear.scatter @!p1 [tilespmem:s0], [sflag:$0x1], $0x30, $0x38;
	[tilespmem:$0x1F1E8] =	vst v63  }
0x5b1: {  	s0 =	sshra.s32 @!p3 s2, $0x2  }
0x5b2: {  	s1 =	simm.s32 @!p3 $0x30;
	s0 =	sadd.s32 @!p3 $0x84F8, s0  }
0x5b3: {  	[spmem:s1] =	stream.linear.scatter @!p3 [tilespmem:s0], [sflag:$0x1], $0x30, $0x38;
	[tilespmem:$0x1F1E8] =	vst v63  }
0x5b4: {  	s0 =	simm.s32 @!p3 $0x1  }
0x5b5: {  	_ =	swait.ge @!p3 [sflag:s0], $0x60  }
0x5b6: {  	p1 =	por p2, p1;
	[sflag:s0] =	ssyncset.done @!p3 $0x0  }
0x5b7: {  	[sflag:s0] =	ssyncadd.s32 @!p3 $0xFFFFFFA0;
	s0 =	simm.s32 @!p1 $0x1  }
0x5b8: {  	_ =	swait.ge @!p1 [sflag:s0], $0x30  }
0x5b9: {  	s29 =	simm.s32 $0x8AF8;
	[sflag:s0] =	ssyncset.done @!p1 $0x0  }
0x5ba: {  	s30 =	simm.s32 $0x600;
	s31 =	simm.s32 $0x1;
	[sflag:s0] =	ssyncadd.s32 @!p1 $0xFFFFFFD0  }
0x5bb: {  	[spmem:s30] =	stream.linear.scatter [tilespmem:s29], [sflag:$0x1], $0x10, $0x38;
	[tilespmem:$0x1F1E8] =	vst v63  }
0x5bc: {  	_ =	swait.ge [sflag:s31], $0x10  }
0x5bd: {  	[sflag:s31] =	ssyncset.done $0x0  }
0x5be: {  	p1 =	seq.s32 s15, $0x0;
	s8 =	rddreg [dreg:$0x1];
	[sflag:s31] =	ssyncadd.s32 $0xFFFFFFF0  }
0x5bf: {  	s1 =	sshll.u32 @p1 s8, $0xE;
	s7 =	rddreg [dreg:$0x2]  }
0x5c0: {  	s0 =	sadd.s32 @p1 $0x15C3C, s1;
	s1 =	sshll.u32 @p1 s7, $0x11  }
0x5c1: {  	_ =	sfence.stream.spmem;
	s0 =	sor.u32 @p1 s1, s0  }
0x5c2: {  	[sflag:s0] =	ssyncadd.remote.s32 @p1 $0x1;
	s0 =	simm.s32 @p1 $0x4  }
0x5c3: {  	s2 =	simm.s32 @!p1 $0x3C;
	s1 =	sand.u32 $0xFFFFFFFE, s8;
	_ =	swait.ge @p1 [sflag:s0], $0xE  }
0x5c4: {  	s4 =	simm.s32 @!p1 $0x0;
	s1 =	sadd.s32 @!p1 $0x4, s1;
	[sflag:s0] =	ssyncset.done @p1 $0x0  }
0x5c5: {  	s6 =	simm.s32 @!p1 $0x60;
	[sflag:s0] =	ssyncadd.s32 @p1 $0xFFFFFFF2;
	s0 =	sshll.u32 @!p1 s1, $0x1A  }
0x5c6: {  	s1 =	sshll.u32 @!p1 s1, $0xD;
	s0 =	sor.u32 @!p1 s0, s7;
	_ =	swait.eq @!p1 [sflag:s2], $0x1  }
0x5c7: {  	s1 =	sor.u32 @!p1 $0x1C04, s1;
	s2 =	simm.s32 @!p1 $0x1C03;
	s0 =	sor.u32 @!p1 $0x80004000, s0  }
0x5c8: {  	[spmem:s6], [sflag:s1] =	dma.general @!p1 [spmem:s4], [sflag:s2], length:$0xC, [dreg:$0x0], stride_count:$0x0, ici_dest:s0, dma_misc:DstOpCode:WRITE  }
0x5c9: {  	p2 =	slt.s32 s9, $0x2;
	s4 =	simm.s32 @!p1 $0xC0;
	s6 =	simm.s32 @!p1 $0xC2  }
0x5ca: {  	[spmem:s6], [sflag:s1] =	dma.general @!p1 [spmem:s4], [sflag:s2], length:$0x2, [dreg:$0x0], stride_count:$0x0, ici_dest:s0, dma_misc:DstOpCode:WRITE  }
.Ltmp32:
0x5cb: {  	s0 =	simm.s32 @!p1 $0x3;
	(pc) =	sbr.rel @p2 .LBB2_42-.Ltmp32, $4  }
0x5cc: {  	s1 =	sshll.u32 @!p1 s8, $0xE;
	_ =	swait.ge @!p1 [sflag:s0], $0xE  }
0x5cd: {  	s2 =	sshll.u32 @!p1 s7, $0x11;
	s1 =	sadd.s32 @!p1 $0x11C3C, s1;
	[sflag:s0] =	ssyncset.done @!p1 $0x0  }
0x5ce: {  	[sflag:s0] =	ssyncadd.s32 @!p1 $0xFFFFFFF2;
	s0 =	sor.u32 @!p1 s2, s1  }
0x5cf: {  	[sflag:s0] =	ssyncadd.remote.s32 @!p1 $0xFFFFFFFF;
	s0 =	simm.s32 $0x0  }
0x5d0: {  	s0 =	simm.s32 $0x84D9  }
0x5d1: {  	v0 =	vld.msk [tilespmem:s0+$0x0], $0x1;
	_ =	sdelay $0x4  }
0x5d2: {  	(v2sf) =	vpush v0, $0x0;
	_ =	sdelay $0xc  }
0x5d3: {  	s1 =	sadd.s32 $0xFFFFFFFE, s3  }
0x5d4: {  	s1 =	sadd.s32 $0xFFFFFFFF, s1  }
0x5d5: {  	p2 =	sne.s32 s1, $0x0;
	s2 =	spop (v2sf)  }
.Ltmp33:
0x5d6: {  	p1 =	sgt.u32 s2, $0x4E1FFA;
	(pc) =	sbr.rel @!p2 .LBB2_41-.Ltmp33, $4  }
0x5d7: {  	s4 =	simm.s32 $0x0;
	s3 =	sand.u32 @!p1 $0x7FFFF8, s2  }
0x5d8: {  	s0 =	simm.s32 $0x8528;
	s2 =	sand.u32 @!p1 $0x7, s2;
	s3 =	sadd.s32 @!p1 s5, s3  }
0x5d9: {  	[hbm4b:s3+s2] =	stream.linear.scatter @!p1 [tilespmem:s0], [sflag:$0x5], $0x30, $0x38;
	[tilespmem:$0x1F1E8] =	vst v63  }
0x5da: {  	s4 =	simm.s32 @!p1 $0xC0;
	s2 =	simm.s32 $0x0;
	s3 =	simm.s32 $0x84DA  }
.LBB2_40:
0x5db: {  	v0 =	vld.msk [tilespmem:s3+$0x0], $0x1;
	s1 =	sadd.s32 $0xFFFFFFFF, s1;
	s2 =	sadd.s32 s2, s4  }
0x5dc: {  	p1 =	sne.s32 s1, $0x0;
	_ =	sdelay $0x3  }
0x5dd: {  	(v2sf) =	vpush v0, $0x0;
	_ =	sdelay $0xe  }
.Ltmp34:
0x5de: {  	s6 =	spop (v2sf);
	(pc) =	sbr.rel @p1 .LBB2_40-.Ltmp34, $4  }
0x5df: {  	s4 =	simm.s32 $0x0;
	p2 =	sgt.u32 s6, $0x4E1FFA  }
0x5e0: {  	s0 =	sadd.s32 $0x30, s0;
	s4 =	simm.s32 @!p2 $0xC0;
	s7 =	sand.u32 @!p2 $0x7FFFF8, s6  }
0x5e1: {  	s3 =	sadd.s32 $0x1, s3;
	s6 =	sand.u32 @!p2 $0x7, s6;
	s7 =	sadd.s32 @!p2 s5, s7  }
0x5e2: {  	[hbm4b:s7+s6] =	stream.linear.scatter @!p2 [tilespmem:s0], [sflag:$0x5], $0x30, $0x38;
	[tilespmem:$0x1F1E8] =	vst v63  }
.LBB2_41:
0x5e3: {  	s0 =	sadd.s32 s2, s4  }
0x5e4: {  	s0 =	sshrl.u32 s0, $0x2  }
.LBB2_42:
0x5e5: {  	s1 =	simm.s32 $0x5  }
0x5e6: {  	_ =	swait.ge [sflag:s1], s0  }
0x5e7: {  	s31 =	ssub.s32 $0x0, s0;
	[sflag:s1] =	ssyncset.done $0x0  }
0x5e8: {  	[sflag:s1] =	ssyncadd.s32 s31  }
0x5e9: {  	[sflag:s1] =	ssyncpa.u1 $0x1  }
.LBB2_43:
0x5ea: {  	s0 =	sor.u32 s15, s14  }
0x5eb: {  	p1 =	sne.s32 s0, $0x0  }
.Ltmp35:
0x5ec: {  	_ = 	snop;
	(pc) =	sbr.rel @p1 .LBB2_58-.Ltmp35, $3  }
0x5ed: {  	_ =	sdelay $0x1  }
0x5ee: {  	[bflag:$0x0] =	sbarrier.arrive $0xFFFF  }
0x5ef: {  	_ =	sfence  }
0x5f0: {  	s0 =	simm.s32 $0x7  }
0x5f1: {  	s1 =	simm.s32 $0x600;
	s2 =	simm.s32 $0x84D8;
	[sflag:s0] =	ssyncpa.u1 $0x0  }
0x5f2: {  	[tilespmem:s2], [sflag:$0x7] =	stream.linear.gather [spmem:s1], $0x20, $0x38;
	[tilespmem:$0x1F1E8] =	vst v63  }
0x5f3: {  	s30 =	simm.s32 $0x84F8;
	s1 =	simm.s32 $0x0  }
0x5f4: {  	[tilespmem:s30], [sflag:$0x7] =	stream.linear.gather [spmem:s1], $0x600, $0x38;
	[tilespmem:$0x1F1E8] =	vst v63  }
.Ltmp36:
0x5f5: {  	_ = 	snop;
	(pc) =	sbr.rel .LBB2_45-.Ltmp36, $4  }
0x5f6: {  	_ =	swait.ge [sflag:s0], $0x620  }
0x5f7: {  	[sflag:s0] =	ssyncset.done $0x0  }
0x5f8: {  	s31 =	simm.s32 $0x8;
	[sflag:s0] =	ssyncadd.s32 $0xFFFFF9E0  }
0x5f9: {  	s2 =	simm.s32 $0x0;
	[sflag:s31] =	ssyncpa.u1 $0x0  }
.LBB2_51:
0x5fa: {  	p1 =	slt.u32 s0, $0x4E1FFB  }
0x5fb: {  	s3 =	sand.u32 @p1 $0x7FFFF8, s0  }
0x5fc: {  	s0 =	sand.u32 @p1 $0x7, s0;
	s4 =	simm.s32 @p1 $0x8498;
	s3 =	sadd.s32 @p1 s5, s3  }
0x5fd: {  	[tilespmem:s4], [sflag:$0x8] =	stream.linear.gather @p1 [hbm4b:s3+s0], $0x30, $0x38;
	[tilespmem:$0x1F1E8] =	vst v63  }
0x5fe: {  	s0 =	simm.s32 @p1 $0x8  }
0x5ff: {  	_ =	swait.ge @p1 [sflag:s0], $0x30  }
0x600: {  	[sflag:s0] =	ssyncset.done @p1 $0x0  }
0x601: {  	[sflag:s0] =	ssyncadd.s32 @p1 $0xFFFFFFD0  }
0x602: {  	v1 =	vld @p1 [tilespmem:$0x8498];
	_ =	sdelay $0x1  }
0x603: {  	s0 =	smul.u32 @p1 $0xC0, s2;
	_ =	sdelay $0x1  }
0x604: {  	s3 =	sshra.s32 @p1 s0, $0x2  }
0x605: {  	[tilespmem:s3+$0x84F8] =	vst.add.f32.msk @p1 $0xffff, v1  }
0x606: {  	v1 =	vld @p1 [tilespmem:$0x84A8];
	_ =	sdelay $0x4  }
0x607: {  	[tilespmem:s3+$0x8508] =	vst.add.f32.msk @p1 $0xffff, v1  }
0x608: {  	v1 =	vld @p1 [tilespmem:$0x84B8];
	_ =	sdelay $0x2  }
0x609: {  	s4 =	smul.u32 @!p1 $0xC0, s2;
	_ =	sdelay $0x1  }
0x60a: {  	s4 =	smov.u32 @p1 s0;
	[tilespmem:s3+$0x8518] =	vst.add.f32.msk @p1 $0xffff, v1  }
0x60b: {  	s0 =	sshra.s32 s4, $0x2;
	[tilespmem:s1+$0x84D8] =	vst.msk $0x1, v0  }
0x60c: {  	v0 =	vld [tilespmem:s0+$0x84F8];
	_ =	sdelay $0x1  }
0x60d: {  	s31 =	smul.u32 $0xC0, s1;
	_ =	sdelay $0x1  }
0x60e: {  	s3 =	sshra.s32 s31, $0x2  }
0x60f: {  	[tilespmem:s3+$0x84F8] =	vst v0  }
0x610: {  	v0 =	vld [tilespmem:s0+$0x8508];
	_ =	sdelay $0x4  }
0x611: {  	[tilespmem:s3+$0x8508] =	vst v0  }
0x612: {  	v0 =	vld [tilespmem:s0+$0x8518];
	_ =	sdelay $0x4  }
0x613: {  	s1 =	sadd.s32 $0x1, s1;
	[tilespmem:s3+$0x8518] =	vst v0  }
.LBB2_52:
0x614: {  	s2 =	sadd.s32 $0x1, s2  }
0x615: {  	p1 =	sne.s32 s2, $0x20  }
.Ltmp37:
0x616: {  	_ = 	snop;
	(pc) =	sbr.rel @!p1 .LBB2_53-.Ltmp37, $1  }
0x617: {  	_ =	sdelay $0x3  }
.LBB2_45:
0x618: {  	v0 =	vld.msk [tilespmem:s2+$0x84D8], $0x1;
	_ =	sdelay $0x4  }
0x619: {  	(v2sf) =	vpush v0, $0x0;
	_ =	sdelay $0xe  }
0x61a: {  	s0 =	spop (v2sf)  }
0x61b: {  	p1 =	seq.s32 s0, $0xFFFFFFFF  }
.Ltmp38:
0x61c: {  	_ = 	snop;
	(pc) =	sbr.rel @p1 .LBB2_52-.Ltmp38, $1  }
0x61d: {  	_ =	sdelay $0x3  }
0x61e: {  	p1 =	slt.s32 s1, $0x1  }
.Ltmp39:
0x61f: {  	_ = 	snop;
	(pc) =	sbr.rel @p1 .LBB2_51-.Ltmp39, $1  }
0x620: {  	_ =	sdelay $0x3  }
0x621: {  	s3 =	simm.s32 $0x84D8;
	p1 =	por $0x0, $0x0  }
0x622: {  	v1 =	vld.msk @!p1 [tilespmem:s3+$0x0], $0x1;
	_ =	sdelay $0x4  }
0x623: {  	(v2sf) =	vpush @!p1 v1, $0x0;
	_ =	sdelay $0xd  }
0x624: {  	p3 =	sne.s32 s1, $0x1  }
.Ltmp40:
0x625: {  	s4 =	spop @!p1 (v2sf);
	(pc) =	sbr.rel @!p3 .LBB2_49-.Ltmp40, $4  }
0x626: {  	p2 =	seq.s32 @!p1 s0, s4  }
0x627: {  	s4 =	simm.s32 $0x0;
	p2 =	por !p2, p1  }
0x628: {  	s7 =	simm.s32 $0xFFFFFFFF;
	s4 =	simm.s32 @p2 $0xFFFFFFFF  }
0x629: {  	s6 =	simm.s32 $0x1;
	s4 =	smov.u32 @p1 s7  }
.LBB2_48:
0x62a: {  	s7 =	smov.u32 s4;
	p1 =	sne.s32 s4, $0xFFFFFFFF  }
0x62b: {  	s3 =	sadd.s32 $0x1, s3;
	s4 =	smov.u32 s6;
	s6 =	sadd.s32 $0x1, s6  }
0x62c: {  	p2 =	sne.s32 s1, s6;
	v1 =	vld.msk @!p1 [tilespmem:s3+$0x0], $0x1;
	_ =	sdelay $0x4  }
0x62d: {  	(v2sf) =	vpush @!p1 v1, $0x0;
	_ =	sdelay $0xe  }
.Ltmp41:
0x62e: {  	s8 =	spop @!p1 (v2sf);
	(pc) =	sbr.rel @p2 .LBB2_48-.Ltmp41, $4  }
0x62f: {  	p3 =	seq.s32 @!p1 s0, s8  }
0x630: {  	p3 =	por !p3, p1  }
0x631: {  	s4 =	simm.s32 @p3 $0xFFFFFFFF  }
0x632: {  	s4 =	smov.u32 @p1 s7  }
.LBB2_49:
0x633: {  	p1 =	seq.s32 s4, $0xFFFFFFFF  }
.Ltmp42:
0x634: {  	_ = 	snop;
	(pc) =	sbr.rel @p1 .LBB2_51-.Ltmp42, $1  }
0x635: {  	_ =	sdelay $0x3  }
0x636: {  	s0 =	smul.u32 $0xC0, s2;
	_ =	sdelay $0x1  }
0x637: {  	s0 =	sshra.s32 s0, $0x2  }
0x638: {  	v0 =	vld [tilespmem:s0+$0x84F8];
	_ =	sdelay $0x1  }
0x639: {  	s3 =	smul.u32 $0xC0, s4;
	_ =	sdelay $0x1  }
0x63a: {  	s3 =	sshra.s32 s3, $0x2  }
0x63b: {  	[tilespmem:s3+$0x84F8] =	vst.add.f32.msk $0xffff, v0  }
0x63c: {  	v0 =	vld [tilespmem:s0+$0x8508];
	_ =	sdelay $0x4  }
0x63d: {  	[tilespmem:s3+$0x8508] =	vst.add.f32.msk $0xffff, v0  }
0x63e: {  	v0 =	vld [tilespmem:s0+$0x8518]  }
.Ltmp43:
0x63f: {  	_ = 	snop;
	(pc) =	sbr.rel .LBB2_52-.Ltmp43, $2  }
0x640: {  	_ =	sdelay $0x2  }
0x641: {  	[tilespmem:s3+$0x8518] =	vst.add.f32.msk $0xffff, v0  }
.LBB2_53:
0x642: {  	p1 =	slt.s32 s1, $0x1  }
.Ltmp44:
0x643: {  	_ = 	snop;
	(pc) =	sbr.rel @p1 .LBB2_57-.Ltmp44, $3  }
0x644: {  	_ =	sdelay $0x1  }
0x645: {  	s0 =	simm.s32 $0x8  }
0x646: {  	[sflag:s0] =	ssyncpa.u1 $0x1;
	s0 =	simm.s32 $0x0  }
0x647: {  	s2 =	simm.s32 $0x84D8  }
0x648: {  	v0 =	vld.msk [tilespmem:s2+$0x0], $0x1;
	_ =	sdelay $0x4  }
0x649: {  	(v2sf) =	vpush v0, $0x0;
	_ =	sdelay $0xe  }
0x64a: {  	s1 =	sadd.s32 $0xFFFFFFFF, s1;
	s3 =	spop (v2sf)  }
0x64b: {  	p2 =	sne.s32 s1, $0x0;
	p1 =	sgt.u32 s3, $0x4E1FFA  }
.Ltmp45:
0x64c: {  	s4 =	sand.u32 @!p1 $0x7FFFF8, s3;
	(pc) =	sbr.rel @!p2 .LBB2_56-.Ltmp45, $4  }
0x64d: {  	s2 =	simm.s32 $0x84F8;
	s3 =	sand.u32 @!p1 $0x7, s3;
	s4 =	sadd.s32 @!p1 s5, s4  }
0x64e: {  	[hbm4b:s4+s3] =	stream.linear.scatter @!p1 [tilespmem:s2], [sflag:$0x7], $0x30, $0x38;
	[tilespmem:$0x1F1E8] =	vst v63  }
0x64f: {  	s4 =	simm.s32 $0x0  }
0x650: {  	s3 =	simm.s32 $0x84D9;
	s4 =	simm.s32 @!p1 $0xC0  }
.LBB2_55:
0x651: {  	v0 =	vld.msk [tilespmem:s3+$0x0], $0x1;
	s1 =	sadd.s32 $0xFFFFFFFF, s1;
	s0 =	sadd.s32 s0, s4  }
0x652: {  	p1 =	sne.s32 s1, $0x0;
	_ =	sdelay $0x3  }
0x653: {  	(v2sf) =	vpush v0, $0x0;
	_ =	sdelay $0xe  }
.Ltmp46:
0x654: {  	s6 =	spop (v2sf);
	(pc) =	sbr.rel @p1 .LBB2_55-.Ltmp46, $4  }
0x655: {  	s4 =	simm.s32 $0x0;
	p2 =	sgt.u32 s6, $0x4E1FFA  }
0x656: {  	s2 =	sadd.s32 $0x30, s2;
	s4 =	simm.s32 @!p2 $0xC0;
	s7 =	sand.u32 @!p2 $0x7FFFF8, s6  }
0x657: {  	s3 =	sadd.s32 $0x1, s3;
	s6 =	sand.u32 @!p2 $0x7, s6;
	s7 =	sadd.s32 @!p2 s5, s7  }
0x658: {  	[hbm4b:s7+s6] =	stream.linear.scatter @!p2 [tilespmem:s2], [sflag:$0x7], $0x30, $0x38;
	[tilespmem:$0x1F1E8] =	vst v63  }
.LBB2_56:
0x659: {  	s0 =	sadd.s32 s0, s4  }
0x65a: {  	s0 =	sshrl.u32 s0, $0x2  }
.LBB2_57:
0x65b: {  	s1 =	simm.s32 $0x7  }
0x65c: {  	_ =	swait.ge [sflag:s1], s0  }
0x65d: {  	s31 =	ssub.s32 $0x0, s0;
	[sflag:s1] =	ssyncset.done $0x0  }
0x65e: {  	[sflag:s1] =	ssyncadd.s32 s31  }
0x65f: {  	[sflag:s1] =	ssyncpa.u1 $0x1  }
.LBB2_58:
0x660: {  	_ =	sfence;
	s0 =	simm.s32 $0x1  }
0x661: {  	[sflag:s0] =	ssyncpa.u1 $0x1  }
0x662: {  	_ =	strace $0x90000050  }
0x663: {  	[bflag:$0x2] =	sbarrier.arrive $0xFFFF  }
0x664: {  	s0 =	rddreg [dreg:$0x3]  }
0x665: {  	s0 =	sadd.s32 @!p0 $0x100000, s0  }
0x666: {  	[sflag:s0] =	ssyncadd.tile.s32 @!p0 $0x1;
	_ =	shalt  }
.Lfunc_end2:
_tile_overlayer_lowered:
.L_overlay_start_2:
0x667: {  	(tag) =	ssettag $0x2  }
0x668: {  	s0 =	rddreg [dreg:$0x0];
	s2 =	stileid.u32  }
0x669: {  	s1 =	rddreg [dreg:$0x1];
	p0 =	sne.s32 s2, $0x0  }
0x66a: {  	s3 =	rddreg [dreg:$0x2];
	[bflag:$0x3] =	sbarrier.arrive $0xFFFF;
	s2 =	simm.s32 @!p0 $0x1C01  }
0x66b: {  	[timem:s3], [sflag:s2] =	dma.local @!p0 [hbm:s0], s1  }
0x66c: {  	s0 =	simm.s32 @!p0 $0x1  }
0x66d: {  	_ =	swait.ge @!p0 [sflag:s0], s1  }
0x66e: {  	s1 =	ssub.s32 @!p0 $0x0, s1;
	[sflag:s0] =	ssyncset.done @!p0 $0x0  }
0x66f: {  	[sflag:s0] =	ssyncadd.s32 @!p0 s1  }
0x670: {  	[bflag:$0x3] =	sbarrier.arrive $0xFFFF  }
0x671: {  	_ =	shalt  }

// kernel: sparse-core-data-format-call.cloned.1.call-start
scs
called_computation.1_lowered:
.L_overlay_start_0:
0x0: {  	s2 =	sld [smem:$0x3FD9]  }
0x1: {  	s3 =	sld [smem:$0x3FFE];
	_ =	sdelay $0x1  }
0x2: {  	s1 =	srdreg.scid  }
0x3: {  	s0 =	sand.u32 $0x1, s1  }
0x4: {  	s16 =	sshll.u32 s0, $0xA;
	s2 =	sadd.s32 s3, s2  }
0x5: {  	s2 =	sadd.s32 s2, s16  }
0x6: {  	[smem:$0x3FB2] =	sst s2  }
0x7: {  	_ = 	snop  }
0x8: {  	s2 =	sld [smem:$0x3FD0];
	_ =	sdelay $0x2  }
0x9: {  	s17 =	simm.s32 $0xC;
	s4 =	simm.s32 $0x10  }
0xa: {  	[smem:s4], [sflag:s17] =	dma.local [hbm:s2], $0x1  }
0xb: {  	_ =	swait.eq [sflag:s17], $0x1  }
0xc: {  	[sflag:s17] =	ssyncset.done $0x0  }
0xd: {  	[sflag:s17] =	ssyncadd.s32 $0xFFFFFFFF  }
0xe: {  	s18 =	sld [smem:$0x12];
	(tm) =	ssettm $0x1  }
0xf: {  	s19 =	sld [smem:$0x3FFB];
	_ =	sdelay $0x3  }
0x10: {  	_ =	strace s19  }
0x11: {  	s2 =	sld [smem:$0x3FFC];
	_ =	sdelay $0x3  }
0x12: {  	_ =	strace s2  }
0x13: {  	s2 =	sld [smem:$0x3FFD];
	_ =	sdelay $0x3  }
0x14: {  	_ =	strace s2  }
0x15: {  	_ =	strace $0x8FFFFFFF  }
0x16: {  	s20 =	sld [smem:$0x3FDB];
	_ =	sdelay $0x1  }
0x17: {  	s21 =	simm.s32 $_scs_section_size  }
0x18: {  	s5 =	simm.s32 $_size__tile_overlayer_lowered;
	s6 =	simm.s32 $_tile_overlayer_lowered  }
0x19: {  	s7 =	simm.s32 $0x1BFF;
	s22 =	sshll.u32 s6, $0x1;
	s4 =	sadd.s32 s21, s20  }
0x1a: {  	s23 =	simm.s32 $0x0;
	s5 =	sshll.u32 s5, $0x1;
	s6 =	sadd.s32 s22, s4  }
0x1b: {  	[timem:s23], [sflag:s7] =	dma.local [hbm:s6], s5  }
0x1c: {  	_ =	swait.ge [sflag:s7], s5  }
0x1d: {  	s5 =	ssub.s32 $0x0, s5;
	[sflag:s7] =	ssyncset.done $0x0  }
0x1e: {  	[sflag:s7] =	ssyncadd.s32 s5;
	_ =	sdelay $0x1  }
0x1f: {  	s24 =	simm.s32 $0x1B8B  }
0x20: {  	_ =	swait.ge [sflag:s24], $0x1  }
0x21: {  	[sflag:s24] =	ssyncset.done $0x0  }
0x22: {  	[sflag:s24] =	ssyncadd.s32 $0xFFFFFFFF  }
0x23: {  	s5 =	sld [smem:$0x0]  }
0x24: {  	s6 =	sand.u32 $0xFFFFFFFE, s1  }
0x25: {  	p0 =	sne.s32 s1, s6  }
0x26: {  	s6 =	sshll.u32 @p0 s6, $0xE  }
0x27: {  	s6 =	sadd.s32 @p0 $0x11B8D, s6;
	s7 =	sshll.u32 @p0 s5, $0x11  }
0x28: {  	s6 =	sor.u32 @p0 s7, s6  }
0x29: {  	[sflag:s6] =	ssyncadd.remote.s32 @p0 $0x1;
	_ =	sdelay $0x1  }
0x2a: {  	s6 =	simm.s32 @p0 $0x1B8D  }
0x2b: {  	_ =	swait.eq @p0 [sflag:s6], $0x1  }
0x2c: {  	[sflag:s6] =	ssyncadd.s32 @p0 $0xFFFFFFFF  }
0x2d: {  	s7 =	sshll.u32 @!p0 s1, $0xE  }
0x2e: {  	s7 =	sor.u32 @!p0 $0x4000, s7;
	s6 =	simm.s32 @!p0 $0x1B8D  }
0x2f: {  	s5 =	sshll.u32 @!p0 s5, $0x11;
	s7 =	sadd.s32 @!p0 $0x11B8D, s7;
	_ =	swait.eq @!p0 [sflag:s6], $0x1  }
0x30: {  	s5 =	sor.u32 @!p0 s5, s7;
	[sflag:s6] =	ssyncadd.s32 @!p0 $0xFFFFFFFF  }
0x31: {  	s26 =	simm.s32 $0x1B8E;
	s25 =	sld [smem:$0x3FFE];
	[sflag:s5] =	ssyncadd.remote.s32 @!p0 $0x1  }
0x32: {  	s27 =	simm.s32 $execute0_lowered;
	[smem:$0x3FD2] =	sst s26  }
0x33: {  	s6 =	sshll.u32 s27, $0x1;
	_ =	strace $0x80000055;
	[dreg:$0x1] =	wrdreg $0xFFFFFFFF  }
0x34: {  	s28 =	simm.s32 $_size_execute0_lowered;
	s4 =	sadd.s32 s4, s6;
	[dreg:$0x0] =	wrdreg $0x0  }
0x35: {  	s6 =	sshll.u32 s28, $0x1;
	[dreg:$0x2] =	wrdreg s4  }
0x36: {  	[dreg:$0x3] =	wrdreg s6  }
0x37: {  	[dreg:$0x4] =	wrdreg $0xC0  }
0x38: {  	_ =	task [dreg:s23], $0x5FFFF  }
0x39: {  	[dreg:$0x1] =	wrdreg $0xFFFFFFFF  }
0x3a: {  	[dreg:$0x0] =	wrdreg $0x60  }
0x3b: {  	[dreg:$0x2] =	wrdreg s25  }
0x3c: {  	[dreg:$0x3] =	wrdreg s18  }
0x3d: {  	[dreg:$0x4] =	wrdreg $0xA  }
0x3e: {  	_ =	task.clear_ibuf [dreg:s23], $0x5FFFF;
	_ =	strace $0x90000055  }
0x3f: {  	s29 =	simm.s32 $0xA;
	_ =	strace $0x80000057  }
0x40: {  	_ =	swait.ge [sflag:s29], $0x1  }
0x41: {  	[sflag:s29] =	ssyncadd.s32 $0xFFFFFFFF  }
0x42: {  	_ =	strace $0x90000057  }
0x43: {  	_ =	sfence  }
0x44: {  	s30 =	sld [smem:$0x0];
	_ =	sdelay $0x2  }
0x45: {  	s31 =	sshll.u32 s1, $0xD;
	s1 =	sshrl.u32 s1, $0x2  }
0x46: {  	s4 =	sand.u32 $0x4000, s31;
	s1 =	sadd.s32 s1, s30  }
0x47: {  	s0 =	sor.u32 s4, s0;
	s1 =	sshll.u32 s1, $0x11  }
0x48: {  	s0 =	sor.u32 s1, s0  }
0x49: {  	s0 =	sadd.s32 $0x8F2B, s0  }
0x4a: {  	[sflag:s0] =	ssyncadd.remote.s32 $0x1  }
0x4b: {  	_ =	sfence.sel $0xFFFF  }
0x4c: {  	[dreg:$0x0] =	wrdreg $0xFFFFFFFF;
	(pc) =	sbr.abs _section_cstart, $3  }
0x4d: {  	[dreg:$0x1] =	wrdreg $0xFFFFFFFF  }
0x4e: {  	_ =	task.clear_ibuf [dreg:s23], $0x2FFFF;
	_ =	strace $0x9FFFFFFF  }
0x4f: {  	(tm) =	ssettm $0x7FFFFFFF  }
tec
execute0_lowered:
.L_overlay_start_1:
0x0: {  	(tag) =	ssettag $0x1  }
0x1: {  	s0 =	srdreg.scid  }
0x2: {  	s5 =	rddreg [dreg:$0x0];
	s1 =	sshll.u32 s0, $0x4  }
0x3: {  	s2 =	rddreg [dreg:$0x1];
	s0 =	stileid.u32;
	s1 =	sand.u32 $0x10, s1  }
0x4: {  	s4 =	simm.s32 $0x1;
	s8 =	simm.s32 $0x2;
	s1 =	sor.u32 s0, s1  }
0x5: {  	s12 =	simm.s32 $0x0;
	s9 =	simm.s32 $0x0;
	s3 =	sshll.u32 s1, $0x7  }
0x6: {  	s11 =	simm.s32 $0x0;
	s5 =	sadd.s32 $0x9D9E00, s5;
	s6 =	ssub.s32 $0x4E200, s3  }
.Ltmp0:
0x7: {  	s1 =	rddreg [dreg:$0x2];
	s7 =	sand.u32 $0xF80, s6;
	(pc) =	sbr.rel .LBB1_1-.Ltmp0, $4  }
0x8: {  	_ =	strace $0x80000056;
	p0 =	sne.s32 s7, $0x0;
	s7 =	simm.s32 $0x1  }
0x9: {  	[sflag:s4] =	ssyncpa.u1 $0x0;
	s6 =	sshrl.u32 s6, $0xC;
	s7 =	simm.s32 @!p0 $0x0  }
0xa: {  	s10 =	smov.u32 s3;
	[sflag:s8] =	ssyncpa.u1 $0x0;
	s6 =	sadd.s32 s7, s6  }
0xb: {  	s8 =	simm.s32 $0x271000;
	p0 =	por $0x0, $0x0;
	s7 =	sadd.s32 $0x1, s6  }
.LBB1_4:
0xc: {  	s15 =	sshll.u32 s9, $0x3  }
0xd: {  	s16 =	sand.u32 $0x7F, s9;
	s15 =	sand.u32 $0xFFFFFC00, s15  }
0xe: {  	s16 =	sor.u32 s16, s15;
	s15 =	smulhi.u32 $0xD1B71759, s15;
	_ =	sdelay $0x1  }
0xf: {  	s17 =	smulhi.u32 $0xD1B71759, s16;
	s15 =	sshrl.u32 s15, $0x12  }
0x10: {  	p1 =	sgt.s32 s9, $0x4E180;
	s19 =	smov.u32 s9;
	s18 =	smul.u32 $0x2AAB, s15  }
0x11: {  	s20 =	sshra.s32 s9, $0x1F;
	s19 =	simm.s32 @!p1 $0x4E180;
	s17 =	sshrl.u32 s17, $0x12  }
0x12: {  	s20 =	sand.u32 s20, s9;
	s17 =	smul.u32 $0x4E200, s17;
	s18 =	sshrl.u32 s18, $0x13  }
0x13: {  	s27 =	ssub.s32 s19, s20;
	s18 =	smul.u32 $0x30, s18  }
0x14: {  	s28 =	sadd.s32 $0xFFFB1E80, s27  }
0x15: {  	s16 =	ssub.s32 s16, s17;
	s17 =	ssub.s32 $0x4E200, s27;
	s15 =	ssub.s32 s15, s18  }
0x16: {  	p1 =	sgt.s32 s28, $0x7F;
	s17 =	smul.u32 $0xC0, s17;
	s15 =	sand.u32 $0xFFFF, s15  }
0x17: {  	[tilespmem:s14+$0x810 ss:$0x81] =	vst.msk $0xffff, v2;
	s29 =	sshrl.u32 s16, $0x3;
	s16 =	sand.u32 $0x7, s16;
	s15 =	smul.u32 $0x9C40, s15  }
0x18: {  	[tilespmem:s14+$0x1020 ss:$0x81] =	vst.msk $0xffff, v0;
	s18 =	sadd.s32 s2, s29;
	s16 =	sshll.u32 s16, $0x12;
	s17 =	sshrl.u32 s17, $0x2  }
0x19: {  	[tilespmem:s14+$0x0 ss:$0x81] =	vst.msk $0xffff, v1;
	s31 =	sor.u32 $0x400, s16;
	s17 =	simm.s32 @p1 $0x0;
	s30 =	sadd.s32 s15, s18  }
0x1a: {  	[hbm4b:s30+s31] =	stream.strided.scatter [tilespmem:s13], [sflag:$0x2], s17, s8, s31, $0x20;
	[tilespmem:$0x8080] =	vst v63  }
.LBB1_5:
0x1b: {  	p1 =	slt.u32 s11, $0x2  }
0x1c: {  	p2 =	sgt.s32 @!p1 s12, $0x4E180  }
0x1d: {  	s13 =	smov.u32 s12;
	s14 =	sshra.s32 @!p1 s12, $0x1F;
	p2 =	por !p2, p1  }
0x1e: {  	s12 =	sand.u32 @!p1 s14, s12;
	s13 =	simm.s32 @p2 $0x4E180  }
0x1f: {  	s12 =	ssub.s32 @!p1 s13, s12  }
0x20: {  	s13 =	ssub.s32 @!p1 $0x4E200, s12  }
0x21: {  	s12 =	sadd.s32 @!p1 $0xFFFB1E80, s12;
	s13 =	smul.u32 @!p1 $0xC0, s13  }
0x22: {  	p2 =	sgt.s32 @!p1 s12, $0x7F  }
0x23: {  	s14 =	sadd.s32 $0x1000, s10;
	p2 =	por !p2, p1;
	s12 =	sshrl.u32 @!p1 s13, $0x2  }
0x24: {  	s12 =	simm.s32 @!p2 $0x0;
	p2 =	sgt.s32 s14, $0x4E1FF  }
0x25: {  	s14 =	smov.u32 @p2 s3;
	p2 =	sne.s32 s11, s7  }
.Ltmp1:
0x26: {  	_ = 	snop;
	(pc) =	sbr.rel @!p2 .LBB1_6-.Ltmp1, $4  }
0x27: {  	s13 =	simm.s32 @!p1 $0x2  }
0x28: {  	p0 =	por !p0, !p0;
	_ =	swait.ge @!p1 [sflag:s13], s12;
	s15 =	ssub.s32 @!p1 $0x0, s12  }
0x29: {  	s12 =	smov.u32 s9;
	s11 =	sadd.s32 $0x1, s11;
	[sflag:s13] =	ssyncset.done @!p1 $0x0  }
0x2a: {  	s9 =	smov.u32 s10;
	s10 =	smov.u32 s14;
	[sflag:s13] =	ssyncadd.s32 @!p1 s15  }
.LBB1_1:
0x2b: {  	p1 =	sge.u32 s11, s6  }
0x2c: {  	s13 =	sand.u32 @!p1 $0x1FFFFFF, s10  }
0x2d: {  	s14 =	smulhi.u32 @!p1 $0x1A36E2F, s13;
	_ =	sdelay $0x1  }
0x2e: {  	s14 =	sshrl.u32 @!p1 s14, $0xB  }
0x2f: {  	s14 =	smul.u32 @!p1 $0x4E200, s14;
	_ =	sdelay $0x1  }
0x30: {  	s31 =	sadd.s32 $0xFFFFFFFF, s11;
	s15 =	sxor.u32 @!p1 $0xFFFFFFFF, s11;
	s13 =	ssub.s32 @!p1 s13, s14  }
0x31: {  	s16 =	simm.s32 @!p1 $0x80;
	s15 =	sshll.u32 @!p1 s15, $0xD;
	s13 =	sshll.u32 @!p1 s13, $0x4  }
0x32: {  	s14 =	sand.u32 @!p1 $0x2000, s15;
	s15 =	simm.s32 @!p1 $0x40;
	s13 =	sadd.s32 @!p1 s5, s13  }
0x33: {  	[tilespmem:s14], [sflag:$0x1] =	stream.strided.gather @!p1 [hbm4b:s13+s15], $0x2000, s16, s15, $0x38;
	[tilespmem:$0x8080] =	vst v63  }
0x34: {  	p1 =	sge.u32 s31, s6  }
.Ltmp2:
0x35: {  	_ = 	snop;
	(pc) =	sbr.rel @p1 .LBB1_5-.Ltmp2, $1  }
0x36: {  	_ =	sdelay $0x3  }
0x37: {  	s13 =	simm.s32 $0x1  }
0x38: {  	_ =	swait.ge [sflag:s4], $0x2000;
	s13 =	simm.s32 @!p0 $0x0  }
0x39: {  	[sflag:s4] =	ssyncset.done $0x0;
	s14 =	sshll.u32 s13, $0xD  }
0x3a: {  	[sflag:s4] =	ssyncadd.s32 $0xFFFFE000;
	s17 =	sor.u32 $0x20, s14  }
0x3b: {  	s13 =	smul.u32 $0x8100, s13;
	v3 =	vld [tilespmem:s17+$0x10]  }
0x3c: {  	s30 =	sand.u32 $0x1, s11;
	v2 =	vld [tilespmem:s17+$0xFFFFFFF0]  }
0x3d: {  	s14 =	smul.u32 $0x8100, s30;
	s13 =	sshrl.u32 s13, $0x2;
	v0 =	vld [tilespmem:s17+$0x0]  }
0x3e: {  	v1 =	vld [tilespmem:s17+$0xFFFFFFE0];
	s15 =	sor.u32 $0x4000, s13  }
0x3f: {  	s31 =	sshrl.u32 s14, $0x2;
	s14 =	sadd.s32 $0x0, s15  }
0x40: {  	s16 =	simm.s32 $0x4;
	s17 =	sadd.s32 $0x40, s17;
	s13 =	sor.u32 $0x4000, s31;
	[tilespmem:s14+$0x1830 ss:$0x81] =	vst.msk $0xffff, v3  }
.LBB1_3:
0x41: {  	v3 =	vld [tilespmem:s17+$0x10];
	p1 =	sne.s32 s16, $0x1FC;
	[tilespmem:s14+$0x810 ss:$0x81] =	vst.msk $0xffff, v2;
	s18 =	smov.u32 s16;
	s16 =	sadd.s32 $0x4, s16  }
.Ltmp3:
0x42: {  	v2 =	vld [tilespmem:s17+$0xFFFFFFF0];
	[tilespmem:s14+$0x1020 ss:$0x81] =	vst.msk $0xffff, v0;
	(pc) =	sbr.rel @p1 .LBB1_3-.Ltmp3, $4  }
0x43: {  	v0 =	vld [tilespmem:s17+$0x0];
	[tilespmem:s14+$0x0 ss:$0x81] =	vst.msk $0xffff, v1  }
0x44: {  	s14 =	sshra.s32 s18, $0x2;
	v1 =	vld [tilespmem:s17+$0xFFFFFFE0]  }
0x45: {  	s14 =	sadd.s32 s14, s15  }
0x46: {  	s17 =	sadd.s32 $0x40, s17;
	[tilespmem:s14+$0x1830 ss:$0x81] =	vst.msk $0xffff, v3  }
.Ltmp4:
0x47: {  	_ = 	snop;
	(pc) =	sbr.rel .LBB1_4-.Ltmp4, $1  }
0x48: {  	_ =	sdelay $0x3  }
.LBB1_6:
0x49: {  	_ =	sfence.sel $0x180000  }
0x4a: {  	s2 =	simm.s32 $0x1;
	[bflag:$0x0] =	sbarrier.arrive $0xFFFF  }
0x4b: {  	s31 =	simm.s32 $0x2;
	[sflag:s2] =	ssyncpa.u1 $0x1  }
0x4c: {  	[sflag:s31] =	ssyncpa.u1 $0x1  }
0x4d: {  	p0 =	sne.s32 s0, $0x0;
	_ =	strace $0x90000056  }
0x4e: {  	s0 =	sadd.s32 @!p0 $0x100000, s1;
	[bflag:$0x2] =	sbarrier.arrive $0xFFFF  }
0x4f: {  	[sflag:s0] =	ssyncadd.tile.s32 @!p0 $0x1;
	_ =	shalt  }
.Lfunc_end1:
_tile_overlayer_lowered:
.L_overlay_start_2:
0x50: {  	(tag) =	ssettag $0x2  }
0x51: {  	s0 =	rddreg [dreg:$0x0];
	s2 =	stileid.u32  }
0x52: {  	s1 =	rddreg [dreg:$0x1];
	p0 =	sne.s32 s2, $0x0  }
0x53: {  	s3 =	rddreg [dreg:$0x2];
	[bflag:$0x3] =	sbarrier.arrive $0xFFFF;
	s2 =	simm.s32 @!p0 $0x1C01  }
0x54: {  	[timem:s3], [sflag:s2] =	dma.local @!p0 [hbm:s0], s1  }
0x55: {  	s0 =	simm.s32 @!p0 $0x1  }
0x56: {  	_ =	swait.ge @!p0 [sflag:s0], s1  }
0x57: {  	s1 =	ssub.s32 @!p0 $0x0, s1;
	[sflag:s0] =	ssyncset.done @!p0 $0x0  }
0x58: {  	[sflag:s0] =	ssyncadd.s32 @!p0 s1  }
0x59: {  	[bflag:$0x3] =	sbarrier.arrive $0xFFFF  }
0x5a: {  	_ =	shalt  }

</sc_bundles>
